<compile_context>
chip_gen: v7x
topology: tpu7x:2x2x1
jax: 0.10.2.dev20260603
libtpu: 0.0.44.dev20260713+nightly
codegen_flags: <defaults>
</compile_context>

<pallas_src>
import jax
import jax.numpy as jnp
from jax import lax
from jax.experimental import pallas as pl
from jax.experimental.pallas import tpu as pltpu
from jax.experimental.pallas import tpu_sc as plsc

TOPK = 8
NKEYS = 256
NEG_INF = float("-inf")


def _topk8_lastdim(x):
    n, k = x.shape
    iota = lax.broadcasted_iota(jnp.int32, (n, k), 1)
    vals, idxs = [], []
    for _ in range(TOPK):
        m = jnp.max(x, axis=1, keepdims=True)
        idx = jnp.min(jnp.where(x == m, iota, k), axis=1, keepdims=True)
        x = jnp.where(iota == idx, NEG_INF, x)
        vals.append(m)
        idxs.append(idx)
    return jnp.concatenate(vals, axis=1), jnp.concatenate(idxs, axis=1)


def _score_kernel(regs_ref, gamma_ref, beta_ref, w1_ref, b1_ref, keys_ref,
                  w2_ref, b2_ref,
                  row_s_ref, col_s_ref, tk_idx_ref, tk_val_ref, qp_ref):
    x = regs_ref[...]
    mu = jnp.mean(x, axis=-1, keepdims=True)
    var = jnp.var(x, axis=-1, keepdims=True)
    xn = (x - mu) / jnp.sqrt(var + 1e-5)
    xn = xn * gamma_ref[...] + beta_ref[...]
    queries = jnp.dot(xn, w1_ref[...]) + b1_ref[...]
    qp_ref[...] = jnp.dot(queries, w2_ref[...]) + b2_ref[...]

    scores = jnp.dot(queries, keys_ref[...])
    row_s = scores[:, :NKEYS]
    col_s = scores[:, NKEYS:]
    row_s_ref[...] = row_s
    col_s_ref[...] = col_s

    rv, ri = _topk8_lastdim(row_s)
    cv, ci = _topk8_lastdim(col_s)

    cand_v = jnp.concatenate(
        [rv[:, i:i + 1] + cv for i in range(TOPK)], axis=1)
    cand_i = jnp.concatenate(
        [ri[:, i:i + 1] * NKEYS + ci for i in range(TOPK)], axis=1)

    big = jnp.int32(NKEYS * NKEYS)
    vals, idxs = [], []
    for _ in range(TOPK):
        m = jnp.max(cand_v, axis=1, keepdims=True)
        eq = cand_v == m
        sel = jnp.min(jnp.where(eq, cand_i, big), axis=1, keepdims=True)
        cand_v = jnp.where(eq & (cand_i == sel), NEG_INF, cand_v)
        vals.append(m)
        idxs.append(sel)
    tk_val_ref[...] = jnp.concatenate(vals, axis=1)
    tk_idx_ref[...] = jnp.concatenate(idxs, axis=1)


def _grid_kernel(row_ref, col_ref, out_ref):
    col = col_ref[...]
    for i in range(NKEYS):
        out_ref[0, :, i * NKEYS:(i + 1) * NKEYS] = row_ref[:, i:i + 1] + col


def _sc_gather(tbl_ref, idx_ref, out1_ref, out2_ref, idx_v, rows_v, sem):
    info = plsc.get_sparse_core_info()
    nc = info.num_cores
    wid = lax.axis_index("s") * nc + lax.axis_index("c")
    bpw = idx_v.shape[0]
    base = wid * bpw
    wpb = out1_ref.shape[1] // bpw
    pltpu.sync_copy(idx_ref.at[pl.ds(base, bpw)], idx_v)
    pltpu.async_copy(tbl_ref.at[idx_v], rows_v, sem).wait()
    pltpu.sync_copy(rows_v,
                    out1_ref.at[wid // wpb, pl.ds((wid % wpb) * bpw, bpw)])
    pltpu.sync_copy(rows_v, out2_ref.at[pl.ds(base, bpw)])


def kernel(registers, row_keys, col_keys, concepts, ln_gamma, ln_beta,
           W1, b1, W2, b2):
    B, R, D = registers.shape
    n_keys = row_keys.shape[0]
    key_dim = W1.shape[1]
    half = key_dim // 2
    N = B * R

    regs2 = registers.reshape(N, D)
    zeros = jnp.zeros((half, n_keys), jnp.float32)
    keys_bd = jnp.concatenate(
        [jnp.concatenate([row_keys.T, zeros], axis=1),
         jnp.concatenate([zeros, col_keys.T], axis=1)], axis=0)

    row_s, col_s, tk_idx, tk_val, qp = pl.pallas_call(
        _score_kernel,
        out_shape=(
            jax.ShapeDtypeStruct((N, n_keys), jnp.float32),
            jax.ShapeDtypeStruct((N, n_keys), jnp.float32),
            jax.ShapeDtypeStruct((N, TOPK), jnp.int32),
            jax.ShapeDtypeStruct((N, TOPK), jnp.float32),
            jax.ShapeDtypeStruct((N, D), jnp.float32),
        ),
    )(regs2, ln_gamma.reshape(1, D), ln_beta.reshape(1, D), W1,
      b1.reshape(1, key_dim), keys_bd, W2, b2.reshape(1, D))

    flat_idx = tk_idx.reshape(-1)
    NB = N * TOPK
    mesh = plsc.VectorSubcoreMesh(core_axis_name="c", subcore_axis_name="s")
    info = plsc.get_sparse_core_info()
    nw = info.num_cores * info.num_subcores
    bpw = NB // nw
    output_concepts, gathered2 = pl.kernel(
        _sc_gather,
        out_type=(
            jax.ShapeDtypeStruct((B, R * TOPK, D), jnp.float32),
            jax.ShapeDtypeStruct((NB, D), jnp.float32),
        ),
        mesh=mesh,
        scratch_types=[
            pltpu.VMEM((bpw,), jnp.int32),
            pltpu.VMEM((bpw, D), jnp.float32),
            pltpu.SemaphoreType.DMA,
        ],
    )(concepts, flat_idx)

    TB = 32
    scores = pl.pallas_call(
        _grid_kernel,
        grid=(N // TB,),
        cost_estimate=pl.CostEstimate(
            flops=2 * N * n_keys * n_keys, bytes_accessed=140_000_000,
            transcendentals=0),
        in_specs=[
            pl.BlockSpec((TB, n_keys), lambda i: (i, 0)),
            pl.BlockSpec((TB, n_keys), lambda i: (i, 0)),
        ],
        out_specs=pl.BlockSpec((1, TB, n_keys * n_keys),
                               lambda i: (i * TB // R, i % (R // TB), 0)),
        out_shape=jax.ShapeDtypeStruct((B, R, n_keys * n_keys), jnp.float32),
    )(row_s, col_s)

    selected_concepts = gathered2.reshape(B, R, TOPK, D)
    topk_idx = tk_idx.reshape(B, R, TOPK)
    topk_scores = tk_val.reshape(B, R, TOPK)
    query_projected = qp.reshape(B, R, D)
    return (output_concepts, topk_idx, scores, topk_scores,
            selected_concepts, query_projected)

# --- scband reference (transcript-rebuilt; emitter-appended) ---
"""Pipeline reference for scband-concept-bank-19387482374327 (READ-ONLY COPY).

The authoritative reference and input builder live on the scoring server;
editing this copy changes nothing except your own understanding.
"""

import jax, jax.numpy as jnp
import numpy as np


def setup_inputs(seed: int = 0) -> dict:
    key = jax.random.key(seed)
    ks = jax.random.split(key, 8)
    B, R, D = 8, 64, 768
    n_keys, half, key_dim, n_concepts = 256, 64, 128, 65536
    registers = jax.random.normal(ks[0], (B, R, D), dtype=jnp.float32)
    rk = jax.random.normal(ks[1], (n_keys, half), dtype=jnp.float32)
    row_keys = rk / jnp.linalg.norm(rk, axis=-1, keepdims=True)
    ck = jax.random.normal(ks[2], (n_keys, half), dtype=jnp.float32)
    col_keys = ck / jnp.linalg.norm(ck, axis=-1, keepdims=True)
    concepts = jax.random.normal(ks[3], (n_concepts, D), dtype=jnp.float32) * 0.01
    ln_gamma = jnp.ones((D,), dtype=jnp.float32)
    ln_beta = jnp.zeros((D,), dtype=jnp.float32)
    W1 = jax.random.normal(ks[4], (D, key_dim), dtype=jnp.float32) * 0.02
    b1 = jnp.zeros((key_dim,), dtype=jnp.float32)
    W2 = jax.random.normal(ks[5], (key_dim, D), dtype=jnp.float32) * 0.02
    b2 = jnp.zeros((D,), dtype=jnp.float32)
    return {"registers": registers, "row_keys": row_keys, "col_keys": col_keys,
            "concepts": concepts, "ln_gamma": ln_gamma, "ln_beta": ln_beta,
            "W1": W1, "b1": b1, "W2": W2, "b2": b2}


def reference(registers, row_keys, col_keys, concepts, ln_gamma, ln_beta, W1, b1, W2, b2):
    topk = 8
    B, R, D = registers.shape
    # query_net: LayerNorm + Linear
    mu = jnp.mean(registers, axis=-1, keepdims=True)
    var = jnp.var(registers, axis=-1, keepdims=True)
    xn = (registers - mu) / jnp.sqrt(var + 1e-5)
    xn = xn * ln_gamma + ln_beta
    queries = xn @ W1 + b1  # [B, R, key_dim]
    half = queries.shape[-1] // 2
    q_row = queries[..., :half]
    q_col = queries[..., half:]
    row_scores = jnp.einsum('brd,kd->brk', q_row, row_keys)  # [B, R, n_keys]
    col_scores = jnp.einsum('brd,kd->brk', q_col, col_keys)  # [B, R, n_keys]
    scores = row_scores[:, :, :, None] + col_scores[:, :, None, :]  # [B, R, n_keys, n_keys]
    scores = scores.reshape(B, R, -1)  # [B, R, n_keys^2]
    topk_scores, topk_idx = jax.lax.top_k(scores, topk)
    flat_idx = topk_idx.reshape(-1)
    selected_concepts = jnp.take(concepts, flat_idx, axis=0).reshape(B, R, topk, D)
    output_concepts = selected_concepts.reshape(B, R * topk, D)
    query_projected = queries @ W2 + b2
    return (output_concepts, topk_idx, scores, topk_scores, selected_concepts, query_projected)

if __name__ == "__main__":
    import jax
    _d = setup_inputs()
    print(jax.jit(kernel)(*tuple(_d.values())))

</pallas_src>

<mosaic_0001>
#map = affine_map<(d0, d1) -> (0, 0)>
#map1 = affine_map<(d0, d1) -> (0)>
#map2 = affine_map<(d0, d1) -> (0, 0, 0)>
module attributes {stable_mosaic.version = 14 : i64} {
  func.func @_sc_gather(%arg0: i32, %arg1: i32, %arg2: memref<65536x768xf32, #tpu.memory_space<hbm>>, %arg3: memref<4096xi32, #tpu.memory_space<hbm>>, %arg4: memref<8x512x768xf32, #tpu.memory_space<hbm>>, %arg5: memref<4096x768xf32, #tpu.memory_space<hbm>>, %arg6: memref<128xi32, #tpu.memory_space<vmem>>, %arg7: memref<128x768xf32, #tpu.memory_space<vmem>>, %arg8: memref<!tpu.dma_semaphore, #tpu.memory_space<semaphore_mem>>) attributes {dimension_semantics = [#tpu.dimension_semantics<core_parallel>, #tpu.dimension_semantics<subcore_parallel>], iteration_bounds = array<i64: 2, 16>, scalar_prefetch = 0 : i64, scratch_operands = 3 : i64, tpu.core_type = #tpu.core_type<sc_vector_subcore>, window_params = [{transform_indices = #map}, {transform_indices = #map1}, {transform_indices = #map2}, {transform_indices = #map}]} {
    %mul3A = arith.constant 2 : i32
    %mul3A_0 = arith.muli %arg1, %mul3A : i32
    %add3A = arith.addi %mul3A_0, %arg0 : i32
    %mul3A_1 = arith.constant 128 : i32
    %mul3A_2 = arith.muli %add3A, %mul3A_1 : i32
    "tpu.region"() ({
      %run_scoped3A = tpu.sem_alloc : memref<!tpu.dma_semaphore, #tpu.memory_space<semaphore_mem>>
      %dma_start3A_39 = tpu.memref_slice %arg3[%mul3A_2] : memref<4096xi32, #tpu.memory_space<hbm>> -> memref<128xi32, #tpu.memory_space<hbm>>
      %dma_start3A_40 = tpu.memref_slice %arg3[%mul3A_2] : memref<4096xi32, #tpu.memory_space<hbm>> -> memref<128xi32, #tpu.memory_space<hbm>>
      tpu.enqueue_dma source(%dma_start3A_40 : memref<128xi32, #tpu.memory_space<hbm>>) target(%arg6 : memref<128xi32, #tpu.memory_space<vmem>>) target_semaphore(%run_scoped3A : memref<!tpu.dma_semaphore, #tpu.memory_space<semaphore_mem>>)
      %dma_wait3A_41 = tpu.memref_slice %arg3[%mul3A_2] : memref<4096xi32, #tpu.memory_space<hbm>> -> memref<128xi32, #tpu.memory_space<hbm>>
      %dma_wait3A_42 = tpu.memref_slice %arg3[%mul3A_2] : memref<4096xi32, #tpu.memory_space<hbm>> -> memref<128xi32, #tpu.memory_space<hbm>>
      tpu.wait_dma2 semaphore(%run_scoped3A : memref<!tpu.dma_semaphore, #tpu.memory_space<semaphore_mem>>) src(%dma_wait3A_42 : memref<128xi32, #tpu.memory_space<hbm>>) dst(%arg6 : memref<128xi32, #tpu.memory_space<vmem>>)
      tpu.yield
    }) : () -> ()
    %dma_start3A = arith.constant 0 : i32
    %dma_start3A_3 = arith.constant 0 : i32
    %dma_start3A_4 = tpu.memref_slice %arg2[%dma_start3A, %dma_start3A_3] : memref<65536x768xf32, #tpu.memory_space<hbm>> -> memref<65536x768xf32, #tpu.memory_space<hbm>>
    tpu.enqueue_indirect_dma source(%dma_start3A_4 : memref<65536x768xf32, #tpu.memory_space<hbm>>) target(%arg7 : memref<128x768xf32, #tpu.memory_space<vmem>>) offsets(%arg6 : memref<128xi32, #tpu.memory_space<vmem>>) semaphore(%arg8 : memref<!tpu.dma_semaphore, #tpu.memory_space<semaphore_mem>>)
    %dma_wait3A = arith.constant 0 : i32
    %dma_wait3A_5 = arith.constant 0 : i32
    %dma_wait3A_6 = tpu.memref_slice %arg2[%dma_wait3A, %dma_wait3A_5] : memref<65536x768xf32, #tpu.memory_space<hbm>> -> memref<65536x768xf32, #tpu.memory_space<hbm>>
    tpu.wait_indirect_dma semaphore(%arg8 : memref<!tpu.dma_semaphore, #tpu.memory_space<semaphore_mem>>) src(%dma_wait3A_6 : memref<65536x768xf32, #tpu.memory_space<hbm>>) dst(%arg7 : memref<128x768xf32, #tpu.memory_space<vmem>>)
    %jit3A = arith.constant 4 : i32
    %div3A = arith.divsi %add3A, %jit3A : i32
    %sign3A = arith.constant 0 : i32
    %sign3A_7 = arith.cmpi sgt, %add3A, %sign3A : i32
    %sign3A_8 = arith.extui %sign3A_7 : i1 to i32
    %sign3A_9 = arith.constant 0 : i32
    %sign3A_10 = arith.cmpi slt, %add3A, %sign3A_9 : i32
    %sign3A_11 = arith.extui %sign3A_10 : i1 to i32
    %sign3A_12 = arith.subi %sign3A_8, %sign3A_11 : i32
    %sign3A_13 = arith.constant 0 : i32
    %sign3A_14 = arith.cmpi sgt, %jit3A, %sign3A_13 : i32
    %sign3A_15 = arith.extui %sign3A_14 : i1 to i32
    %sign3A_16 = arith.constant 0 : i32
    %sign3A_17 = arith.cmpi slt, %jit3A, %sign3A_16 : i32
    %sign3A_18 = arith.extui %sign3A_17 : i1 to i32
    %sign3A_19 = arith.subi %sign3A_15, %sign3A_18 : i32
    %ne3A = arith.cmpi ne, %sign3A_12, %sign3A_19 : i32
    %rem3A = arith.remsi %add3A, %jit3A : i32
    %ne3A_20 = arith.constant 0 : i32
    %ne3A_21 = arith.cmpi ne, %rem3A, %ne3A_20 : i32
    %and3A = arith.andi %ne3A, %ne3A_21 : i1
    %sub3A = arith.constant 1 : i32
    %sub3A_22 = arith.subi %div3A, %sub3A : i32
    %select_n3A = arith.select %and3A, %sub3A_22, %div3A : i32
    %jit3A_23 = arith.constant 4 : i32
    %eq3A = arith.constant 0 : i32
    %eq3A_24 = arith.cmpi eq, %jit3A_23, %eq3A : i32
    %jit3A_25 = arith.constant 1 : i32
    %select_n3A_26 = arith.select %eq3A_24, %jit3A_25, %jit3A_23 : i32
    %rem3A_27 = arith.remsi %add3A, %select_n3A_26 : i32
    %ne3A_28 = arith.constant 0 : i32
    %ne3A_29 = arith.cmpi ne, %rem3A_27, %ne3A_28 : i32
    %lt3A = arith.constant 0 : i32
    %lt3A_30 = arith.cmpi slt, %rem3A_27, %lt3A : i32
    %lt3A_31 = arith.constant 0 : i32
    %lt3A_32 = arith.cmpi slt, %select_n3A_26, %lt3A_31 : i32
    %ne3A_33 = arith.xori %lt3A_30, %lt3A_32 : i1
    %and3A_34 = arith.andi %ne3A_33, %ne3A_29 : i1
    %add3A_35 = arith.addi %rem3A_27, %select_n3A_26 : i32
    %select_n3A_36 = arith.select %and3A_34, %add3A_35, %rem3A_27 : i32
    %mul3A_37 = arith.constant 128 : i32
    %mul3A_38 = arith.muli %select_n3A_36, %mul3A_37 : i32
    "tpu.region"() ({
      %run_scoped3A = tpu.sem_alloc : memref<!tpu.dma_semaphore, #tpu.memory_space<semaphore_mem>>
      %dma_start3A_39 = arith.constant 0 : i32
      %dma_start3A_40 = tpu.memref_slice %arg4[%select_n3A, %mul3A_38, %dma_start3A_39] : memref<8x512x768xf32, #tpu.memory_space<hbm>> -> memref<1x128x768xf32, #tpu.memory_space<hbm>>
      %dma_start3A_41 = tpu.memref_squeeze %dma_start3A_40 : memref<1x128x768xf32, #tpu.memory_space<hbm>> -> memref<128x768xf32, #tpu.memory_space<hbm>>
      %dma_start3A_42 = arith.constant 0 : i32
      %dma_start3A_43 = tpu.memref_slice %arg4[%select_n3A, %mul3A_38, %dma_start3A_42] : memref<8x512x768xf32, #tpu.memory_space<hbm>> -> memref<1x128x768xf32, #tpu.memory_space<hbm>>
      %dma_start3A_44 = tpu.memref_squeeze %dma_start3A_43 : memref<1x128x768xf32, #tpu.memory_space<hbm>> -> memref<128x768xf32, #tpu.memory_space<hbm>>
      tpu.enqueue_dma source(%arg7 : memref<128x768xf32, #tpu.memory_space<vmem>>) target(%dma_start3A_44 : memref<128x768xf32, #tpu.memory_space<hbm>>) target_semaphore(%run_scoped3A : memref<!tpu.dma_semaphore, #tpu.memory_space<semaphore_mem>>)
      %dma_wait3A_45 = arith.constant 0 : i32
      %dma_wait3A_46 = tpu.memref_slice %arg4[%select_n3A, %mul3A_38, %dma_wait3A_45] : memref<8x512x768xf32, #tpu.memory_space<hbm>> -> memref<1x128x768xf32, #tpu.memory_space<hbm>>
      %dma_wait3A_47 = tpu.memref_squeeze %dma_wait3A_46 : memref<1x128x768xf32, #tpu.memory_space<hbm>> -> memref<128x768xf32, #tpu.memory_space<hbm>>
      %dma_wait3A_48 = arith.constant 0 : i32
      %dma_wait3A_49 = tpu.memref_slice %arg4[%select_n3A, %mul3A_38, %dma_wait3A_48] : memref<8x512x768xf32, #tpu.memory_space<hbm>> -> memref<1x128x768xf32, #tpu.memory_space<hbm>>
      %dma_wait3A_50 = tpu.memref_squeeze %dma_wait3A_49 : memref<1x128x768xf32, #tpu.memory_space<hbm>> -> memref<128x768xf32, #tpu.memory_space<hbm>>
      tpu.wait_dma2 semaphore(%run_scoped3A : memref<!tpu.dma_semaphore, #tpu.memory_space<semaphore_mem>>) src(%arg7 : memref<128x768xf32, #tpu.memory_space<vmem>>) dst(%dma_wait3A_50 : memref<128x768xf32, #tpu.memory_space<hbm>>)
      tpu.yield
    }) : () -> ()
    "tpu.region"() ({
      %run_scoped3A = tpu.sem_alloc : memref<!tpu.dma_semaphore, #tpu.memory_space<semaphore_mem>>
      %dma_start3A_39 = arith.constant 0 : i32
      %dma_start3A_40 = tpu.memref_slice %arg5[%mul3A_2, %dma_start3A_39] : memref<4096x768xf32, #tpu.memory_space<hbm>> -> memref<128x768xf32, #tpu.memory_space<hbm>>
      %dma_start3A_41 = arith.constant 0 : i32
      %dma_start3A_42 = tpu.memref_slice %arg5[%mul3A_2, %dma_start3A_41] : memref<4096x768xf32, #tpu.memory_space<hbm>> -> memref<128x768xf32, #tpu.memory_space<hbm>>
      tpu.enqueue_dma source(%arg7 : memref<128x768xf32, #tpu.memory_space<vmem>>) target(%dma_start3A_42 : memref<128x768xf32, #tpu.memory_space<hbm>>) target_semaphore(%run_scoped3A : memref<!tpu.dma_semaphore, #tpu.memory_space<semaphore_mem>>)
      %dma_wait3A_43 = arith.constant 0 : i32
      %dma_wait3A_44 = tpu.memref_slice %arg5[%mul3A_2, %dma_wait3A_43] : memref<4096x768xf32, #tpu.memory_space<hbm>> -> memref<128x768xf32, #tpu.memory_space<hbm>>
      %dma_wait3A_45 = arith.constant 0 : i32
      %dma_wait3A_46 = tpu.memref_slice %arg5[%mul3A_2, %dma_wait3A_45] : memref<4096x768xf32, #tpu.memory_space<hbm>> -> memref<128x768xf32, #tpu.memory_space<hbm>>
      tpu.wait_dma2 semaphore(%run_scoped3A : memref<!tpu.dma_semaphore, #tpu.memory_space<semaphore_mem>>) src(%arg7 : memref<128x768xf32, #tpu.memory_space<vmem>>) dst(%dma_wait3A_46 : memref<128x768xf32, #tpu.memory_space<hbm>>)
      tpu.yield
    }) : () -> ()
    return
  }
}

module attributes {stable_mosaic.version = 14 : i64} {
  func.func @_score_kernel(%arg0: memref<512x768xf32, #tpu.memory_space<vmem>>, %arg1: memref<1x768xf32, #tpu.memory_space<vmem>>, %arg2: memref<1x768xf32, #tpu.memory_space<vmem>>, %arg3: memref<768x128xf32, #tpu.memory_space<vmem>>, %arg4: memref<1x128xf32, #tpu.memory_space<vmem>>, %arg5: memref<128x512xf32, #tpu.memory_space<vmem>>, %arg6: memref<128x768xf32, #tpu.memory_space<vmem>>, %arg7: memref<1x768xf32, #tpu.memory_space<vmem>>, %arg8: memref<512x256xf32, #tpu.memory_space<vmem>>, %arg9: memref<512x256xf32, #tpu.memory_space<vmem>>, %arg10: memref<512x8xi32, #tpu.memory_space<vmem>>, %arg11: memref<512x8xf32, #tpu.memory_space<vmem>>, %arg12: memref<512x768xf32, #tpu.memory_space<vmem>>) attributes {dimension_semantics = [], scalar_prefetch = 0 : i64, scratch_operands = 0 : i64, tpu.core_type = #tpu.core_type<tc>} {
    %get3A = arith.constant 0 : index
    %get3A_0 = arith.constant 0 : index
    %get3A_1 = vector.load %arg0[%get3A, %get3A_0] : memref<512x768xf32, #tpu.memory_space<vmem>>, vector<512x768xf32>
    %reduce_sum3A = arith.constant dense<0.000000e+00> : vector<512xf32>
    %reduce_sum3A_2 = vector.multi_reduction <add>, %get3A_1, %reduce_sum3A [1] : vector<512x768xf32> to vector<512xf32>
    %broadcast_in_dim3A = vector.shape_cast %reduce_sum3A_2 : vector<512xf32> to vector<512x1xf32>
    %div3A = arith.constant 7.680000e+02 : f32
    %div3A_3 = vector.broadcast %div3A : f32 to vector<512x1xf32>
    %div3A_4 = arith.divf %broadcast_in_dim3A, %div3A_3 : vector<512x1xf32>
    %jit3A = arith.constant 0 : i32
    %reduce_sum3A_5 = arith.constant dense<0.000000e+00> : vector<512xf32>
    %reduce_sum3A_6 = vector.multi_reduction <add>, %get3A_1, %reduce_sum3A_5 [1] : vector<512x768xf32> to vector<512xf32>
    %broadcast_in_dim3A_7 = vector.shape_cast %reduce_sum3A_6 : vector<512xf32> to vector<512x1xf32>
    %div3A_8 = arith.constant 7.680000e+02 : f32
    %div3A_9 = vector.broadcast %div3A_8 : f32 to vector<512x1xf32>
    %div3A_10 = arith.divf %broadcast_in_dim3A_7, %div3A_9 : vector<512x1xf32>
    %sub3A = vector.broadcast %div3A_10 : vector<512x1xf32> to vector<512x768xf32>
    %sub3A_11 = arith.subf %get3A_1, %sub3A : vector<512x768xf32>
    %square3A = arith.mulf %sub3A_11, %sub3A_11 : vector<512x768xf32>
    %convert_element_type3A = arith.sitofp %jit3A : i32 to f32
    %sub3A_12 = arith.constant 7.680000e+02 : f32
    %sub3A_13 = arith.subf %sub3A_12, %convert_element_type3A : f32
    %reduce_sum3A_14 = arith.constant dense<0.000000e+00> : vector<512xf32>
    %reduce_sum3A_15 = vector.multi_reduction <add>, %square3A, %reduce_sum3A_14 [1] : vector<512x768xf32> to vector<512xf32>
    %broadcast_in_dim3A_16 = vector.shape_cast %reduce_sum3A_15 : vector<512xf32> to vector<512x1xf32>
    %div3A_17 = vector.broadcast %sub3A_13 : f32 to vector<512x1xf32>
    %div3A_18 = arith.divf %broadcast_in_dim3A_16, %div3A_17 : vector<512x1xf32>
    %gt3A = arith.constant 0.000000e+00 : f32
    %gt3A_19 = arith.cmpf ogt, %sub3A_13, %gt3A : f32
    %jit3A_20 = arith.constant 0x7FC00000 : f32
    %broadcast_in_dim3A_21 = vector.broadcast %jit3A_20 : f32 to vector<512x1xf32>
    %select_n3A = arith.select %gt3A_19, %div3A_18, %broadcast_in_dim3A_21 : vector<512x1xf32>
    %sub3A_22 = vector.broadcast %div3A_4 : vector<512x1xf32> to vector<512x768xf32>
    %sub3A_23 = arith.subf %get3A_1, %sub3A_22 : vector<512x768xf32>
    %add3A = arith.constant 9.99999974E-6 : f32
    %add3A_24 = vector.broadcast %add3A : f32 to vector<512x1xf32>
    %add3A_25 = arith.addf %select_n3A, %add3A_24 : vector<512x1xf32>
    %sqrt3A = math.sqrt %add3A_25 : vector<512x1xf32>
    %div3A_26 = vector.broadcast %sqrt3A : vector<512x1xf32> to vector<512x768xf32>
    %div3A_27 = arith.divf %sub3A_23, %div3A_26 : vector<512x768xf32>
    %get3A_28 = arith.constant 0 : index
    %get3A_29 = arith.constant 0 : index
    %get3A_30 = vector.load %arg1[%get3A_28, %get3A_29] : memref<1x768xf32, #tpu.memory_space<vmem>>, vector<1x768xf32>
    %mul3A = vector.broadcast %get3A_30 : vector<1x768xf32> to vector<512x768xf32>
    %mul3A_31 = arith.mulf %div3A_27, %mul3A : vector<512x768xf32>
    %get3A_32 = arith.constant 0 : index
    %get3A_33 = arith.constant 0 : index
    %get3A_34 = vector.load %arg2[%get3A_32, %get3A_33] : memref<1x768xf32, #tpu.memory_space<vmem>>, vector<1x768xf32>
    %add3A_35 = vector.broadcast %get3A_34 : vector<1x768xf32> to vector<512x768xf32>
    %add3A_36 = arith.addf %mul3A_31, %add3A_35 : vector<512x768xf32>
    %get3A_37 = arith.constant 0 : index
    %get3A_38 = arith.constant 0 : index
    %get3A_39 = vector.load %arg3[%get3A_37, %get3A_38] : memref<768x128xf32, #tpu.memory_space<vmem>>, vector<768x128xf32>
    %dot_general3A = arith.constant dense<0.000000e+00> : vector<512x128xf32>
    %dot_general3A_40 = tpu.matmul %add3A_36, %get3A_39, %dot_general3A {dimension_numbers = #tpu.dot_dimension_numbers<[1], [0], [0], [1], [0, 0, 1, 1], [], []>, transpose_lhs_hint = false} : vector<512x768xf32>, vector<768x128xf32>, vector<512x128xf32> -> vector<512x128xf32>
    %get3A_41 = arith.constant 0 : index
    %get3A_42 = arith.constant 0 : index
    %get3A_43 = vector.load %arg4[%get3A_41, %get3A_42] : memref<1x128xf32, #tpu.memory_space<vmem>>, vector<1x128xf32>
    %add3A_44 = vector.broadcast %get3A_43 : vector<1x128xf32> to vector<512x128xf32>
    %add3A_45 = arith.addf %dot_general3A_40, %add3A_44 : vector<512x128xf32>
    %get3A_46 = arith.constant 0 : index
    %get3A_47 = arith.constant 0 : index
    %get3A_48 = vector.load %arg6[%get3A_46, %get3A_47] : memref<128x768xf32, #tpu.memory_space<vmem>>, vector<128x768xf32>
    %dot_general3A_49 = arith.constant dense<0.000000e+00> : vector<512x768xf32>
    %dot_general3A_50 = tpu.matmul %add3A_45, %get3A_48, %dot_general3A_49 {dimension_numbers = #tpu.dot_dimension_numbers<[1], [0], [0], [1], [0, 0, 1, 1], [], []>, transpose_lhs_hint = false} : vector<512x128xf32>, vector<128x768xf32>, vector<512x768xf32> -> vector<512x768xf32>
    %get3A_51 = arith.constant 0 : index
    %get3A_52 = arith.constant 0 : index
    %get3A_53 = vector.load %arg7[%get3A_51, %get3A_52] : memref<1x768xf32, #tpu.memory_space<vmem>>, vector<1x768xf32>
    %add3A_54 = vector.broadcast %get3A_53 : vector<1x768xf32> to vector<512x768xf32>
    %add3A_55 = arith.addf %dot_general3A_50, %add3A_54 : vector<512x768xf32>
    %swap3A = arith.constant 0 : index
    %swap3A_56 = arith.constant 0 : index
    %swap3A_57 = vector.load %arg12[%swap3A, %swap3A_56] : memref<512x768xf32, #tpu.memory_space<vmem>>, vector<512x768xf32>
    tpu.vector_store %arg12[%swap3A, %swap3A_56], %add3A_55 {strides = array<i32>} : memref<512x768xf32, #tpu.memory_space<vmem>>, vector<512x768xf32>,
    %get3A_58 = arith.constant 0 : index
    %get3A_59 = arith.constant 0 : index
    %get3A_60 = vector.load %arg5[%get3A_58, %get3A_59] : memref<128x512xf32, #tpu.memory_space<vmem>>, vector<128x512xf32>
    %dot_general3A_61 = arith.constant dense<0.000000e+00> : vector<512x512xf32>
    %dot_general3A_62 = tpu.matmul %add3A_45, %get3A_60, %dot_general3A_61 {dimension_numbers = #tpu.dot_dimension_numbers<[1], [0], [0], [1], [0, 0, 1, 1], [], []>, transpose_lhs_hint = false} : vector<512x128xf32>, vector<128x512xf32>, vector<512x512xf32> -> vector<512x512xf32>
    %slice3A = vector.extract_strided_slice %dot_general3A_62 {offsets = [0, 0], sizes = [512, 256], strides = [1, 1]} : vector<512x512xf32> to vector<512x256xf32>
    %slice3A_63 = vector.extract_strided_slice %dot_general3A_62 {offsets = [0, 256], sizes = [512, 256], strides = [1, 1]} : vector<512x512xf32> to vector<512x256xf32>
    %swap3A_64 = arith.constant 0 : index
    %swap3A_65 = arith.constant 0 : index
    %swap3A_66 = vector.load %arg8[%swap3A_64, %swap3A_65] : memref<512x256xf32, #tpu.memory_space<vmem>>, vector<512x256xf32>
    tpu.vector_store %arg8[%swap3A_64, %swap3A_65], %slice3A {strides = array<i32>} : memref<512x256xf32, #tpu.memory_space<vmem>>, vector<512x256xf32>,
    %swap3A_67 = arith.constant 0 : index
    %swap3A_68 = arith.constant 0 : index
    %swap3A_69 = vector.load %arg9[%swap3A_67, %swap3A_68] : memref<512x256xf32, #tpu.memory_space<vmem>>, vector<512x256xf32>
    tpu.vector_store %arg9[%swap3A_67, %swap3A_68], %slice3A_63 {strides = array<i32>} : memref<512x256xf32, #tpu.memory_space<vmem>>, vector<512x256xf32>,
    %iota3A = tpu.iota {dimensions = array<i32: 1>} : vector<512x256xi32>
    %reduce_max3A = arith.constant dense<0xFF800000> : vector<512xf32>
    %reduce_max3A_70 = vector.multi_reduction <maximumf>, %slice3A, %reduce_max3A [1] : vector<512x256xf32> to vector<512xf32>
    %broadcast_in_dim3A_71 = vector.shape_cast %reduce_max3A_70 : vector<512xf32> to vector<512x1xf32>
    %eq3A = vector.broadcast %broadcast_in_dim3A_71 : vector<512x1xf32> to vector<512x256xf32>
    %eq3A_72 = arith.cmpf oeq, %slice3A, %eq3A : vector<512x256xf32>
    %jit3A_73 = arith.constant 256 : i32
    %broadcast_in_dim3A_74 = vector.broadcast %jit3A_73 : i32 to vector<512x256xi32>
    %select_n3A_75 = arith.select %eq3A_72, %iota3A, %broadcast_in_dim3A_74 : vector<512x256xi1>, vector<512x256xi32>
    %reduce_min3A = arith.constant dense<2147483647> : vector<512xi32>
    %reduce_min3A_76 = vector.multi_reduction <minsi>, %select_n3A_75, %reduce_min3A [1] : vector<512x256xi32> to vector<512xi32>
    %broadcast_in_dim3A_77 = vector.shape_cast %reduce_min3A_76 : vector<512xi32> to vector<512x1xi32>
    %eq3A_78 = vector.broadcast %broadcast_in_dim3A_77 : vector<512x1xi32> to vector<512x256xi32>
    %eq3A_79 = arith.cmpi eq, %iota3A, %eq3A_78 : vector<512x256xi32>
    %jit3A_80 = arith.constant 0xFF800000 : f32
    %broadcast_in_dim3A_81 = vector.broadcast %jit3A_80 : f32 to vector<512x256xf32>
    %select_n3A_82 = arith.select %eq3A_79, %broadcast_in_dim3A_81, %slice3A : vector<512x256xi1>, vector<512x256xf32>
    %reduce_max3A_83 = arith.constant dense<0xFF800000> : vector<512xf32>
    %reduce_max3A_84 = vector.multi_reduction <maximumf>, %select_n3A_82, %reduce_max3A_83 [1] : vector<512x256xf32> to vector<512xf32>
    %broadcast_in_dim3A_85 = vector.shape_cast %reduce_max3A_84 : vector<512xf32> to vector<512x1xf32>
    %eq3A_86 = vector.broadcast %broadcast_in_dim3A_85 : vector<512x1xf32> to vector<512x256xf32>
    %eq3A_87 = arith.cmpf oeq, %select_n3A_82, %eq3A_86 : vector<512x256xf32>
    %jit3A_88 = arith.constant 256 : i32
    %broadcast_in_dim3A_89 = vector.broadcast %jit3A_88 : i32 to vector<512x256xi32>
    %select_n3A_90 = arith.select %eq3A_87, %iota3A, %broadcast_in_dim3A_89 : vector<512x256xi1>, vector<512x256xi32>
    %reduce_min3A_91 = arith.constant dense<2147483647> : vector<512xi32>
    %reduce_min3A_92 = vector.multi_reduction <minsi>, %select_n3A_90, %reduce_min3A_91 [1] : vector<512x256xi32> to vector<512xi32>
    %broadcast_in_dim3A_93 = vector.shape_cast %reduce_min3A_92 : vector<512xi32> to vector<512x1xi32>
    %eq3A_94 = vector.broadcast %broadcast_in_dim3A_93 : vector<512x1xi32> to vector<512x256xi32>
    %eq3A_95 = arith.cmpi eq, %iota3A, %eq3A_94 : vector<512x256xi32>
    %jit3A_96 = arith.constant 0xFF800000 : f32
    %broadcast_in_dim3A_97 = vector.broadcast %jit3A_96 : f32 to vector<512x256xf32>
    %select_n3A_98 = arith.select %eq3A_95, %broadcast_in_dim3A_97, %select_n3A_82 : vector<512x256xi1>, vector<512x256xf32>
    %reduce_max3A_99 = arith.constant dense<0xFF800000> : vector<512xf32>
    %reduce_max3A_100 = vector.multi_reduction <maximumf>, %select_n3A_98, %reduce_max3A_99 [1] : vector<512x256xf32> to vector<512xf32>
    %broadcast_in_dim3A_101 = vector.shape_cast %reduce_max3A_100 : vector<512xf32> to vector<512x1xf32>
    %eq3A_102 = vector.broadcast %broadcast_in_dim3A_101 : vector<512x1xf32> to vector<512x256xf32>
    %eq3A_103 = arith.cmpf oeq, %select_n3A_98, %eq3A_102 : vector<512x256xf32>
    %jit3A_104 = arith.constant 256 : i32
    %broadcast_in_dim3A_105 = vector.broadcast %jit3A_104 : i32 to vector<512x256xi32>
    %select_n3A_106 = arith.select %eq3A_103, %iota3A, %broadcast_in_dim3A_105 : vector<512x256xi1>, vector<512x256xi32>
    %reduce_min3A_107 = arith.constant dense<2147483647> : vector<512xi32>
    %reduce_min3A_108 = vector.multi_reduction <minsi>, %select_n3A_106, %reduce_min3A_107 [1] : vector<512x256xi32> to vector<512xi32>
    %broadcast_in_dim3A_109 = vector.shape_cast %reduce_min3A_108 : vector<512xi32> to vector<512x1xi32>
    %eq3A_110 = vector.broadcast %broadcast_in_dim3A_109 : vector<512x1xi32> to vector<512x256xi32>
    %eq3A_111 = arith.cmpi eq, %iota3A, %eq3A_110 : vector<512x256xi32>
    %jit3A_112 = arith.constant 0xFF800000 : f32
    %broadcast_in_dim3A_113 = vector.broadcast %jit3A_112 : f32 to vector<512x256xf32>
    %select_n3A_114 = arith.select %eq3A_111, %broadcast_in_dim3A_113, %select_n3A_98 : vector<512x256xi1>, vector<512x256xf32>
    %reduce_max3A_115 = arith.constant dense<0xFF800000> : vector<512xf32>
    %reduce_max3A_116 = vector.multi_reduction <maximumf>, %select_n3A_114, %reduce_max3A_115 [1] : vector<512x256xf32> to vector<512xf32>
    %broadcast_in_dim3A_117 = vector.shape_cast %reduce_max3A_116 : vector<512xf32> to vector<512x1xf32>
    %eq3A_118 = vector.broadcast %broadcast_in_dim3A_117 : vector<512x1xf32> to vector<512x256xf32>
    %eq3A_119 = arith.cmpf oeq, %select_n3A_114, %eq3A_118 : vector<512x256xf32>
    %jit3A_120 = arith.constant 256 : i32
    %broadcast_in_dim3A_121 = vector.broadcast %jit3A_120 : i32 to vector<512x256xi32>
    %select_n3A_122 = arith.select %eq3A_119, %iota3A, %broadcast_in_dim3A_121 : vector<512x256xi1>, vector<512x256xi32>
    %reduce_min3A_123 = arith.constant dense<2147483647> : vector<512xi32>
    %reduce_min3A_124 = vector.multi_reduction <minsi>, %select_n3A_122, %reduce_min3A_123 [1] : vector<512x256xi32> to vector<512xi32>
    %broadcast_in_dim3A_125 = vector.shape_cast %reduce_min3A_124 : vector<512xi32> to vector<512x1xi32>
    %eq3A_126 = vector.broadcast %broadcast_in_dim3A_125 : vector<512x1xi32> to vector<512x256xi32>
    %eq3A_127 = arith.cmpi eq, %iota3A, %eq3A_126 : vector<512x256xi32>
    %jit3A_128 = arith.constant 0xFF800000 : f32
    %broadcast_in_dim3A_129 = vector.broadcast %jit3A_128 : f32 to vector<512x256xf32>
    %select_n3A_130 = arith.select %eq3A_127, %broadcast_in_dim3A_129, %select_n3A_114 : vector<512x256xi1>, vector<512x256xf32>
    %reduce_max3A_131 = arith.constant dense<0xFF800000> : vector<512xf32>
    %reduce_max3A_132 = vector.multi_reduction <maximumf>, %select_n3A_130, %reduce_max3A_131 [1] : vector<512x256xf32> to vector<512xf32>
    %broadcast_in_dim3A_133 = vector.shape_cast %reduce_max3A_132 : vector<512xf32> to vector<512x1xf32>
    %eq3A_134 = vector.broadcast %broadcast_in_dim3A_133 : vector<512x1xf32> to vector<512x256xf32>
    %eq3A_135 = arith.cmpf oeq, %select_n3A_130, %eq3A_134 : vector<512x256xf32>
    %jit3A_136 = arith.constant 256 : i32
    %broadcast_in_dim3A_137 = vector.broadcast %jit3A_136 : i32 to vector<512x256xi32>
    %select_n3A_138 = arith.select %eq3A_135, %iota3A, %broadcast_in_dim3A_137 : vector<512x256xi1>, vector<512x256xi32>
    %reduce_min3A_139 = arith.constant dense<2147483647> : vector<512xi32>
    %reduce_min3A_140 = vector.multi_reduction <minsi>, %select_n3A_138, %reduce_min3A_139 [1] : vector<512x256xi32> to vector<512xi32>
    %broadcast_in_dim3A_141 = vector.shape_cast %reduce_min3A_140 : vector<512xi32> to vector<512x1xi32>
    %eq3A_142 = vector.broadcast %broadcast_in_dim3A_141 : vector<512x1xi32> to vector<512x256xi32>
    %eq3A_143 = arith.cmpi eq, %iota3A, %eq3A_142 : vector<512x256xi32>
    %jit3A_144 = arith.constant 0xFF800000 : f32
    %broadcast_in_dim3A_145 = vector.broadcast %jit3A_144 : f32 to vector<512x256xf32>
    %select_n3A_146 = arith.select %eq3A_143, %broadcast_in_dim3A_145, %select_n3A_130 : vector<512x256xi1>, vector<512x256xf32>
    %reduce_max3A_147 = arith.constant dense<0xFF800000> : vector<512xf32>
    %reduce_max3A_148 = vector.multi_reduction <maximumf>, %select_n3A_146, %reduce_max3A_147 [1] : vector<512x256xf32> to vector<512xf32>
    %broadcast_in_dim3A_149 = vector.shape_cast %reduce_max3A_148 : vector<512xf32> to vector<512x1xf32>
    %eq3A_150 = vector.broadcast %broadcast_in_dim3A_149 : vector<512x1xf32> to vector<512x256xf32>
    %eq3A_151 = arith.cmpf oeq, %select_n3A_146, %eq3A_150 : vector<512x256xf32>
    %jit3A_152 = arith.constant 256 : i32
    %broadcast_in_dim3A_153 = vector.broadcast %jit3A_152 : i32 to vector<512x256xi32>
    %select_n3A_154 = arith.select %eq3A_151, %iota3A, %broadcast_in_dim3A_153 : vector<512x256xi1>, vector<512x256xi32>
    %reduce_min3A_155 = arith.constant dense<2147483647> : vector<512xi32>
    %reduce_min3A_156 = vector.multi_reduction <minsi>, %select_n3A_154, %reduce_min3A_155 [1] : vector<512x256xi32> to vector<512xi32>
    %broadcast_in_dim3A_157 = vector.shape_cast %reduce_min3A_156 : vector<512xi32> to vector<512x1xi32>
    %eq3A_158 = vector.broadcast %broadcast_in_dim3A_157 : vector<512x1xi32> to vector<512x256xi32>
    %eq3A_159 = arith.cmpi eq, %iota3A, %eq3A_158 : vector<512x256xi32>
    %jit3A_160 = arith.constant 0xFF800000 : f32
    %broadcast_in_dim3A_161 = vector.broadcast %jit3A_160 : f32 to vector<512x256xf32>
    %select_n3A_162 = arith.select %eq3A_159, %broadcast_in_dim3A_161, %select_n3A_146 : vector<512x256xi1>, vector<512x256xf32>
    %reduce_max3A_163 = arith.constant dense<0xFF800000> : vector<512xf32>
    %reduce_max3A_164 = vector.multi_reduction <maximumf>, %select_n3A_162, %reduce_max3A_163 [1] : vector<512x256xf32> to vector<512xf32>
    %broadcast_in_dim3A_165 = vector.shape_cast %reduce_max3A_164 : vector<512xf32> to vector<512x1xf32>
    %eq3A_166 = vector.broadcast %broadcast_in_dim3A_165 : vector<512x1xf32> to vector<512x256xf32>
    %eq3A_167 = arith.cmpf oeq, %select_n3A_162, %eq3A_166 : vector<512x256xf32>
    %jit3A_168 = arith.constant 256 : i32
    %broadcast_in_dim3A_169 = vector.broadcast %jit3A_168 : i32 to vector<512x256xi32>
    %select_n3A_170 = arith.select %eq3A_167, %iota3A, %broadcast_in_dim3A_169 : vector<512x256xi1>, vector<512x256xi32>
    %reduce_min3A_171 = arith.constant dense<2147483647> : vector<512xi32>
    %reduce_min3A_172 = vector.multi_reduction <minsi>, %select_n3A_170, %reduce_min3A_171 [1] : vector<512x256xi32> to vector<512xi32>
    %broadcast_in_dim3A_173 = vector.shape_cast %reduce_min3A_172 : vector<512xi32> to vector<512x1xi32>
    %eq3A_174 = vector.broadcast %broadcast_in_dim3A_173 : vector<512x1xi32> to vector<512x256xi32>
    %eq3A_175 = arith.cmpi eq, %iota3A, %eq3A_174 : vector<512x256xi32>
    %jit3A_176 = arith.constant 0xFF800000 : f32
    %broadcast_in_dim3A_177 = vector.broadcast %jit3A_176 : f32 to vector<512x256xf32>
    %select_n3A_178 = arith.select %eq3A_175, %broadcast_in_dim3A_177, %select_n3A_162 : vector<512x256xi1>, vector<512x256xf32>
    %reduce_max3A_179 = arith.constant dense<0xFF800000> : vector<512xf32>
    %reduce_max3A_180 = vector.multi_reduction <maximumf>, %select_n3A_178, %reduce_max3A_179 [1] : vector<512x256xf32> to vector<512xf32>
    %broadcast_in_dim3A_181 = vector.shape_cast %reduce_max3A_180 : vector<512xf32> to vector<512x1xf32>
    %eq3A_182 = vector.broadcast %broadcast_in_dim3A_181 : vector<512x1xf32> to vector<512x256xf32>
    %eq3A_183 = arith.cmpf oeq, %select_n3A_178, %eq3A_182 : vector<512x256xf32>
    %jit3A_184 = arith.constant 256 : i32
    %broadcast_in_dim3A_185 = vector.broadcast %jit3A_184 : i32 to vector<512x256xi32>
    %select_n3A_186 = arith.select %eq3A_183, %iota3A, %broadcast_in_dim3A_185 : vector<512x256xi1>, vector<512x256xi32>
    %reduce_min3A_187 = arith.constant dense<2147483647> : vector<512xi32>
    %reduce_min3A_188 = vector.multi_reduction <minsi>, %select_n3A_186, %reduce_min3A_187 [1] : vector<512x256xi32> to vector<512xi32>
    %broadcast_in_dim3A_189 = vector.shape_cast %reduce_min3A_188 : vector<512xi32> to vector<512x1xi32>
    %concatenate3A = tpu.concatenate %broadcast_in_dim3A_71, %broadcast_in_dim3A_85, %broadcast_in_dim3A_101, %broadcast_in_dim3A_117, %broadcast_in_dim3A_133, %broadcast_in_dim3A_149, %broadcast_in_dim3A_165, %broadcast_in_dim3A_181 in 1 : vector<512x1xf32>, vector<512x1xf32>, vector<512x1xf32>, vector<512x1xf32>, vector<512x1xf32>, vector<512x1xf32>, vector<512x1xf32>, vector<512x1xf32> -> vector<512x8xf32>
    %concatenate3A_190 = tpu.concatenate %broadcast_in_dim3A_77, %broadcast_in_dim3A_93, %broadcast_in_dim3A_109, %broadcast_in_dim3A_125, %broadcast_in_dim3A_141, %broadcast_in_dim3A_157, %broadcast_in_dim3A_173, %broadcast_in_dim3A_189 in 1 : vector<512x1xi32>, vector<512x1xi32>, vector<512x1xi32>, vector<512x1xi32>, vector<512x1xi32>, vector<512x1xi32>, vector<512x1xi32>, vector<512x1xi32> -> vector<512x8xi32>
    %iota3A_191 = tpu.iota {dimensions = array<i32: 1>} : vector<512x256xi32>
    %reduce_max3A_192 = arith.constant dense<0xFF800000> : vector<512xf32>
    %reduce_max3A_193 = vector.multi_reduction <maximumf>, %slice3A_63, %reduce_max3A_192 [1] : vector<512x256xf32> to vector<512xf32>
    %broadcast_in_dim3A_194 = vector.shape_cast %reduce_max3A_193 : vector<512xf32> to vector<512x1xf32>
    %eq3A_195 = vector.broadcast %broadcast_in_dim3A_194 : vector<512x1xf32> to vector<512x256xf32>
    %eq3A_196 = arith.cmpf oeq, %slice3A_63, %eq3A_195 : vector<512x256xf32>
    %jit3A_197 = arith.constant 256 : i32
    %broadcast_in_dim3A_198 = vector.broadcast %jit3A_197 : i32 to vector<512x256xi32>
    %select_n3A_199 = arith.select %eq3A_196, %iota3A_191, %broadcast_in_dim3A_198 : vector<512x256xi1>, vector<512x256xi32>
    %reduce_min3A_200 = arith.constant dense<2147483647> : vector<512xi32>
    %reduce_min3A_201 = vector.multi_reduction <minsi>, %select_n3A_199, %reduce_min3A_200 [1] : vector<512x256xi32> to vector<512xi32>
    %broadcast_in_dim3A_202 = vector.shape_cast %reduce_min3A_201 : vector<512xi32> to vector<512x1xi32>
    %eq3A_203 = vector.broadcast %broadcast_in_dim3A_202 : vector<512x1xi32> to vector<512x256xi32>
    %eq3A_204 = arith.cmpi eq, %iota3A_191, %eq3A_203 : vector<512x256xi32>
    %jit3A_205 = arith.constant 0xFF800000 : f32
    %broadcast_in_dim3A_206 = vector.broadcast %jit3A_205 : f32 to vector<512x256xf32>
    %select_n3A_207 = arith.select %eq3A_204, %broadcast_in_dim3A_206, %slice3A_63 : vector<512x256xi1>, vector<512x256xf32>
    %reduce_max3A_208 = arith.constant dense<0xFF800000> : vector<512xf32>
    %reduce_max3A_209 = vector.multi_reduction <maximumf>, %select_n3A_207, %reduce_max3A_208 [1] : vector<512x256xf32> to vector<512xf32>
    %broadcast_in_dim3A_210 = vector.shape_cast %reduce_max3A_209 : vector<512xf32> to vector<512x1xf32>
    %eq3A_211 = vector.broadcast %broadcast_in_dim3A_210 : vector<512x1xf32> to vector<512x256xf32>
    %eq3A_212 = arith.cmpf oeq, %select_n3A_207, %eq3A_211 : vector<512x256xf32>
    %jit3A_213 = arith.constant 256 : i32
    %broadcast_in_dim3A_214 = vector.broadcast %jit3A_213 : i32 to vector<512x256xi32>
    %select_n3A_215 = arith.select %eq3A_212, %iota3A_191, %broadcast_in_dim3A_214 : vector<512x256xi1>, vector<512x256xi32>
    %reduce_min3A_216 = arith.constant dense<2147483647> : vector<512xi32>
    %reduce_min3A_217 = vector.multi_reduction <minsi>, %select_n3A_215, %reduce_min3A_216 [1] : vector<512x256xi32> to vector<512xi32>
    %broadcast_in_dim3A_218 = vector.shape_cast %reduce_min3A_217 : vector<512xi32> to vector<512x1xi32>
    %eq3A_219 = vector.broadcast %broadcast_in_dim3A_218 : vector<512x1xi32> to vector<512x256xi32>
    %eq3A_220 = arith.cmpi eq, %iota3A_191, %eq3A_219 : vector<512x256xi32>
    %jit3A_221 = arith.constant 0xFF800000 : f32
    %broadcast_in_dim3A_222 = vector.broadcast %jit3A_221 : f32 to vector<512x256xf32>
    %select_n3A_223 = arith.select %eq3A_220, %broadcast_in_dim3A_222, %select_n3A_207 : vector<512x256xi1>, vector<512x256xf32>
    %reduce_max3A_224 = arith.constant dense<0xFF800000> : vector<512xf32>
    %reduce_max3A_225 = vector.multi_reduction <maximumf>, %select_n3A_223, %reduce_max3A_224 [1] : vector<512x256xf32> to vector<512xf32>
    %broadcast_in_dim3A_226 = vector.shape_cast %reduce_max3A_225 : vector<512xf32> to vector<512x1xf32>
    %eq3A_227 = vector.broadcast %broadcast_in_dim3A_226 : vector<512x1xf32> to vector<512x256xf32>
    %eq3A_228 = arith.cmpf oeq, %select_n3A_223, %eq3A_227 : vector<512x256xf32>
    %jit3A_229 = arith.constant 256 : i32
    %broadcast_in_dim3A_230 = vector.broadcast %jit3A_229 : i32 to vector<512x256xi32>
    %select_n3A_231 = arith.select %eq3A_228, %iota3A_191, %broadcast_in_dim3A_230 : vector<512x256xi1>, vector<512x256xi32>
    %reduce_min3A_232 = arith.constant dense<2147483647> : vector<512xi32>
    %reduce_min3A_233 = vector.multi_reduction <minsi>, %select_n3A_231, %reduce_min3A_232 [1] : vector<512x256xi32> to vector<512xi32>
    %broadcast_in_dim3A_234 = vector.shape_cast %reduce_min3A_233 : vector<512xi32> to vector<512x1xi32>
    %eq3A_235 = vector.broadcast %broadcast_in_dim3A_234 : vector<512x1xi32> to vector<512x256xi32>
    %eq3A_236 = arith.cmpi eq, %iota3A_191, %eq3A_235 : vector<512x256xi32>
    %jit3A_237 = arith.constant 0xFF800000 : f32
    %broadcast_in_dim3A_238 = vector.broadcast %jit3A_237 : f32 to vector<512x256xf32>
    %select_n3A_239 = arith.select %eq3A_236, %broadcast_in_dim3A_238, %select_n3A_223 : vector<512x256xi1>, vector<512x256xf32>
    %reduce_max3A_240 = arith.constant dense<0xFF800000> : vector<512xf32>
    %reduce_max3A_241 = vector.multi_reduction <maximumf>, %select_n3A_239, %reduce_max3A_240 [1] : vector<512x256xf32> to vector<512xf32>
    %broadcast_in_dim3A_242 = vector.shape_cast %reduce_max3A_241 : vector<512xf32> to vector<512x1xf32>
    %eq3A_243 = vector.broadcast %broadcast_in_dim3A_242 : vector<512x1xf32> to vector<512x256xf32>
    %eq3A_244 = arith.cmpf oeq, %select_n3A_239, %eq3A_243 : vector<512x256xf32>
    %jit3A_245 = arith.constant 256 : i32
    %broadcast_in_dim3A_246 = vector.broadcast %jit3A_245 : i32 to vector<512x256xi32>
    %select_n3A_247 = arith.select %eq3A_244, %iota3A_191, %broadcast_in_dim3A_246 : vector<512x256xi1>, vector<512x256xi32>
    %reduce_min3A_248 = arith.constant dense<2147483647> : vector<512xi32>
    %reduce_min3A_249 = vector.multi_reduction <minsi>, %select_n3A_247, %reduce_min3A_248 [1] : vector<512x256xi32> to vector<512xi32>
    %broadcast_in_dim3A_250 = vector.shape_cast %reduce_min3A_249 : vector<512xi32> to vector<512x1xi32>
    %eq3A_251 = vector.broadcast %broadcast_in_dim3A_250 : vector<512x1xi32> to vector<512x256xi32>
    %eq3A_252 = arith.cmpi eq, %iota3A_191, %eq3A_251 : vector<512x256xi32>
    %jit3A_253 = arith.constant 0xFF800000 : f32
    %broadcast_in_dim3A_254 = vector.broadcast %jit3A_253 : f32 to vector<512x256xf32>
    %select_n3A_255 = arith.select %eq3A_252, %broadcast_in_dim3A_254, %select_n3A_239 : vector<512x256xi1>, vector<512x256xf32>
    %reduce_max3A_256 = arith.constant dense<0xFF800000> : vector<512xf32>
    %reduce_max3A_257 = vector.multi_reduction <maximumf>, %select_n3A_255, %reduce_max3A_256 [1] : vector<512x256xf32> to vector<512xf32>
    %broadcast_in_dim3A_258 = vector.shape_cast %reduce_max3A_257 : vector<512xf32> to vector<512x1xf32>
    %eq3A_259 = vector.broadcast %broadcast_in_dim3A_258 : vector<512x1xf32> to vector<512x256xf32>
    %eq3A_260 = arith.cmpf oeq, %select_n3A_255, %eq3A_259 : vector<512x256xf32>
    %jit3A_261 = arith.constant 256 : i32
    %broadcast_in_dim3A_262 = vector.broadcast %jit3A_261 : i32 to vector<512x256xi32>
    %select_n3A_263 = arith.select %eq3A_260, %iota3A_191, %broadcast_in_dim3A_262 : vector<512x256xi1>, vector<512x256xi32>
    %reduce_min3A_264 = arith.constant dense<2147483647> : vector<512xi32>
    %reduce_min3A_265 = vector.multi_reduction <minsi>, %select_n3A_263, %reduce_min3A_264 [1] : vector<512x256xi32> to vector<512xi32>
    %broadcast_in_dim3A_266 = vector.shape_cast %reduce_min3A_265 : vector<512xi32> to vector<512x1xi32>
    %eq3A_267 = vector.broadcast %broadcast_in_dim3A_266 : vector<512x1xi32> to vector<512x256xi32>
    %eq3A_268 = arith.cmpi eq, %iota3A_191, %eq3A_267 : vector<512x256xi32>
    %jit3A_269 = arith.constant 0xFF800000 : f32
    %broadcast_in_dim3A_270 = vector.broadcast %jit3A_269 : f32 to vector<512x256xf32>
    %select_n3A_271 = arith.select %eq3A_268, %broadcast_in_dim3A_270, %select_n3A_255 : vector<512x256xi1>, vector<512x256xf32>
    %reduce_max3A_272 = arith.constant dense<0xFF800000> : vector<512xf32>
    %reduce_max3A_273 = vector.multi_reduction <maximumf>, %select_n3A_271, %reduce_max3A_272 [1] : vector<512x256xf32> to vector<512xf32>
    %broadcast_in_dim3A_274 = vector.shape_cast %reduce_max3A_273 : vector<512xf32> to vector<512x1xf32>
    %eq3A_275 = vector.broadcast %broadcast_in_dim3A_274 : vector<512x1xf32> to vector<512x256xf32>
    %eq3A_276 = arith.cmpf oeq, %select_n3A_271, %eq3A_275 : vector<512x256xf32>
    %jit3A_277 = arith.constant 256 : i32
    %broadcast_in_dim3A_278 = vector.broadcast %jit3A_277 : i32 to vector<512x256xi32>
    %select_n3A_279 = arith.select %eq3A_276, %iota3A_191, %broadcast_in_dim3A_278 : vector<512x256xi1>, vector<512x256xi32>
    %reduce_min3A_280 = arith.constant dense<2147483647> : vector<512xi32>
    %reduce_min3A_281 = vector.multi_reduction <minsi>, %select_n3A_279, %reduce_min3A_280 [1] : vector<512x256xi32> to vector<512xi32>
    %broadcast_in_dim3A_282 = vector.shape_cast %reduce_min3A_281 : vector<512xi32> to vector<512x1xi32>
    %eq3A_283 = vector.broadcast %broadcast_in_dim3A_282 : vector<512x1xi32> to vector<512x256xi32>
    %eq3A_284 = arith.cmpi eq, %iota3A_191, %eq3A_283 : vector<512x256xi32>
    %jit3A_285 = arith.constant 0xFF800000 : f32
    %broadcast_in_dim3A_286 = vector.broadcast %jit3A_285 : f32 to vector<512x256xf32>
    %select_n3A_287 = arith.select %eq3A_284, %broadcast_in_dim3A_286, %select_n3A_271 : vector<512x256xi1>, vector<512x256xf32>
    %reduce_max3A_288 = arith.constant dense<0xFF800000> : vector<512xf32>
    %reduce_max3A_289 = vector.multi_reduction <maximumf>, %select_n3A_287, %reduce_max3A_288 [1] : vector<512x256xf32> to vector<512xf32>
    %broadcast_in_dim3A_290 = vector.shape_cast %reduce_max3A_289 : vector<512xf32> to vector<512x1xf32>
    %eq3A_291 = vector.broadcast %broadcast_in_dim3A_290 : vector<512x1xf32> to vector<512x256xf32>
    %eq3A_292 = arith.cmpf oeq, %select_n3A_287, %eq3A_291 : vector<512x256xf32>
    %jit3A_293 = arith.constant 256 : i32
    %broadcast_in_dim3A_294 = vector.broadcast %jit3A_293 : i32 to vector<512x256xi32>
    %select_n3A_295 = arith.select %eq3A_292, %iota3A_191, %broadcast_in_dim3A_294 : vector<512x256xi1>, vector<512x256xi32>
    %reduce_min3A_296 = arith.constant dense<2147483647> : vector<512xi32>
    %reduce_min3A_297 = vector.multi_reduction <minsi>, %select_n3A_295, %reduce_min3A_296 [1] : vector<512x256xi32> to vector<512xi32>
    %broadcast_in_dim3A_298 = vector.shape_cast %reduce_min3A_297 : vector<512xi32> to vector<512x1xi32>
    %eq3A_299 = vector.broadcast %broadcast_in_dim3A_298 : vector<512x1xi32> to vector<512x256xi32>
    %eq3A_300 = arith.cmpi eq, %iota3A_191, %eq3A_299 : vector<512x256xi32>
    %jit3A_301 = arith.constant 0xFF800000 : f32
    %broadcast_in_dim3A_302 = vector.broadcast %jit3A_301 : f32 to vector<512x256xf32>
    %select_n3A_303 = arith.select %eq3A_300, %broadcast_in_dim3A_302, %select_n3A_287 : vector<512x256xi1>, vector<512x256xf32>
    %reduce_max3A_304 = arith.constant dense<0xFF800000> : vector<512xf32>
    %reduce_max3A_305 = vector.multi_reduction <maximumf>, %select_n3A_303, %reduce_max3A_304 [1] : vector<512x256xf32> to vector<512xf32>
    %broadcast_in_dim3A_306 = vector.shape_cast %reduce_max3A_305 : vector<512xf32> to vector<512x1xf32>
    %eq3A_307 = vector.broadcast %broadcast_in_dim3A_306 : vector<512x1xf32> to vector<512x256xf32>
    %eq3A_308 = arith.cmpf oeq, %select_n3A_303, %eq3A_307 : vector<512x256xf32>
    %jit3A_309 = arith.constant 256 : i32
    %broadcast_in_dim3A_310 = vector.broadcast %jit3A_309 : i32 to vector<512x256xi32>
    %select_n3A_311 = arith.select %eq3A_308, %iota3A_191, %broadcast_in_dim3A_310 : vector<512x256xi1>, vector<512x256xi32>
    %reduce_min3A_312 = arith.constant dense<2147483647> : vector<512xi32>
    %reduce_min3A_313 = vector.multi_reduction <minsi>, %select_n3A_311, %reduce_min3A_312 [1] : vector<512x256xi32> to vector<512xi32>
    %broadcast_in_dim3A_314 = vector.shape_cast %reduce_min3A_313 : vector<512xi32> to vector<512x1xi32>
    %concatenate3A_315 = tpu.concatenate %broadcast_in_dim3A_194, %broadcast_in_dim3A_210, %broadcast_in_dim3A_226, %broadcast_in_dim3A_242, %broadcast_in_dim3A_258, %broadcast_in_dim3A_274, %broadcast_in_dim3A_290, %broadcast_in_dim3A_306 in 1 : vector<512x1xf32>, vector<512x1xf32>, vector<512x1xf32>, vector<512x1xf32>, vector<512x1xf32>, vector<512x1xf32>, vector<512x1xf32>, vector<512x1xf32> -> vector<512x8xf32>
    %concatenate3A_316 = tpu.concatenate %broadcast_in_dim3A_202, %broadcast_in_dim3A_218, %broadcast_in_dim3A_234, %broadcast_in_dim3A_250, %broadcast_in_dim3A_266, %broadcast_in_dim3A_282, %broadcast_in_dim3A_298, %broadcast_in_dim3A_314 in 1 : vector<512x1xi32>, vector<512x1xi32>, vector<512x1xi32>, vector<512x1xi32>, vector<512x1xi32>, vector<512x1xi32>, vector<512x1xi32>, vector<512x1xi32> -> vector<512x8xi32>
    %slice3A_317 = vector.extract_strided_slice %concatenate3A {offsets = [0, 0], sizes = [512, 1], strides = [1, 1]} : vector<512x8xf32> to vector<512x1xf32>
    %add3A_318 = vector.broadcast %slice3A_317 : vector<512x1xf32> to vector<512x8xf32>
    %add3A_319 = arith.addf %add3A_318, %concatenate3A_315 : vector<512x8xf32>
    %slice3A_320 = vector.extract_strided_slice %concatenate3A {offsets = [0, 1], sizes = [512, 1], strides = [1, 1]} : vector<512x8xf32> to vector<512x1xf32>
    %add3A_321 = vector.broadcast %slice3A_320 : vector<512x1xf32> to vector<512x8xf32>
    %add3A_322 = arith.addf %add3A_321, %concatenate3A_315 : vector<512x8xf32>
    %slice3A_323 = vector.extract_strided_slice %concatenate3A {offsets = [0, 2], sizes = [512, 1], strides = [1, 1]} : vector<512x8xf32> to vector<512x1xf32>
    %add3A_324 = vector.broadcast %slice3A_323 : vector<512x1xf32> to vector<512x8xf32>
    %add3A_325 = arith.addf %add3A_324, %concatenate3A_315 : vector<512x8xf32>
    %slice3A_326 = vector.extract_strided_slice %concatenate3A {offsets = [0, 3], sizes = [512, 1], strides = [1, 1]} : vector<512x8xf32> to vector<512x1xf32>
    %add3A_327 = vector.broadcast %slice3A_326 : vector<512x1xf32> to vector<512x8xf32>
    %add3A_328 = arith.addf %add3A_327, %concatenate3A_315 : vector<512x8xf32>
    %slice3A_329 = vector.extract_strided_slice %concatenate3A {offsets = [0, 4], sizes = [512, 1], strides = [1, 1]} : vector<512x8xf32> to vector<512x1xf32>
    %add3A_330 = vector.broadcast %slice3A_329 : vector<512x1xf32> to vector<512x8xf32>
    %add3A_331 = arith.addf %add3A_330, %concatenate3A_315 : vector<512x8xf32>
    %slice3A_332 = vector.extract_strided_slice %concatenate3A {offsets = [0, 5], sizes = [512, 1], strides = [1, 1]} : vector<512x8xf32> to vector<512x1xf32>
    %add3A_333 = vector.broadcast %slice3A_332 : vector<512x1xf32> to vector<512x8xf32>
    %add3A_334 = arith.addf %add3A_333, %concatenate3A_315 : vector<512x8xf32>
    %slice3A_335 = vector.extract_strided_slice %concatenate3A {offsets = [0, 6], sizes = [512, 1], strides = [1, 1]} : vector<512x8xf32> to vector<512x1xf32>
    %add3A_336 = vector.broadcast %slice3A_335 : vector<512x1xf32> to vector<512x8xf32>
    %add3A_337 = arith.addf %add3A_336, %concatenate3A_315 : vector<512x8xf32>
    %slice3A_338 = vector.extract_strided_slice %concatenate3A {offsets = [0, 7], sizes = [512, 1], strides = [1, 1]} : vector<512x8xf32> to vector<512x1xf32>
    %add3A_339 = vector.broadcast %slice3A_338 : vector<512x1xf32> to vector<512x8xf32>
    %add3A_340 = arith.addf %add3A_339, %concatenate3A_315 : vector<512x8xf32>
    %concatenate3A_341 = tpu.concatenate %add3A_319, %add3A_322, %add3A_325, %add3A_328, %add3A_331, %add3A_334, %add3A_337, %add3A_340 in 1 : vector<512x8xf32>, vector<512x8xf32>, vector<512x8xf32>, vector<512x8xf32>, vector<512x8xf32>, vector<512x8xf32>, vector<512x8xf32>, vector<512x8xf32> -> vector<512x64xf32>
    %slice3A_342 = vector.extract_strided_slice %concatenate3A_190 {offsets = [0, 0], sizes = [512, 1], strides = [1, 1]} : vector<512x8xi32> to vector<512x1xi32>
    %mul3A_343 = arith.constant 256 : i32
    %mul3A_344 = vector.broadcast %mul3A_343 : i32 to vector<512x1xi32>
    %mul3A_345 = arith.muli %slice3A_342, %mul3A_344 : vector<512x1xi32>
    %add3A_346 = vector.broadcast %mul3A_345 : vector<512x1xi32> to vector<512x8xi32>
    %add3A_347 = arith.addi %add3A_346, %concatenate3A_316 : vector<512x8xi32>
    %slice3A_348 = vector.extract_strided_slice %concatenate3A_190 {offsets = [0, 1], sizes = [512, 1], strides = [1, 1]} : vector<512x8xi32> to vector<512x1xi32>
    %mul3A_349 = arith.constant 256 : i32
    %mul3A_350 = vector.broadcast %mul3A_349 : i32 to vector<512x1xi32>
    %mul3A_351 = arith.muli %slice3A_348, %mul3A_350 : vector<512x1xi32>
    %add3A_352 = vector.broadcast %mul3A_351 : vector<512x1xi32> to vector<512x8xi32>
    %add3A_353 = arith.addi %add3A_352, %concatenate3A_316 : vector<512x8xi32>
    %slice3A_354 = vector.extract_strided_slice %concatenate3A_190 {offsets = [0, 2], sizes = [512, 1], strides = [1, 1]} : vector<512x8xi32> to vector<512x1xi32>
    %mul3A_355 = arith.constant 256 : i32
    %mul3A_356 = vector.broadcast %mul3A_355 : i32 to vector<512x1xi32>
    %mul3A_357 = arith.muli %slice3A_354, %mul3A_356 : vector<512x1xi32>
    %add3A_358 = vector.broadcast %mul3A_357 : vector<512x1xi32> to vector<512x8xi32>
    %add3A_359 = arith.addi %add3A_358, %concatenate3A_316 : vector<512x8xi32>
    %slice3A_360 = vector.extract_strided_slice %concatenate3A_190 {offsets = [0, 3], sizes = [512, 1], strides = [1, 1]} : vector<512x8xi32> to vector<512x1xi32>
    %mul3A_361 = arith.constant 256 : i32
    %mul3A_362 = vector.broadcast %mul3A_361 : i32 to vector<512x1xi32>
    %mul3A_363 = arith.muli %slice3A_360, %mul3A_362 : vector<512x1xi32>
    %add3A_364 = vector.broadcast %mul3A_363 : vector<512x1xi32> to vector<512x8xi32>
    %add3A_365 = arith.addi %add3A_364, %concatenate3A_316 : vector<512x8xi32>
    %slice3A_366 = vector.extract_strided_slice %concatenate3A_190 {offsets = [0, 4], sizes = [512, 1], strides = [1, 1]} : vector<512x8xi32> to vector<512x1xi32>
    %mul3A_367 = arith.constant 256 : i32
    %mul3A_368 = vector.broadcast %mul3A_367 : i32 to vector<512x1xi32>
    %mul3A_369 = arith.muli %slice3A_366, %mul3A_368 : vector<512x1xi32>
    %add3A_370 = vector.broadcast %mul3A_369 : vector<512x1xi32> to vector<512x8xi32>
    %add3A_371 = arith.addi %add3A_370, %concatenate3A_316 : vector<512x8xi32>
    %slice3A_372 = vector.extract_strided_slice %concatenate3A_190 {offsets = [0, 5], sizes = [512, 1], strides = [1, 1]} : vector<512x8xi32> to vector<512x1xi32>
    %mul3A_373 = arith.constant 256 : i32
    %mul3A_374 = vector.broadcast %mul3A_373 : i32 to vector<512x1xi32>
    %mul3A_375 = arith.muli %slice3A_372, %mul3A_374 : vector<512x1xi32>
    %add3A_376 = vector.broadcast %mul3A_375 : vector<512x1xi32> to vector<512x8xi32>
    %add3A_377 = arith.addi %add3A_376, %concatenate3A_316 : vector<512x8xi32>
    %slice3A_378 = vector.extract_strided_slice %concatenate3A_190 {offsets = [0, 6], sizes = [512, 1], strides = [1, 1]} : vector<512x8xi32> to vector<512x1xi32>
    %mul3A_379 = arith.constant 256 : i32
    %mul3A_380 = vector.broadcast %mul3A_379 : i32 to vector<512x1xi32>
    %mul3A_381 = arith.muli %slice3A_378, %mul3A_380 : vector<512x1xi32>
    %add3A_382 = vector.broadcast %mul3A_381 : vector<512x1xi32> to vector<512x8xi32>
    %add3A_383 = arith.addi %add3A_382, %concatenate3A_316 : vector<512x8xi32>
    %slice3A_384 = vector.extract_strided_slice %concatenate3A_190 {offsets = [0, 7], sizes = [512, 1], strides = [1, 1]} : vector<512x8xi32> to vector<512x1xi32>
    %mul3A_385 = arith.constant 256 : i32
    %mul3A_386 = vector.broadcast %mul3A_385 : i32 to vector<512x1xi32>
    %mul3A_387 = arith.muli %slice3A_384, %mul3A_386 : vector<512x1xi32>
    %add3A_388 = vector.broadcast %mul3A_387 : vector<512x1xi32> to vector<512x8xi32>
    %add3A_389 = arith.addi %add3A_388, %concatenate3A_316 : vector<512x8xi32>
    %concatenate3A_390 = tpu.concatenate %add3A_347, %add3A_353, %add3A_359, %add3A_365, %add3A_371, %add3A_377, %add3A_383, %add3A_389 in 1 : vector<512x8xi32>, vector<512x8xi32>, vector<512x8xi32>, vector<512x8xi32>, vector<512x8xi32>, vector<512x8xi32>, vector<512x8xi32>, vector<512x8xi32> -> vector<512x64xi32>
    %reduce_max3A_391 = arith.constant dense<0xFF800000> : vector<512xf32>
    %reduce_max3A_392 = vector.multi_reduction <maximumf>, %concatenate3A_341, %reduce_max3A_391 [1] : vector<512x64xf32> to vector<512xf32>
    %broadcast_in_dim3A_393 = vector.shape_cast %reduce_max3A_392 : vector<512xf32> to vector<512x1xf32>
    %eq3A_394 = vector.broadcast %broadcast_in_dim3A_393 : vector<512x1xf32> to vector<512x64xf32>
    %eq3A_395 = arith.cmpf oeq, %concatenate3A_341, %eq3A_394 : vector<512x64xf32>
    %jit3A_396 = arith.constant 65536 : i32
    %broadcast_in_dim3A_397 = vector.broadcast %jit3A_396 : i32 to vector<512x64xi32>
    %select_n3A_398 = arith.select %eq3A_395, %concatenate3A_390, %broadcast_in_dim3A_397 : vector<512x64xi1>, vector<512x64xi32>
    %reduce_min3A_399 = arith.constant dense<2147483647> : vector<512xi32>
    %reduce_min3A_400 = vector.multi_reduction <minsi>, %select_n3A_398, %reduce_min3A_399 [1] : vector<512x64xi32> to vector<512xi32>
    %broadcast_in_dim3A_401 = vector.shape_cast %reduce_min3A_400 : vector<512xi32> to vector<512x1xi32>
    %eq3A_402 = vector.broadcast %broadcast_in_dim3A_401 : vector<512x1xi32> to vector<512x64xi32>
    %eq3A_403 = arith.cmpi eq, %concatenate3A_390, %eq3A_402 : vector<512x64xi32>
    %and3A = arith.andi %eq3A_395, %eq3A_403 : vector<512x64xi1>
    %jit3A_404 = arith.constant 0xFF800000 : f32
    %broadcast_in_dim3A_405 = vector.broadcast %jit3A_404 : f32 to vector<512x64xf32>
    %select_n3A_406 = arith.select %and3A, %broadcast_in_dim3A_405, %concatenate3A_341 : vector<512x64xi1>, vector<512x64xf32>
    %reduce_max3A_407 = arith.constant dense<0xFF800000> : vector<512xf32>
    %reduce_max3A_408 = vector.multi_reduction <maximumf>, %select_n3A_406, %reduce_max3A_407 [1] : vector<512x64xf32> to vector<512xf32>
    %broadcast_in_dim3A_409 = vector.shape_cast %reduce_max3A_408 : vector<512xf32> to vector<512x1xf32>
    %eq3A_410 = vector.broadcast %broadcast_in_dim3A_409 : vector<512x1xf32> to vector<512x64xf32>
    %eq3A_411 = arith.cmpf oeq, %select_n3A_406, %eq3A_410 : vector<512x64xf32>
    %jit3A_412 = arith.constant 65536 : i32
    %broadcast_in_dim3A_413 = vector.broadcast %jit3A_412 : i32 to vector<512x64xi32>
    %select_n3A_414 = arith.select %eq3A_411, %concatenate3A_390, %broadcast_in_dim3A_413 : vector<512x64xi1>, vector<512x64xi32>
    %reduce_min3A_415 = arith.constant dense<2147483647> : vector<512xi32>
    %reduce_min3A_416 = vector.multi_reduction <minsi>, %select_n3A_414, %reduce_min3A_415 [1] : vector<512x64xi32> to vector<512xi32>
    %broadcast_in_dim3A_417 = vector.shape_cast %reduce_min3A_416 : vector<512xi32> to vector<512x1xi32>
    %eq3A_418 = vector.broadcast %broadcast_in_dim3A_417 : vector<512x1xi32> to vector<512x64xi32>
    %eq3A_419 = arith.cmpi eq, %concatenate3A_390, %eq3A_418 : vector<512x64xi32>
    %and3A_420 = arith.andi %eq3A_411, %eq3A_419 : vector<512x64xi1>
    %jit3A_421 = arith.constant 0xFF800000 : f32
    %broadcast_in_dim3A_422 = vector.broadcast %jit3A_421 : f32 to vector<512x64xf32>
    %select_n3A_423 = arith.select %and3A_420, %broadcast_in_dim3A_422, %select_n3A_406 : vector<512x64xi1>, vector<512x64xf32>
    %reduce_max3A_424 = arith.constant dense<0xFF800000> : vector<512xf32>
    %reduce_max3A_425 = vector.multi_reduction <maximumf>, %select_n3A_423, %reduce_max3A_424 [1] : vector<512x64xf32> to vector<512xf32>
    %broadcast_in_dim3A_426 = vector.shape_cast %reduce_max3A_425 : vector<512xf32> to vector<512x1xf32>
    %eq3A_427 = vector.broadcast %broadcast_in_dim3A_426 : vector<512x1xf32> to vector<512x64xf32>
    %eq3A_428 = arith.cmpf oeq, %select_n3A_423, %eq3A_427 : vector<512x64xf32>
    %jit3A_429 = arith.constant 65536 : i32
    %broadcast_in_dim3A_430 = vector.broadcast %jit3A_429 : i32 to vector<512x64xi32>
    %select_n3A_431 = arith.select %eq3A_428, %concatenate3A_390, %broadcast_in_dim3A_430 : vector<512x64xi1>, vector<512x64xi32>
    %reduce_min3A_432 = arith.constant dense<2147483647> : vector<512xi32>
    %reduce_min3A_433 = vector.multi_reduction <minsi>, %select_n3A_431, %reduce_min3A_432 [1] : vector<512x64xi32> to vector<512xi32>
    %broadcast_in_dim3A_434 = vector.shape_cast %reduce_min3A_433 : vector<512xi32> to vector<512x1xi32>
    %eq3A_435 = vector.broadcast %broadcast_in_dim3A_434 : vector<512x1xi32> to vector<512x64xi32>
    %eq3A_436 = arith.cmpi eq, %concatenate3A_390, %eq3A_435 : vector<512x64xi32>
    %and3A_437 = arith.andi %eq3A_428, %eq3A_436 : vector<512x64xi1>
    %jit3A_438 = arith.constant 0xFF800000 : f32
    %broadcast_in_dim3A_439 = vector.broadcast %jit3A_438 : f32 to vector<512x64xf32>
    %select_n3A_440 = arith.select %and3A_437, %broadcast_in_dim3A_439, %select_n3A_423 : vector<512x64xi1>, vector<512x64xf32>
    %reduce_max3A_441 = arith.constant dense<0xFF800000> : vector<512xf32>
    %reduce_max3A_442 = vector.multi_reduction <maximumf>, %select_n3A_440, %reduce_max3A_441 [1] : vector<512x64xf32> to vector<512xf32>
    %broadcast_in_dim3A_443 = vector.shape_cast %reduce_max3A_442 : vector<512xf32> to vector<512x1xf32>
    %eq3A_444 = vector.broadcast %broadcast_in_dim3A_443 : vector<512x1xf32> to vector<512x64xf32>
    %eq3A_445 = arith.cmpf oeq, %select_n3A_440, %eq3A_444 : vector<512x64xf32>
    %jit3A_446 = arith.constant 65536 : i32
    %broadcast_in_dim3A_447 = vector.broadcast %jit3A_446 : i32 to vector<512x64xi32>
    %select_n3A_448 = arith.select %eq3A_445, %concatenate3A_390, %broadcast_in_dim3A_447 : vector<512x64xi1>, vector<512x64xi32>
    %reduce_min3A_449 = arith.constant dense<2147483647> : vector<512xi32>
    %reduce_min3A_450 = vector.multi_reduction <minsi>, %select_n3A_448, %reduce_min3A_449 [1] : vector<512x64xi32> to vector<512xi32>
    %broadcast_in_dim3A_451 = vector.shape_cast %reduce_min3A_450 : vector<512xi32> to vector<512x1xi32>
    %eq3A_452 = vector.broadcast %broadcast_in_dim3A_451 : vector<512x1xi32> to vector<512x64xi32>
    %eq3A_453 = arith.cmpi eq, %concatenate3A_390, %eq3A_452 : vector<512x64xi32>
    %and3A_454 = arith.andi %eq3A_445, %eq3A_453 : vector<512x64xi1>
    %jit3A_455 = arith.constant 0xFF800000 : f32
    %broadcast_in_dim3A_456 = vector.broadcast %jit3A_455 : f32 to vector<512x64xf32>
    %select_n3A_457 = arith.select %and3A_454, %broadcast_in_dim3A_456, %select_n3A_440 : vector<512x64xi1>, vector<512x64xf32>
    %reduce_max3A_458 = arith.constant dense<0xFF800000> : vector<512xf32>
    %reduce_max3A_459 = vector.multi_reduction <maximumf>, %select_n3A_457, %reduce_max3A_458 [1] : vector<512x64xf32> to vector<512xf32>
    %broadcast_in_dim3A_460 = vector.shape_cast %reduce_max3A_459 : vector<512xf32> to vector<512x1xf32>
    %eq3A_461 = vector.broadcast %broadcast_in_dim3A_460 : vector<512x1xf32> to vector<512x64xf32>
    %eq3A_462 = arith.cmpf oeq, %select_n3A_457, %eq3A_461 : vector<512x64xf32>
    %jit3A_463 = arith.constant 65536 : i32
    %broadcast_in_dim3A_464 = vector.broadcast %jit3A_463 : i32 to vector<512x64xi32>
    %select_n3A_465 = arith.select %eq3A_462, %concatenate3A_390, %broadcast_in_dim3A_464 : vector<512x64xi1>, vector<512x64xi32>
    %reduce_min3A_466 = arith.constant dense<2147483647> : vector<512xi32>
    %reduce_min3A_467 = vector.multi_reduction <minsi>, %select_n3A_465, %reduce_min3A_466 [1] : vector<512x64xi32> to vector<512xi32>
    %broadcast_in_dim3A_468 = vector.shape_cast %reduce_min3A_467 : vector<512xi32> to vector<512x1xi32>
    %eq3A_469 = vector.broadcast %broadcast_in_dim3A_468 : vector<512x1xi32> to vector<512x64xi32>
    %eq3A_470 = arith.cmpi eq, %concatenate3A_390, %eq3A_469 : vector<512x64xi32>
    %and3A_471 = arith.andi %eq3A_462, %eq3A_470 : vector<512x64xi1>
    %jit3A_472 = arith.constant 0xFF800000 : f32
    %broadcast_in_dim3A_473 = vector.broadcast %jit3A_472 : f32 to vector<512x64xf32>
    %select_n3A_474 = arith.select %and3A_471, %broadcast_in_dim3A_473, %select_n3A_457 : vector<512x64xi1>, vector<512x64xf32>
    %reduce_max3A_475 = arith.constant dense<0xFF800000> : vector<512xf32>
    %reduce_max3A_476 = vector.multi_reduction <maximumf>, %select_n3A_474, %reduce_max3A_475 [1] : vector<512x64xf32> to vector<512xf32>
    %broadcast_in_dim3A_477 = vector.shape_cast %reduce_max3A_476 : vector<512xf32> to vector<512x1xf32>
    %eq3A_478 = vector.broadcast %broadcast_in_dim3A_477 : vector<512x1xf32> to vector<512x64xf32>
    %eq3A_479 = arith.cmpf oeq, %select_n3A_474, %eq3A_478 : vector<512x64xf32>
    %jit3A_480 = arith.constant 65536 : i32
    %broadcast_in_dim3A_481 = vector.broadcast %jit3A_480 : i32 to vector<512x64xi32>
    %select_n3A_482 = arith.select %eq3A_479, %concatenate3A_390, %broadcast_in_dim3A_481 : vector<512x64xi1>, vector<512x64xi32>
    %reduce_min3A_483 = arith.constant dense<2147483647> : vector<512xi32>
    %reduce_min3A_484 = vector.multi_reduction <minsi>, %select_n3A_482, %reduce_min3A_483 [1] : vector<512x64xi32> to vector<512xi32>
    %broadcast_in_dim3A_485 = vector.shape_cast %reduce_min3A_484 : vector<512xi32> to vector<512x1xi32>
    %eq3A_486 = vector.broadcast %broadcast_in_dim3A_485 : vector<512x1xi32> to vector<512x64xi32>
    %eq3A_487 = arith.cmpi eq, %concatenate3A_390, %eq3A_486 : vector<512x64xi32>
    %and3A_488 = arith.andi %eq3A_479, %eq3A_487 : vector<512x64xi1>
    %jit3A_489 = arith.constant 0xFF800000 : f32
    %broadcast_in_dim3A_490 = vector.broadcast %jit3A_489 : f32 to vector<512x64xf32>
    %select_n3A_491 = arith.select %and3A_488, %broadcast_in_dim3A_490, %select_n3A_474 : vector<512x64xi1>, vector<512x64xf32>
    %reduce_max3A_492 = arith.constant dense<0xFF800000> : vector<512xf32>
    %reduce_max3A_493 = vector.multi_reduction <maximumf>, %select_n3A_491, %reduce_max3A_492 [1] : vector<512x64xf32> to vector<512xf32>
    %broadcast_in_dim3A_494 = vector.shape_cast %reduce_max3A_493 : vector<512xf32> to vector<512x1xf32>
    %eq3A_495 = vector.broadcast %broadcast_in_dim3A_494 : vector<512x1xf32> to vector<512x64xf32>
    %eq3A_496 = arith.cmpf oeq, %select_n3A_491, %eq3A_495 : vector<512x64xf32>
    %jit3A_497 = arith.constant 65536 : i32
    %broadcast_in_dim3A_498 = vector.broadcast %jit3A_497 : i32 to vector<512x64xi32>
    %select_n3A_499 = arith.select %eq3A_496, %concatenate3A_390, %broadcast_in_dim3A_498 : vector<512x64xi1>, vector<512x64xi32>
    %reduce_min3A_500 = arith.constant dense<2147483647> : vector<512xi32>
    %reduce_min3A_501 = vector.multi_reduction <minsi>, %select_n3A_499, %reduce_min3A_500 [1] : vector<512x64xi32> to vector<512xi32>
    %broadcast_in_dim3A_502 = vector.shape_cast %reduce_min3A_501 : vector<512xi32> to vector<512x1xi32>
    %eq3A_503 = vector.broadcast %broadcast_in_dim3A_502 : vector<512x1xi32> to vector<512x64xi32>
    %eq3A_504 = arith.cmpi eq, %concatenate3A_390, %eq3A_503 : vector<512x64xi32>
    %and3A_505 = arith.andi %eq3A_496, %eq3A_504 : vector<512x64xi1>
    %jit3A_506 = arith.constant 0xFF800000 : f32
    %broadcast_in_dim3A_507 = vector.broadcast %jit3A_506 : f32 to vector<512x64xf32>
    %select_n3A_508 = arith.select %and3A_505, %broadcast_in_dim3A_507, %select_n3A_491 : vector<512x64xi1>, vector<512x64xf32>
    %reduce_max3A_509 = arith.constant dense<0xFF800000> : vector<512xf32>
    %reduce_max3A_510 = vector.multi_reduction <maximumf>, %select_n3A_508, %reduce_max3A_509 [1] : vector<512x64xf32> to vector<512xf32>
    %broadcast_in_dim3A_511 = vector.shape_cast %reduce_max3A_510 : vector<512xf32> to vector<512x1xf32>
    %eq3A_512 = vector.broadcast %broadcast_in_dim3A_511 : vector<512x1xf32> to vector<512x64xf32>
    %eq3A_513 = arith.cmpf oeq, %select_n3A_508, %eq3A_512 : vector<512x64xf32>
    %jit3A_514 = arith.constant 65536 : i32
    %broadcast_in_dim3A_515 = vector.broadcast %jit3A_514 : i32 to vector<512x64xi32>
    %select_n3A_516 = arith.select %eq3A_513, %concatenate3A_390, %broadcast_in_dim3A_515 : vector<512x64xi1>, vector<512x64xi32>
    %reduce_min3A_517 = arith.constant dense<2147483647> : vector<512xi32>
    %reduce_min3A_518 = vector.multi_reduction <minsi>, %select_n3A_516, %reduce_min3A_517 [1] : vector<512x64xi32> to vector<512xi32>
    %broadcast_in_dim3A_519 = vector.shape_cast %reduce_min3A_518 : vector<512xi32> to vector<512x1xi32>
    %concatenate3A_520 = tpu.concatenate %broadcast_in_dim3A_393, %broadcast_in_dim3A_409, %broadcast_in_dim3A_426, %broadcast_in_dim3A_443, %broadcast_in_dim3A_460, %broadcast_in_dim3A_477, %broadcast_in_dim3A_494, %broadcast_in_dim3A_511 in 1 : vector<512x1xf32>, vector<512x1xf32>, vector<512x1xf32>, vector<512x1xf32>, vector<512x1xf32>, vector<512x1xf32>, vector<512x1xf32>, vector<512x1xf32> -> vector<512x8xf32>
    %swap3A_521 = arith.constant 0 : index
    %swap3A_522 = arith.constant 0 : index
    %swap3A_523 = vector.load %arg11[%swap3A_521, %swap3A_522] : memref<512x8xf32, #tpu.memory_space<vmem>>, vector<512x8xf32>
    tpu.vector_store %arg11[%swap3A_521, %swap3A_522], %concatenate3A_520 {strides = array<i32>} : memref<512x8xf32, #tpu.memory_space<vmem>>, vector<512x8xf32>,
    %concatenate3A_524 = tpu.concatenate %broadcast_in_dim3A_401, %broadcast_in_dim3A_417, %broadcast_in_dim3A_434, %broadcast_in_dim3A_451, %broadcast_in_dim3A_468, %broadcast_in_dim3A_485, %broadcast_in_dim3A_502, %broadcast_in_dim3A_519 in 1 : vector<512x1xi32>, vector<512x1xi32>, vector<512x1xi32>, vector<512x1xi32>, vector<512x1xi32>, vector<512x1xi32>, vector<512x1xi32>, vector<512x1xi32> -> vector<512x8xi32>
    %swap3A_525 = arith.constant 0 : index
    %swap3A_526 = arith.constant 0 : index
    %swap3A_527 = vector.load %arg10[%swap3A_525, %swap3A_526] : memref<512x8xi32, #tpu.memory_space<vmem>>, vector<512x8xi32>
    tpu.vector_store %arg10[%swap3A_525, %swap3A_526], %concatenate3A_524 {strides = array<i32>} : memref<512x8xi32, #tpu.memory_space<vmem>>, vector<512x8xi32>,
    return
  }
}

module attributes {stable_mosaic.version = 14 : i64} {
  func.func @_grid_kernel(%arg0: i32, %arg1: memref<32x256xf32, #tpu.memory_space<vmem>>, %arg2: memref<32x256xf32, #tpu.memory_space<vmem>>, %arg3: memref<1x32x65536xf32, #tpu.memory_space<vmem>>) attributes {dimension_semantics = [#tpu.dimension_semantics<arbitrary>], iteration_bounds = array<i64: 16>, scalar_prefetch = 0 : i64, scratch_operands = 0 : i64, tpu.core_type = #tpu.core_type<tc>, window_params = [{transform_indices = @transform_0, window_bounds = array<i64: 32, 256>}, {transform_indices = @transform_1, window_bounds = array<i64: 32, 256>}, {transform_indices = @transform_2, window_bounds = array<i64: 1, 32, 65536>}]} {
    %get3A = arith.constant 0 : index
    %get3A_0 = arith.constant 0 : index
    %get3A_1 = vector.load %arg2[%get3A, %get3A_0] : memref<32x256xf32, #tpu.memory_space<vmem>>, vector<32x256xf32>
    %get3A_2 = arith.constant 0 : index
    %get3A_3 = arith.constant 0 : index
    %get3A_4 = vector.load %arg1[%get3A_2, %get3A_3] : memref<32x256xf32, #tpu.memory_space<vmem>>, vector<32x1xf32>
    %add3A = vector.broadcast %get3A_4 : vector<32x1xf32> to vector<32x256xf32>
    %add3A_5 = arith.addf %add3A, %get3A_1 : vector<32x256xf32>
    %swap3A = arith.constant 0 : index
    %swap3A_6 = arith.constant 0 : index
    %swap3A_7 = arith.constant 0 : index
    %swap3A_8 = vector.load %arg3[%swap3A, %swap3A_6, %swap3A_7] : memref<1x32x65536xf32, #tpu.memory_space<vmem>>, vector<1x32x256xf32>
    %swap3A_9 = vector.shape_cast %swap3A_8 : vector<1x32x256xf32> to vector<32x256xf32>
    %swap3A_10 = vector.shape_cast %add3A_5 : vector<32x256xf32> to vector<1x32x256xf32>
    tpu.vector_store %arg3[%swap3A, %swap3A_6, %swap3A_7], %swap3A_10 {strides = array<i32>} : memref<1x32x65536xf32, #tpu.memory_space<vmem>>, vector<1x32x256xf32>,
    %get3A_11 = arith.constant 0 : index
    %get3A_12 = arith.constant 1 : index
    %get3A_13 = vector.load %arg1[%get3A_11, %get3A_12] : memref<32x256xf32, #tpu.memory_space<vmem>>, vector<32x1xf32>
    %add3A_14 = vector.broadcast %get3A_13 : vector<32x1xf32> to vector<32x256xf32>
    %add3A_15 = arith.addf %add3A_14, %get3A_1 : vector<32x256xf32>
    %swap3A_16 = arith.constant 0 : index
    %swap3A_17 = arith.constant 0 : index
    %swap3A_18 = arith.constant 256 : index
    %swap3A_19 = vector.load %arg3[%swap3A_16, %swap3A_17, %swap3A_18] : memref<1x32x65536xf32, #tpu.memory_space<vmem>>, vector<1x32x256xf32>
    %swap3A_20 = vector.shape_cast %swap3A_19 : vector<1x32x256xf32> to vector<32x256xf32>
    %swap3A_21 = vector.shape_cast %add3A_15 : vector<32x256xf32> to vector<1x32x256xf32>
    tpu.vector_store %arg3[%swap3A_16, %swap3A_17, %swap3A_18], %swap3A_21 {strides = array<i32>} : memref<1x32x65536xf32, #tpu.memory_space<vmem>>, vector<1x32x256xf32>,
    %get3A_22 = arith.constant 0 : index
    %get3A_23 = arith.constant 2 : index
    %get3A_24 = vector.load %arg1[%get3A_22, %get3A_23] : memref<32x256xf32, #tpu.memory_space<vmem>>, vector<32x1xf32>
    %add3A_25 = vector.broadcast %get3A_24 : vector<32x1xf32> to vector<32x256xf32>
    %add3A_26 = arith.addf %add3A_25, %get3A_1 : vector<32x256xf32>
    %swap3A_27 = arith.constant 0 : index
    %swap3A_28 = arith.constant 0 : index
    %swap3A_29 = arith.constant 512 : index
    %swap3A_30 = vector.load %arg3[%swap3A_27, %swap3A_28, %swap3A_29] : memref<1x32x65536xf32, #tpu.memory_space<vmem>>, vector<1x32x256xf32>
    %swap3A_31 = vector.shape_cast %swap3A_30 : vector<1x32x256xf32> to vector<32x256xf32>
    %swap3A_32 = vector.shape_cast %add3A_26 : vector<32x256xf32> to vector<1x32x256xf32>
    tpu.vector_store %arg3[%swap3A_27, %swap3A_28, %swap3A_29], %swap3A_32 {strides = array<i32>} : memref<1x32x65536xf32, #tpu.memory_space<vmem>>, vector<1x32x256xf32>,
    %get3A_33 = arith.constant 0 : index
    %get3A_34 = arith.constant 3 : index
    %get3A_35 = vector.load %arg1[%get3A_33, %get3A_34] : memref<32x256xf32, #tpu.memory_space<vmem>>, vector<32x1xf32>
    %add3A_36 = vector.broadcast %get3A_35 : vector<32x1xf32> to vector<32x256xf32>
    %add3A_37 = arith.addf %add3A_36, %get3A_1 : vector<32x256xf32>
    %swap3A_38 = arith.constant 0 : index
    %swap3A_39 = arith.constant 0 : index
    %swap3A_40 = arith.constant 768 : index
    %swap3A_41 = vector.load %arg3[%swap3A_38, %swap3A_39, %swap3A_40] : memref<1x32x65536xf32, #tpu.memory_space<vmem>>, vector<1x32x256xf32>
    %swap3A_42 = vector.shape_cast %swap3A_41 : vector<1x32x256xf32> to vector<32x256xf32>
    %swap3A_43 = vector.shape_cast %add3A_37 : vector<32x256xf32> to vector<1x32x256xf32>
    tpu.vector_store %arg3[%swap3A_38, %swap3A_39, %swap3A_40], %swap3A_43 {strides = array<i32>} : memref<1x32x65536xf32, #tpu.memory_space<vmem>>, vector<1x32x256xf32>,
    %get3A_44 = arith.constant 0 : index
    %get3A_45 = arith.constant 4 : index
    %get3A_46 = vector.load %arg1[%get3A_44, %get3A_45] : memref<32x256xf32, #tpu.memory_space<vmem>>, vector<32x1xf32>
    %add3A_47 = vector.broadcast %get3A_46 : vector<32x1xf32> to vector<32x256xf32>
    %add3A_48 = arith.addf %add3A_47, %get3A_1 : vector<32x256xf32>
    %swap3A_49 = arith.constant 0 : index
    %swap3A_50 = arith.constant 0 : index
    %swap3A_51 = arith.constant 1024 : index
    %swap3A_52 = vector.load %arg3[%swap3A_49, %swap3A_50, %swap3A_51] : memref<1x32x65536xf32, #tpu.memory_space<vmem>>, vector<1x32x256xf32>
    %swap3A_53 = vector.shape_cast %swap3A_52 : vector<1x32x256xf32> to vector<32x256xf32>
    %swap3A_54 = vector.shape_cast %add3A_48 : vector<32x256xf32> to vector<1x32x256xf32>
    tpu.vector_store %arg3[%swap3A_49, %swap3A_50, %swap3A_51], %swap3A_54 {strides = array<i32>} : memref<1x32x65536xf32, #tpu.memory_space<vmem>>, vector<1x32x256xf32>,
    %get3A_55 = arith.constant 0 : index
    %get3A_56 = arith.constant 5 : index
    %get3A_57 = vector.load %arg1[%get3A_55, %get3A_56] : memref<32x256xf32, #tpu.memory_space<vmem>>, vector<32x1xf32>
    %add3A_58 = vector.broadcast %get3A_57 : vector<32x1xf32> to vector<32x256xf32>
    %add3A_59 = arith.addf %add3A_58, %get3A_1 : vector<32x256xf32>
    %swap3A_60 = arith.constant 0 : index
    %swap3A_61 = arith.constant 0 : index
    %swap3A_62 = arith.constant 1280 : index
    %swap3A_63 = vector.load %arg3[%swap3A_60, %swap3A_61, %swap3A_62] : memref<1x32x65536xf32, #tpu.memory_space<vmem>>, vector<1x32x256xf32>
    %swap3A_64 = vector.shape_cast %swap3A_63 : vector<1x32x256xf32> to vector<32x256xf32>
    %swap3A_65 = vector.shape_cast %add3A_59 : vector<32x256xf32> to vector<1x32x256xf32>
    tpu.vector_store %arg3[%swap3A_60, %swap3A_61, %swap3A_62], %swap3A_65 {strides = array<i32>} : memref<1x32x65536xf32, #tpu.memory_space<vmem>>, vector<1x32x256xf32>,
    %get3A_66 = arith.constant 0 : index
    %get3A_67 = arith.constant 6 : index
    %get3A_68 = vector.load %arg1[%get3A_66, %get3A_67] : memref<32x256xf32, #tpu.memory_space<vmem>>, vector<32x1xf32>
    %add3A_69 = vector.broadcast %get3A_68 : vector<32x1xf32> to vector<32x256xf32>
    %add3A_70 = arith.addf %add3A_69, %get3A_1 : vector<32x256xf32>
    %swap3A_71 = arith.constant 0 : index
    %swap3A_72 = arith.constant 0 : index
    %swap3A_73 = arith.constant 1536 : index
    %swap3A_74 = vector.load %arg3[%swap3A_71, %swap3A_72, %swap3A_73] : memref<1x32x65536xf32, #tpu.memory_space<vmem>>, vector<1x32x256xf32>
    %swap3A_75 = vector.shape_cast %swap3A_74 : vector<1x32x256xf32> to vector<32x256xf32>
    %swap3A_76 = vector.shape_cast %add3A_70 : vector<32x256xf32> to vector<1x32x256xf32>
    tpu.vector_store %arg3[%swap3A_71, %swap3A_72, %swap3A_73], %swap3A_76 {strides = array<i32>} : memref<1x32x65536xf32, #tpu.memory_space<vmem>>, vector<1x32x256xf32>,
    %get3A_77 = arith.constant 0 : index
    %get3A_78 = arith.constant 7 : index
    %get3A_79 = vector.load %arg1[%get3A_77, %get3A_78] : memref<32x256xf32, #tpu.memory_space<vmem>>, vector<32x1xf32>
    %add3A_80 = vector.broadcast %get3A_79 : vector<32x1xf32> to vector<32x256xf32>
    %add3A_81 = arith.addf %add3A_80, %get3A_1 : vector<32x256xf32>
    %swap3A_82 = arith.constant 0 : index
    %swap3A_83 = arith.constant 0 : index
    %swap3A_84 = arith.constant 1792 : index
    %swap3A_85 = vector.load %arg3[%swap3A_82, %swap3A_83, %swap3A_84] : memref<1x32x65536xf32, #tpu.memory_space<vmem>>, vector<1x32x256xf32>
    %swap3A_86 = vector.shape_cast %swap3A_85 : vector<1x32x256xf32> to vector<32x256xf32>
    %swap3A_87 = vector.shape_cast %add3A_81 : vector<32x256xf32> to vector<1x32x256xf32>
    tpu.vector_store %arg3[%swap3A_82, %swap3A_83, %swap3A_84], %swap3A_87 {strides = array<i32>} : memref<1x32x65536xf32, #tpu.memory_space<vmem>>, vector<1x32x256xf32>,
    %get3A_88 = arith.constant 0 : index
    %get3A_89 = arith.constant 8 : index
    %get3A_90 = vector.load %arg1[%get3A_88, %get3A_89] : memref<32x256xf32, #tpu.memory_space<vmem>>, vector<32x1xf32>
    %add3A_91 = vector.broadcast %get3A_90 : vector<32x1xf32> to vector<32x256xf32>
    %add3A_92 = arith.addf %add3A_91, %get3A_1 : vector<32x256xf32>
    %swap3A_93 = arith.constant 0 : index
    %swap3A_94 = arith.constant 0 : index
    %swap3A_95 = arith.constant 2048 : index
    %swap3A_96 = vector.load %arg3[%swap3A_93, %swap3A_94, %swap3A_95] : memref<1x32x65536xf32, #tpu.memory_space<vmem>>, vector<1x32x256xf32>
    %swap3A_97 = vector.shape_cast %swap3A_96 : vector<1x32x256xf32> to vector<32x256xf32>
    %swap3A_98 = vector.shape_cast %add3A_92 : vector<32x256xf32> to vector<1x32x256xf32>
    tpu.vector_store %arg3[%swap3A_93, %swap3A_94, %swap3A_95], %swap3A_98 {strides = array<i32>} : memref<1x32x65536xf32, #tpu.memory_space<vmem>>, vector<1x32x256xf32>,
    %get3A_99 = arith.constant 0 : index
    %get3A_100 = arith.constant 9 : index
    %get3A_101 = vector.load %arg1[%get3A_99, %get3A_100] : memref<32x256xf32, #tpu.memory_space<vmem>>, vector<32x1xf32>
    %add3A_102 = vector.broadcast %get3A_101 : vector<32x1xf32> to vector<32x256xf32>
    %add3A_103 = arith.addf %add3A_102, %get3A_1 : vector<32x256xf32>
    %swap3A_104 = arith.constant 0 : index
    %swap3A_105 = arith.constant 0 : index
    %swap3A_106 = arith.constant 2304 : index
    %swap3A_107 = vector.load %arg3[%swap3A_104, %swap3A_105, %swap3A_106] : memref<1x32x65536xf32, #tpu.memory_space<vmem>>, vector<1x32x256xf32>
    %swap3A_108 = vector.shape_cast %swap3A_107 : vector<1x32x256xf32> to vector<32x256xf32>
    %swap3A_109 = vector.shape_cast %add3A_103 : vector<32x256xf32> to vector<1x32x256xf32>
    tpu.vector_store %arg3[%swap3A_104, %swap3A_105, %swap3A_106], %swap3A_109 {strides = array<i32>} : memref<1x32x65536xf32, #tpu.memory_space<vmem>>, vector<1x32x256xf32>,
    %get3A_110 = arith.constant 0 : index
    %get3A_111 = arith.constant 10 : index
    %get3A_112 = vector.load %arg1[%get3A_110, %get3A_111] : memref<32x256xf32, #tpu.memory_space<vmem>>, vector<32x1xf32>
    %add3A_113 = vector.broadcast %get3A_112 : vector<32x1xf32> to vector<32x256xf32>
    %add3A_114 = arith.addf %add3A_113, %get3A_1 : vector<32x256xf32>
    %swap3A_115 = arith.constant 0 : index
    %swap3A_116 = arith.constant 0 : index
    %swap3A_117 = arith.constant 2560 : index
    %swap3A_118 = vector.load %arg3[%swap3A_115, %swap3A_116, %swap3A_117] : memref<1x32x65536xf32, #tpu.memory_space<vmem>>, vector<1x32x256xf32>
    %swap3A_119 = vector.shape_cast %swap3A_118 : vector<1x32x256xf32> to vector<32x256xf32>
    %swap3A_120 = vector.shape_cast %add3A_114 : vector<32x256xf32> to vector<1x32x256xf32>
    tpu.vector_store %arg3[%swap3A_115, %swap3A_116, %swap3A_117], %swap3A_120 {strides = array<i32>} : memref<1x32x65536xf32, #tpu.memory_space<vmem>>, vector<1x32x256xf32>,
    %get3A_121 = arith.constant 0 : index
    %get3A_122 = arith.constant 11 : index
    %get3A_123 = vector.load %arg1[%get3A_121, %get3A_122] : memref<32x256xf32, #tpu.memory_space<vmem>>, vector<32x1xf32>
    %add3A_124 = vector.broadcast %get3A_123 : vector<32x1xf32> to vector<32x256xf32>
    %add3A_125 = arith.addf %add3A_124, %get3A_1 : vector<32x256xf32>
    %swap3A_126 = arith.constant 0 : index
    %swap3A_127 = arith.constant 0 : index
    %swap3A_128 = arith.constant 2816 : index
    %swap3A_129 = vector.load %arg3[%swap3A_126, %swap3A_127, %swap3A_128] : memref<1x32x65536xf32, #tpu.memory_space<vmem>>, vector<1x32x256xf32>
    %swap3A_130 = vector.shape_cast %swap3A_129 : vector<1x32x256xf32> to vector<32x256xf32>
    %swap3A_131 = vector.shape_cast %add3A_125 : vector<32x256xf32> to vector<1x32x256xf32>
    tpu.vector_store %arg3[%swap3A_126, %swap3A_127, %swap3A_128], %swap3A_131 {strides = array<i32>} : memref<1x32x65536xf32, #tpu.memory_space<vmem>>, vector<1x32x256xf32>,
    %get3A_132 = arith.constant 0 : index
    %get3A_133 = arith.constant 12 : index
    %get3A_134 = vector.load %arg1[%get3A_132, %get3A_133] : memref<32x256xf32, #tpu.memory_space<vmem>>, vector<32x1xf32>
    %add3A_135 = vector.broadcast %get3A_134 : vector<32x1xf32> to vector<32x256xf32>
    %add3A_136 = arith.addf %add3A_135, %get3A_1 : vector<32x256xf32>
    %swap3A_137 = arith.constant 0 : index
    %swap3A_138 = arith.constant 0 : index
    %swap3A_139 = arith.constant 3072 : index
    %swap3A_140 = vector.load %arg3[%swap3A_137, %swap3A_138, %swap3A_139] : memref<1x32x65536xf32, #tpu.memory_space<vmem>>, vector<1x32x256xf32>
    %swap3A_141 = vector.shape_cast %swap3A_140 : vector<1x32x256xf32> to vector<32x256xf32>
    %swap3A_142 = vector.shape_cast %add3A_136 : vector<32x256xf32> to vector<1x32x256xf32>
    tpu.vector_store %arg3[%swap3A_137, %swap3A_138, %swap3A_139], %swap3A_142 {strides = array<i32>} : memref<1x32x65536xf32, #tpu.memory_space<vmem>>, vector<1x32x256xf32>,
    %get3A_143 = arith.constant 0 : index
    %get3A_144 = arith.constant 13 : index
    %get3A_145 = vector.load %arg1[%get3A_143, %get3A_144] : memref<32x256xf32, #tpu.memory_space<vmem>>, vector<32x1xf32>
    %add3A_146 = vector.broadcast %get3A_145 : vector<32x1xf32> to vector<32x256xf32>
    %add3A_147 = arith.addf %add3A_146, %get3A_1 : vector<32x256xf32>
    %swap3A_148 = arith.constant 0 : index
    %swap3A_149 = arith.constant 0 : index
    %swap3A_150 = arith.constant 3328 : index
    %swap3A_151 = vector.load %arg3[%swap3A_148, %swap3A_149, %swap3A_150] : memref<1x32x65536xf32, #tpu.memory_space<vmem>>, vector<1x32x256xf32>
    %swap3A_152 = vector.shape_cast %swap3A_151 : vector<1x32x256xf32> to vector<32x256xf32>
    %swap3A_153 = vector.shape_cast %add3A_147 : vector<32x256xf32> to vector<1x32x256xf32>
    tpu.vector_store %arg3[%swap3A_148, %swap3A_149, %swap3A_150], %swap3A_153 {strides = array<i32>} : memref<1x32x65536xf32, #tpu.memory_space<vmem>>, vector<1x32x256xf32>,
    %get3A_154 = arith.constant 0 : index
    %get3A_155 = arith.constant 14 : index
    %get3A_156 = vector.load %arg1[%get3A_154, %get3A_155] : memref<32x256xf32, #tpu.memory_space<vmem>>, vector<32x1xf32>
    %add3A_157 = vector.broadcast %get3A_156 : vector<32x1xf32> to vector<32x256xf32>
    %add3A_158 = arith.addf %add3A_157, %get3A_1 : vector<32x256xf32>
    %swap3A_159 = arith.constant 0 : index
    %swap3A_160 = arith.constant 0 : index
    %swap3A_161 = arith.constant 3584 : index
    %swap3A_162 = vector.load %arg3[%swap3A_159, %swap3A_160, %swap3A_161] : memref<1x32x65536xf32, #tpu.memory_space<vmem>>, vector<1x32x256xf32>
    %swap3A_163 = vector.shape_cast %swap3A_162 : vector<1x32x256xf32> to vector<32x256xf32>
    %swap3A_164 = vector.shape_cast %add3A_158 : vector<32x256xf32> to vector<1x32x256xf32>
    tpu.vector_store %arg3[%swap3A_159, %swap3A_160, %swap3A_161], %swap3A_164 {strides = array<i32>} : memref<1x32x65536xf32, #tpu.memory_space<vmem>>, vector<1x32x256xf32>,
    %get3A_165 = arith.constant 0 : index
    %get3A_166 = arith.constant 15 : index
    %get3A_167 = vector.load %arg1[%get3A_165, %get3A_166] : memref<32x256xf32, #tpu.memory_space<vmem>>, vector<32x1xf32>
    %add3A_168 = vector.broadcast %get3A_167 : vector<32x1xf32> to vector<32x256xf32>
    %add3A_169 = arith.addf %add3A_168, %get3A_1 : vector<32x256xf32>
    %swap3A_170 = arith.constant 0 : index
    %swap3A_171 = arith.constant 0 : index
    %swap3A_172 = arith.constant 3840 : index
    %swap3A_173 = vector.load %arg3[%swap3A_170, %swap3A_171, %swap3A_172] : memref<1x32x65536xf32, #tpu.memory_space<vmem>>, vector<1x32x256xf32>
    %swap3A_174 = vector.shape_cast %swap3A_173 : vector<1x32x256xf32> to vector<32x256xf32>
    %swap3A_175 = vector.shape_cast %add3A_169 : vector<32x256xf32> to vector<1x32x256xf32>
    tpu.vector_store %arg3[%swap3A_170, %swap3A_171, %swap3A_172], %swap3A_175 {strides = array<i32>} : memref<1x32x65536xf32, #tpu.memory_space<vmem>>, vector<1x32x256xf32>,
    %get3A_176 = arith.constant 0 : index
    %get3A_177 = arith.constant 16 : index
    %get3A_178 = vector.load %arg1[%get3A_176, %get3A_177] : memref<32x256xf32, #tpu.memory_space<vmem>>, vector<32x1xf32>
    %add3A_179 = vector.broadcast %get3A_178 : vector<32x1xf32> to vector<32x256xf32>
    %add3A_180 = arith.addf %add3A_179, %get3A_1 : vector<32x256xf32>
    %swap3A_181 = arith.constant 0 : index
    %swap3A_182 = arith.constant 0 : index
    %swap3A_183 = arith.constant 4096 : index
    %swap3A_184 = vector.load %arg3[%swap3A_181, %swap3A_182, %swap3A_183] : memref<1x32x65536xf32, #tpu.memory_space<vmem>>, vector<1x32x256xf32>
    %swap3A_185 = vector.shape_cast %swap3A_184 : vector<1x32x256xf32> to vector<32x256xf32>
    %swap3A_186 = vector.shape_cast %add3A_180 : vector<32x256xf32> to vector<1x32x256xf32>
    tpu.vector_store %arg3[%swap3A_181, %swap3A_182, %swap3A_183], %swap3A_186 {strides = array<i32>} : memref<1x32x65536xf32, #tpu.memory_space<vmem>>, vector<1x32x256xf32>,
    %get3A_187 = arith.constant 0 : index
    %get3A_188 = arith.constant 17 : index
    %get3A_189 = vector.load %arg1[%get3A_187, %get3A_188] : memref<32x256xf32, #tpu.memory_space<vmem>>, vector<32x1xf32>
    %add3A_190 = vector.broadcast %get3A_189 : vector<32x1xf32> to vector<32x256xf32>
    %add3A_191 = arith.addf %add3A_190, %get3A_1 : vector<32x256xf32>
    %swap3A_192 = arith.constant 0 : index
    %swap3A_193 = arith.constant 0 : index
    %swap3A_194 = arith.constant 4352 : index
    %swap3A_195 = vector.load %arg3[%swap3A_192, %swap3A_193, %swap3A_194] : memref<1x32x65536xf32, #tpu.memory_space<vmem>>, vector<1x32x256xf32>
    %swap3A_196 = vector.shape_cast %swap3A_195 : vector<1x32x256xf32> to vector<32x256xf32>
    %swap3A_197 = vector.shape_cast %add3A_191 : vector<32x256xf32> to vector<1x32x256xf32>
    tpu.vector_store %arg3[%swap3A_192, %swap3A_193, %swap3A_194], %swap3A_197 {strides = array<i32>} : memref<1x32x65536xf32, #tpu.memory_space<vmem>>, vector<1x32x256xf32>,
    %get3A_198 = arith.constant 0 : index
    %get3A_199 = arith.constant 18 : index
    %get3A_200 = vector.load %arg1[%get3A_198, %get3A_199] : memref<32x256xf32, #tpu.memory_space<vmem>>, vector<32x1xf32>
    %add3A_201 = vector.broadcast %get3A_200 : vector<32x1xf32> to vector<32x256xf32>
    %add3A_202 = arith.addf %add3A_201, %get3A_1 : vector<32x256xf32>
    %swap3A_203 = arith.constant 0 : index
    %swap3A_204 = arith.constant 0 : index
    %swap3A_205 = arith.constant 4608 : index
    %swap3A_206 = vector.load %arg3[%swap3A_203, %swap3A_204, %swap3A_205] : memref<1x32x65536xf32, #tpu.memory_space<vmem>>, vector<1x32x256xf32>
    %swap3A_207 = vector.shape_cast %swap3A_206 : vector<1x32x256xf32> to vector<32x256xf32>
    %swap3A_208 = vector.shape_cast %add3A_202 : vector<32x256xf32> to vector<1x32x256xf32>
    tpu.vector_store %arg3[%swap3A_203, %swap3A_204, %swap3A_205], %swap3A_208 {strides = array<i32>} : memref<1x32x65536xf32, #tpu.memory_space<vmem>>, vector<1x32x256xf32>,
    %get3A_209 = arith.constant 0 : index
    %get3A_210 = arith.constant 19 : index
    %get3A_211 = vector.load %arg1[%get3A_209, %get3A_210] : memref<32x256xf32, #tpu.memory_space<vmem>>, vector<32x1xf32>
    %add3A_212 = vector.broadcast %get3A_211 : vector<32x1xf32> to vector<32x256xf32>
    %add3A_213 = arith.addf %add3A_212, %get3A_1 : vector<32x256xf32>
    %swap3A_214 = arith.constant 0 : index
    %swap3A_215 = arith.constant 0 : index
    %swap3A_216 = arith.constant 4864 : index
    %swap3A_217 = vector.load %arg3[%swap3A_214, %swap3A_215, %swap3A_216] : memref<1x32x65536xf32, #tpu.memory_space<vmem>>, vector<1x32x256xf32>
    %swap3A_218 = vector.shape_cast %swap3A_217 : vector<1x32x256xf32> to vector<32x256xf32>
    %swap3A_219 = vector.shape_cast %add3A_213 : vector<32x256xf32> to vector<1x32x256xf32>
    tpu.vector_store %arg3[%swap3A_214, %swap3A_215, %swap3A_216], %swap3A_219 {strides = array<i32>} : memref<1x32x65536xf32, #tpu.memory_space<vmem>>, vector<1x32x256xf32>,
    %get3A_220 = arith.constant 0 : index
    %get3A_221 = arith.constant 20 : index
    %get3A_222 = vector.load %arg1[%get3A_220, %get3A_221] : memref<32x256xf32, #tpu.memory_space<vmem>>, vector<32x1xf32>
    %add3A_223 = vector.broadcast %get3A_222 : vector<32x1xf32> to vector<32x256xf32>
    %add3A_224 = arith.addf %add3A_223, %get3A_1 : vector<32x256xf32>
    %swap3A_225 = arith.constant 0 : index
    %swap3A_226 = arith.constant 0 : index
    %swap3A_227 = arith.constant 5120 : index
    %swap3A_228 = vector.load %arg3[%swap3A_225, %swap3A_226, %swap3A_227] : memref<1x32x65536xf32, #tpu.memory_space<vmem>>, vector<1x32x256xf32>
    %swap3A_229 = vector.shape_cast %swap3A_228 : vector<1x32x256xf32> to vector<32x256xf32>
    %swap3A_230 = vector.shape_cast %add3A_224 : vector<32x256xf32> to vector<1x32x256xf32>
    tpu.vector_store %arg3[%swap3A_225, %swap3A_226, %swap3A_227], %swap3A_230 {strides = array<i32>} : memref<1x32x65536xf32, #tpu.memory_space<vmem>>, vector<1x32x256xf32>,
    %get3A_231 = arith.constant 0 : index
    %get3A_232 = arith.constant 21 : index
    %get3A_233 = vector.load %arg1[%get3A_231, %get3A_232] : memref<32x256xf32, #tpu.memory_space<vmem>>, vector<32x1xf32>
    %add3A_234 = vector.broadcast %get3A_233 : vector<32x1xf32> to vector<32x256xf32>
    %add3A_235 = arith.addf %add3A_234, %get3A_1 : vector<32x256xf32>
    %swap3A_236 = arith.constant 0 : index
    %swap3A_237 = arith.constant 0 : index
    %swap3A_238 = arith.constant 5376 : index
    %swap3A_239 = vector.load %arg3[%swap3A_236, %swap3A_237, %swap3A_238] : memref<1x32x65536xf32, #tpu.memory_space<vmem>>, vector<1x32x256xf32>
    %swap3A_240 = vector.shape_cast %swap3A_239 : vector<1x32x256xf32> to vector<32x256xf32>
    %swap3A_241 = vector.shape_cast %add3A_235 : vector<32x256xf32> to vector<1x32x256xf32>
    tpu.vector_store %arg3[%swap3A_236, %swap3A_237, %swap3A_238], %swap3A_241 {strides = array<i32>} : memref<1x32x65536xf32, #tpu.memory_space<vmem>>, vector<1x32x256xf32>,
    %get3A_242 = arith.constant 0 : index
    %get3A_243 = arith.constant 22 : index
    %get3A_244 = vector.load %arg1[%get3A_242, %get3A_243] : memref<32x256xf32, #tpu.memory_space<vmem>>, vector<32x1xf32>
    %add3A_245 = vector.broadcast %get3A_244 : vector<32x1xf32> to vector<32x256xf32>
    %add3A_246 = arith.addf %add3A_245, %get3A_1 : vector<32x256xf32>
    %swap3A_247 = arith.constant 0 : index
    %swap3A_248 = arith.constant 0 : index
    %swap3A_249 = arith.constant 5632 : index
    %swap3A_250 = vector.load %arg3[%swap3A_247, %swap3A_248, %swap3A_249] : memref<1x32x65536xf32, #tpu.memory_space<vmem>>, vector<1x32x256xf32>
    %swap3A_251 = vector.shape_cast %swap3A_250 : vector<1x32x256xf32> to vector<32x256xf32>
    %swap3A_252 = vector.shape_cast %add3A_246 : vector<32x256xf32> to vector<1x32x256xf32>
    tpu.vector_store %arg3[%swap3A_247, %swap3A_248, %swap3A_249], %swap3A_252 {strides = array<i32>} : memref<1x32x65536xf32, #tpu.memory_space<vmem>>, vector<1x32x256xf32>,
    %get3A_253 = arith.constant 0 : index
    %get3A_254 = arith.constant 23 : index
    %get3A_255 = vector.load %arg1[%get3A_253, %get3A_254] : memref<32x256xf32, #tpu.memory_space<vmem>>, vector<32x1xf32>
    %add3A_256 = vector.broadcast %get3A_255 : vector<32x1xf32> to vector<32x256xf32>
    %add3A_257 = arith.addf %add3A_256, %get3A_1 : vector<32x256xf32>
    %swap3A_258 = arith.constant 0 : index
    %swap3A_259 = arith.constant 0 : index
    %swap3A_260 = arith.constant 5888 : index
    %swap3A_261 = vector.load %arg3[%swap3A_258, %swap3A_259, %swap3A_260] : memref<1x32x65536xf32, #tpu.memory_space<vmem>>, vector<1x32x256xf32>
    %swap3A_262 = vector.shape_cast %swap3A_261 : vector<1x32x256xf32> to vector<32x256xf32>
    %swap3A_263 = vector.shape_cast %add3A_257 : vector<32x256xf32> to vector<1x32x256xf32>
    tpu.vector_store %arg3[%swap3A_258, %swap3A_259, %swap3A_260], %swap3A_263 {strides = array<i32>} : memref<1x32x65536xf32, #tpu.memory_space<vmem>>, vector<1x32x256xf32>,
    %get3A_264 = arith.constant 0 : index
    %get3A_265 = arith.constant 24 : index
    %get3A_266 = vector.load %arg1[%get3A_264, %get3A_265] : memref<32x256xf32, #tpu.memory_space<vmem>>, vector<32x1xf32>
    %add3A_267 = vector.broadcast %get3A_266 : vector<32x1xf32> to vector<32x256xf32>
    %add3A_268 = arith.addf %add3A_267, %get3A_1 : vector<32x256xf32>
    %swap3A_269 = arith.constant 0 : index
    %swap3A_270 = arith.constant 0 : index
    %swap3A_271 = arith.constant 6144 : index
    %swap3A_272 = vector.load %arg3[%swap3A_269, %swap3A_270, %swap3A_271] : memref<1x32x65536xf32, #tpu.memory_space<vmem>>, vector<1x32x256xf32>
    %swap3A_273 = vector.shape_cast %swap3A_272 : vector<1x32x256xf32> to vector<32x256xf32>
    %swap3A_274 = vector.shape_cast %add3A_268 : vector<32x256xf32> to vector<1x32x256xf32>
    tpu.vector_store %arg3[%swap3A_269, %swap3A_270, %swap3A_271], %swap3A_274 {strides = array<i32>} : memref<1x32x65536xf32, #tpu.memory_space<vmem>>, vector<1x32x256xf32>,
    %get3A_275 = arith.constant 0 : index
    %get3A_276 = arith.constant 25 : index
    %get3A_277 = vector.load %arg1[%get3A_275, %get3A_276] : memref<32x256xf32, #tpu.memory_space<vmem>>, vector<32x1xf32>
    %add3A_278 = vector.broadcast %get3A_277 : vector<32x1xf32> to vector<32x256xf32>
    %add3A_279 = arith.addf %add3A_278, %get3A_1 : vector<32x256xf32>
    %swap3A_280 = arith.constant 0 : index
    %swap3A_281 = arith.constant 0 : index
    %swap3A_282 = arith.constant 6400 : index
    %swap3A_283 = vector.load %arg3[%swap3A_280, %swap3A_281, %swap3A_282] : memref<1x32x65536xf32, #tpu.memory_space<vmem>>, vector<1x32x256xf32>
    %swap3A_284 = vector.shape_cast %swap3A_283 : vector<1x32x256xf32> to vector<32x256xf32>
    %swap3A_285 = vector.shape_cast %add3A_279 : vector<32x256xf32> to vector<1x32x256xf32>
    tpu.vector_store %arg3[%swap3A_280, %swap3A_281, %swap3A_282], %swap3A_285 {strides = array<i32>} : memref<1x32x65536xf32, #tpu.memory_space<vmem>>, vector<1x32x256xf32>,
    %get3A_286 = arith.constant 0 : index
    %get3A_287 = arith.constant 26 : index
    %get3A_288 = vector.load %arg1[%get3A_286, %get3A_287] : memref<32x256xf32, #tpu.memory_space<vmem>>, vector<32x1xf32>
    %add3A_289 = vector.broadcast %get3A_288 : vector<32x1xf32> to vector<32x256xf32>
    %add3A_290 = arith.addf %add3A_289, %get3A_1 : vector<32x256xf32>
    %swap3A_291 = arith.constant 0 : index
    %swap3A_292 = arith.constant 0 : index
    %swap3A_293 = arith.constant 6656 : index
    %swap3A_294 = vector.load %arg3[%swap3A_291, %swap3A_292, %swap3A_293] : memref<1x32x65536xf32, #tpu.memory_space<vmem>>, vector<1x32x256xf32>
    %swap3A_295 = vector.shape_cast %swap3A_294 : vector<1x32x256xf32> to vector<32x256xf32>
    %swap3A_296 = vector.shape_cast %add3A_290 : vector<32x256xf32> to vector<1x32x256xf32>
    tpu.vector_store %arg3[%swap3A_291, %swap3A_292, %swap3A_293], %swap3A_296 {strides = array<i32>} : memref<1x32x65536xf32, #tpu.memory_space<vmem>>, vector<1x32x256xf32>,
    %get3A_297 = arith.constant 0 : index
    %get3A_298 = arith.constant 27 : index
    %get3A_299 = vector.load %arg1[%get3A_297, %get3A_298] : memref<32x256xf32, #tpu.memory_space<vmem>>, vector<32x1xf32>
    %add3A_300 = vector.broadcast %get3A_299 : vector<32x1xf32> to vector<32x256xf32>
    %add3A_301 = arith.addf %add3A_300, %get3A_1 : vector<32x256xf32>
    %swap3A_302 = arith.constant 0 : index
    %swap3A_303 = arith.constant 0 : index
    %swap3A_304 = arith.constant 6912 : index
    %swap3A_305 = vector.load %arg3[%swap3A_302, %swap3A_303, %swap3A_304] : memref<1x32x65536xf32, #tpu.memory_space<vmem>>, vector<1x32x256xf32>
    %swap3A_306 = vector.shape_cast %swap3A_305 : vector<1x32x256xf32> to vector<32x256xf32>
    %swap3A_307 = vector.shape_cast %add3A_301 : vector<32x256xf32> to vector<1x32x256xf32>
    tpu.vector_store %arg3[%swap3A_302, %swap3A_303, %swap3A_304], %swap3A_307 {strides = array<i32>} : memref<1x32x65536xf32, #tpu.memory_space<vmem>>, vector<1x32x256xf32>,
    %get3A_308 = arith.constant 0 : index
    %get3A_309 = arith.constant 28 : index
    %get3A_310 = vector.load %arg1[%get3A_308, %get3A_309] : memref<32x256xf32, #tpu.memory_space<vmem>>, vector<32x1xf32>
    %add3A_311 = vector.broadcast %get3A_310 : vector<32x1xf32> to vector<32x256xf32>
    %add3A_312 = arith.addf %add3A_311, %get3A_1 : vector<32x256xf32>
    %swap3A_313 = arith.constant 0 : index
    %swap3A_314 = arith.constant 0 : index
    %swap3A_315 = arith.constant 7168 : index
    %swap3A_316 = vector.load %arg3[%swap3A_313, %swap3A_314, %swap3A_315] : memref<1x32x65536xf32, #tpu.memory_space<vmem>>, vector<1x32x256xf32>
    %swap3A_317 = vector.shape_cast %swap3A_316 : vector<1x32x256xf32> to vector<32x256xf32>
    %swap3A_318 = vector.shape_cast %add3A_312 : vector<32x256xf32> to vector<1x32x256xf32>
    tpu.vector_store %arg3[%swap3A_313, %swap3A_314, %swap3A_315], %swap3A_318 {strides = array<i32>} : memref<1x32x65536xf32, #tpu.memory_space<vmem>>, vector<1x32x256xf32>,
    %get3A_319 = arith.constant 0 : index
    %get3A_320 = arith.constant 29 : index
    %get3A_321 = vector.load %arg1[%get3A_319, %get3A_320] : memref<32x256xf32, #tpu.memory_space<vmem>>, vector<32x1xf32>
    %add3A_322 = vector.broadcast %get3A_321 : vector<32x1xf32> to vector<32x256xf32>
    %add3A_323 = arith.addf %add3A_322, %get3A_1 : vector<32x256xf32>
    %swap3A_324 = arith.constant 0 : index
    %swap3A_325 = arith.constant 0 : index
    %swap3A_326 = arith.constant 7424 : index
    %swap3A_327 = vector.load %arg3[%swap3A_324, %swap3A_325, %swap3A_326] : memref<1x32x65536xf32, #tpu.memory_space<vmem>>, vector<1x32x256xf32>
    %swap3A_328 = vector.shape_cast %swap3A_327 : vector<1x32x256xf32> to vector<32x256xf32>
    %swap3A_329 = vector.shape_cast %add3A_323 : vector<32x256xf32> to vector<1x32x256xf32>
    tpu.vector_store %arg3[%swap3A_324, %swap3A_325, %swap3A_326], %swap3A_329 {strides = array<i32>} : memref<1x32x65536xf32, #tpu.memory_space<vmem>>, vector<1x32x256xf32>,
    %get3A_330 = arith.constant 0 : index
    %get3A_331 = arith.constant 30 : index
    %get3A_332 = vector.load %arg1[%get3A_330, %get3A_331] : memref<32x256xf32, #tpu.memory_space<vmem>>, vector<32x1xf32>
    %add3A_333 = vector.broadcast %get3A_332 : vector<32x1xf32> to vector<32x256xf32>
    %add3A_334 = arith.addf %add3A_333, %get3A_1 : vector<32x256xf32>
    %swap3A_335 = arith.constant 0 : index
    %swap3A_336 = arith.constant 0 : index
    %swap3A_337 = arith.constant 7680 : index
    %swap3A_338 = vector.load %arg3[%swap3A_335, %swap3A_336, %swap3A_337] : memref<1x32x65536xf32, #tpu.memory_space<vmem>>, vector<1x32x256xf32>
    %swap3A_339 = vector.shape_cast %swap3A_338 : vector<1x32x256xf32> to vector<32x256xf32>
    %swap3A_340 = vector.shape_cast %add3A_334 : vector<32x256xf32> to vector<1x32x256xf32>
    tpu.vector_store %arg3[%swap3A_335, %swap3A_336, %swap3A_337], %swap3A_340 {strides = array<i32>} : memref<1x32x65536xf32, #tpu.memory_space<vmem>>, vector<1x32x256xf32>,
    %get3A_341 = arith.constant 0 : index
    %get3A_342 = arith.constant 31 : index
    %get3A_343 = vector.load %arg1[%get3A_341, %get3A_342] : memref<32x256xf32, #tpu.memory_space<vmem>>, vector<32x1xf32>
    %add3A_344 = vector.broadcast %get3A_343 : vector<32x1xf32> to vector<32x256xf32>
    %add3A_345 = arith.addf %add3A_344, %get3A_1 : vector<32x256xf32>
    %swap3A_346 = arith.constant 0 : index
    %swap3A_347 = arith.constant 0 : index
    %swap3A_348 = arith.constant 7936 : index
    %swap3A_349 = vector.load %arg3[%swap3A_346, %swap3A_347, %swap3A_348] : memref<1x32x65536xf32, #tpu.memory_space<vmem>>, vector<1x32x256xf32>
    %swap3A_350 = vector.shape_cast %swap3A_349 : vector<1x32x256xf32> to vector<32x256xf32>
    %swap3A_351 = vector.shape_cast %add3A_345 : vector<32x256xf32> to vector<1x32x256xf32>
    tpu.vector_store %arg3[%swap3A_346, %swap3A_347, %swap3A_348], %swap3A_351 {strides = array<i32>} : memref<1x32x65536xf32, #tpu.memory_space<vmem>>, vector<1x32x256xf32>,
    %get3A_352 = arith.constant 0 : index
    %get3A_353 = arith.constant 32 : index
    %get3A_354 = vector.load %arg1[%get3A_352, %get3A_353] : memref<32x256xf32, #tpu.memory_space<vmem>>, vector<32x1xf32>
    %add3A_355 = vector.broadcast %get3A_354 : vector<32x1xf32> to vector<32x256xf32>
    %add3A_356 = arith.addf %add3A_355, %get3A_1 : vector<32x256xf32>
    %swap3A_357 = arith.constant 0 : index
    %swap3A_358 = arith.constant 0 : index
    %swap3A_359 = arith.constant 8192 : index
    %swap3A_360 = vector.load %arg3[%swap3A_357, %swap3A_358, %swap3A_359] : memref<1x32x65536xf32, #tpu.memory_space<vmem>>, vector<1x32x256xf32>
    %swap3A_361 = vector.shape_cast %swap3A_360 : vector<1x32x256xf32> to vector<32x256xf32>
    %swap3A_362 = vector.shape_cast %add3A_356 : vector<32x256xf32> to vector<1x32x256xf32>
    tpu.vector_store %arg3[%swap3A_357, %swap3A_358, %swap3A_359], %swap3A_362 {strides = array<i32>} : memref<1x32x65536xf32, #tpu.memory_space<vmem>>, vector<1x32x256xf32>,
    %get3A_363 = arith.constant 0 : index
    %get3A_364 = arith.constant 33 : index
    %get3A_365 = vector.load %arg1[%get3A_363, %get3A_364] : memref<32x256xf32, #tpu.memory_space<vmem>>, vector<32x1xf32>
    %add3A_366 = vector.broadcast %get3A_365 : vector<32x1xf32> to vector<32x256xf32>
    %add3A_367 = arith.addf %add3A_366, %get3A_1 : vector<32x256xf32>
    %swap3A_368 = arith.constant 0 : index
    %swap3A_369 = arith.constant 0 : index
    %swap3A_370 = arith.constant 8448 : index
    %swap3A_371 = vector.load %arg3[%swap3A_368, %swap3A_369, %swap3A_370] : memref<1x32x65536xf32, #tpu.memory_space<vmem>>, vector<1x32x256xf32>
    %swap3A_372 = vector.shape_cast %swap3A_371 : vector<1x32x256xf32> to vector<32x256xf32>
    %swap3A_373 = vector.shape_cast %add3A_367 : vector<32x256xf32> to vector<1x32x256xf32>
    tpu.vector_store %arg3[%swap3A_368, %swap3A_369, %swap3A_370], %swap3A_373 {strides = array<i32>} : memref<1x32x65536xf32, #tpu.memory_space<vmem>>, vector<1x32x256xf32>,
    %get3A_374 = arith.constant 0 : index
    %get3A_375 = arith.constant 34 : index
    %get3A_376 = vector.load %arg1[%get3A_374, %get3A_375] : memref<32x256xf32, #tpu.memory_space<vmem>>, vector<32x1xf32>
    %add3A_377 = vector.broadcast %get3A_376 : vector<32x1xf32> to vector<32x256xf32>
    %add3A_378 = arith.addf %add3A_377, %get3A_1 : vector<32x256xf32>
    %swap3A_379 = arith.constant 0 : index
    %swap3A_380 = arith.constant 0 : index
    %swap3A_381 = arith.constant 8704 : index
    %swap3A_382 = vector.load %arg3[%swap3A_379, %swap3A_380, %swap3A_381] : memref<1x32x65536xf32, #tpu.memory_space<vmem>>, vector<1x32x256xf32>
    %swap3A_383 = vector.shape_cast %swap3A_382 : vector<1x32x256xf32> to vector<32x256xf32>
    %swap3A_384 = vector.shape_cast %add3A_378 : vector<32x256xf32> to vector<1x32x256xf32>
    tpu.vector_store %arg3[%swap3A_379, %swap3A_380, %swap3A_381], %swap3A_384 {strides = array<i32>} : memref<1x32x65536xf32, #tpu.memory_space<vmem>>, vector<1x32x256xf32>,
    %get3A_385 = arith.constant 0 : index
    %get3A_386 = arith.constant 35 : index
    %get3A_387 = vector.load %arg1[%get3A_385, %get3A_386] : memref<32x256xf32, #tpu.memory_space<vmem>>, vector<32x1xf32>
    %add3A_388 = vector.broadcast %get3A_387 : vector<32x1xf32> to vector<32x256xf32>
    %add3A_389 = arith.addf %add3A_388, %get3A_1 : vector<32x256xf32>
    %swap3A_390 = arith.constant 0 : index
    %swap3A_391 = arith.constant 0 : index
    %swap3A_392 = arith.constant 8960 : index
    %swap3A_393 = vector.load %arg3[%swap3A_390, %swap3A_391, %swap3A_392] : memref<1x32x65536xf32, #tpu.memory_space<vmem>>, vector<1x32x256xf32>
    %swap3A_394 = vector.shape_cast %swap3A_393 : vector<1x32x256xf32> to vector<32x256xf32>
    %swap3A_395 = vector.shape_cast %add3A_389 : vector<32x256xf32> to vector<1x32x256xf32>
    tpu.vector_store %arg3[%swap3A_390, %swap3A_391, %swap3A_392], %swap3A_395 {strides = array<i32>} : memref<1x32x65536xf32, #tpu.memory_space<vmem>>, vector<1x32x256xf32>,
    %get3A_396 = arith.constant 0 : index
    %get3A_397 = arith.constant 36 : index
    %get3A_398 = vector.load %arg1[%get3A_396, %get3A_397] : memref<32x256xf32, #tpu.memory_space<vmem>>, vector<32x1xf32>
    %add3A_399 = vector.broadcast %get3A_398 : vector<32x1xf32> to vector<32x256xf32>
    %add3A_400 = arith.addf %add3A_399, %get3A_1 : vector<32x256xf32>
    %swap3A_401 = arith.constant 0 : index
    %swap3A_402 = arith.constant 0 : index
    %swap3A_403 = arith.constant 9216 : index
    %swap3A_404 = vector.load %arg3[%swap3A_401, %swap3A_402, %swap3A_403] : memref<1x32x65536xf32, #tpu.memory_space<vmem>>, vector<1x32x256xf32>
    %swap3A_405 = vector.shape_cast %swap3A_404 : vector<1x32x256xf32> to vector<32x256xf32>
    %swap3A_406 = vector.shape_cast %add3A_400 : vector<32x256xf32> to vector<1x32x256xf32>
    tpu.vector_store %arg3[%swap3A_401, %swap3A_402, %swap3A_403], %swap3A_406 {strides = array<i32>} : memref<1x32x65536xf32, #tpu.memory_space<vmem>>, vector<1x32x256xf32>,
    %get3A_407 = arith.constant 0 : index
    %get3A_408 = arith.constant 37 : index
    %get3A_409 = vector.load %arg1[%get3A_407, %get3A_408] : memref<32x256xf32, #tpu.memory_space<vmem>>, vector<32x1xf32>
    %add3A_410 = vector.broadcast %get3A_409 : vector<32x1xf32> to vector<32x256xf32>
    %add3A_411 = arith.addf %add3A_410, %get3A_1 : vector<32x256xf32>
    %swap3A_412 = arith.constant 0 : index
    %swap3A_413 = arith.constant 0 : index
    %swap3A_414 = arith.constant 9472 : index
    %swap3A_415 = vector.load %arg3[%swap3A_412, %swap3A_413, %swap3A_414] : memref<1x32x65536xf32, #tpu.memory_space<vmem>>, vector<1x32x256xf32>
    %swap3A_416 = vector.shape_cast %swap3A_415 : vector<1x32x256xf32> to vector<32x256xf32>
    %swap3A_417 = vector.shape_cast %add3A_411 : vector<32x256xf32> to vector<1x32x256xf32>
    tpu.vector_store %arg3[%swap3A_412, %swap3A_413, %swap3A_414], %swap3A_417 {strides = array<i32>} : memref<1x32x65536xf32, #tpu.memory_space<vmem>>, vector<1x32x256xf32>,
    %get3A_418 = arith.constant 0 : index
    %get3A_419 = arith.constant 38 : index
    %get3A_420 = vector.load %arg1[%get3A_418, %get3A_419] : memref<32x256xf32, #tpu.memory_space<vmem>>, vector<32x1xf32>
    %add3A_421 = vector.broadcast %get3A_420 : vector<32x1xf32> to vector<32x256xf32>
    %add3A_422 = arith.addf %add3A_421, %get3A_1 : vector<32x256xf32>
    %swap3A_423 = arith.constant 0 : index
    %swap3A_424 = arith.constant 0 : index
    %swap3A_425 = arith.constant 9728 : index
    %swap3A_426 = vector.load %arg3[%swap3A_423, %swap3A_424, %swap3A_425] : memref<1x32x65536xf32, #tpu.memory_space<vmem>>, vector<1x32x256xf32>
    %swap3A_427 = vector.shape_cast %swap3A_426 : vector<1x32x256xf32> to vector<32x256xf32>
    %swap3A_428 = vector.shape_cast %add3A_422 : vector<32x256xf32> to vector<1x32x256xf32>
    tpu.vector_store %arg3[%swap3A_423, %swap3A_424, %swap3A_425], %swap3A_428 {strides = array<i32>} : memref<1x32x65536xf32, #tpu.memory_space<vmem>>, vector<1x32x256xf32>,
    %get3A_429 = arith.constant 0 : index
    %get3A_430 = arith.constant 39 : index
    %get3A_431 = vector.load %arg1[%get3A_429, %get3A_430] : memref<32x256xf32, #tpu.memory_space<vmem>>, vector<32x1xf32>
    %add3A_432 = vector.broadcast %get3A_431 : vector<32x1xf32> to vector<32x256xf32>
    %add3A_433 = arith.addf %add3A_432, %get3A_1 : vector<32x256xf32>
    %swap3A_434 = arith.constant 0 : index
    %swap3A_435 = arith.constant 0 : index
    %swap3A_436 = arith.constant 9984 : index
    %swap3A_437 = vector.load %arg3[%swap3A_434, %swap3A_435, %swap3A_436] : memref<1x32x65536xf32, #tpu.memory_space<vmem>>, vector<1x32x256xf32>
    %swap3A_438 = vector.shape_cast %swap3A_437 : vector<1x32x256xf32> to vector<32x256xf32>
    %swap3A_439 = vector.shape_cast %add3A_433 : vector<32x256xf32> to vector<1x32x256xf32>
    tpu.vector_store %arg3[%swap3A_434, %swap3A_435, %swap3A_436], %swap3A_439 {strides = array<i32>} : memref<1x32x65536xf32, #tpu.memory_space<vmem>>, vector<1x32x256xf32>,
    %get3A_440 = arith.constant 0 : index
    %get3A_441 = arith.constant 40 : index
    %get3A_442 = vector.load %arg1[%get3A_440, %get3A_441] : memref<32x256xf32, #tpu.memory_space<vmem>>, vector<32x1xf32>
    %add3A_443 = vector.broadcast %get3A_442 : vector<32x1xf32> to vector<32x256xf32>
    %add3A_444 = arith.addf %add3A_443, %get3A_1 : vector<32x256xf32>
    %swap3A_445 = arith.constant 0 : index
    %swap3A_446 = arith.constant 0 : index
    %swap3A_447 = arith.constant 10240 : index
    %swap3A_448 = vector.load %arg3[%swap3A_445, %swap3A_446, %swap3A_447] : memref<1x32x65536xf32, #tpu.memory_space<vmem>>, vector<1x32x256xf32>
    %swap3A_449 = vector.shape_cast %swap3A_448 : vector<1x32x256xf32> to vector<32x256xf32>
    %swap3A_450 = vector.shape_cast %add3A_444 : vector<32x256xf32> to vector<1x32x256xf32>
    tpu.vector_store %arg3[%swap3A_445, %swap3A_446, %swap3A_447], %swap3A_450 {strides = array<i32>} : memref<1x32x65536xf32, #tpu.memory_space<vmem>>, vector<1x32x256xf32>,
    %get3A_451 = arith.constant 0 : index
    %get3A_452 = arith.constant 41 : index
    %get3A_453 = vector.load %arg1[%get3A_451, %get3A_452] : memref<32x256xf32, #tpu.memory_space<vmem>>, vector<32x1xf32>
    %add3A_454 = vector.broadcast %get3A_453 : vector<32x1xf32> to vector<32x256xf32>
    %add3A_455 = arith.addf %add3A_454, %get3A_1 : vector<32x256xf32>
    %swap3A_456 = arith.constant 0 : index
    %swap3A_457 = arith.constant 0 : index
    %swap3A_458 = arith.constant 10496 : index
    %swap3A_459 = vector.load %arg3[%swap3A_456, %swap3A_457, %swap3A_458] : memref<1x32x65536xf32, #tpu.memory_space<vmem>>, vector<1x32x256xf32>
    %swap3A_460 = vector.shape_cast %swap3A_459 : vector<1x32x256xf32> to vector<32x256xf32>
    %swap3A_461 = vector.shape_cast %add3A_455 : vector<32x256xf32> to vector<1x32x256xf32>
    tpu.vector_store %arg3[%swap3A_456, %swap3A_457, %swap3A_458], %swap3A_461 {strides = array<i32>} : memref<1x32x65536xf32, #tpu.memory_space<vmem>>, vector<1x32x256xf32>,
    %get3A_462 = arith.constant 0 : index
    %get3A_463 = arith.constant 42 : index
    %get3A_464 = vector.load %arg1[%get3A_462, %get3A_463] : memref<32x256xf32, #tpu.memory_space<vmem>>, vector<32x1xf32>
    %add3A_465 = vector.broadcast %get3A_464 : vector<32x1xf32> to vector<32x256xf32>
    %add3A_466 = arith.addf %add3A_465, %get3A_1 : vector<32x256xf32>
    %swap3A_467 = arith.constant 0 : index
    %swap3A_468 = arith.constant 0 : index
    %swap3A_469 = arith.constant 10752 : index
    %swap3A_470 = vector.load %arg3[%swap3A_467, %swap3A_468, %swap3A_469] : memref<1x32x65536xf32, #tpu.memory_space<vmem>>, vector<1x32x256xf32>
    %swap3A_471 = vector.shape_cast %swap3A_470 : vector<1x32x256xf32> to vector<32x256xf32>
    %swap3A_472 = vector.shape_cast %add3A_466 : vector<32x256xf32> to vector<1x32x256xf32>
    tpu.vector_store %arg3[%swap3A_467, %swap3A_468, %swap3A_469], %swap3A_472 {strides = array<i32>} : memref<1x32x65536xf32, #tpu.memory_space<vmem>>, vector<1x32x256xf32>,
    %get3A_473 = arith.constant 0 : index
    %get3A_474 = arith.constant 43 : index
    %get3A_475 = vector.load %arg1[%get3A_473, %get3A_474] : memref<32x256xf32, #tpu.memory_space<vmem>>, vector<32x1xf32>
    %add3A_476 = vector.broadcast %get3A_475 : vector<32x1xf32> to vector<32x256xf32>
    %add3A_477 = arith.addf %add3A_476, %get3A_1 : vector<32x256xf32>
    %swap3A_478 = arith.constant 0 : index
    %swap3A_479 = arith.constant 0 : index
    %swap3A_480 = arith.constant 11008 : index
    %swap3A_481 = vector.load %arg3[%swap3A_478, %swap3A_479, %swap3A_480] : memref<1x32x65536xf32, #tpu.memory_space<vmem>>, vector<1x32x256xf32>
    %swap3A_482 = vector.shape_cast %swap3A_481 : vector<1x32x256xf32> to vector<32x256xf32>
    %swap3A_483 = vector.shape_cast %add3A_477 : vector<32x256xf32> to vector<1x32x256xf32>
    tpu.vector_store %arg3[%swap3A_478, %swap3A_479, %swap3A_480], %swap3A_483 {strides = array<i32>} : memref<1x32x65536xf32, #tpu.memory_space<vmem>>, vector<1x32x256xf32>,
    %get3A_484 = arith.constant 0 : index
    %get3A_485 = arith.constant 44 : index
    %get3A_486 = vector.load %arg1[%get3A_484, %get3A_485] : memref<32x256xf32, #tpu.memory_space<vmem>>, vector<32x1xf32>
    %add3A_487 = vector.broadcast %get3A_486 : vector<32x1xf32> to vector<32x256xf32>
    %add3A_488 = arith.addf %add3A_487, %get3A_1 : vector<32x256xf32>
    %swap3A_489 = arith.constant 0 : index
    %swap3A_490 = arith.constant 0 : index
    %swap3A_491 = arith.constant 11264 : index
    %swap3A_492 = vector.load %arg3[%swap3A_489, %swap3A_490, %swap3A_491] : memref<1x32x65536xf32, #tpu.memory_space<vmem>>, vector<1x32x256xf32>
    %swap3A_493 = vector.shape_cast %swap3A_492 : vector<1x32x256xf32> to vector<32x256xf32>
    %swap3A_494 = vector.shape_cast %add3A_488 : vector<32x256xf32> to vector<1x32x256xf32>
    tpu.vector_store %arg3[%swap3A_489, %swap3A_490, %swap3A_491], %swap3A_494 {strides = array<i32>} : memref<1x32x65536xf32, #tpu.memory_space<vmem>>, vector<1x32x256xf32>,
    %get3A_495 = arith.constant 0 : index
    %get3A_496 = arith.constant 45 : index
    %get3A_497 = vector.load %arg1[%get3A_495, %get3A_496] : memref<32x256xf32, #tpu.memory_space<vmem>>, vector<32x1xf32>
    %add3A_498 = vector.broadcast %get3A_497 : vector<32x1xf32> to vector<32x256xf32>
    %add3A_499 = arith.addf %add3A_498, %get3A_1 : vector<32x256xf32>
    %swap3A_500 = arith.constant 0 : index
    %swap3A_501 = arith.constant 0 : index
    %swap3A_502 = arith.constant 11520 : index
    %swap3A_503 = vector.load %arg3[%swap3A_500, %swap3A_501, %swap3A_502] : memref<1x32x65536xf32, #tpu.memory_space<vmem>>, vector<1x32x256xf32>
    %swap3A_504 = vector.shape_cast %swap3A_503 : vector<1x32x256xf32> to vector<32x256xf32>
    %swap3A_505 = vector.shape_cast %add3A_499 : vector<32x256xf32> to vector<1x32x256xf32>
    tpu.vector_store %arg3[%swap3A_500, %swap3A_501, %swap3A_502], %swap3A_505 {strides = array<i32>} : memref<1x32x65536xf32, #tpu.memory_space<vmem>>, vector<1x32x256xf32>,
    %get3A_506 = arith.constant 0 : index
    %get3A_507 = arith.constant 46 : index
    %get3A_508 = vector.load %arg1[%get3A_506, %get3A_507] : memref<32x256xf32, #tpu.memory_space<vmem>>, vector<32x1xf32>
    %add3A_509 = vector.broadcast %get3A_508 : vector<32x1xf32> to vector<32x256xf32>
    %add3A_510 = arith.addf %add3A_509, %get3A_1 : vector<32x256xf32>
    %swap3A_511 = arith.constant 0 : index
    %swap3A_512 = arith.constant 0 : index
    %swap3A_513 = arith.constant 11776 : index
    %swap3A_514 = vector.load %arg3[%swap3A_511, %swap3A_512, %swap3A_513] : memref<1x32x65536xf32, #tpu.memory_space<vmem>>, vector<1x32x256xf32>
    %swap3A_515 = vector.shape_cast %swap3A_514 : vector<1x32x256xf32> to vector<32x256xf32>
    %swap3A_516 = vector.shape_cast %add3A_510 : vector<32x256xf32> to vector<1x32x256xf32>
    tpu.vector_store %arg3[%swap3A_511, %swap3A_512, %swap3A_513], %swap3A_516 {strides = array<i32>} : memref<1x32x65536xf32, #tpu.memory_space<vmem>>, vector<1x32x256xf32>,
    %get3A_517 = arith.constant 0 : index
    %get3A_518 = arith.constant 47 : index
    %get3A_519 = vector.load %arg1[%get3A_517, %get3A_518] : memref<32x256xf32, #tpu.memory_space<vmem>>, vector<32x1xf32>
    %add3A_520 = vector.broadcast %get3A_519 : vector<32x1xf32> to vector<32x256xf32>
    %add3A_521 = arith.addf %add3A_520, %get3A_1 : vector<32x256xf32>
    %swap3A_522 = arith.constant 0 : index
    %swap3A_523 = arith.constant 0 : index
    %swap3A_524 = arith.constant 12032 : index
    %swap3A_525 = vector.load %arg3[%swap3A_522, %swap3A_523, %swap3A_524] : memref<1x32x65536xf32, #tpu.memory_space<vmem>>, vector<1x32x256xf32>
    %swap3A_526 = vector.shape_cast %swap3A_525 : vector<1x32x256xf32> to vector<32x256xf32>
    %swap3A_527 = vector.shape_cast %add3A_521 : vector<32x256xf32> to vector<1x32x256xf32>
    tpu.vector_store %arg3[%swap3A_522, %swap3A_523, %swap3A_524], %swap3A_527 {strides = array<i32>} : memref<1x32x65536xf32, #tpu.memory_space<vmem>>, vector<1x32x256xf32>,
    %get3A_528 = arith.constant 0 : index
    %get3A_529 = arith.constant 48 : index
    %get3A_530 = vector.load %arg1[%get3A_528, %get3A_529] : memref<32x256xf32, #tpu.memory_space<vmem>>, vector<32x1xf32>
    %add3A_531 = vector.broadcast %get3A_530 : vector<32x1xf32> to vector<32x256xf32>
    %add3A_532 = arith.addf %add3A_531, %get3A_1 : vector<32x256xf32>
    %swap3A_533 = arith.constant 0 : index
    %swap3A_534 = arith.constant 0 : index
    %swap3A_535 = arith.constant 12288 : index
    %swap3A_536 = vector.load %arg3[%swap3A_533, %swap3A_534, %swap3A_535] : memref<1x32x65536xf32, #tpu.memory_space<vmem>>, vector<1x32x256xf32>
    %swap3A_537 = vector.shape_cast %swap3A_536 : vector<1x32x256xf32> to vector<32x256xf32>
    %swap3A_538 = vector.shape_cast %add3A_532 : vector<32x256xf32> to vector<1x32x256xf32>
    tpu.vector_store %arg3[%swap3A_533, %swap3A_534, %swap3A_535], %swap3A_538 {strides = array<i32>} : memref<1x32x65536xf32, #tpu.memory_space<vmem>>, vector<1x32x256xf32>,
    %get3A_539 = arith.constant 0 : index
    %get3A_540 = arith.constant 49 : index
    %get3A_541 = vector.load %arg1[%get3A_539, %get3A_540] : memref<32x256xf32, #tpu.memory_space<vmem>>, vector<32x1xf32>
    %add3A_542 = vector.broadcast %get3A_541 : vector<32x1xf32> to vector<32x256xf32>
    %add3A_543 = arith.addf %add3A_542, %get3A_1 : vector<32x256xf32>
    %swap3A_544 = arith.constant 0 : index
    %swap3A_545 = arith.constant 0 : index
    %swap3A_546 = arith.constant 12544 : index
    %swap3A_547 = vector.load %arg3[%swap3A_544, %swap3A_545, %swap3A_546] : memref<1x32x65536xf32, #tpu.memory_space<vmem>>, vector<1x32x256xf32>
    %swap3A_548 = vector.shape_cast %swap3A_547 : vector<1x32x256xf32> to vector<32x256xf32>
    %swap3A_549 = vector.shape_cast %add3A_543 : vector<32x256xf32> to vector<1x32x256xf32>
    tpu.vector_store %arg3[%swap3A_544, %swap3A_545, %swap3A_546], %swap3A_549 {strides = array<i32>} : memref<1x32x65536xf32, #tpu.memory_space<vmem>>, vector<1x32x256xf32>,
    %get3A_550 = arith.constant 0 : index
    %get3A_551 = arith.constant 50 : index
    %get3A_552 = vector.load %arg1[%get3A_550, %get3A_551] : memref<32x256xf32, #tpu.memory_space<vmem>>, vector<32x1xf32>
    %add3A_553 = vector.broadcast %get3A_552 : vector<32x1xf32> to vector<32x256xf32>
    %add3A_554 = arith.addf %add3A_553, %get3A_1 : vector<32x256xf32>
    %swap3A_555 = arith.constant 0 : index
    %swap3A_556 = arith.constant 0 : index
    %swap3A_557 = arith.constant 12800 : index
    %swap3A_558 = vector.load %arg3[%swap3A_555, %swap3A_556, %swap3A_557] : memref<1x32x65536xf32, #tpu.memory_space<vmem>>, vector<1x32x256xf32>
    %swap3A_559 = vector.shape_cast %swap3A_558 : vector<1x32x256xf32> to vector<32x256xf32>
    %swap3A_560 = vector.shape_cast %add3A_554 : vector<32x256xf32> to vector<1x32x256xf32>
    tpu.vector_store %arg3[%swap3A_555, %swap3A_556, %swap3A_557], %swap3A_560 {strides = array<i32>} : memref<1x32x65536xf32, #tpu.memory_space<vmem>>, vector<1x32x256xf32>,
    %get3A_561 = arith.constant 0 : index
    %get3A_562 = arith.constant 51 : index
    %get3A_563 = vector.load %arg1[%get3A_561, %get3A_562] : memref<32x256xf32, #tpu.memory_space<vmem>>, vector<32x1xf32>
    %add3A_564 = vector.broadcast %get3A_563 : vector<32x1xf32> to vector<32x256xf32>
    %add3A_565 = arith.addf %add3A_564, %get3A_1 : vector<32x256xf32>
    %swap3A_566 = arith.constant 0 : index
    %swap3A_567 = arith.constant 0 : index
    %swap3A_568 = arith.constant 13056 : index
    %swap3A_569 = vector.load %arg3[%swap3A_566, %swap3A_567, %swap3A_568] : memref<1x32x65536xf32, #tpu.memory_space<vmem>>, vector<1x32x256xf32>
    %swap3A_570 = vector.shape_cast %swap3A_569 : vector<1x32x256xf32> to vector<32x256xf32>
    %swap3A_571 = vector.shape_cast %add3A_565 : vector<32x256xf32> to vector<1x32x256xf32>
    tpu.vector_store %arg3[%swap3A_566, %swap3A_567, %swap3A_568], %swap3A_571 {strides = array<i32>} : memref<1x32x65536xf32, #tpu.memory_space<vmem>>, vector<1x32x256xf32>,
    %get3A_572 = arith.constant 0 : index
    %get3A_573 = arith.constant 52 : index
    %get3A_574 = vector.load %arg1[%get3A_572, %get3A_573] : memref<32x256xf32, #tpu.memory_space<vmem>>, vector<32x1xf32>
    %add3A_575 = vector.broadcast %get3A_574 : vector<32x1xf32> to vector<32x256xf32>
    %add3A_576 = arith.addf %add3A_575, %get3A_1 : vector<32x256xf32>
    %swap3A_577 = arith.constant 0 : index
    %swap3A_578 = arith.constant 0 : index
    %swap3A_579 = arith.constant 13312 : index
    %swap3A_580 = vector.load %arg3[%swap3A_577, %swap3A_578, %swap3A_579] : memref<1x32x65536xf32, #tpu.memory_space<vmem>>, vector<1x32x256xf32>
    %swap3A_581 = vector.shape_cast %swap3A_580 : vector<1x32x256xf32> to vector<32x256xf32>
    %swap3A_582 = vector.shape_cast %add3A_576 : vector<32x256xf32> to vector<1x32x256xf32>
    tpu.vector_store %arg3[%swap3A_577, %swap3A_578, %swap3A_579], %swap3A_582 {strides = array<i32>} : memref<1x32x65536xf32, #tpu.memory_space<vmem>>, vector<1x32x256xf32>,
    %get3A_583 = arith.constant 0 : index
    %get3A_584 = arith.constant 53 : index
    %get3A_585 = vector.load %arg1[%get3A_583, %get3A_584] : memref<32x256xf32, #tpu.memory_space<vmem>>, vector<32x1xf32>
    %add3A_586 = vector.broadcast %get3A_585 : vector<32x1xf32> to vector<32x256xf32>
    %add3A_587 = arith.addf %add3A_586, %get3A_1 : vector<32x256xf32>
    %swap3A_588 = arith.constant 0 : index
    %swap3A_589 = arith.constant 0 : index
    %swap3A_590 = arith.constant 13568 : index
    %swap3A_591 = vector.load %arg3[%swap3A_588, %swap3A_589, %swap3A_590] : memref<1x32x65536xf32, #tpu.memory_space<vmem>>, vector<1x32x256xf32>
    %swap3A_592 = vector.shape_cast %swap3A_591 : vector<1x32x256xf32> to vector<32x256xf32>
    %swap3A_593 = vector.shape_cast %add3A_587 : vector<32x256xf32> to vector<1x32x256xf32>
    tpu.vector_store %arg3[%swap3A_588, %swap3A_589, %swap3A_590], %swap3A_593 {strides = array<i32>} : memref<1x32x65536xf32, #tpu.memory_space<vmem>>, vector<1x32x256xf32>,
    %get3A_594 = arith.constant 0 : index
    %get3A_595 = arith.constant 54 : index
    %get3A_596 = vector.load %arg1[%get3A_594, %get3A_595] : memref<32x256xf32, #tpu.memory_space<vmem>>, vector<32x1xf32>
    %add3A_597 = vector.broadcast %get3A_596 : vector<32x1xf32> to vector<32x256xf32>
    %add3A_598 = arith.addf %add3A_597, %get3A_1 : vector<32x256xf32>
    %swap3A_599 = arith.constant 0 : index
    %swap3A_600 = arith.constant 0 : index
    %swap3A_601 = arith.constant 13824 : index
    %swap3A_602 = vector.load %arg3[%swap3A_599, %swap3A_600, %swap3A_601] : memref<1x32x65536xf32, #tpu.memory_space<vmem>>, vector<1x32x256xf32>
    %swap3A_603 = vector.shape_cast %swap3A_602 : vector<1x32x256xf32> to vector<32x256xf32>
    %swap3A_604 = vector.shape_cast %add3A_598 : vector<32x256xf32> to vector<1x32x256xf32>
    tpu.vector_store %arg3[%swap3A_599, %swap3A_600, %swap3A_601], %swap3A_604 {strides = array<i32>} : memref<1x32x65536xf32, #tpu.memory_space<vmem>>, vector<1x32x256xf32>,
    %get3A_605 = arith.constant 0 : index
    %get3A_606 = arith.constant 55 : index
    %get3A_607 = vector.load %arg1[%get3A_605, %get3A_606] : memref<32x256xf32, #tpu.memory_space<vmem>>, vector<32x1xf32>
    %add3A_608 = vector.broadcast %get3A_607 : vector<32x1xf32> to vector<32x256xf32>
    %add3A_609 = arith.addf %add3A_608, %get3A_1 : vector<32x256xf32>
    %swap3A_610 = arith.constant 0 : index
    %swap3A_611 = arith.constant 0 : index
    %swap3A_612 = arith.constant 14080 : index
    %swap3A_613 = vector.load %arg3[%swap3A_610, %swap3A_611, %swap3A_612] : memref<1x32x65536xf32, #tpu.memory_space<vmem>>, vector<1x32x256xf32>
    %swap3A_614 = vector.shape_cast %swap3A_613 : vector<1x32x256xf32> to vector<32x256xf32>
    %swap3A_615 = vector.shape_cast %add3A_609 : vector<32x256xf32> to vector<1x32x256xf32>
    tpu.vector_store %arg3[%swap3A_610, %swap3A_611, %swap3A_612], %swap3A_615 {strides = array<i32>} : memref<1x32x65536xf32, #tpu.memory_space<vmem>>, vector<1x32x256xf32>,
    %get3A_616 = arith.constant 0 : index
    %get3A_617 = arith.constant 56 : index
    %get3A_618 = vector.load %arg1[%get3A_616, %get3A_617] : memref<32x256xf32, #tpu.memory_space<vmem>>, vector<32x1xf32>
    %add3A_619 = vector.broadcast %get3A_618 : vector<32x1xf32> to vector<32x256xf32>
    %add3A_620 = arith.addf %add3A_619, %get3A_1 : vector<32x256xf32>
    %swap3A_621 = arith.constant 0 : index
    %swap3A_622 = arith.constant 0 : index
    %swap3A_623 = arith.constant 14336 : index
    %swap3A_624 = vector.load %arg3[%swap3A_621, %swap3A_622, %swap3A_623] : memref<1x32x65536xf32, #tpu.memory_space<vmem>>, vector<1x32x256xf32>
    %swap3A_625 = vector.shape_cast %swap3A_624 : vector<1x32x256xf32> to vector<32x256xf32>
    %swap3A_626 = vector.shape_cast %add3A_620 : vector<32x256xf32> to vector<1x32x256xf32>
    tpu.vector_store %arg3[%swap3A_621, %swap3A_622, %swap3A_623], %swap3A_626 {strides = array<i32>} : memref<1x32x65536xf32, #tpu.memory_space<vmem>>, vector<1x32x256xf32>,
    %get3A_627 = arith.constant 0 : index
    %get3A_628 = arith.constant 57 : index
    %get3A_629 = vector.load %arg1[%get3A_627, %get3A_628] : memref<32x256xf32, #tpu.memory_space<vmem>>, vector<32x1xf32>
    %add3A_630 = vector.broadcast %get3A_629 : vector<32x1xf32> to vector<32x256xf32>
    %add3A_631 = arith.addf %add3A_630, %get3A_1 : vector<32x256xf32>
    %swap3A_632 = arith.constant 0 : index
    %swap3A_633 = arith.constant 0 : index
    %swap3A_634 = arith.constant 14592 : index
    %swap3A_635 = vector.load %arg3[%swap3A_632, %swap3A_633, %swap3A_634] : memref<1x32x65536xf32, #tpu.memory_space<vmem>>, vector<1x32x256xf32>
    %swap3A_636 = vector.shape_cast %swap3A_635 : vector<1x32x256xf32> to vector<32x256xf32>
    %swap3A_637 = vector.shape_cast %add3A_631 : vector<32x256xf32> to vector<1x32x256xf32>
    tpu.vector_store %arg3[%swap3A_632, %swap3A_633, %swap3A_634], %swap3A_637 {strides = array<i32>} : memref<1x32x65536xf32, #tpu.memory_space<vmem>>, vector<1x32x256xf32>,
    %get3A_638 = arith.constant 0 : index
    %get3A_639 = arith.constant 58 : index
    %get3A_640 = vector.load %arg1[%get3A_638, %get3A_639] : memref<32x256xf32, #tpu.memory_space<vmem>>, vector<32x1xf32>
    %add3A_641 = vector.broadcast %get3A_640 : vector<32x1xf32> to vector<32x256xf32>
    %add3A_642 = arith.addf %add3A_641, %get3A_1 : vector<32x256xf32>
    %swap3A_643 = arith.constant 0 : index
    %swap3A_644 = arith.constant 0 : index
    %swap3A_645 = arith.constant 14848 : index
    %swap3A_646 = vector.load %arg3[%swap3A_643, %swap3A_644, %swap3A_645] : memref<1x32x65536xf32, #tpu.memory_space<vmem>>, vector<1x32x256xf32>
    %swap3A_647 = vector.shape_cast %swap3A_646 : vector<1x32x256xf32> to vector<32x256xf32>
    %swap3A_648 = vector.shape_cast %add3A_642 : vector<32x256xf32> to vector<1x32x256xf32>
    tpu.vector_store %arg3[%swap3A_643, %swap3A_644, %swap3A_645], %swap3A_648 {strides = array<i32>} : memref<1x32x65536xf32, #tpu.memory_space<vmem>>, vector<1x32x256xf32>,
    %get3A_649 = arith.constant 0 : index
    %get3A_650 = arith.constant 59 : index
    %get3A_651 = vector.load %arg1[%get3A_649, %get3A_650] : memref<32x256xf32, #tpu.memory_space<vmem>>, vector<32x1xf32>
    %add3A_652 = vector.broadcast %get3A_651 : vector<32x1xf32> to vector<32x256xf32>
    %add3A_653 = arith.addf %add3A_652, %get3A_1 : vector<32x256xf32>
    %swap3A_654 = arith.constant 0 : index
    %swap3A_655 = arith.constant 0 : index
    %swap3A_656 = arith.constant 15104 : index
    %swap3A_657 = vector.load %arg3[%swap3A_654, %swap3A_655, %swap3A_656] : memref<1x32x65536xf32, #tpu.memory_space<vmem>>, vector<1x32x256xf32>
    %swap3A_658 = vector.shape_cast %swap3A_657 : vector<1x32x256xf32> to vector<32x256xf32>
    %swap3A_659 = vector.shape_cast %add3A_653 : vector<32x256xf32> to vector<1x32x256xf32>
    tpu.vector_store %arg3[%swap3A_654, %swap3A_655, %swap3A_656], %swap3A_659 {strides = array<i32>} : memref<1x32x65536xf32, #tpu.memory_space<vmem>>, vector<1x32x256xf32>,
    %get3A_660 = arith.constant 0 : index
    %get3A_661 = arith.constant 60 : index
    %get3A_662 = vector.load %arg1[%get3A_660, %get3A_661] : memref<32x256xf32, #tpu.memory_space<vmem>>, vector<32x1xf32>
    %add3A_663 = vector.broadcast %get3A_662 : vector<32x1xf32> to vector<32x256xf32>
    %add3A_664 = arith.addf %add3A_663, %get3A_1 : vector<32x256xf32>
    %swap3A_665 = arith.constant 0 : index
    %swap3A_666 = arith.constant 0 : index
    %swap3A_667 = arith.constant 15360 : index
    %swap3A_668 = vector.load %arg3[%swap3A_665, %swap3A_666, %swap3A_667] : memref<1x32x65536xf32, #tpu.memory_space<vmem>>, vector<1x32x256xf32>
    %swap3A_669 = vector.shape_cast %swap3A_668 : vector<1x32x256xf32> to vector<32x256xf32>
    %swap3A_670 = vector.shape_cast %add3A_664 : vector<32x256xf32> to vector<1x32x256xf32>
    tpu.vector_store %arg3[%swap3A_665, %swap3A_666, %swap3A_667], %swap3A_670 {strides = array<i32>} : memref<1x32x65536xf32, #tpu.memory_space<vmem>>, vector<1x32x256xf32>,
    %get3A_671 = arith.constant 0 : index
    %get3A_672 = arith.constant 61 : index
    %get3A_673 = vector.load %arg1[%get3A_671, %get3A_672] : memref<32x256xf32, #tpu.memory_space<vmem>>, vector<32x1xf32>
    %add3A_674 = vector.broadcast %get3A_673 : vector<32x1xf32> to vector<32x256xf32>
    %add3A_675 = arith.addf %add3A_674, %get3A_1 : vector<32x256xf32>
    %swap3A_676 = arith.constant 0 : index
    %swap3A_677 = arith.constant 0 : index
    %swap3A_678 = arith.constant 15616 : index
    %swap3A_679 = vector.load %arg3[%swap3A_676, %swap3A_677, %swap3A_678] : memref<1x32x65536xf32, #tpu.memory_space<vmem>>, vector<1x32x256xf32>
    %swap3A_680 = vector.shape_cast %swap3A_679 : vector<1x32x256xf32> to vector<32x256xf32>
    %swap3A_681 = vector.shape_cast %add3A_675 : vector<32x256xf32> to vector<1x32x256xf32>
    tpu.vector_store %arg3[%swap3A_676, %swap3A_677, %swap3A_678], %swap3A_681 {strides = array<i32>} : memref<1x32x65536xf32, #tpu.memory_space<vmem>>, vector<1x32x256xf32>,
    %get3A_682 = arith.constant 0 : index
    %get3A_683 = arith.constant 62 : index
    %get3A_684 = vector.load %arg1[%get3A_682, %get3A_683] : memref<32x256xf32, #tpu.memory_space<vmem>>, vector<32x1xf32>
    %add3A_685 = vector.broadcast %get3A_684 : vector<32x1xf32> to vector<32x256xf32>
    %add3A_686 = arith.addf %add3A_685, %get3A_1 : vector<32x256xf32>
    %swap3A_687 = arith.constant 0 : index
    %swap3A_688 = arith.constant 0 : index
    %swap3A_689 = arith.constant 15872 : index
    %swap3A_690 = vector.load %arg3[%swap3A_687, %swap3A_688, %swap3A_689] : memref<1x32x65536xf32, #tpu.memory_space<vmem>>, vector<1x32x256xf32>
    %swap3A_691 = vector.shape_cast %swap3A_690 : vector<1x32x256xf32> to vector<32x256xf32>
    %swap3A_692 = vector.shape_cast %add3A_686 : vector<32x256xf32> to vector<1x32x256xf32>
    tpu.vector_store %arg3[%swap3A_687, %swap3A_688, %swap3A_689], %swap3A_692 {strides = array<i32>} : memref<1x32x65536xf32, #tpu.memory_space<vmem>>, vector<1x32x256xf32>,
    %get3A_693 = arith.constant 0 : index
    %get3A_694 = arith.constant 63 : index
    %get3A_695 = vector.load %arg1[%get3A_693, %get3A_694] : memref<32x256xf32, #tpu.memory_space<vmem>>, vector<32x1xf32>
    %add3A_696 = vector.broadcast %get3A_695 : vector<32x1xf32> to vector<32x256xf32>
    %add3A_697 = arith.addf %add3A_696, %get3A_1 : vector<32x256xf32>
    %swap3A_698 = arith.constant 0 : index
    %swap3A_699 = arith.constant 0 : index
    %swap3A_700 = arith.constant 16128 : index
    %swap3A_701 = vector.load %arg3[%swap3A_698, %swap3A_699, %swap3A_700] : memref<1x32x65536xf32, #tpu.memory_space<vmem>>, vector<1x32x256xf32>
    %swap3A_702 = vector.shape_cast %swap3A_701 : vector<1x32x256xf32> to vector<32x256xf32>
    %swap3A_703 = vector.shape_cast %add3A_697 : vector<32x256xf32> to vector<1x32x256xf32>
    tpu.vector_store %arg3[%swap3A_698, %swap3A_699, %swap3A_700], %swap3A_703 {strides = array<i32>} : memref<1x32x65536xf32, #tpu.memory_space<vmem>>, vector<1x32x256xf32>,
    %get3A_704 = arith.constant 0 : index
    %get3A_705 = arith.constant 64 : index
    %get3A_706 = vector.load %arg1[%get3A_704, %get3A_705] : memref<32x256xf32, #tpu.memory_space<vmem>>, vector<32x1xf32>
    %add3A_707 = vector.broadcast %get3A_706 : vector<32x1xf32> to vector<32x256xf32>
    %add3A_708 = arith.addf %add3A_707, %get3A_1 : vector<32x256xf32>
    %swap3A_709 = arith.constant 0 : index
    %swap3A_710 = arith.constant 0 : index
    %swap3A_711 = arith.constant 16384 : index
    %swap3A_712 = vector.load %arg3[%swap3A_709, %swap3A_710, %swap3A_711] : memref<1x32x65536xf32, #tpu.memory_space<vmem>>, vector<1x32x256xf32>
    %swap3A_713 = vector.shape_cast %swap3A_712 : vector<1x32x256xf32> to vector<32x256xf32>
    %swap3A_714 = vector.shape_cast %add3A_708 : vector<32x256xf32> to vector<1x32x256xf32>
    tpu.vector_store %arg3[%swap3A_709, %swap3A_710, %swap3A_711], %swap3A_714 {strides = array<i32>} : memref<1x32x65536xf32, #tpu.memory_space<vmem>>, vector<1x32x256xf32>,
    %get3A_715 = arith.constant 0 : index
    %get3A_716 = arith.constant 65 : index
    %get3A_717 = vector.load %arg1[%get3A_715, %get3A_716] : memref<32x256xf32, #tpu.memory_space<vmem>>, vector<32x1xf32>
    %add3A_718 = vector.broadcast %get3A_717 : vector<32x1xf32> to vector<32x256xf32>
    %add3A_719 = arith.addf %add3A_718, %get3A_1 : vector<32x256xf32>
    %swap3A_720 = arith.constant 0 : index
    %swap3A_721 = arith.constant 0 : index
    %swap3A_722 = arith.constant 16640 : index
    %swap3A_723 = vector.load %arg3[%swap3A_720, %swap3A_721, %swap3A_722] : memref<1x32x65536xf32, #tpu.memory_space<vmem>>, vector<1x32x256xf32>
    %swap3A_724 = vector.shape_cast %swap3A_723 : vector<1x32x256xf32> to vector<32x256xf32>
    %swap3A_725 = vector.shape_cast %add3A_719 : vector<32x256xf32> to vector<1x32x256xf32>
    tpu.vector_store %arg3[%swap3A_720, %swap3A_721, %swap3A_722], %swap3A_725 {strides = array<i32>} : memref<1x32x65536xf32, #tpu.memory_space<vmem>>, vector<1x32x256xf32>,
    %get3A_726 = arith.constant 0 : index
    %get3A_727 = arith.constant 66 : index
    %get3A_728 = vector.load %arg1[%get3A_726, %get3A_727] : memref<32x256xf32, #tpu.memory_space<vmem>>, vector<32x1xf32>
    %add3A_729 = vector.broadcast %get3A_728 : vector<32x1xf32> to vector<32x256xf32>
    %add3A_730 = arith.addf %add3A_729, %get3A_1 : vector<32x256xf32>
    %swap3A_731 = arith.constant 0 : index
    %swap3A_732 = arith.constant 0 : index
    %swap3A_733 = arith.constant 16896 : index
    %swap3A_734 = vector.load %arg3[%swap3A_731, %swap3A_732, %swap3A_733] : memref<1x32x65536xf32, #tpu.memory_space<vmem>>, vector<1x32x256xf32>
    %swap3A_735 = vector.shape_cast %swap3A_734 : vector<1x32x256xf32> to vector<32x256xf32>
    %swap3A_736 = vector.shape_cast %add3A_730 : vector<32x256xf32> to vector<1x32x256xf32>
    tpu.vector_store %arg3[%swap3A_731, %swap3A_732, %swap3A_733], %swap3A_736 {strides = array<i32>} : memref<1x32x65536xf32, #tpu.memory_space<vmem>>, vector<1x32x256xf32>,
    %get3A_737 = arith.constant 0 : index
    %get3A_738 = arith.constant 67 : index
    %get3A_739 = vector.load %arg1[%get3A_737, %get3A_738] : memref<32x256xf32, #tpu.memory_space<vmem>>, vector<32x1xf32>
    %add3A_740 = vector.broadcast %get3A_739 : vector<32x1xf32> to vector<32x256xf32>
    %add3A_741 = arith.addf %add3A_740, %get3A_1 : vector<32x256xf32>
    %swap3A_742 = arith.constant 0 : index
    %swap3A_743 = arith.constant 0 : index
    %swap3A_744 = arith.constant 17152 : index
    %swap3A_745 = vector.load %arg3[%swap3A_742, %swap3A_743, %swap3A_744] : memref<1x32x65536xf32, #tpu.memory_space<vmem>>, vector<1x32x256xf32>
    %swap3A_746 = vector.shape_cast %swap3A_745 : vector<1x32x256xf32> to vector<32x256xf32>
    %swap3A_747 = vector.shape_cast %add3A_741 : vector<32x256xf32> to vector<1x32x256xf32>
    tpu.vector_store %arg3[%swap3A_742, %swap3A_743, %swap3A_744], %swap3A_747 {strides = array<i32>} : memref<1x32x65536xf32, #tpu.memory_space<vmem>>, vector<1x32x256xf32>,
    %get3A_748 = arith.constant 0 : index
    %get3A_749 = arith.constant 68 : index
    %get3A_750 = vector.load %arg1[%get3A_748, %get3A_749] : memref<32x256xf32, #tpu.memory_space<vmem>>, vector<32x1xf32>
    %add3A_751 = vector.broadcast %get3A_750 : vector<32x1xf32> to vector<32x256xf32>
    %add3A_752 = arith.addf %add3A_751, %get3A_1 : vector<32x256xf32>
    %swap3A_753 = arith.constant 0 : index
    %swap3A_754 = arith.constant 0 : index
    %swap3A_755 = arith.constant 17408 : index
    %swap3A_756 = vector.load %arg3[%swap3A_753, %swap3A_754, %swap3A_755] : memref<1x32x65536xf32, #tpu.memory_space<vmem>>, vector<1x32x256xf32>
    %swap3A_757 = vector.shape_cast %swap3A_756 : vector<1x32x256xf32> to vector<32x256xf32>
    %swap3A_758 = vector.shape_cast %add3A_752 : vector<32x256xf32> to vector<1x32x256xf32>
    tpu.vector_store %arg3[%swap3A_753, %swap3A_754, %swap3A_755], %swap3A_758 {strides = array<i32>} : memref<1x32x65536xf32, #tpu.memory_space<vmem>>, vector<1x32x256xf32>,
    %get3A_759 = arith.constant 0 : index
    %get3A_760 = arith.constant 69 : index
    %get3A_761 = vector.load %arg1[%get3A_759, %get3A_760] : memref<32x256xf32, #tpu.memory_space<vmem>>, vector<32x1xf32>
    %add3A_762 = vector.broadcast %get3A_761 : vector<32x1xf32> to vector<32x256xf32>
    %add3A_763 = arith.addf %add3A_762, %get3A_1 : vector<32x256xf32>
    %swap3A_764 = arith.constant 0 : index
    %swap3A_765 = arith.constant 0 : index
    %swap3A_766 = arith.constant 17664 : index
    %swap3A_767 = vector.load %arg3[%swap3A_764, %swap3A_765, %swap3A_766] : memref<1x32x65536xf32, #tpu.memory_space<vmem>>, vector<1x32x256xf32>
    %swap3A_768 = vector.shape_cast %swap3A_767 : vector<1x32x256xf32> to vector<32x256xf32>
    %swap3A_769 = vector.shape_cast %add3A_763 : vector<32x256xf32> to vector<1x32x256xf32>
    tpu.vector_store %arg3[%swap3A_764, %swap3A_765, %swap3A_766], %swap3A_769 {strides = array<i32>} : memref<1x32x65536xf32, #tpu.memory_space<vmem>>, vector<1x32x256xf32>,
    %get3A_770 = arith.constant 0 : index
    %get3A_771 = arith.constant 70 : index
    %get3A_772 = vector.load %arg1[%get3A_770, %get3A_771] : memref<32x256xf32, #tpu.memory_space<vmem>>, vector<32x1xf32>
    %add3A_773 = vector.broadcast %get3A_772 : vector<32x1xf32> to vector<32x256xf32>
    %add3A_774 = arith.addf %add3A_773, %get3A_1 : vector<32x256xf32>
    %swap3A_775 = arith.constant 0 : index
    %swap3A_776 = arith.constant 0 : index
    %swap3A_777 = arith.constant 17920 : index
    %swap3A_778 = vector.load %arg3[%swap3A_775, %swap3A_776, %swap3A_777] : memref<1x32x65536xf32, #tpu.memory_space<vmem>>, vector<1x32x256xf32>
    %swap3A_779 = vector.shape_cast %swap3A_778 : vector<1x32x256xf32> to vector<32x256xf32>
    %swap3A_780 = vector.shape_cast %add3A_774 : vector<32x256xf32> to vector<1x32x256xf32>
    tpu.vector_store %arg3[%swap3A_775, %swap3A_776, %swap3A_777], %swap3A_780 {strides = array<i32>} : memref<1x32x65536xf32, #tpu.memory_space<vmem>>, vector<1x32x256xf32>,
    %get3A_781 = arith.constant 0 : index
    %get3A_782 = arith.constant 71 : index
    %get3A_783 = vector.load %arg1[%get3A_781, %get3A_782] : memref<32x256xf32, #tpu.memory_space<vmem>>, vector<32x1xf32>
    %add3A_784 = vector.broadcast %get3A_783 : vector<32x1xf32> to vector<32x256xf32>
    %add3A_785 = arith.addf %add3A_784, %get3A_1 : vector<32x256xf32>
    %swap3A_786 = arith.constant 0 : index
    %swap3A_787 = arith.constant 0 : index
    %swap3A_788 = arith.constant 18176 : index
    %swap3A_789 = vector.load %arg3[%swap3A_786, %swap3A_787, %swap3A_788] : memref<1x32x65536xf32, #tpu.memory_space<vmem>>, vector<1x32x256xf32>
    %swap3A_790 = vector.shape_cast %swap3A_789 : vector<1x32x256xf32> to vector<32x256xf32>
    %swap3A_791 = vector.shape_cast %add3A_785 : vector<32x256xf32> to vector<1x32x256xf32>
    tpu.vector_store %arg3[%swap3A_786, %swap3A_787, %swap3A_788], %swap3A_791 {strides = array<i32>} : memref<1x32x65536xf32, #tpu.memory_space<vmem>>, vector<1x32x256xf32>,
    %get3A_792 = arith.constant 0 : index
    %get3A_793 = arith.constant 72 : index
    %get3A_794 = vector.load %arg1[%get3A_792, %get3A_793] : memref<32x256xf32, #tpu.memory_space<vmem>>, vector<32x1xf32>
    %add3A_795 = vector.broadcast %get3A_794 : vector<32x1xf32> to vector<32x256xf32>
    %add3A_796 = arith.addf %add3A_795, %get3A_1 : vector<32x256xf32>
    %swap3A_797 = arith.constant 0 : index
    %swap3A_798 = arith.constant 0 : index
    %swap3A_799 = arith.constant 18432 : index
    %swap3A_800 = vector.load %arg3[%swap3A_797, %swap3A_798, %swap3A_799] : memref<1x32x65536xf32, #tpu.memory_space<vmem>>, vector<1x32x256xf32>
    %swap3A_801 = vector.shape_cast %swap3A_800 : vector<1x32x256xf32> to vector<32x256xf32>
    %swap3A_802 = vector.shape_cast %add3A_796 : vector<32x256xf32> to vector<1x32x256xf32>
    tpu.vector_store %arg3[%swap3A_797, %swap3A_798, %swap3A_799], %swap3A_802 {strides = array<i32>} : memref<1x32x65536xf32, #tpu.memory_space<vmem>>, vector<1x32x256xf32>,
    %get3A_803 = arith.constant 0 : index
    %get3A_804 = arith.constant 73 : index
    %get3A_805 = vector.load %arg1[%get3A_803, %get3A_804] : memref<32x256xf32, #tpu.memory_space<vmem>>, vector<32x1xf32>
    %add3A_806 = vector.broadcast %get3A_805 : vector<32x1xf32> to vector<32x256xf32>
    %add3A_807 = arith.addf %add3A_806, %get3A_1 : vector<32x256xf32>
    %swap3A_808 = arith.constant 0 : index
    %swap3A_809 = arith.constant 0 : index
    %swap3A_810 = arith.constant 18688 : index
    %swap3A_811 = vector.load %arg3[%swap3A_808, %swap3A_809, %swap3A_810] : memref<1x32x65536xf32, #tpu.memory_space<vmem>>, vector<1x32x256xf32>
    %swap3A_812 = vector.shape_cast %swap3A_811 : vector<1x32x256xf32> to vector<32x256xf32>
    %swap3A_813 = vector.shape_cast %add3A_807 : vector<32x256xf32> to vector<1x32x256xf32>
    tpu.vector_store %arg3[%swap3A_808, %swap3A_809, %swap3A_810], %swap3A_813 {strides = array<i32>} : memref<1x32x65536xf32, #tpu.memory_space<vmem>>, vector<1x32x256xf32>,
    %get3A_814 = arith.constant 0 : index
    %get3A_815 = arith.constant 74 : index
    %get3A_816 = vector.load %arg1[%get3A_814, %get3A_815] : memref<32x256xf32, #tpu.memory_space<vmem>>, vector<32x1xf32>
    %add3A_817 = vector.broadcast %get3A_816 : vector<32x1xf32> to vector<32x256xf32>
    %add3A_818 = arith.addf %add3A_817, %get3A_1 : vector<32x256xf32>
    %swap3A_819 = arith.constant 0 : index
    %swap3A_820 = arith.constant 0 : index
    %swap3A_821 = arith.constant 18944 : index
    %swap3A_822 = vector.load %arg3[%swap3A_819, %swap3A_820, %swap3A_821] : memref<1x32x65536xf32, #tpu.memory_space<vmem>>, vector<1x32x256xf32>
    %swap3A_823 = vector.shape_cast %swap3A_822 : vector<1x32x256xf32> to vector<32x256xf32>
    %swap3A_824 = vector.shape_cast %add3A_818 : vector<32x256xf32> to vector<1x32x256xf32>
    tpu.vector_store %arg3[%swap3A_819, %swap3A_820, %swap3A_821], %swap3A_824 {strides = array<i32>} : memref<1x32x65536xf32, #tpu.memory_space<vmem>>, vector<1x32x256xf32>,
    %get3A_825 = arith.constant 0 : index
    %get3A_826 = arith.constant 75 : index
    %get3A_827 = vector.load %arg1[%get3A_825, %get3A_826] : memref<32x256xf32, #tpu.memory_space<vmem>>, vector<32x1xf32>
    %add3A_828 = vector.broadcast %get3A_827 : vector<32x1xf32> to vector<32x256xf32>
    %add3A_829 = arith.addf %add3A_828, %get3A_1 : vector<32x256xf32>
    %swap3A_830 = arith.constant 0 : index
    %swap3A_831 = arith.constant 0 : index
    %swap3A_832 = arith.constant 19200 : index
    %swap3A_833 = vector.load %arg3[%swap3A_830, %swap3A_831, %swap3A_832] : memref<1x32x65536xf32, #tpu.memory_space<vmem>>, vector<1x32x256xf32>
    %swap3A_834 = vector.shape_cast %swap3A_833 : vector<1x32x256xf32> to vector<32x256xf32>
    %swap3A_835 = vector.shape_cast %add3A_829 : vector<32x256xf32> to vector<1x32x256xf32>
    tpu.vector_store %arg3[%swap3A_830, %swap3A_831, %swap3A_832], %swap3A_835 {strides = array<i32>} : memref<1x32x65536xf32, #tpu.memory_space<vmem>>, vector<1x32x256xf32>,
    %get3A_836 = arith.constant 0 : index
    %get3A_837 = arith.constant 76 : index
    %get3A_838 = vector.load %arg1[%get3A_836, %get3A_837] : memref<32x256xf32, #tpu.memory_space<vmem>>, vector<32x1xf32>
    %add3A_839 = vector.broadcast %get3A_838 : vector<32x1xf32> to vector<32x256xf32>
    %add3A_840 = arith.addf %add3A_839, %get3A_1 : vector<32x256xf32>
    %swap3A_841 = arith.constant 0 : index
    %swap3A_842 = arith.constant 0 : index
    %swap3A_843 = arith.constant 19456 : index
    %swap3A_844 = vector.load %arg3[%swap3A_841, %swap3A_842, %swap3A_843] : memref<1x32x65536xf32, #tpu.memory_space<vmem>>, vector<1x32x256xf32>
    %swap3A_845 = vector.shape_cast %swap3A_844 : vector<1x32x256xf32> to vector<32x256xf32>
    %swap3A_846 = vector.shape_cast %add3A_840 : vector<32x256xf32> to vector<1x32x256xf32>
    tpu.vector_store %arg3[%swap3A_841, %swap3A_842, %swap3A_843], %swap3A_846 {strides = array<i32>} : memref<1x32x65536xf32, #tpu.memory_space<vmem>>, vector<1x32x256xf32>,
    %get3A_847 = arith.constant 0 : index
    %get3A_848 = arith.constant 77 : index
    %get3A_849 = vector.load %arg1[%get3A_847, %get3A_848] : memref<32x256xf32, #tpu.memory_space<vmem>>, vector<32x1xf32>
    %add3A_850 = vector.broadcast %get3A_849 : vector<32x1xf32> to vector<32x256xf32>
    %add3A_851 = arith.addf %add3A_850, %get3A_1 : vector<32x256xf32>
    %swap3A_852 = arith.constant 0 : index
    %swap3A_853 = arith.constant 0 : index
    %swap3A_854 = arith.constant 19712 : index
    %swap3A_855 = vector.load %arg3[%swap3A_852, %swap3A_853, %swap3A_854] : memref<1x32x65536xf32, #tpu.memory_space<vmem>>, vector<1x32x256xf32>
    %swap3A_856 = vector.shape_cast %swap3A_855 : vector<1x32x256xf32> to vector<32x256xf32>
    %swap3A_857 = vector.shape_cast %add3A_851 : vector<32x256xf32> to vector<1x32x256xf32>
    tpu.vector_store %arg3[%swap3A_852, %swap3A_853, %swap3A_854], %swap3A_857 {strides = array<i32>} : memref<1x32x65536xf32, #tpu.memory_space<vmem>>, vector<1x32x256xf32>,
    %get3A_858 = arith.constant 0 : index
    %get3A_859 = arith.constant 78 : index
    %get3A_860 = vector.load %arg1[%get3A_858, %get3A_859] : memref<32x256xf32, #tpu.memory_space<vmem>>, vector<32x1xf32>
    %add3A_861 = vector.broadcast %get3A_860 : vector<32x1xf32> to vector<32x256xf32>
    %add3A_862 = arith.addf %add3A_861, %get3A_1 : vector<32x256xf32>
    %swap3A_863 = arith.constant 0 : index
    %swap3A_864 = arith.constant 0 : index
    %swap3A_865 = arith.constant 19968 : index
    %swap3A_866 = vector.load %arg3[%swap3A_863, %swap3A_864, %swap3A_865] : memref<1x32x65536xf32, #tpu.memory_space<vmem>>, vector<1x32x256xf32>
    %swap3A_867 = vector.shape_cast %swap3A_866 : vector<1x32x256xf32> to vector<32x256xf32>
    %swap3A_868 = vector.shape_cast %add3A_862 : vector<32x256xf32> to vector<1x32x256xf32>
    tpu.vector_store %arg3[%swap3A_863, %swap3A_864, %swap3A_865], %swap3A_868 {strides = array<i32>} : memref<1x32x65536xf32, #tpu.memory_space<vmem>>, vector<1x32x256xf32>,
    %get3A_869 = arith.constant 0 : index
    %get3A_870 = arith.constant 79 : index
    %get3A_871 = vector.load %arg1[%get3A_869, %get3A_870] : memref<32x256xf32, #tpu.memory_space<vmem>>, vector<32x1xf32>
    %add3A_872 = vector.broadcast %get3A_871 : vector<32x1xf32> to vector<32x256xf32>
    %add3A_873 = arith.addf %add3A_872, %get3A_1 : vector<32x256xf32>
    %swap3A_874 = arith.constant 0 : index
    %swap3A_875 = arith.constant 0 : index
    %swap3A_876 = arith.constant 20224 : index
    %swap3A_877 = vector.load %arg3[%swap3A_874, %swap3A_875, %swap3A_876] : memref<1x32x65536xf32, #tpu.memory_space<vmem>>, vector<1x32x256xf32>
    %swap3A_878 = vector.shape_cast %swap3A_877 : vector<1x32x256xf32> to vector<32x256xf32>
    %swap3A_879 = vector.shape_cast %add3A_873 : vector<32x256xf32> to vector<1x32x256xf32>
    tpu.vector_store %arg3[%swap3A_874, %swap3A_875, %swap3A_876], %swap3A_879 {strides = array<i32>} : memref<1x32x65536xf32, #tpu.memory_space<vmem>>, vector<1x32x256xf32>,
    %get3A_880 = arith.constant 0 : index
    %get3A_881 = arith.constant 80 : index
    %get3A_882 = vector.load %arg1[%get3A_880, %get3A_881] : memref<32x256xf32, #tpu.memory_space<vmem>>, vector<32x1xf32>
    %add3A_883 = vector.broadcast %get3A_882 : vector<32x1xf32> to vector<32x256xf32>
    %add3A_884 = arith.addf %add3A_883, %get3A_1 : vector<32x256xf32>
    %swap3A_885 = arith.constant 0 : index
    %swap3A_886 = arith.constant 0 : index
    %swap3A_887 = arith.constant 20480 : index
    %swap3A_888 = vector.load %arg3[%swap3A_885, %swap3A_886, %swap3A_887] : memref<1x32x65536xf32, #tpu.memory_space<vmem>>, vector<1x32x256xf32>
    %swap3A_889 = vector.shape_cast %swap3A_888 : vector<1x32x256xf32> to vector<32x256xf32>
    %swap3A_890 = vector.shape_cast %add3A_884 : vector<32x256xf32> to vector<1x32x256xf32>
    tpu.vector_store %arg3[%swap3A_885, %swap3A_886, %swap3A_887], %swap3A_890 {strides = array<i32>} : memref<1x32x65536xf32, #tpu.memory_space<vmem>>, vector<1x32x256xf32>,
    %get3A_891 = arith.constant 0 : index
    %get3A_892 = arith.constant 81 : index
    %get3A_893 = vector.load %arg1[%get3A_891, %get3A_892] : memref<32x256xf32, #tpu.memory_space<vmem>>, vector<32x1xf32>
    %add3A_894 = vector.broadcast %get3A_893 : vector<32x1xf32> to vector<32x256xf32>
    %add3A_895 = arith.addf %add3A_894, %get3A_1 : vector<32x256xf32>
    %swap3A_896 = arith.constant 0 : index
    %swap3A_897 = arith.constant 0 : index
    %swap3A_898 = arith.constant 20736 : index
    %swap3A_899 = vector.load %arg3[%swap3A_896, %swap3A_897, %swap3A_898] : memref<1x32x65536xf32, #tpu.memory_space<vmem>>, vector<1x32x256xf32>
    %swap3A_900 = vector.shape_cast %swap3A_899 : vector<1x32x256xf32> to vector<32x256xf32>
    %swap3A_901 = vector.shape_cast %add3A_895 : vector<32x256xf32> to vector<1x32x256xf32>
    tpu.vector_store %arg3[%swap3A_896, %swap3A_897, %swap3A_898], %swap3A_901 {strides = array<i32>} : memref<1x32x65536xf32, #tpu.memory_space<vmem>>, vector<1x32x256xf32>,
    %get3A_902 = arith.constant 0 : index
    %get3A_903 = arith.constant 82 : index
    %get3A_904 = vector.load %arg1[%get3A_902, %get3A_903] : memref<32x256xf32, #tpu.memory_space<vmem>>, vector<32x1xf32>
    %add3A_905 = vector.broadcast %get3A_904 : vector<32x1xf32> to vector<32x256xf32>
    %add3A_906 = arith.addf %add3A_905, %get3A_1 : vector<32x256xf32>
    %swap3A_907 = arith.constant 0 : index
    %swap3A_908 = arith.constant 0 : index
    %swap3A_909 = arith.constant 20992 : index
    %swap3A_910 = vector.load %arg3[%swap3A_907, %swap3A_908, %swap3A_909] : memref<1x32x65536xf32, #tpu.memory_space<vmem>>, vector<1x32x256xf32>
    %swap3A_911 = vector.shape_cast %swap3A_910 : vector<1x32x256xf32> to vector<32x256xf32>
    %swap3A_912 = vector.shape_cast %add3A_906 : vector<32x256xf32> to vector<1x32x256xf32>
    tpu.vector_store %arg3[%swap3A_907, %swap3A_908, %swap3A_909], %swap3A_912 {strides = array<i32>} : memref<1x32x65536xf32, #tpu.memory_space<vmem>>, vector<1x32x256xf32>,
    %get3A_913 = arith.constant 0 : index
    %get3A_914 = arith.constant 83 : index
    %get3A_915 = vector.load %arg1[%get3A_913, %get3A_914] : memref<32x256xf32, #tpu.memory_space<vmem>>, vector<32x1xf32>
    %add3A_916 = vector.broadcast %get3A_915 : vector<32x1xf32> to vector<32x256xf32>
    %add3A_917 = arith.addf %add3A_916, %get3A_1 : vector<32x256xf32>
    %swap3A_918 = arith.constant 0 : index
    %swap3A_919 = arith.constant 0 : index
    %swap3A_920 = arith.constant 21248 : index
    %swap3A_921 = vector.load %arg3[%swap3A_918, %swap3A_919, %swap3A_920] : memref<1x32x65536xf32, #tpu.memory_space<vmem>>, vector<1x32x256xf32>
    %swap3A_922 = vector.shape_cast %swap3A_921 : vector<1x32x256xf32> to vector<32x256xf32>
    %swap3A_923 = vector.shape_cast %add3A_917 : vector<32x256xf32> to vector<1x32x256xf32>
    tpu.vector_store %arg3[%swap3A_918, %swap3A_919, %swap3A_920], %swap3A_923 {strides = array<i32>} : memref<1x32x65536xf32, #tpu.memory_space<vmem>>, vector<1x32x256xf32>,
    %get3A_924 = arith.constant 0 : index
    %get3A_925 = arith.constant 84 : index
    %get3A_926 = vector.load %arg1[%get3A_924, %get3A_925] : memref<32x256xf32, #tpu.memory_space<vmem>>, vector<32x1xf32>
    %add3A_927 = vector.broadcast %get3A_926 : vector<32x1xf32> to vector<32x256xf32>
    %add3A_928 = arith.addf %add3A_927, %get3A_1 : vector<32x256xf32>
    %swap3A_929 = arith.constant 0 : index
    %swap3A_930 = arith.constant 0 : index
    %swap3A_931 = arith.constant 21504 : index
    %swap3A_932 = vector.load %arg3[%swap3A_929, %swap3A_930, %swap3A_931] : memref<1x32x65536xf32, #tpu.memory_space<vmem>>, vector<1x32x256xf32>
    %swap3A_933 = vector.shape_cast %swap3A_932 : vector<1x32x256xf32> to vector<32x256xf32>
    %swap3A_934 = vector.shape_cast %add3A_928 : vector<32x256xf32> to vector<1x32x256xf32>
    tpu.vector_store %arg3[%swap3A_929, %swap3A_930, %swap3A_931], %swap3A_934 {strides = array<i32>} : memref<1x32x65536xf32, #tpu.memory_space<vmem>>, vector<1x32x256xf32>,
    %get3A_935 = arith.constant 0 : index
    %get3A_936 = arith.constant 85 : index
    %get3A_937 = vector.load %arg1[%get3A_935, %get3A_936] : memref<32x256xf32, #tpu.memory_space<vmem>>, vector<32x1xf32>
    %add3A_938 = vector.broadcast %get3A_937 : vector<32x1xf32> to vector<32x256xf32>
    %add3A_939 = arith.addf %add3A_938, %get3A_1 : vector<32x256xf32>
    %swap3A_940 = arith.constant 0 : index
    %swap3A_941 = arith.constant 0 : index
    %swap3A_942 = arith.constant 21760 : index
    %swap3A_943 = vector.load %arg3[%swap3A_940, %swap3A_941, %swap3A_942] : memref<1x32x65536xf32, #tpu.memory_space<vmem>>, vector<1x32x256xf32>
    %swap3A_944 = vector.shape_cast %swap3A_943 : vector<1x32x256xf32> to vector<32x256xf32>
    %swap3A_945 = vector.shape_cast %add3A_939 : vector<32x256xf32> to vector<1x32x256xf32>
    tpu.vector_store %arg3[%swap3A_940, %swap3A_941, %swap3A_942], %swap3A_945 {strides = array<i32>} : memref<1x32x65536xf32, #tpu.memory_space<vmem>>, vector<1x32x256xf32>,
    %get3A_946 = arith.constant 0 : index
    %get3A_947 = arith.constant 86 : index
    %get3A_948 = vector.load %arg1[%get3A_946, %get3A_947] : memref<32x256xf32, #tpu.memory_space<vmem>>, vector<32x1xf32>
    %add3A_949 = vector.broadcast %get3A_948 : vector<32x1xf32> to vector<32x256xf32>
    %add3A_950 = arith.addf %add3A_949, %get3A_1 : vector<32x256xf32>
    %swap3A_951 = arith.constant 0 : index
    %swap3A_952 = arith.constant 0 : index
    %swap3A_953 = arith.constant 22016 : index
    %swap3A_954 = vector.load %arg3[%swap3A_951, %swap3A_952, %swap3A_953] : memref<1x32x65536xf32, #tpu.memory_space<vmem>>, vector<1x32x256xf32>
    %swap3A_955 = vector.shape_cast %swap3A_954 : vector<1x32x256xf32> to vector<32x256xf32>
    %swap3A_956 = vector.shape_cast %add3A_950 : vector<32x256xf32> to vector<1x32x256xf32>
    tpu.vector_store %arg3[%swap3A_951, %swap3A_952, %swap3A_953], %swap3A_956 {strides = array<i32>} : memref<1x32x65536xf32, #tpu.memory_space<vmem>>, vector<1x32x256xf32>,
    %get3A_957 = arith.constant 0 : index
    %get3A_958 = arith.constant 87 : index
    %get3A_959 = vector.load %arg1[%get3A_957, %get3A_958] : memref<32x256xf32, #tpu.memory_space<vmem>>, vector<32x1xf32>
    %add3A_960 = vector.broadcast %get3A_959 : vector<32x1xf32> to vector<32x256xf32>
    %add3A_961 = arith.addf %add3A_960, %get3A_1 : vector<32x256xf32>
    %swap3A_962 = arith.constant 0 : index
    %swap3A_963 = arith.constant 0 : index
    %swap3A_964 = arith.constant 22272 : index
    %swap3A_965 = vector.load %arg3[%swap3A_962, %swap3A_963, %swap3A_964] : memref<1x32x65536xf32, #tpu.memory_space<vmem>>, vector<1x32x256xf32>
    %swap3A_966 = vector.shape_cast %swap3A_965 : vector<1x32x256xf32> to vector<32x256xf32>
    %swap3A_967 = vector.shape_cast %add3A_961 : vector<32x256xf32> to vector<1x32x256xf32>
    tpu.vector_store %arg3[%swap3A_962, %swap3A_963, %swap3A_964], %swap3A_967 {strides = array<i32>} : memref<1x32x65536xf32, #tpu.memory_space<vmem>>, vector<1x32x256xf32>,
    %get3A_968 = arith.constant 0 : index
    %get3A_969 = arith.constant 88 : index
    %get3A_970 = vector.load %arg1[%get3A_968, %get3A_969] : memref<32x256xf32, #tpu.memory_space<vmem>>, vector<32x1xf32>
    %add3A_971 = vector.broadcast %get3A_970 : vector<32x1xf32> to vector<32x256xf32>
    %add3A_972 = arith.addf %add3A_971, %get3A_1 : vector<32x256xf32>
    %swap3A_973 = arith.constant 0 : index
    %swap3A_974 = arith.constant 0 : index
    %swap3A_975 = arith.constant 22528 : index
    %swap3A_976 = vector.load %arg3[%swap3A_973, %swap3A_974, %swap3A_975] : memref<1x32x65536xf32, #tpu.memory_space<vmem>>, vector<1x32x256xf32>
    %swap3A_977 = vector.shape_cast %swap3A_976 : vector<1x32x256xf32> to vector<32x256xf32>
    %swap3A_978 = vector.shape_cast %add3A_972 : vector<32x256xf32> to vector<1x32x256xf32>
    tpu.vector_store %arg3[%swap3A_973, %swap3A_974, %swap3A_975], %swap3A_978 {strides = array<i32>} : memref<1x32x65536xf32, #tpu.memory_space<vmem>>, vector<1x32x256xf32>,
    %get3A_979 = arith.constant 0 : index
    %get3A_980 = arith.constant 89 : index
    %get3A_981 = vector.load %arg1[%get3A_979, %get3A_980] : memref<32x256xf32, #tpu.memory_space<vmem>>, vector<32x1xf32>
    %add3A_982 = vector.broadcast %get3A_981 : vector<32x1xf32> to vector<32x256xf32>
    %add3A_983 = arith.addf %add3A_982, %get3A_1 : vector<32x256xf32>
    %swap3A_984 = arith.constant 0 : index
    %swap3A_985 = arith.constant 0 : index
    %swap3A_986 = arith.constant 22784 : index
    %swap3A_987 = vector.load %arg3[%swap3A_984, %swap3A_985, %swap3A_986] : memref<1x32x65536xf32, #tpu.memory_space<vmem>>, vector<1x32x256xf32>
    %swap3A_988 = vector.shape_cast %swap3A_987 : vector<1x32x256xf32> to vector<32x256xf32>
    %swap3A_989 = vector.shape_cast %add3A_983 : vector<32x256xf32> to vector<1x32x256xf32>
    tpu.vector_store %arg3[%swap3A_984, %swap3A_985, %swap3A_986], %swap3A_989 {strides = array<i32>} : memref<1x32x65536xf32, #tpu.memory_space<vmem>>, vector<1x32x256xf32>,
    %get3A_990 = arith.constant 0 : index
    %get3A_991 = arith.constant 90 : index
    %get3A_992 = vector.load %arg1[%get3A_990, %get3A_991] : memref<32x256xf32, #tpu.memory_space<vmem>>, vector<32x1xf32>
    %add3A_993 = vector.broadcast %get3A_992 : vector<32x1xf32> to vector<32x256xf32>
    %add3A_994 = arith.addf %add3A_993, %get3A_1 : vector<32x256xf32>
    %swap3A_995 = arith.constant 0 : index
    %swap3A_996 = arith.constant 0 : index
    %swap3A_997 = arith.constant 23040 : index
    %swap3A_998 = vector.load %arg3[%swap3A_995, %swap3A_996, %swap3A_997] : memref<1x32x65536xf32, #tpu.memory_space<vmem>>, vector<1x32x256xf32>
    %swap3A_999 = vector.shape_cast %swap3A_998 : vector<1x32x256xf32> to vector<32x256xf32>
    %swap3A_1000 = vector.shape_cast %add3A_994 : vector<32x256xf32> to vector<1x32x256xf32>
    tpu.vector_store %arg3[%swap3A_995, %swap3A_996, %swap3A_997], %swap3A_1000 {strides = array<i32>} : memref<1x32x65536xf32, #tpu.memory_space<vmem>>, vector<1x32x256xf32>,
    %get3A_1001 = arith.constant 0 : index
    %get3A_1002 = arith.constant 91 : index
    %get3A_1003 = vector.load %arg1[%get3A_1001, %get3A_1002] : memref<32x256xf32, #tpu.memory_space<vmem>>, vector<32x1xf32>
    %add3A_1004 = vector.broadcast %get3A_1003 : vector<32x1xf32> to vector<32x256xf32>
    %add3A_1005 = arith.addf %add3A_1004, %get3A_1 : vector<32x256xf32>
    %swap3A_1006 = arith.constant 0 : index
    %swap3A_1007 = arith.constant 0 : index
    %swap3A_1008 = arith.constant 23296 : index
    %swap3A_1009 = vector.load %arg3[%swap3A_1006, %swap3A_1007, %swap3A_1008] : memref<1x32x65536xf32, #tpu.memory_space<vmem>>, vector<1x32x256xf32>
    %swap3A_1010 = vector.shape_cast %swap3A_1009 : vector<1x32x256xf32> to vector<32x256xf32>
    %swap3A_1011 = vector.shape_cast %add3A_1005 : vector<32x256xf32> to vector<1x32x256xf32>
    tpu.vector_store %arg3[%swap3A_1006, %swap3A_1007, %swap3A_1008], %swap3A_1011 {strides = array<i32>} : memref<1x32x65536xf32, #tpu.memory_space<vmem>>, vector<1x32x256xf32>,
    %get3A_1012 = arith.constant 0 : index
    %get3A_1013 = arith.constant 92 : index
    %get3A_1014 = vector.load %arg1[%get3A_1012, %get3A_1013] : memref<32x256xf32, #tpu.memory_space<vmem>>, vector<32x1xf32>
    %add3A_1015 = vector.broadcast %get3A_1014 : vector<32x1xf32> to vector<32x256xf32>
    %add3A_1016 = arith.addf %add3A_1015, %get3A_1 : vector<32x256xf32>
    %swap3A_1017 = arith.constant 0 : index
    %swap3A_1018 = arith.constant 0 : index
    %swap3A_1019 = arith.constant 23552 : index
    %swap3A_1020 = vector.load %arg3[%swap3A_1017, %swap3A_1018, %swap3A_1019] : memref<1x32x65536xf32, #tpu.memory_space<vmem>>, vector<1x32x256xf32>
    %swap3A_1021 = vector.shape_cast %swap3A_1020 : vector<1x32x256xf32> to vector<32x256xf32>
    %swap3A_1022 = vector.shape_cast %add3A_1016 : vector<32x256xf32> to vector<1x32x256xf32>
    tpu.vector_store %arg3[%swap3A_1017, %swap3A_1018, %swap3A_1019], %swap3A_1022 {strides = array<i32>} : memref<1x32x65536xf32, #tpu.memory_space<vmem>>, vector<1x32x256xf32>,
    %get3A_1023 = arith.constant 0 : index
    %get3A_1024 = arith.constant 93 : index
    %get3A_1025 = vector.load %arg1[%get3A_1023, %get3A_1024] : memref<32x256xf32, #tpu.memory_space<vmem>>, vector<32x1xf32>
    %add3A_1026 = vector.broadcast %get3A_1025 : vector<32x1xf32> to vector<32x256xf32>
    %add3A_1027 = arith.addf %add3A_1026, %get3A_1 : vector<32x256xf32>
    %swap3A_1028 = arith.constant 0 : index
    %swap3A_1029 = arith.constant 0 : index
    %swap3A_1030 = arith.constant 23808 : index
    %swap3A_1031 = vector.load %arg3[%swap3A_1028, %swap3A_1029, %swap3A_1030] : memref<1x32x65536xf32, #tpu.memory_space<vmem>>, vector<1x32x256xf32>
    %swap3A_1032 = vector.shape_cast %swap3A_1031 : vector<1x32x256xf32> to vector<32x256xf32>
    %swap3A_1033 = vector.shape_cast %add3A_1027 : vector<32x256xf32> to vector<1x32x256xf32>
    tpu.vector_store %arg3[%swap3A_1028, %swap3A_1029, %swap3A_1030], %swap3A_1033 {strides = array<i32>} : memref<1x32x65536xf32, #tpu.memory_space<vmem>>, vector<1x32x256xf32>,
    %get3A_1034 = arith.constant 0 : index
    %get3A_1035 = arith.constant 94 : index
    %get3A_1036 = vector.load %arg1[%get3A_1034, %get3A_1035] : memref<32x256xf32, #tpu.memory_space<vmem>>, vector<32x1xf32>
    %add3A_1037 = vector.broadcast %get3A_1036 : vector<32x1xf32> to vector<32x256xf32>
    %add3A_1038 = arith.addf %add3A_1037, %get3A_1 : vector<32x256xf32>
    %swap3A_1039 = arith.constant 0 : index
    %swap3A_1040 = arith.constant 0 : index
    %swap3A_1041 = arith.constant 24064 : index
    %swap3A_1042 = vector.load %arg3[%swap3A_1039, %swap3A_1040, %swap3A_1041] : memref<1x32x65536xf32, #tpu.memory_space<vmem>>, vector<1x32x256xf32>
    %swap3A_1043 = vector.shape_cast %swap3A_1042 : vector<1x32x256xf32> to vector<32x256xf32>
    %swap3A_1044 = vector.shape_cast %add3A_1038 : vector<32x256xf32> to vector<1x32x256xf32>
    tpu.vector_store %arg3[%swap3A_1039, %swap3A_1040, %swap3A_1041], %swap3A_1044 {strides = array<i32>} : memref<1x32x65536xf32, #tpu.memory_space<vmem>>, vector<1x32x256xf32>,
    %get3A_1045 = arith.constant 0 : index
    %get3A_1046 = arith.constant 95 : index
    %get3A_1047 = vector.load %arg1[%get3A_1045, %get3A_1046] : memref<32x256xf32, #tpu.memory_space<vmem>>, vector<32x1xf32>
    %add3A_1048 = vector.broadcast %get3A_1047 : vector<32x1xf32> to vector<32x256xf32>
    %add3A_1049 = arith.addf %add3A_1048, %get3A_1 : vector<32x256xf32>
    %swap3A_1050 = arith.constant 0 : index
    %swap3A_1051 = arith.constant 0 : index
    %swap3A_1052 = arith.constant 24320 : index
    %swap3A_1053 = vector.load %arg3[%swap3A_1050, %swap3A_1051, %swap3A_1052] : memref<1x32x65536xf32, #tpu.memory_space<vmem>>, vector<1x32x256xf32>
    %swap3A_1054 = vector.shape_cast %swap3A_1053 : vector<1x32x256xf32> to vector<32x256xf32>
    %swap3A_1055 = vector.shape_cast %add3A_1049 : vector<32x256xf32> to vector<1x32x256xf32>
    tpu.vector_store %arg3[%swap3A_1050, %swap3A_1051, %swap3A_1052], %swap3A_1055 {strides = array<i32>} : memref<1x32x65536xf32, #tpu.memory_space<vmem>>, vector<1x32x256xf32>,
    %get3A_1056 = arith.constant 0 : index
    %get3A_1057 = arith.constant 96 : index
    %get3A_1058 = vector.load %arg1[%get3A_1056, %get3A_1057] : memref<32x256xf32, #tpu.memory_space<vmem>>, vector<32x1xf32>
    %add3A_1059 = vector.broadcast %get3A_1058 : vector<32x1xf32> to vector<32x256xf32>
    %add3A_1060 = arith.addf %add3A_1059, %get3A_1 : vector<32x256xf32>
    %swap3A_1061 = arith.constant 0 : index
    %swap3A_1062 = arith.constant 0 : index
    %swap3A_1063 = arith.constant 24576 : index
    %swap3A_1064 = vector.load %arg3[%swap3A_1061, %swap3A_1062, %swap3A_1063] : memref<1x32x65536xf32, #tpu.memory_space<vmem>>, vector<1x32x256xf32>
    %swap3A_1065 = vector.shape_cast %swap3A_1064 : vector<1x32x256xf32> to vector<32x256xf32>
    %swap3A_1066 = vector.shape_cast %add3A_1060 : vector<32x256xf32> to vector<1x32x256xf32>
    tpu.vector_store %arg3[%swap3A_1061, %swap3A_1062, %swap3A_1063], %swap3A_1066 {strides = array<i32>} : memref<1x32x65536xf32, #tpu.memory_space<vmem>>, vector<1x32x256xf32>,
    %get3A_1067 = arith.constant 0 : index
    %get3A_1068 = arith.constant 97 : index
    %get3A_1069 = vector.load %arg1[%get3A_1067, %get3A_1068] : memref<32x256xf32, #tpu.memory_space<vmem>>, vector<32x1xf32>
    %add3A_1070 = vector.broadcast %get3A_1069 : vector<32x1xf32> to vector<32x256xf32>
    %add3A_1071 = arith.addf %add3A_1070, %get3A_1 : vector<32x256xf32>
    %swap3A_1072 = arith.constant 0 : index
    %swap3A_1073 = arith.constant 0 : index
    %swap3A_1074 = arith.constant 24832 : index
    %swap3A_1075 = vector.load %arg3[%swap3A_1072, %swap3A_1073, %swap3A_1074] : memref<1x32x65536xf32, #tpu.memory_space<vmem>>, vector<1x32x256xf32>
    %swap3A_1076 = vector.shape_cast %swap3A_1075 : vector<1x32x256xf32> to vector<32x256xf32>
    %swap3A_1077 = vector.shape_cast %add3A_1071 : vector<32x256xf32> to vector<1x32x256xf32>
    tpu.vector_store %arg3[%swap3A_1072, %swap3A_1073, %swap3A_1074], %swap3A_1077 {strides = array<i32>} : memref<1x32x65536xf32, #tpu.memory_space<vmem>>, vector<1x32x256xf32>,
    %get3A_1078 = arith.constant 0 : index
    %get3A_1079 = arith.constant 98 : index
    %get3A_1080 = vector.load %arg1[%get3A_1078, %get3A_1079] : memref<32x256xf32, #tpu.memory_space<vmem>>, vector<32x1xf32>
    %add3A_1081 = vector.broadcast %get3A_1080 : vector<32x1xf32> to vector<32x256xf32>
    %add3A_1082 = arith.addf %add3A_1081, %get3A_1 : vector<32x256xf32>
    %swap3A_1083 = arith.constant 0 : index
    %swap3A_1084 = arith.constant 0 : index
    %swap3A_1085 = arith.constant 25088 : index
    %swap3A_1086 = vector.load %arg3[%swap3A_1083, %swap3A_1084, %swap3A_1085] : memref<1x32x65536xf32, #tpu.memory_space<vmem>>, vector<1x32x256xf32>
    %swap3A_1087 = vector.shape_cast %swap3A_1086 : vector<1x32x256xf32> to vector<32x256xf32>
    %swap3A_1088 = vector.shape_cast %add3A_1082 : vector<32x256xf32> to vector<1x32x256xf32>
    tpu.vector_store %arg3[%swap3A_1083, %swap3A_1084, %swap3A_1085], %swap3A_1088 {strides = array<i32>} : memref<1x32x65536xf32, #tpu.memory_space<vmem>>, vector<1x32x256xf32>,
    %get3A_1089 = arith.constant 0 : index
    %get3A_1090 = arith.constant 99 : index
    %get3A_1091 = vector.load %arg1[%get3A_1089, %get3A_1090] : memref<32x256xf32, #tpu.memory_space<vmem>>, vector<32x1xf32>
    %add3A_1092 = vector.broadcast %get3A_1091 : vector<32x1xf32> to vector<32x256xf32>
    %add3A_1093 = arith.addf %add3A_1092, %get3A_1 : vector<32x256xf32>
    %swap3A_1094 = arith.constant 0 : index
    %swap3A_1095 = arith.constant 0 : index
    %swap3A_1096 = arith.constant 25344 : index
    %swap3A_1097 = vector.load %arg3[%swap3A_1094, %swap3A_1095, %swap3A_1096] : memref<1x32x65536xf32, #tpu.memory_space<vmem>>, vector<1x32x256xf32>
    %swap3A_1098 = vector.shape_cast %swap3A_1097 : vector<1x32x256xf32> to vector<32x256xf32>
    %swap3A_1099 = vector.shape_cast %add3A_1093 : vector<32x256xf32> to vector<1x32x256xf32>
    tpu.vector_store %arg3[%swap3A_1094, %swap3A_1095, %swap3A_1096], %swap3A_1099 {strides = array<i32>} : memref<1x32x65536xf32, #tpu.memory_space<vmem>>, vector<1x32x256xf32>,
    %get3A_1100 = arith.constant 0 : index
    %get3A_1101 = arith.constant 100 : index
    %get3A_1102 = vector.load %arg1[%get3A_1100, %get3A_1101] : memref<32x256xf32, #tpu.memory_space<vmem>>, vector<32x1xf32>
    %add3A_1103 = vector.broadcast %get3A_1102 : vector<32x1xf32> to vector<32x256xf32>
    %add3A_1104 = arith.addf %add3A_1103, %get3A_1 : vector<32x256xf32>
    %swap3A_1105 = arith.constant 0 : index
    %swap3A_1106 = arith.constant 0 : index
    %swap3A_1107 = arith.constant 25600 : index
    %swap3A_1108 = vector.load %arg3[%swap3A_1105, %swap3A_1106, %swap3A_1107] : memref<1x32x65536xf32, #tpu.memory_space<vmem>>, vector<1x32x256xf32>
    %swap3A_1109 = vector.shape_cast %swap3A_1108 : vector<1x32x256xf32> to vector<32x256xf32>
    %swap3A_1110 = vector.shape_cast %add3A_1104 : vector<32x256xf32> to vector<1x32x256xf32>
    tpu.vector_store %arg3[%swap3A_1105, %swap3A_1106, %swap3A_1107], %swap3A_1110 {strides = array<i32>} : memref<1x32x65536xf32, #tpu.memory_space<vmem>>, vector<1x32x256xf32>,
    %get3A_1111 = arith.constant 0 : index
    %get3A_1112 = arith.constant 101 : index
    %get3A_1113 = vector.load %arg1[%get3A_1111, %get3A_1112] : memref<32x256xf32, #tpu.memory_space<vmem>>, vector<32x1xf32>
    %add3A_1114 = vector.broadcast %get3A_1113 : vector<32x1xf32> to vector<32x256xf32>
    %add3A_1115 = arith.addf %add3A_1114, %get3A_1 : vector<32x256xf32>
    %swap3A_1116 = arith.constant 0 : index
    %swap3A_1117 = arith.constant 0 : index
    %swap3A_1118 = arith.constant 25856 : index
    %swap3A_1119 = vector.load %arg3[%swap3A_1116, %swap3A_1117, %swap3A_1118] : memref<1x32x65536xf32, #tpu.memory_space<vmem>>, vector<1x32x256xf32>
    %swap3A_1120 = vector.shape_cast %swap3A_1119 : vector<1x32x256xf32> to vector<32x256xf32>
    %swap3A_1121 = vector.shape_cast %add3A_1115 : vector<32x256xf32> to vector<1x32x256xf32>
    tpu.vector_store %arg3[%swap3A_1116, %swap3A_1117, %swap3A_1118], %swap3A_1121 {strides = array<i32>} : memref<1x32x65536xf32, #tpu.memory_space<vmem>>, vector<1x32x256xf32>,
    %get3A_1122 = arith.constant 0 : index
    %get3A_1123 = arith.constant 102 : index
    %get3A_1124 = vector.load %arg1[%get3A_1122, %get3A_1123] : memref<32x256xf32, #tpu.memory_space<vmem>>, vector<32x1xf32>
    %add3A_1125 = vector.broadcast %get3A_1124 : vector<32x1xf32> to vector<32x256xf32>
    %add3A_1126 = arith.addf %add3A_1125, %get3A_1 : vector<32x256xf32>
    %swap3A_1127 = arith.constant 0 : index
    %swap3A_1128 = arith.constant 0 : index
    %swap3A_1129 = arith.constant 26112 : index
    %swap3A_1130 = vector.load %arg3[%swap3A_1127, %swap3A_1128, %swap3A_1129] : memref<1x32x65536xf32, #tpu.memory_space<vmem>>, vector<1x32x256xf32>
    %swap3A_1131 = vector.shape_cast %swap3A_1130 : vector<1x32x256xf32> to vector<32x256xf32>
    %swap3A_1132 = vector.shape_cast %add3A_1126 : vector<32x256xf32> to vector<1x32x256xf32>
    tpu.vector_store %arg3[%swap3A_1127, %swap3A_1128, %swap3A_1129], %swap3A_1132 {strides = array<i32>} : memref<1x32x65536xf32, #tpu.memory_space<vmem>>, vector<1x32x256xf32>,
    %get3A_1133 = arith.constant 0 : index
    %get3A_1134 = arith.constant 103 : index
    %get3A_1135 = vector.load %arg1[%get3A_1133, %get3A_1134] : memref<32x256xf32, #tpu.memory_space<vmem>>, vector<32x1xf32>
    %add3A_1136 = vector.broadcast %get3A_1135 : vector<32x1xf32> to vector<32x256xf32>
    %add3A_1137 = arith.addf %add3A_1136, %get3A_1 : vector<32x256xf32>
    %swap3A_1138 = arith.constant 0 : index
    %swap3A_1139 = arith.constant 0 : index
    %swap3A_1140 = arith.constant 26368 : index
    %swap3A_1141 = vector.load %arg3[%swap3A_1138, %swap3A_1139, %swap3A_1140] : memref<1x32x65536xf32, #tpu.memory_space<vmem>>, vector<1x32x256xf32>
    %swap3A_1142 = vector.shape_cast %swap3A_1141 : vector<1x32x256xf32> to vector<32x256xf32>
    %swap3A_1143 = vector.shape_cast %add3A_1137 : vector<32x256xf32> to vector<1x32x256xf32>
    tpu.vector_store %arg3[%swap3A_1138, %swap3A_1139, %swap3A_1140], %swap3A_1143 {strides = array<i32>} : memref<1x32x65536xf32, #tpu.memory_space<vmem>>, vector<1x32x256xf32>,
    %get3A_1144 = arith.constant 0 : index
    %get3A_1145 = arith.constant 104 : index
    %get3A_1146 = vector.load %arg1[%get3A_1144, %get3A_1145] : memref<32x256xf32, #tpu.memory_space<vmem>>, vector<32x1xf32>
    %add3A_1147 = vector.broadcast %get3A_1146 : vector<32x1xf32> to vector<32x256xf32>
    %add3A_1148 = arith.addf %add3A_1147, %get3A_1 : vector<32x256xf32>
    %swap3A_1149 = arith.constant 0 : index
    %swap3A_1150 = arith.constant 0 : index
    %swap3A_1151 = arith.constant 26624 : index
    %swap3A_1152 = vector.load %arg3[%swap3A_1149, %swap3A_1150, %swap3A_1151] : memref<1x32x65536xf32, #tpu.memory_space<vmem>>, vector<1x32x256xf32>
    %swap3A_1153 = vector.shape_cast %swap3A_1152 : vector<1x32x256xf32> to vector<32x256xf32>
    %swap3A_1154 = vector.shape_cast %add3A_1148 : vector<32x256xf32> to vector<1x32x256xf32>
    tpu.vector_store %arg3[%swap3A_1149, %swap3A_1150, %swap3A_1151], %swap3A_1154 {strides = array<i32>} : memref<1x32x65536xf32, #tpu.memory_space<vmem>>, vector<1x32x256xf32>,
    %get3A_1155 = arith.constant 0 : index
    %get3A_1156 = arith.constant 105 : index
    %get3A_1157 = vector.load %arg1[%get3A_1155, %get3A_1156] : memref<32x256xf32, #tpu.memory_space<vmem>>, vector<32x1xf32>
    %add3A_1158 = vector.broadcast %get3A_1157 : vector<32x1xf32> to vector<32x256xf32>
    %add3A_1159 = arith.addf %add3A_1158, %get3A_1 : vector<32x256xf32>
    %swap3A_1160 = arith.constant 0 : index
    %swap3A_1161 = arith.constant 0 : index
    %swap3A_1162 = arith.constant 26880 : index
    %swap3A_1163 = vector.load %arg3[%swap3A_1160, %swap3A_1161, %swap3A_1162] : memref<1x32x65536xf32, #tpu.memory_space<vmem>>, vector<1x32x256xf32>
    %swap3A_1164 = vector.shape_cast %swap3A_1163 : vector<1x32x256xf32> to vector<32x256xf32>
    %swap3A_1165 = vector.shape_cast %add3A_1159 : vector<32x256xf32> to vector<1x32x256xf32>
    tpu.vector_store %arg3[%swap3A_1160, %swap3A_1161, %swap3A_1162], %swap3A_1165 {strides = array<i32>} : memref<1x32x65536xf32, #tpu.memory_space<vmem>>, vector<1x32x256xf32>,
    %get3A_1166 = arith.constant 0 : index
    %get3A_1167 = arith.constant 106 : index
    %get3A_1168 = vector.load %arg1[%get3A_1166, %get3A_1167] : memref<32x256xf32, #tpu.memory_space<vmem>>, vector<32x1xf32>
    %add3A_1169 = vector.broadcast %get3A_1168 : vector<32x1xf32> to vector<32x256xf32>
    %add3A_1170 = arith.addf %add3A_1169, %get3A_1 : vector<32x256xf32>
    %swap3A_1171 = arith.constant 0 : index
    %swap3A_1172 = arith.constant 0 : index
    %swap3A_1173 = arith.constant 27136 : index
    %swap3A_1174 = vector.load %arg3[%swap3A_1171, %swap3A_1172, %swap3A_1173] : memref<1x32x65536xf32, #tpu.memory_space<vmem>>, vector<1x32x256xf32>
    %swap3A_1175 = vector.shape_cast %swap3A_1174 : vector<1x32x256xf32> to vector<32x256xf32>
    %swap3A_1176 = vector.shape_cast %add3A_1170 : vector<32x256xf32> to vector<1x32x256xf32>
    tpu.vector_store %arg3[%swap3A_1171, %swap3A_1172, %swap3A_1173], %swap3A_1176 {strides = array<i32>} : memref<1x32x65536xf32, #tpu.memory_space<vmem>>, vector<1x32x256xf32>,
    %get3A_1177 = arith.constant 0 : index
    %get3A_1178 = arith.constant 107 : index
    %get3A_1179 = vector.load %arg1[%get3A_1177, %get3A_1178] : memref<32x256xf32, #tpu.memory_space<vmem>>, vector<32x1xf32>
    %add3A_1180 = vector.broadcast %get3A_1179 : vector<32x1xf32> to vector<32x256xf32>
    %add3A_1181 = arith.addf %add3A_1180, %get3A_1 : vector<32x256xf32>
    %swap3A_1182 = arith.constant 0 : index
    %swap3A_1183 = arith.constant 0 : index
    %swap3A_1184 = arith.constant 27392 : index
    %swap3A_1185 = vector.load %arg3[%swap3A_1182, %swap3A_1183, %swap3A_1184] : memref<1x32x65536xf32, #tpu.memory_space<vmem>>, vector<1x32x256xf32>
    %swap3A_1186 = vector.shape_cast %swap3A_1185 : vector<1x32x256xf32> to vector<32x256xf32>
    %swap3A_1187 = vector.shape_cast %add3A_1181 : vector<32x256xf32> to vector<1x32x256xf32>
    tpu.vector_store %arg3[%swap3A_1182, %swap3A_1183, %swap3A_1184], %swap3A_1187 {strides = array<i32>} : memref<1x32x65536xf32, #tpu.memory_space<vmem>>, vector<1x32x256xf32>,
    %get3A_1188 = arith.constant 0 : index
    %get3A_1189 = arith.constant 108 : index
    %get3A_1190 = vector.load %arg1[%get3A_1188, %get3A_1189] : memref<32x256xf32, #tpu.memory_space<vmem>>, vector<32x1xf32>
    %add3A_1191 = vector.broadcast %get3A_1190 : vector<32x1xf32> to vector<32x256xf32>
    %add3A_1192 = arith.addf %add3A_1191, %get3A_1 : vector<32x256xf32>
    %swap3A_1193 = arith.constant 0 : index
    %swap3A_1194 = arith.constant 0 : index
    %swap3A_1195 = arith.constant 27648 : index
    %swap3A_1196 = vector.load %arg3[%swap3A_1193, %swap3A_1194, %swap3A_1195] : memref<1x32x65536xf32, #tpu.memory_space<vmem>>, vector<1x32x256xf32>
    %swap3A_1197 = vector.shape_cast %swap3A_1196 : vector<1x32x256xf32> to vector<32x256xf32>
    %swap3A_1198 = vector.shape_cast %add3A_1192 : vector<32x256xf32> to vector<1x32x256xf32>
    tpu.vector_store %arg3[%swap3A_1193, %swap3A_1194, %swap3A_1195], %swap3A_1198 {strides = array<i32>} : memref<1x32x65536xf32, #tpu.memory_space<vmem>>, vector<1x32x256xf32>,
    %get3A_1199 = arith.constant 0 : index
    %get3A_1200 = arith.constant 109 : index
    %get3A_1201 = vector.load %arg1[%get3A_1199, %get3A_1200] : memref<32x256xf32, #tpu.memory_space<vmem>>, vector<32x1xf32>
    %add3A_1202 = vector.broadcast %get3A_1201 : vector<32x1xf32> to vector<32x256xf32>
    %add3A_1203 = arith.addf %add3A_1202, %get3A_1 : vector<32x256xf32>
    %swap3A_1204 = arith.constant 0 : index
    %swap3A_1205 = arith.constant 0 : index
    %swap3A_1206 = arith.constant 27904 : index
    %swap3A_1207 = vector.load %arg3[%swap3A_1204, %swap3A_1205, %swap3A_1206] : memref<1x32x65536xf32, #tpu.memory_space<vmem>>, vector<1x32x256xf32>
    %swap3A_1208 = vector.shape_cast %swap3A_1207 : vector<1x32x256xf32> to vector<32x256xf32>
    %swap3A_1209 = vector.shape_cast %add3A_1203 : vector<32x256xf32> to vector<1x32x256xf32>
    tpu.vector_store %arg3[%swap3A_1204, %swap3A_1205, %swap3A_1206], %swap3A_1209 {strides = array<i32>} : memref<1x32x65536xf32, #tpu.memory_space<vmem>>, vector<1x32x256xf32>,
    %get3A_1210 = arith.constant 0 : index
    %get3A_1211 = arith.constant 110 : index
    %get3A_1212 = vector.load %arg1[%get3A_1210, %get3A_1211] : memref<32x256xf32, #tpu.memory_space<vmem>>, vector<32x1xf32>
    %add3A_1213 = vector.broadcast %get3A_1212 : vector<32x1xf32> to vector<32x256xf32>
    %add3A_1214 = arith.addf %add3A_1213, %get3A_1 : vector<32x256xf32>
    %swap3A_1215 = arith.constant 0 : index
    %swap3A_1216 = arith.constant 0 : index
    %swap3A_1217 = arith.constant 28160 : index
    %swap3A_1218 = vector.load %arg3[%swap3A_1215, %swap3A_1216, %swap3A_1217] : memref<1x32x65536xf32, #tpu.memory_space<vmem>>, vector<1x32x256xf32>
    %swap3A_1219 = vector.shape_cast %swap3A_1218 : vector<1x32x256xf32> to vector<32x256xf32>
    %swap3A_1220 = vector.shape_cast %add3A_1214 : vector<32x256xf32> to vector<1x32x256xf32>
    tpu.vector_store %arg3[%swap3A_1215, %swap3A_1216, %swap3A_1217], %swap3A_1220 {strides = array<i32>} : memref<1x32x65536xf32, #tpu.memory_space<vmem>>, vector<1x32x256xf32>,
    %get3A_1221 = arith.constant 0 : index
    %get3A_1222 = arith.constant 111 : index
    %get3A_1223 = vector.load %arg1[%get3A_1221, %get3A_1222] : memref<32x256xf32, #tpu.memory_space<vmem>>, vector<32x1xf32>
    %add3A_1224 = vector.broadcast %get3A_1223 : vector<32x1xf32> to vector<32x256xf32>
    %add3A_1225 = arith.addf %add3A_1224, %get3A_1 : vector<32x256xf32>
    %swap3A_1226 = arith.constant 0 : index
    %swap3A_1227 = arith.constant 0 : index
    %swap3A_1228 = arith.constant 28416 : index
    %swap3A_1229 = vector.load %arg3[%swap3A_1226, %swap3A_1227, %swap3A_1228] : memref<1x32x65536xf32, #tpu.memory_space<vmem>>, vector<1x32x256xf32>
    %swap3A_1230 = vector.shape_cast %swap3A_1229 : vector<1x32x256xf32> to vector<32x256xf32>
    %swap3A_1231 = vector.shape_cast %add3A_1225 : vector<32x256xf32> to vector<1x32x256xf32>
    tpu.vector_store %arg3[%swap3A_1226, %swap3A_1227, %swap3A_1228], %swap3A_1231 {strides = array<i32>} : memref<1x32x65536xf32, #tpu.memory_space<vmem>>, vector<1x32x256xf32>,
    %get3A_1232 = arith.constant 0 : index
    %get3A_1233 = arith.constant 112 : index
    %get3A_1234 = vector.load %arg1[%get3A_1232, %get3A_1233] : memref<32x256xf32, #tpu.memory_space<vmem>>, vector<32x1xf32>
    %add3A_1235 = vector.broadcast %get3A_1234 : vector<32x1xf32> to vector<32x256xf32>
    %add3A_1236 = arith.addf %add3A_1235, %get3A_1 : vector<32x256xf32>
    %swap3A_1237 = arith.constant 0 : index
    %swap3A_1238 = arith.constant 0 : index
    %swap3A_1239 = arith.constant 28672 : index
    %swap3A_1240 = vector.load %arg3[%swap3A_1237, %swap3A_1238, %swap3A_1239] : memref<1x32x65536xf32, #tpu.memory_space<vmem>>, vector<1x32x256xf32>
    %swap3A_1241 = vector.shape_cast %swap3A_1240 : vector<1x32x256xf32> to vector<32x256xf32>
    %swap3A_1242 = vector.shape_cast %add3A_1236 : vector<32x256xf32> to vector<1x32x256xf32>
    tpu.vector_store %arg3[%swap3A_1237, %swap3A_1238, %swap3A_1239], %swap3A_1242 {strides = array<i32>} : memref<1x32x65536xf32, #tpu.memory_space<vmem>>, vector<1x32x256xf32>,
    %get3A_1243 = arith.constant 0 : index
    %get3A_1244 = arith.constant 113 : index
    %get3A_1245 = vector.load %arg1[%get3A_1243, %get3A_1244] : memref<32x256xf32, #tpu.memory_space<vmem>>, vector<32x1xf32>
    %add3A_1246 = vector.broadcast %get3A_1245 : vector<32x1xf32> to vector<32x256xf32>
    %add3A_1247 = arith.addf %add3A_1246, %get3A_1 : vector<32x256xf32>
    %swap3A_1248 = arith.constant 0 : index
    %swap3A_1249 = arith.constant 0 : index
    %swap3A_1250 = arith.constant 28928 : index
    %swap3A_1251 = vector.load %arg3[%swap3A_1248, %swap3A_1249, %swap3A_1250] : memref<1x32x65536xf32, #tpu.memory_space<vmem>>, vector<1x32x256xf32>
    %swap3A_1252 = vector.shape_cast %swap3A_1251 : vector<1x32x256xf32> to vector<32x256xf32>
    %swap3A_1253 = vector.shape_cast %add3A_1247 : vector<32x256xf32> to vector<1x32x256xf32>
    tpu.vector_store %arg3[%swap3A_1248, %swap3A_1249, %swap3A_1250], %swap3A_1253 {strides = array<i32>} : memref<1x32x65536xf32, #tpu.memory_space<vmem>>, vector<1x32x256xf32>,
    %get3A_1254 = arith.constant 0 : index
    %get3A_1255 = arith.constant 114 : index
    %get3A_1256 = vector.load %arg1[%get3A_1254, %get3A_1255] : memref<32x256xf32, #tpu.memory_space<vmem>>, vector<32x1xf32>
    %add3A_1257 = vector.broadcast %get3A_1256 : vector<32x1xf32> to vector<32x256xf32>
    %add3A_1258 = arith.addf %add3A_1257, %get3A_1 : vector<32x256xf32>
    %swap3A_1259 = arith.constant 0 : index
    %swap3A_1260 = arith.constant 0 : index
    %swap3A_1261 = arith.constant 29184 : index
    %swap3A_1262 = vector.load %arg3[%swap3A_1259, %swap3A_1260, %swap3A_1261] : memref<1x32x65536xf32, #tpu.memory_space<vmem>>, vector<1x32x256xf32>
    %swap3A_1263 = vector.shape_cast %swap3A_1262 : vector<1x32x256xf32> to vector<32x256xf32>
    %swap3A_1264 = vector.shape_cast %add3A_1258 : vector<32x256xf32> to vector<1x32x256xf32>
    tpu.vector_store %arg3[%swap3A_1259, %swap3A_1260, %swap3A_1261], %swap3A_1264 {strides = array<i32>} : memref<1x32x65536xf32, #tpu.memory_space<vmem>>, vector<1x32x256xf32>,
    %get3A_1265 = arith.constant 0 : index
    %get3A_1266 = arith.constant 115 : index
    %get3A_1267 = vector.load %arg1[%get3A_1265, %get3A_1266] : memref<32x256xf32, #tpu.memory_space<vmem>>, vector<32x1xf32>
    %add3A_1268 = vector.broadcast %get3A_1267 : vector<32x1xf32> to vector<32x256xf32>
    %add3A_1269 = arith.addf %add3A_1268, %get3A_1 : vector<32x256xf32>
    %swap3A_1270 = arith.constant 0 : index
    %swap3A_1271 = arith.constant 0 : index
    %swap3A_1272 = arith.constant 29440 : index
    %swap3A_1273 = vector.load %arg3[%swap3A_1270, %swap3A_1271, %swap3A_1272] : memref<1x32x65536xf32, #tpu.memory_space<vmem>>, vector<1x32x256xf32>
    %swap3A_1274 = vector.shape_cast %swap3A_1273 : vector<1x32x256xf32> to vector<32x256xf32>
    %swap3A_1275 = vector.shape_cast %add3A_1269 : vector<32x256xf32> to vector<1x32x256xf32>
    tpu.vector_store %arg3[%swap3A_1270, %swap3A_1271, %swap3A_1272], %swap3A_1275 {strides = array<i32>} : memref<1x32x65536xf32, #tpu.memory_space<vmem>>, vector<1x32x256xf32>,
    %get3A_1276 = arith.constant 0 : index
    %get3A_1277 = arith.constant 116 : index
    %get3A_1278 = vector.load %arg1[%get3A_1276, %get3A_1277] : memref<32x256xf32, #tpu.memory_space<vmem>>, vector<32x1xf32>
    %add3A_1279 = vector.broadcast %get3A_1278 : vector<32x1xf32> to vector<32x256xf32>
    %add3A_1280 = arith.addf %add3A_1279, %get3A_1 : vector<32x256xf32>
    %swap3A_1281 = arith.constant 0 : index
    %swap3A_1282 = arith.constant 0 : index
    %swap3A_1283 = arith.constant 29696 : index
    %swap3A_1284 = vector.load %arg3[%swap3A_1281, %swap3A_1282, %swap3A_1283] : memref<1x32x65536xf32, #tpu.memory_space<vmem>>, vector<1x32x256xf32>
    %swap3A_1285 = vector.shape_cast %swap3A_1284 : vector<1x32x256xf32> to vector<32x256xf32>
    %swap3A_1286 = vector.shape_cast %add3A_1280 : vector<32x256xf32> to vector<1x32x256xf32>
    tpu.vector_store %arg3[%swap3A_1281, %swap3A_1282, %swap3A_1283], %swap3A_1286 {strides = array<i32>} : memref<1x32x65536xf32, #tpu.memory_space<vmem>>, vector<1x32x256xf32>,
    %get3A_1287 = arith.constant 0 : index
    %get3A_1288 = arith.constant 117 : index
    %get3A_1289 = vector.load %arg1[%get3A_1287, %get3A_1288] : memref<32x256xf32, #tpu.memory_space<vmem>>, vector<32x1xf32>
    %add3A_1290 = vector.broadcast %get3A_1289 : vector<32x1xf32> to vector<32x256xf32>
    %add3A_1291 = arith.addf %add3A_1290, %get3A_1 : vector<32x256xf32>
    %swap3A_1292 = arith.constant 0 : index
    %swap3A_1293 = arith.constant 0 : index
    %swap3A_1294 = arith.constant 29952 : index
    %swap3A_1295 = vector.load %arg3[%swap3A_1292, %swap3A_1293, %swap3A_1294] : memref<1x32x65536xf32, #tpu.memory_space<vmem>>, vector<1x32x256xf32>
    %swap3A_1296 = vector.shape_cast %swap3A_1295 : vector<1x32x256xf32> to vector<32x256xf32>
    %swap3A_1297 = vector.shape_cast %add3A_1291 : vector<32x256xf32> to vector<1x32x256xf32>
    tpu.vector_store %arg3[%swap3A_1292, %swap3A_1293, %swap3A_1294], %swap3A_1297 {strides = array<i32>} : memref<1x32x65536xf32, #tpu.memory_space<vmem>>, vector<1x32x256xf32>,
    %get3A_1298 = arith.constant 0 : index
    %get3A_1299 = arith.constant 118 : index
    %get3A_1300 = vector.load %arg1[%get3A_1298, %get3A_1299] : memref<32x256xf32, #tpu.memory_space<vmem>>, vector<32x1xf32>
    %add3A_1301 = vector.broadcast %get3A_1300 : vector<32x1xf32> to vector<32x256xf32>
    %add3A_1302 = arith.addf %add3A_1301, %get3A_1 : vector<32x256xf32>
    %swap3A_1303 = arith.constant 0 : index
    %swap3A_1304 = arith.constant 0 : index
    %swap3A_1305 = arith.constant 30208 : index
    %swap3A_1306 = vector.load %arg3[%swap3A_1303, %swap3A_1304, %swap3A_1305] : memref<1x32x65536xf32, #tpu.memory_space<vmem>>, vector<1x32x256xf32>
    %swap3A_1307 = vector.shape_cast %swap3A_1306 : vector<1x32x256xf32> to vector<32x256xf32>
    %swap3A_1308 = vector.shape_cast %add3A_1302 : vector<32x256xf32> to vector<1x32x256xf32>
    tpu.vector_store %arg3[%swap3A_1303, %swap3A_1304, %swap3A_1305], %swap3A_1308 {strides = array<i32>} : memref<1x32x65536xf32, #tpu.memory_space<vmem>>, vector<1x32x256xf32>,
    %get3A_1309 = arith.constant 0 : index
    %get3A_1310 = arith.constant 119 : index
    %get3A_1311 = vector.load %arg1[%get3A_1309, %get3A_1310] : memref<32x256xf32, #tpu.memory_space<vmem>>, vector<32x1xf32>
    %add3A_1312 = vector.broadcast %get3A_1311 : vector<32x1xf32> to vector<32x256xf32>
    %add3A_1313 = arith.addf %add3A_1312, %get3A_1 : vector<32x256xf32>
    %swap3A_1314 = arith.constant 0 : index
    %swap3A_1315 = arith.constant 0 : index
    %swap3A_1316 = arith.constant 30464 : index
    %swap3A_1317 = vector.load %arg3[%swap3A_1314, %swap3A_1315, %swap3A_1316] : memref<1x32x65536xf32, #tpu.memory_space<vmem>>, vector<1x32x256xf32>
    %swap3A_1318 = vector.shape_cast %swap3A_1317 : vector<1x32x256xf32> to vector<32x256xf32>
    %swap3A_1319 = vector.shape_cast %add3A_1313 : vector<32x256xf32> to vector<1x32x256xf32>
    tpu.vector_store %arg3[%swap3A_1314, %swap3A_1315, %swap3A_1316], %swap3A_1319 {strides = array<i32>} : memref<1x32x65536xf32, #tpu.memory_space<vmem>>, vector<1x32x256xf32>,
    %get3A_1320 = arith.constant 0 : index
    %get3A_1321 = arith.constant 120 : index
    %get3A_1322 = vector.load %arg1[%get3A_1320, %get3A_1321] : memref<32x256xf32, #tpu.memory_space<vmem>>, vector<32x1xf32>
    %add3A_1323 = vector.broadcast %get3A_1322 : vector<32x1xf32> to vector<32x256xf32>
    %add3A_1324 = arith.addf %add3A_1323, %get3A_1 : vector<32x256xf32>
    %swap3A_1325 = arith.constant 0 : index
    %swap3A_1326 = arith.constant 0 : index
    %swap3A_1327 = arith.constant 30720 : index
    %swap3A_1328 = vector.load %arg3[%swap3A_1325, %swap3A_1326, %swap3A_1327] : memref<1x32x65536xf32, #tpu.memory_space<vmem>>, vector<1x32x256xf32>
    %swap3A_1329 = vector.shape_cast %swap3A_1328 : vector<1x32x256xf32> to vector<32x256xf32>
    %swap3A_1330 = vector.shape_cast %add3A_1324 : vector<32x256xf32> to vector<1x32x256xf32>
    tpu.vector_store %arg3[%swap3A_1325, %swap3A_1326, %swap3A_1327], %swap3A_1330 {strides = array<i32>} : memref<1x32x65536xf32, #tpu.memory_space<vmem>>, vector<1x32x256xf32>,
    %get3A_1331 = arith.constant 0 : index
    %get3A_1332 = arith.constant 121 : index
    %get3A_1333 = vector.load %arg1[%get3A_1331, %get3A_1332] : memref<32x256xf32, #tpu.memory_space<vmem>>, vector<32x1xf32>
    %add3A_1334 = vector.broadcast %get3A_1333 : vector<32x1xf32> to vector<32x256xf32>
    %add3A_1335 = arith.addf %add3A_1334, %get3A_1 : vector<32x256xf32>
    %swap3A_1336 = arith.constant 0 : index
    %swap3A_1337 = arith.constant 0 : index
    %swap3A_1338 = arith.constant 30976 : index
    %swap3A_1339 = vector.load %arg3[%swap3A_1336, %swap3A_1337, %swap3A_1338] : memref<1x32x65536xf32, #tpu.memory_space<vmem>>, vector<1x32x256xf32>
    %swap3A_1340 = vector.shape_cast %swap3A_1339 : vector<1x32x256xf32> to vector<32x256xf32>
    %swap3A_1341 = vector.shape_cast %add3A_1335 : vector<32x256xf32> to vector<1x32x256xf32>
    tpu.vector_store %arg3[%swap3A_1336, %swap3A_1337, %swap3A_1338], %swap3A_1341 {strides = array<i32>} : memref<1x32x65536xf32, #tpu.memory_space<vmem>>, vector<1x32x256xf32>,
    %get3A_1342 = arith.constant 0 : index
    %get3A_1343 = arith.constant 122 : index
    %get3A_1344 = vector.load %arg1[%get3A_1342, %get3A_1343] : memref<32x256xf32, #tpu.memory_space<vmem>>, vector<32x1xf32>
    %add3A_1345 = vector.broadcast %get3A_1344 : vector<32x1xf32> to vector<32x256xf32>
    %add3A_1346 = arith.addf %add3A_1345, %get3A_1 : vector<32x256xf32>
    %swap3A_1347 = arith.constant 0 : index
    %swap3A_1348 = arith.constant 0 : index
    %swap3A_1349 = arith.constant 31232 : index
    %swap3A_1350 = vector.load %arg3[%swap3A_1347, %swap3A_1348, %swap3A_1349] : memref<1x32x65536xf32, #tpu.memory_space<vmem>>, vector<1x32x256xf32>
    %swap3A_1351 = vector.shape_cast %swap3A_1350 : vector<1x32x256xf32> to vector<32x256xf32>
    %swap3A_1352 = vector.shape_cast %add3A_1346 : vector<32x256xf32> to vector<1x32x256xf32>
    tpu.vector_store %arg3[%swap3A_1347, %swap3A_1348, %swap3A_1349], %swap3A_1352 {strides = array<i32>} : memref<1x32x65536xf32, #tpu.memory_space<vmem>>, vector<1x32x256xf32>,
    %get3A_1353 = arith.constant 0 : index
    %get3A_1354 = arith.constant 123 : index
    %get3A_1355 = vector.load %arg1[%get3A_1353, %get3A_1354] : memref<32x256xf32, #tpu.memory_space<vmem>>, vector<32x1xf32>
    %add3A_1356 = vector.broadcast %get3A_1355 : vector<32x1xf32> to vector<32x256xf32>
    %add3A_1357 = arith.addf %add3A_1356, %get3A_1 : vector<32x256xf32>
    %swap3A_1358 = arith.constant 0 : index
    %swap3A_1359 = arith.constant 0 : index
    %swap3A_1360 = arith.constant 31488 : index
    %swap3A_1361 = vector.load %arg3[%swap3A_1358, %swap3A_1359, %swap3A_1360] : memref<1x32x65536xf32, #tpu.memory_space<vmem>>, vector<1x32x256xf32>
    %swap3A_1362 = vector.shape_cast %swap3A_1361 : vector<1x32x256xf32> to vector<32x256xf32>
    %swap3A_1363 = vector.shape_cast %add3A_1357 : vector<32x256xf32> to vector<1x32x256xf32>
    tpu.vector_store %arg3[%swap3A_1358, %swap3A_1359, %swap3A_1360], %swap3A_1363 {strides = array<i32>} : memref<1x32x65536xf32, #tpu.memory_space<vmem>>, vector<1x32x256xf32>,
    %get3A_1364 = arith.constant 0 : index
    %get3A_1365 = arith.constant 124 : index
    %get3A_1366 = vector.load %arg1[%get3A_1364, %get3A_1365] : memref<32x256xf32, #tpu.memory_space<vmem>>, vector<32x1xf32>
    %add3A_1367 = vector.broadcast %get3A_1366 : vector<32x1xf32> to vector<32x256xf32>
    %add3A_1368 = arith.addf %add3A_1367, %get3A_1 : vector<32x256xf32>
    %swap3A_1369 = arith.constant 0 : index
    %swap3A_1370 = arith.constant 0 : index
    %swap3A_1371 = arith.constant 31744 : index
    %swap3A_1372 = vector.load %arg3[%swap3A_1369, %swap3A_1370, %swap3A_1371] : memref<1x32x65536xf32, #tpu.memory_space<vmem>>, vector<1x32x256xf32>
    %swap3A_1373 = vector.shape_cast %swap3A_1372 : vector<1x32x256xf32> to vector<32x256xf32>
    %swap3A_1374 = vector.shape_cast %add3A_1368 : vector<32x256xf32> to vector<1x32x256xf32>
    tpu.vector_store %arg3[%swap3A_1369, %swap3A_1370, %swap3A_1371], %swap3A_1374 {strides = array<i32>} : memref<1x32x65536xf32, #tpu.memory_space<vmem>>, vector<1x32x256xf32>,
    %get3A_1375 = arith.constant 0 : index
    %get3A_1376 = arith.constant 125 : index
    %get3A_1377 = vector.load %arg1[%get3A_1375, %get3A_1376] : memref<32x256xf32, #tpu.memory_space<vmem>>, vector<32x1xf32>
    %add3A_1378 = vector.broadcast %get3A_1377 : vector<32x1xf32> to vector<32x256xf32>
    %add3A_1379 = arith.addf %add3A_1378, %get3A_1 : vector<32x256xf32>
    %swap3A_1380 = arith.constant 0 : index
    %swap3A_1381 = arith.constant 0 : index
    %swap3A_1382 = arith.constant 32000 : index
    %swap3A_1383 = vector.load %arg3[%swap3A_1380, %swap3A_1381, %swap3A_1382] : memref<1x32x65536xf32, #tpu.memory_space<vmem>>, vector<1x32x256xf32>
    %swap3A_1384 = vector.shape_cast %swap3A_1383 : vector<1x32x256xf32> to vector<32x256xf32>
    %swap3A_1385 = vector.shape_cast %add3A_1379 : vector<32x256xf32> to vector<1x32x256xf32>
    tpu.vector_store %arg3[%swap3A_1380, %swap3A_1381, %swap3A_1382], %swap3A_1385 {strides = array<i32>} : memref<1x32x65536xf32, #tpu.memory_space<vmem>>, vector<1x32x256xf32>,
    %get3A_1386 = arith.constant 0 : index
    %get3A_1387 = arith.constant 126 : index
    %get3A_1388 = vector.load %arg1[%get3A_1386, %get3A_1387] : memref<32x256xf32, #tpu.memory_space<vmem>>, vector<32x1xf32>
    %add3A_1389 = vector.broadcast %get3A_1388 : vector<32x1xf32> to vector<32x256xf32>
    %add3A_1390 = arith.addf %add3A_1389, %get3A_1 : vector<32x256xf32>
    %swap3A_1391 = arith.constant 0 : index
    %swap3A_1392 = arith.constant 0 : index
    %swap3A_1393 = arith.constant 32256 : index
    %swap3A_1394 = vector.load %arg3[%swap3A_1391, %swap3A_1392, %swap3A_1393] : memref<1x32x65536xf32, #tpu.memory_space<vmem>>, vector<1x32x256xf32>
    %swap3A_1395 = vector.shape_cast %swap3A_1394 : vector<1x32x256xf32> to vector<32x256xf32>
    %swap3A_1396 = vector.shape_cast %add3A_1390 : vector<32x256xf32> to vector<1x32x256xf32>
    tpu.vector_store %arg3[%swap3A_1391, %swap3A_1392, %swap3A_1393], %swap3A_1396 {strides = array<i32>} : memref<1x32x65536xf32, #tpu.memory_space<vmem>>, vector<1x32x256xf32>,
    %get3A_1397 = arith.constant 0 : index
    %get3A_1398 = arith.constant 127 : index
    %get3A_1399 = vector.load %arg1[%get3A_1397, %get3A_1398] : memref<32x256xf32, #tpu.memory_space<vmem>>, vector<32x1xf32>
    %add3A_1400 = vector.broadcast %get3A_1399 : vector<32x1xf32> to vector<32x256xf32>
    %add3A_1401 = arith.addf %add3A_1400, %get3A_1 : vector<32x256xf32>
    %swap3A_1402 = arith.constant 0 : index
    %swap3A_1403 = arith.constant 0 : index
    %swap3A_1404 = arith.constant 32512 : index
    %swap3A_1405 = vector.load %arg3[%swap3A_1402, %swap3A_1403, %swap3A_1404] : memref<1x32x65536xf32, #tpu.memory_space<vmem>>, vector<1x32x256xf32>
    %swap3A_1406 = vector.shape_cast %swap3A_1405 : vector<1x32x256xf32> to vector<32x256xf32>
    %swap3A_1407 = vector.shape_cast %add3A_1401 : vector<32x256xf32> to vector<1x32x256xf32>
    tpu.vector_store %arg3[%swap3A_1402, %swap3A_1403, %swap3A_1404], %swap3A_1407 {strides = array<i32>} : memref<1x32x65536xf32, #tpu.memory_space<vmem>>, vector<1x32x256xf32>,
    %get3A_1408 = arith.constant 0 : index
    %get3A_1409 = arith.constant 128 : index
    %get3A_1410 = vector.load %arg1[%get3A_1408, %get3A_1409] : memref<32x256xf32, #tpu.memory_space<vmem>>, vector<32x1xf32>
    %add3A_1411 = vector.broadcast %get3A_1410 : vector<32x1xf32> to vector<32x256xf32>
    %add3A_1412 = arith.addf %add3A_1411, %get3A_1 : vector<32x256xf32>
    %swap3A_1413 = arith.constant 0 : index
    %swap3A_1414 = arith.constant 0 : index
    %swap3A_1415 = arith.constant 32768 : index
    %swap3A_1416 = vector.load %arg3[%swap3A_1413, %swap3A_1414, %swap3A_1415] : memref<1x32x65536xf32, #tpu.memory_space<vmem>>, vector<1x32x256xf32>
    %swap3A_1417 = vector.shape_cast %swap3A_1416 : vector<1x32x256xf32> to vector<32x256xf32>
    %swap3A_1418 = vector.shape_cast %add3A_1412 : vector<32x256xf32> to vector<1x32x256xf32>
    tpu.vector_store %arg3[%swap3A_1413, %swap3A_1414, %swap3A_1415], %swap3A_1418 {strides = array<i32>} : memref<1x32x65536xf32, #tpu.memory_space<vmem>>, vector<1x32x256xf32>,
    %get3A_1419 = arith.constant 0 : index
    %get3A_1420 = arith.constant 129 : index
    %get3A_1421 = vector.load %arg1[%get3A_1419, %get3A_1420] : memref<32x256xf32, #tpu.memory_space<vmem>>, vector<32x1xf32>
    %add3A_1422 = vector.broadcast %get3A_1421 : vector<32x1xf32> to vector<32x256xf32>
    %add3A_1423 = arith.addf %add3A_1422, %get3A_1 : vector<32x256xf32>
    %swap3A_1424 = arith.constant 0 : index
    %swap3A_1425 = arith.constant 0 : index
    %swap3A_1426 = arith.constant 33024 : index
    %swap3A_1427 = vector.load %arg3[%swap3A_1424, %swap3A_1425, %swap3A_1426] : memref<1x32x65536xf32, #tpu.memory_space<vmem>>, vector<1x32x256xf32>
    %swap3A_1428 = vector.shape_cast %swap3A_1427 : vector<1x32x256xf32> to vector<32x256xf32>
    %swap3A_1429 = vector.shape_cast %add3A_1423 : vector<32x256xf32> to vector<1x32x256xf32>
    tpu.vector_store %arg3[%swap3A_1424, %swap3A_1425, %swap3A_1426], %swap3A_1429 {strides = array<i32>} : memref<1x32x65536xf32, #tpu.memory_space<vmem>>, vector<1x32x256xf32>,
    %get3A_1430 = arith.constant 0 : index
    %get3A_1431 = arith.constant 130 : index
    %get3A_1432 = vector.load %arg1[%get3A_1430, %get3A_1431] : memref<32x256xf32, #tpu.memory_space<vmem>>, vector<32x1xf32>
    %add3A_1433 = vector.broadcast %get3A_1432 : vector<32x1xf32> to vector<32x256xf32>
    %add3A_1434 = arith.addf %add3A_1433, %get3A_1 : vector<32x256xf32>
    %swap3A_1435 = arith.constant 0 : index
    %swap3A_1436 = arith.constant 0 : index
    %swap3A_1437 = arith.constant 33280 : index
    %swap3A_1438 = vector.load %arg3[%swap3A_1435, %swap3A_1436, %swap3A_1437] : memref<1x32x65536xf32, #tpu.memory_space<vmem>>, vector<1x32x256xf32>
    %swap3A_1439 = vector.shape_cast %swap3A_1438 : vector<1x32x256xf32> to vector<32x256xf32>
    %swap3A_1440 = vector.shape_cast %add3A_1434 : vector<32x256xf32> to vector<1x32x256xf32>
    tpu.vector_store %arg3[%swap3A_1435, %swap3A_1436, %swap3A_1437], %swap3A_1440 {strides = array<i32>} : memref<1x32x65536xf32, #tpu.memory_space<vmem>>, vector<1x32x256xf32>,
    %get3A_1441 = arith.constant 0 : index
    %get3A_1442 = arith.constant 131 : index
    %get3A_1443 = vector.load %arg1[%get3A_1441, %get3A_1442] : memref<32x256xf32, #tpu.memory_space<vmem>>, vector<32x1xf32>
    %add3A_1444 = vector.broadcast %get3A_1443 : vector<32x1xf32> to vector<32x256xf32>
    %add3A_1445 = arith.addf %add3A_1444, %get3A_1 : vector<32x256xf32>
    %swap3A_1446 = arith.constant 0 : index
    %swap3A_1447 = arith.constant 0 : index
    %swap3A_1448 = arith.constant 33536 : index
    %swap3A_1449 = vector.load %arg3[%swap3A_1446, %swap3A_1447, %swap3A_1448] : memref<1x32x65536xf32, #tpu.memory_space<vmem>>, vector<1x32x256xf32>
    %swap3A_1450 = vector.shape_cast %swap3A_1449 : vector<1x32x256xf32> to vector<32x256xf32>
    %swap3A_1451 = vector.shape_cast %add3A_1445 : vector<32x256xf32> to vector<1x32x256xf32>
    tpu.vector_store %arg3[%swap3A_1446, %swap3A_1447, %swap3A_1448], %swap3A_1451 {strides = array<i32>} : memref<1x32x65536xf32, #tpu.memory_space<vmem>>, vector<1x32x256xf32>,
    %get3A_1452 = arith.constant 0 : index
    %get3A_1453 = arith.constant 132 : index
    %get3A_1454 = vector.load %arg1[%get3A_1452, %get3A_1453] : memref<32x256xf32, #tpu.memory_space<vmem>>, vector<32x1xf32>
    %add3A_1455 = vector.broadcast %get3A_1454 : vector<32x1xf32> to vector<32x256xf32>
    %add3A_1456 = arith.addf %add3A_1455, %get3A_1 : vector<32x256xf32>
    %swap3A_1457 = arith.constant 0 : index
    %swap3A_1458 = arith.constant 0 : index
    %swap3A_1459 = arith.constant 33792 : index
    %swap3A_1460 = vector.load %arg3[%swap3A_1457, %swap3A_1458, %swap3A_1459] : memref<1x32x65536xf32, #tpu.memory_space<vmem>>, vector<1x32x256xf32>
    %swap3A_1461 = vector.shape_cast %swap3A_1460 : vector<1x32x256xf32> to vector<32x256xf32>
    %swap3A_1462 = vector.shape_cast %add3A_1456 : vector<32x256xf32> to vector<1x32x256xf32>
    tpu.vector_store %arg3[%swap3A_1457, %swap3A_1458, %swap3A_1459], %swap3A_1462 {strides = array<i32>} : memref<1x32x65536xf32, #tpu.memory_space<vmem>>, vector<1x32x256xf32>,
    %get3A_1463 = arith.constant 0 : index
    %get3A_1464 = arith.constant 133 : index
    %get3A_1465 = vector.load %arg1[%get3A_1463, %get3A_1464] : memref<32x256xf32, #tpu.memory_space<vmem>>, vector<32x1xf32>
    %add3A_1466 = vector.broadcast %get3A_1465 : vector<32x1xf32> to vector<32x256xf32>
    %add3A_1467 = arith.addf %add3A_1466, %get3A_1 : vector<32x256xf32>
    %swap3A_1468 = arith.constant 0 : index
    %swap3A_1469 = arith.constant 0 : index
    %swap3A_1470 = arith.constant 34048 : index
    %swap3A_1471 = vector.load %arg3[%swap3A_1468, %swap3A_1469, %swap3A_1470] : memref<1x32x65536xf32, #tpu.memory_space<vmem>>, vector<1x32x256xf32>
    %swap3A_1472 = vector.shape_cast %swap3A_1471 : vector<1x32x256xf32> to vector<32x256xf32>
    %swap3A_1473 = vector.shape_cast %add3A_1467 : vector<32x256xf32> to vector<1x32x256xf32>
    tpu.vector_store %arg3[%swap3A_1468, %swap3A_1469, %swap3A_1470], %swap3A_1473 {strides = array<i32>} : memref<1x32x65536xf32, #tpu.memory_space<vmem>>, vector<1x32x256xf32>,
    %get3A_1474 = arith.constant 0 : index
    %get3A_1475 = arith.constant 134 : index
    %get3A_1476 = vector.load %arg1[%get3A_1474, %get3A_1475] : memref<32x256xf32, #tpu.memory_space<vmem>>, vector<32x1xf32>
    %add3A_1477 = vector.broadcast %get3A_1476 : vector<32x1xf32> to vector<32x256xf32>
    %add3A_1478 = arith.addf %add3A_1477, %get3A_1 : vector<32x256xf32>
    %swap3A_1479 = arith.constant 0 : index
    %swap3A_1480 = arith.constant 0 : index
    %swap3A_1481 = arith.constant 34304 : index
    %swap3A_1482 = vector.load %arg3[%swap3A_1479, %swap3A_1480, %swap3A_1481] : memref<1x32x65536xf32, #tpu.memory_space<vmem>>, vector<1x32x256xf32>
    %swap3A_1483 = vector.shape_cast %swap3A_1482 : vector<1x32x256xf32> to vector<32x256xf32>
    %swap3A_1484 = vector.shape_cast %add3A_1478 : vector<32x256xf32> to vector<1x32x256xf32>
    tpu.vector_store %arg3[%swap3A_1479, %swap3A_1480, %swap3A_1481], %swap3A_1484 {strides = array<i32>} : memref<1x32x65536xf32, #tpu.memory_space<vmem>>, vector<1x32x256xf32>,
    %get3A_1485 = arith.constant 0 : index
    %get3A_1486 = arith.constant 135 : index
    %get3A_1487 = vector.load %arg1[%get3A_1485, %get3A_1486] : memref<32x256xf32, #tpu.memory_space<vmem>>, vector<32x1xf32>
    %add3A_1488 = vector.broadcast %get3A_1487 : vector<32x1xf32> to vector<32x256xf32>
    %add3A_1489 = arith.addf %add3A_1488, %get3A_1 : vector<32x256xf32>
    %swap3A_1490 = arith.constant 0 : index
    %swap3A_1491 = arith.constant 0 : index
    %swap3A_1492 = arith.constant 34560 : index
    %swap3A_1493 = vector.load %arg3[%swap3A_1490, %swap3A_1491, %swap3A_1492] : memref<1x32x65536xf32, #tpu.memory_space<vmem>>, vector<1x32x256xf32>
    %swap3A_1494 = vector.shape_cast %swap3A_1493 : vector<1x32x256xf32> to vector<32x256xf32>
    %swap3A_1495 = vector.shape_cast %add3A_1489 : vector<32x256xf32> to vector<1x32x256xf32>
    tpu.vector_store %arg3[%swap3A_1490, %swap3A_1491, %swap3A_1492], %swap3A_1495 {strides = array<i32>} : memref<1x32x65536xf32, #tpu.memory_space<vmem>>, vector<1x32x256xf32>,
    %get3A_1496 = arith.constant 0 : index
    %get3A_1497 = arith.constant 136 : index
    %get3A_1498 = vector.load %arg1[%get3A_1496, %get3A_1497] : memref<32x256xf32, #tpu.memory_space<vmem>>, vector<32x1xf32>
    %add3A_1499 = vector.broadcast %get3A_1498 : vector<32x1xf32> to vector<32x256xf32>
    %add3A_1500 = arith.addf %add3A_1499, %get3A_1 : vector<32x256xf32>
    %swap3A_1501 = arith.constant 0 : index
    %swap3A_1502 = arith.constant 0 : index
    %swap3A_1503 = arith.constant 34816 : index
    %swap3A_1504 = vector.load %arg3[%swap3A_1501, %swap3A_1502, %swap3A_1503] : memref<1x32x65536xf32, #tpu.memory_space<vmem>>, vector<1x32x256xf32>
    %swap3A_1505 = vector.shape_cast %swap3A_1504 : vector<1x32x256xf32> to vector<32x256xf32>
    %swap3A_1506 = vector.shape_cast %add3A_1500 : vector<32x256xf32> to vector<1x32x256xf32>
    tpu.vector_store %arg3[%swap3A_1501, %swap3A_1502, %swap3A_1503], %swap3A_1506 {strides = array<i32>} : memref<1x32x65536xf32, #tpu.memory_space<vmem>>, vector<1x32x256xf32>,
    %get3A_1507 = arith.constant 0 : index
    %get3A_1508 = arith.constant 137 : index
    %get3A_1509 = vector.load %arg1[%get3A_1507, %get3A_1508] : memref<32x256xf32, #tpu.memory_space<vmem>>, vector<32x1xf32>
    %add3A_1510 = vector.broadcast %get3A_1509 : vector<32x1xf32> to vector<32x256xf32>
    %add3A_1511 = arith.addf %add3A_1510, %get3A_1 : vector<32x256xf32>
    %swap3A_1512 = arith.constant 0 : index
    %swap3A_1513 = arith.constant 0 : index
    %swap3A_1514 = arith.constant 35072 : index
    %swap3A_1515 = vector.load %arg3[%swap3A_1512, %swap3A_1513, %swap3A_1514] : memref<1x32x65536xf32, #tpu.memory_space<vmem>>, vector<1x32x256xf32>
    %swap3A_1516 = vector.shape_cast %swap3A_1515 : vector<1x32x256xf32> to vector<32x256xf32>
    %swap3A_1517 = vector.shape_cast %add3A_1511 : vector<32x256xf32> to vector<1x32x256xf32>
    tpu.vector_store %arg3[%swap3A_1512, %swap3A_1513, %swap3A_1514], %swap3A_1517 {strides = array<i32>} : memref<1x32x65536xf32, #tpu.memory_space<vmem>>, vector<1x32x256xf32>,
    %get3A_1518 = arith.constant 0 : index
    %get3A_1519 = arith.constant 138 : index
    %get3A_1520 = vector.load %arg1[%get3A_1518, %get3A_1519] : memref<32x256xf32, #tpu.memory_space<vmem>>, vector<32x1xf32>
    %add3A_1521 = vector.broadcast %get3A_1520 : vector<32x1xf32> to vector<32x256xf32>
    %add3A_1522 = arith.addf %add3A_1521, %get3A_1 : vector<32x256xf32>
    %swap3A_1523 = arith.constant 0 : index
    %swap3A_1524 = arith.constant 0 : index
    %swap3A_1525 = arith.constant 35328 : index
    %swap3A_1526 = vector.load %arg3[%swap3A_1523, %swap3A_1524, %swap3A_1525] : memref<1x32x65536xf32, #tpu.memory_space<vmem>>, vector<1x32x256xf32>
    %swap3A_1527 = vector.shape_cast %swap3A_1526 : vector<1x32x256xf32> to vector<32x256xf32>
    %swap3A_1528 = vector.shape_cast %add3A_1522 : vector<32x256xf32> to vector<1x32x256xf32>
    tpu.vector_store %arg3[%swap3A_1523, %swap3A_1524, %swap3A_1525], %swap3A_1528 {strides = array<i32>} : memref<1x32x65536xf32, #tpu.memory_space<vmem>>, vector<1x32x256xf32>,
    %get3A_1529 = arith.constant 0 : index
    %get3A_1530 = arith.constant 139 : index
    %get3A_1531 = vector.load %arg1[%get3A_1529, %get3A_1530] : memref<32x256xf32, #tpu.memory_space<vmem>>, vector<32x1xf32>
    %add3A_1532 = vector.broadcast %get3A_1531 : vector<32x1xf32> to vector<32x256xf32>
    %add3A_1533 = arith.addf %add3A_1532, %get3A_1 : vector<32x256xf32>
    %swap3A_1534 = arith.constant 0 : index
    %swap3A_1535 = arith.constant 0 : index
    %swap3A_1536 = arith.constant 35584 : index
    %swap3A_1537 = vector.load %arg3[%swap3A_1534, %swap3A_1535, %swap3A_1536] : memref<1x32x65536xf32, #tpu.memory_space<vmem>>, vector<1x32x256xf32>
    %swap3A_1538 = vector.shape_cast %swap3A_1537 : vector<1x32x256xf32> to vector<32x256xf32>
    %swap3A_1539 = vector.shape_cast %add3A_1533 : vector<32x256xf32> to vector<1x32x256xf32>
    tpu.vector_store %arg3[%swap3A_1534, %swap3A_1535, %swap3A_1536], %swap3A_1539 {strides = array<i32>} : memref<1x32x65536xf32, #tpu.memory_space<vmem>>, vector<1x32x256xf32>,
    %get3A_1540 = arith.constant 0 : index
    %get3A_1541 = arith.constant 140 : index
    %get3A_1542 = vector.load %arg1[%get3A_1540, %get3A_1541] : memref<32x256xf32, #tpu.memory_space<vmem>>, vector<32x1xf32>
    %add3A_1543 = vector.broadcast %get3A_1542 : vector<32x1xf32> to vector<32x256xf32>
    %add3A_1544 = arith.addf %add3A_1543, %get3A_1 : vector<32x256xf32>
    %swap3A_1545 = arith.constant 0 : index
    %swap3A_1546 = arith.constant 0 : index
    %swap3A_1547 = arith.constant 35840 : index
    %swap3A_1548 = vector.load %arg3[%swap3A_1545, %swap3A_1546, %swap3A_1547] : memref<1x32x65536xf32, #tpu.memory_space<vmem>>, vector<1x32x256xf32>
    %swap3A_1549 = vector.shape_cast %swap3A_1548 : vector<1x32x256xf32> to vector<32x256xf32>
    %swap3A_1550 = vector.shape_cast %add3A_1544 : vector<32x256xf32> to vector<1x32x256xf32>
    tpu.vector_store %arg3[%swap3A_1545, %swap3A_1546, %swap3A_1547], %swap3A_1550 {strides = array<i32>} : memref<1x32x65536xf32, #tpu.memory_space<vmem>>, vector<1x32x256xf32>,
    %get3A_1551 = arith.constant 0 : index
    %get3A_1552 = arith.constant 141 : index
    %get3A_1553 = vector.load %arg1[%get3A_1551, %get3A_1552] : memref<32x256xf32, #tpu.memory_space<vmem>>, vector<32x1xf32>
    %add3A_1554 = vector.broadcast %get3A_1553 : vector<32x1xf32> to vector<32x256xf32>
    %add3A_1555 = arith.addf %add3A_1554, %get3A_1 : vector<32x256xf32>
    %swap3A_1556 = arith.constant 0 : index
    %swap3A_1557 = arith.constant 0 : index
    %swap3A_1558 = arith.constant 36096 : index
    %swap3A_1559 = vector.load %arg3[%swap3A_1556, %swap3A_1557, %swap3A_1558] : memref<1x32x65536xf32, #tpu.memory_space<vmem>>, vector<1x32x256xf32>
    %swap3A_1560 = vector.shape_cast %swap3A_1559 : vector<1x32x256xf32> to vector<32x256xf32>
    %swap3A_1561 = vector.shape_cast %add3A_1555 : vector<32x256xf32> to vector<1x32x256xf32>
    tpu.vector_store %arg3[%swap3A_1556, %swap3A_1557, %swap3A_1558], %swap3A_1561 {strides = array<i32>} : memref<1x32x65536xf32, #tpu.memory_space<vmem>>, vector<1x32x256xf32>,
    %get3A_1562 = arith.constant 0 : index
    %get3A_1563 = arith.constant 142 : index
    %get3A_1564 = vector.load %arg1[%get3A_1562, %get3A_1563] : memref<32x256xf32, #tpu.memory_space<vmem>>, vector<32x1xf32>
    %add3A_1565 = vector.broadcast %get3A_1564 : vector<32x1xf32> to vector<32x256xf32>
    %add3A_1566 = arith.addf %add3A_1565, %get3A_1 : vector<32x256xf32>
    %swap3A_1567 = arith.constant 0 : index
    %swap3A_1568 = arith.constant 0 : index
    %swap3A_1569 = arith.constant 36352 : index
    %swap3A_1570 = vector.load %arg3[%swap3A_1567, %swap3A_1568, %swap3A_1569] : memref<1x32x65536xf32, #tpu.memory_space<vmem>>, vector<1x32x256xf32>
    %swap3A_1571 = vector.shape_cast %swap3A_1570 : vector<1x32x256xf32> to vector<32x256xf32>
    %swap3A_1572 = vector.shape_cast %add3A_1566 : vector<32x256xf32> to vector<1x32x256xf32>
    tpu.vector_store %arg3[%swap3A_1567, %swap3A_1568, %swap3A_1569], %swap3A_1572 {strides = array<i32>} : memref<1x32x65536xf32, #tpu.memory_space<vmem>>, vector<1x32x256xf32>,
    %get3A_1573 = arith.constant 0 : index
    %get3A_1574 = arith.constant 143 : index
    %get3A_1575 = vector.load %arg1[%get3A_1573, %get3A_1574] : memref<32x256xf32, #tpu.memory_space<vmem>>, vector<32x1xf32>
    %add3A_1576 = vector.broadcast %get3A_1575 : vector<32x1xf32> to vector<32x256xf32>
    %add3A_1577 = arith.addf %add3A_1576, %get3A_1 : vector<32x256xf32>
    %swap3A_1578 = arith.constant 0 : index
    %swap3A_1579 = arith.constant 0 : index
    %swap3A_1580 = arith.constant 36608 : index
    %swap3A_1581 = vector.load %arg3[%swap3A_1578, %swap3A_1579, %swap3A_1580] : memref<1x32x65536xf32, #tpu.memory_space<vmem>>, vector<1x32x256xf32>
    %swap3A_1582 = vector.shape_cast %swap3A_1581 : vector<1x32x256xf32> to vector<32x256xf32>
    %swap3A_1583 = vector.shape_cast %add3A_1577 : vector<32x256xf32> to vector<1x32x256xf32>
    tpu.vector_store %arg3[%swap3A_1578, %swap3A_1579, %swap3A_1580], %swap3A_1583 {strides = array<i32>} : memref<1x32x65536xf32, #tpu.memory_space<vmem>>, vector<1x32x256xf32>,
    %get3A_1584 = arith.constant 0 : index
    %get3A_1585 = arith.constant 144 : index
    %get3A_1586 = vector.load %arg1[%get3A_1584, %get3A_1585] : memref<32x256xf32, #tpu.memory_space<vmem>>, vector<32x1xf32>
    %add3A_1587 = vector.broadcast %get3A_1586 : vector<32x1xf32> to vector<32x256xf32>
    %add3A_1588 = arith.addf %add3A_1587, %get3A_1 : vector<32x256xf32>
    %swap3A_1589 = arith.constant 0 : index
    %swap3A_1590 = arith.constant 0 : index
    %swap3A_1591 = arith.constant 36864 : index
    %swap3A_1592 = vector.load %arg3[%swap3A_1589, %swap3A_1590, %swap3A_1591] : memref<1x32x65536xf32, #tpu.memory_space<vmem>>, vector<1x32x256xf32>
    %swap3A_1593 = vector.shape_cast %swap3A_1592 : vector<1x32x256xf32> to vector<32x256xf32>
    %swap3A_1594 = vector.shape_cast %add3A_1588 : vector<32x256xf32> to vector<1x32x256xf32>
    tpu.vector_store %arg3[%swap3A_1589, %swap3A_1590, %swap3A_1591], %swap3A_1594 {strides = array<i32>} : memref<1x32x65536xf32, #tpu.memory_space<vmem>>, vector<1x32x256xf32>,
    %get3A_1595 = arith.constant 0 : index
    %get3A_1596 = arith.constant 145 : index
    %get3A_1597 = vector.load %arg1[%get3A_1595, %get3A_1596] : memref<32x256xf32, #tpu.memory_space<vmem>>, vector<32x1xf32>
    %add3A_1598 = vector.broadcast %get3A_1597 : vector<32x1xf32> to vector<32x256xf32>
    %add3A_1599 = arith.addf %add3A_1598, %get3A_1 : vector<32x256xf32>
    %swap3A_1600 = arith.constant 0 : index
    %swap3A_1601 = arith.constant 0 : index
    %swap3A_1602 = arith.constant 37120 : index
    %swap3A_1603 = vector.load %arg3[%swap3A_1600, %swap3A_1601, %swap3A_1602] : memref<1x32x65536xf32, #tpu.memory_space<vmem>>, vector<1x32x256xf32>
    %swap3A_1604 = vector.shape_cast %swap3A_1603 : vector<1x32x256xf32> to vector<32x256xf32>
    %swap3A_1605 = vector.shape_cast %add3A_1599 : vector<32x256xf32> to vector<1x32x256xf32>
    tpu.vector_store %arg3[%swap3A_1600, %swap3A_1601, %swap3A_1602], %swap3A_1605 {strides = array<i32>} : memref<1x32x65536xf32, #tpu.memory_space<vmem>>, vector<1x32x256xf32>,
    %get3A_1606 = arith.constant 0 : index
    %get3A_1607 = arith.constant 146 : index
    %get3A_1608 = vector.load %arg1[%get3A_1606, %get3A_1607] : memref<32x256xf32, #tpu.memory_space<vmem>>, vector<32x1xf32>
    %add3A_1609 = vector.broadcast %get3A_1608 : vector<32x1xf32> to vector<32x256xf32>
    %add3A_1610 = arith.addf %add3A_1609, %get3A_1 : vector<32x256xf32>
    %swap3A_1611 = arith.constant 0 : index
    %swap3A_1612 = arith.constant 0 : index
    %swap3A_1613 = arith.constant 37376 : index
    %swap3A_1614 = vector.load %arg3[%swap3A_1611, %swap3A_1612, %swap3A_1613] : memref<1x32x65536xf32, #tpu.memory_space<vmem>>, vector<1x32x256xf32>
    %swap3A_1615 = vector.shape_cast %swap3A_1614 : vector<1x32x256xf32> to vector<32x256xf32>
    %swap3A_1616 = vector.shape_cast %add3A_1610 : vector<32x256xf32> to vector<1x32x256xf32>
    tpu.vector_store %arg3[%swap3A_1611, %swap3A_1612, %swap3A_1613], %swap3A_1616 {strides = array<i32>} : memref<1x32x65536xf32, #tpu.memory_space<vmem>>, vector<1x32x256xf32>,
    %get3A_1617 = arith.constant 0 : index
    %get3A_1618 = arith.constant 147 : index
    %get3A_1619 = vector.load %arg1[%get3A_1617, %get3A_1618] : memref<32x256xf32, #tpu.memory_space<vmem>>, vector<32x1xf32>
    %add3A_1620 = vector.broadcast %get3A_1619 : vector<32x1xf32> to vector<32x256xf32>
    %add3A_1621 = arith.addf %add3A_1620, %get3A_1 : vector<32x256xf32>
    %swap3A_1622 = arith.constant 0 : index
    %swap3A_1623 = arith.constant 0 : index
    %swap3A_1624 = arith.constant 37632 : index
    %swap3A_1625 = vector.load %arg3[%swap3A_1622, %swap3A_1623, %swap3A_1624] : memref<1x32x65536xf32, #tpu.memory_space<vmem>>, vector<1x32x256xf32>
    %swap3A_1626 = vector.shape_cast %swap3A_1625 : vector<1x32x256xf32> to vector<32x256xf32>
    %swap3A_1627 = vector.shape_cast %add3A_1621 : vector<32x256xf32> to vector<1x32x256xf32>
    tpu.vector_store %arg3[%swap3A_1622, %swap3A_1623, %swap3A_1624], %swap3A_1627 {strides = array<i32>} : memref<1x32x65536xf32, #tpu.memory_space<vmem>>, vector<1x32x256xf32>,
    %get3A_1628 = arith.constant 0 : index
    %get3A_1629 = arith.constant 148 : index
    %get3A_1630 = vector.load %arg1[%get3A_1628, %get3A_1629] : memref<32x256xf32, #tpu.memory_space<vmem>>, vector<32x1xf32>
    %add3A_1631 = vector.broadcast %get3A_1630 : vector<32x1xf32> to vector<32x256xf32>
    %add3A_1632 = arith.addf %add3A_1631, %get3A_1 : vector<32x256xf32>
    %swap3A_1633 = arith.constant 0 : index
    %swap3A_1634 = arith.constant 0 : index
    %swap3A_1635 = arith.constant 37888 : index
    %swap3A_1636 = vector.load %arg3[%swap3A_1633, %swap3A_1634, %swap3A_1635] : memref<1x32x65536xf32, #tpu.memory_space<vmem>>, vector<1x32x256xf32>
    %swap3A_1637 = vector.shape_cast %swap3A_1636 : vector<1x32x256xf32> to vector<32x256xf32>
    %swap3A_1638 = vector.shape_cast %add3A_1632 : vector<32x256xf32> to vector<1x32x256xf32>
    tpu.vector_store %arg3[%swap3A_1633, %swap3A_1634, %swap3A_1635], %swap3A_1638 {strides = array<i32>} : memref<1x32x65536xf32, #tpu.memory_space<vmem>>, vector<1x32x256xf32>,
    %get3A_1639 = arith.constant 0 : index
    %get3A_1640 = arith.constant 149 : index
    %get3A_1641 = vector.load %arg1[%get3A_1639, %get3A_1640] : memref<32x256xf32, #tpu.memory_space<vmem>>, vector<32x1xf32>
    %add3A_1642 = vector.broadcast %get3A_1641 : vector<32x1xf32> to vector<32x256xf32>
    %add3A_1643 = arith.addf %add3A_1642, %get3A_1 : vector<32x256xf32>
    %swap3A_1644 = arith.constant 0 : index
    %swap3A_1645 = arith.constant 0 : index
    %swap3A_1646 = arith.constant 38144 : index
    %swap3A_1647 = vector.load %arg3[%swap3A_1644, %swap3A_1645, %swap3A_1646] : memref<1x32x65536xf32, #tpu.memory_space<vmem>>, vector<1x32x256xf32>
    %swap3A_1648 = vector.shape_cast %swap3A_1647 : vector<1x32x256xf32> to vector<32x256xf32>
    %swap3A_1649 = vector.shape_cast %add3A_1643 : vector<32x256xf32> to vector<1x32x256xf32>
    tpu.vector_store %arg3[%swap3A_1644, %swap3A_1645, %swap3A_1646], %swap3A_1649 {strides = array<i32>} : memref<1x32x65536xf32, #tpu.memory_space<vmem>>, vector<1x32x256xf32>,
    %get3A_1650 = arith.constant 0 : index
    %get3A_1651 = arith.constant 150 : index
    %get3A_1652 = vector.load %arg1[%get3A_1650, %get3A_1651] : memref<32x256xf32, #tpu.memory_space<vmem>>, vector<32x1xf32>
    %add3A_1653 = vector.broadcast %get3A_1652 : vector<32x1xf32> to vector<32x256xf32>
    %add3A_1654 = arith.addf %add3A_1653, %get3A_1 : vector<32x256xf32>
    %swap3A_1655 = arith.constant 0 : index
    %swap3A_1656 = arith.constant 0 : index
    %swap3A_1657 = arith.constant 38400 : index
    %swap3A_1658 = vector.load %arg3[%swap3A_1655, %swap3A_1656, %swap3A_1657] : memref<1x32x65536xf32, #tpu.memory_space<vmem>>, vector<1x32x256xf32>
    %swap3A_1659 = vector.shape_cast %swap3A_1658 : vector<1x32x256xf32> to vector<32x256xf32>
    %swap3A_1660 = vector.shape_cast %add3A_1654 : vector<32x256xf32> to vector<1x32x256xf32>
    tpu.vector_store %arg3[%swap3A_1655, %swap3A_1656, %swap3A_1657], %swap3A_1660 {strides = array<i32>} : memref<1x32x65536xf32, #tpu.memory_space<vmem>>, vector<1x32x256xf32>,
    %get3A_1661 = arith.constant 0 : index
    %get3A_1662 = arith.constant 151 : index
    %get3A_1663 = vector.load %arg1[%get3A_1661, %get3A_1662] : memref<32x256xf32, #tpu.memory_space<vmem>>, vector<32x1xf32>
    %add3A_1664 = vector.broadcast %get3A_1663 : vector<32x1xf32> to vector<32x256xf32>
    %add3A_1665 = arith.addf %add3A_1664, %get3A_1 : vector<32x256xf32>
    %swap3A_1666 = arith.constant 0 : index
    %swap3A_1667 = arith.constant 0 : index
    %swap3A_1668 = arith.constant 38656 : index
    %swap3A_1669 = vector.load %arg3[%swap3A_1666, %swap3A_1667, %swap3A_1668] : memref<1x32x65536xf32, #tpu.memory_space<vmem>>, vector<1x32x256xf32>
    %swap3A_1670 = vector.shape_cast %swap3A_1669 : vector<1x32x256xf32> to vector<32x256xf32>
    %swap3A_1671 = vector.shape_cast %add3A_1665 : vector<32x256xf32> to vector<1x32x256xf32>
    tpu.vector_store %arg3[%swap3A_1666, %swap3A_1667, %swap3A_1668], %swap3A_1671 {strides = array<i32>} : memref<1x32x65536xf32, #tpu.memory_space<vmem>>, vector<1x32x256xf32>,
    %get3A_1672 = arith.constant 0 : index
    %get3A_1673 = arith.constant 152 : index
    %get3A_1674 = vector.load %arg1[%get3A_1672, %get3A_1673] : memref<32x256xf32, #tpu.memory_space<vmem>>, vector<32x1xf32>
    %add3A_1675 = vector.broadcast %get3A_1674 : vector<32x1xf32> to vector<32x256xf32>
    %add3A_1676 = arith.addf %add3A_1675, %get3A_1 : vector<32x256xf32>
    %swap3A_1677 = arith.constant 0 : index
    %swap3A_1678 = arith.constant 0 : index
    %swap3A_1679 = arith.constant 38912 : index
    %swap3A_1680 = vector.load %arg3[%swap3A_1677, %swap3A_1678, %swap3A_1679] : memref<1x32x65536xf32, #tpu.memory_space<vmem>>, vector<1x32x256xf32>
    %swap3A_1681 = vector.shape_cast %swap3A_1680 : vector<1x32x256xf32> to vector<32x256xf32>
    %swap3A_1682 = vector.shape_cast %add3A_1676 : vector<32x256xf32> to vector<1x32x256xf32>
    tpu.vector_store %arg3[%swap3A_1677, %swap3A_1678, %swap3A_1679], %swap3A_1682 {strides = array<i32>} : memref<1x32x65536xf32, #tpu.memory_space<vmem>>, vector<1x32x256xf32>,
    %get3A_1683 = arith.constant 0 : index
    %get3A_1684 = arith.constant 153 : index
    %get3A_1685 = vector.load %arg1[%get3A_1683, %get3A_1684] : memref<32x256xf32, #tpu.memory_space<vmem>>, vector<32x1xf32>
    %add3A_1686 = vector.broadcast %get3A_1685 : vector<32x1xf32> to vector<32x256xf32>
    %add3A_1687 = arith.addf %add3A_1686, %get3A_1 : vector<32x256xf32>
    %swap3A_1688 = arith.constant 0 : index
    %swap3A_1689 = arith.constant 0 : index
    %swap3A_1690 = arith.constant 39168 : index
    %swap3A_1691 = vector.load %arg3[%swap3A_1688, %swap3A_1689, %swap3A_1690] : memref<1x32x65536xf32, #tpu.memory_space<vmem>>, vector<1x32x256xf32>
    %swap3A_1692 = vector.shape_cast %swap3A_1691 : vector<1x32x256xf32> to vector<32x256xf32>
    %swap3A_1693 = vector.shape_cast %add3A_1687 : vector<32x256xf32> to vector<1x32x256xf32>
    tpu.vector_store %arg3[%swap3A_1688, %swap3A_1689, %swap3A_1690], %swap3A_1693 {strides = array<i32>} : memref<1x32x65536xf32, #tpu.memory_space<vmem>>, vector<1x32x256xf32>,
    %get3A_1694 = arith.constant 0 : index
    %get3A_1695 = arith.constant 154 : index
    %get3A_1696 = vector.load %arg1[%get3A_1694, %get3A_1695] : memref<32x256xf32, #tpu.memory_space<vmem>>, vector<32x1xf32>
    %add3A_1697 = vector.broadcast %get3A_1696 : vector<32x1xf32> to vector<32x256xf32>
    %add3A_1698 = arith.addf %add3A_1697, %get3A_1 : vector<32x256xf32>
    %swap3A_1699 = arith.constant 0 : index
    %swap3A_1700 = arith.constant 0 : index
    %swap3A_1701 = arith.constant 39424 : index
    %swap3A_1702 = vector.load %arg3[%swap3A_1699, %swap3A_1700, %swap3A_1701] : memref<1x32x65536xf32, #tpu.memory_space<vmem>>, vector<1x32x256xf32>
    %swap3A_1703 = vector.shape_cast %swap3A_1702 : vector<1x32x256xf32> to vector<32x256xf32>
    %swap3A_1704 = vector.shape_cast %add3A_1698 : vector<32x256xf32> to vector<1x32x256xf32>
    tpu.vector_store %arg3[%swap3A_1699, %swap3A_1700, %swap3A_1701], %swap3A_1704 {strides = array<i32>} : memref<1x32x65536xf32, #tpu.memory_space<vmem>>, vector<1x32x256xf32>,
    %get3A_1705 = arith.constant 0 : index
    %get3A_1706 = arith.constant 155 : index
    %get3A_1707 = vector.load %arg1[%get3A_1705, %get3A_1706] : memref<32x256xf32, #tpu.memory_space<vmem>>, vector<32x1xf32>
    %add3A_1708 = vector.broadcast %get3A_1707 : vector<32x1xf32> to vector<32x256xf32>
    %add3A_1709 = arith.addf %add3A_1708, %get3A_1 : vector<32x256xf32>
    %swap3A_1710 = arith.constant 0 : index
    %swap3A_1711 = arith.constant 0 : index
    %swap3A_1712 = arith.constant 39680 : index
    %swap3A_1713 = vector.load %arg3[%swap3A_1710, %swap3A_1711, %swap3A_1712] : memref<1x32x65536xf32, #tpu.memory_space<vmem>>, vector<1x32x256xf32>
    %swap3A_1714 = vector.shape_cast %swap3A_1713 : vector<1x32x256xf32> to vector<32x256xf32>
    %swap3A_1715 = vector.shape_cast %add3A_1709 : vector<32x256xf32> to vector<1x32x256xf32>
    tpu.vector_store %arg3[%swap3A_1710, %swap3A_1711, %swap3A_1712], %swap3A_1715 {strides = array<i32>} : memref<1x32x65536xf32, #tpu.memory_space<vmem>>, vector<1x32x256xf32>,
    %get3A_1716 = arith.constant 0 : index
    %get3A_1717 = arith.constant 156 : index
    %get3A_1718 = vector.load %arg1[%get3A_1716, %get3A_1717] : memref<32x256xf32, #tpu.memory_space<vmem>>, vector<32x1xf32>
    %add3A_1719 = vector.broadcast %get3A_1718 : vector<32x1xf32> to vector<32x256xf32>
    %add3A_1720 = arith.addf %add3A_1719, %get3A_1 : vector<32x256xf32>
    %swap3A_1721 = arith.constant 0 : index
    %swap3A_1722 = arith.constant 0 : index
    %swap3A_1723 = arith.constant 39936 : index
    %swap3A_1724 = vector.load %arg3[%swap3A_1721, %swap3A_1722, %swap3A_1723] : memref<1x32x65536xf32, #tpu.memory_space<vmem>>, vector<1x32x256xf32>
    %swap3A_1725 = vector.shape_cast %swap3A_1724 : vector<1x32x256xf32> to vector<32x256xf32>
    %swap3A_1726 = vector.shape_cast %add3A_1720 : vector<32x256xf32> to vector<1x32x256xf32>
    tpu.vector_store %arg3[%swap3A_1721, %swap3A_1722, %swap3A_1723], %swap3A_1726 {strides = array<i32>} : memref<1x32x65536xf32, #tpu.memory_space<vmem>>, vector<1x32x256xf32>,
    %get3A_1727 = arith.constant 0 : index
    %get3A_1728 = arith.constant 157 : index
    %get3A_1729 = vector.load %arg1[%get3A_1727, %get3A_1728] : memref<32x256xf32, #tpu.memory_space<vmem>>, vector<32x1xf32>
    %add3A_1730 = vector.broadcast %get3A_1729 : vector<32x1xf32> to vector<32x256xf32>
    %add3A_1731 = arith.addf %add3A_1730, %get3A_1 : vector<32x256xf32>
    %swap3A_1732 = arith.constant 0 : index
    %swap3A_1733 = arith.constant 0 : index
    %swap3A_1734 = arith.constant 40192 : index
    %swap3A_1735 = vector.load %arg3[%swap3A_1732, %swap3A_1733, %swap3A_1734] : memref<1x32x65536xf32, #tpu.memory_space<vmem>>, vector<1x32x256xf32>
    %swap3A_1736 = vector.shape_cast %swap3A_1735 : vector<1x32x256xf32> to vector<32x256xf32>
    %swap3A_1737 = vector.shape_cast %add3A_1731 : vector<32x256xf32> to vector<1x32x256xf32>
    tpu.vector_store %arg3[%swap3A_1732, %swap3A_1733, %swap3A_1734], %swap3A_1737 {strides = array<i32>} : memref<1x32x65536xf32, #tpu.memory_space<vmem>>, vector<1x32x256xf32>,
    %get3A_1738 = arith.constant 0 : index
    %get3A_1739 = arith.constant 158 : index
    %get3A_1740 = vector.load %arg1[%get3A_1738, %get3A_1739] : memref<32x256xf32, #tpu.memory_space<vmem>>, vector<32x1xf32>
    %add3A_1741 = vector.broadcast %get3A_1740 : vector<32x1xf32> to vector<32x256xf32>
    %add3A_1742 = arith.addf %add3A_1741, %get3A_1 : vector<32x256xf32>
    %swap3A_1743 = arith.constant 0 : index
    %swap3A_1744 = arith.constant 0 : index
    %swap3A_1745 = arith.constant 40448 : index
    %swap3A_1746 = vector.load %arg3[%swap3A_1743, %swap3A_1744, %swap3A_1745] : memref<1x32x65536xf32, #tpu.memory_space<vmem>>, vector<1x32x256xf32>
    %swap3A_1747 = vector.shape_cast %swap3A_1746 : vector<1x32x256xf32> to vector<32x256xf32>
    %swap3A_1748 = vector.shape_cast %add3A_1742 : vector<32x256xf32> to vector<1x32x256xf32>
    tpu.vector_store %arg3[%swap3A_1743, %swap3A_1744, %swap3A_1745], %swap3A_1748 {strides = array<i32>} : memref<1x32x65536xf32, #tpu.memory_space<vmem>>, vector<1x32x256xf32>,
    %get3A_1749 = arith.constant 0 : index
    %get3A_1750 = arith.constant 159 : index
    %get3A_1751 = vector.load %arg1[%get3A_1749, %get3A_1750] : memref<32x256xf32, #tpu.memory_space<vmem>>, vector<32x1xf32>
    %add3A_1752 = vector.broadcast %get3A_1751 : vector<32x1xf32> to vector<32x256xf32>
    %add3A_1753 = arith.addf %add3A_1752, %get3A_1 : vector<32x256xf32>
    %swap3A_1754 = arith.constant 0 : index
    %swap3A_1755 = arith.constant 0 : index
    %swap3A_1756 = arith.constant 40704 : index
    %swap3A_1757 = vector.load %arg3[%swap3A_1754, %swap3A_1755, %swap3A_1756] : memref<1x32x65536xf32, #tpu.memory_space<vmem>>, vector<1x32x256xf32>
    %swap3A_1758 = vector.shape_cast %swap3A_1757 : vector<1x32x256xf32> to vector<32x256xf32>
    %swap3A_1759 = vector.shape_cast %add3A_1753 : vector<32x256xf32> to vector<1x32x256xf32>
    tpu.vector_store %arg3[%swap3A_1754, %swap3A_1755, %swap3A_1756], %swap3A_1759 {strides = array<i32>} : memref<1x32x65536xf32, #tpu.memory_space<vmem>>, vector<1x32x256xf32>,
    %get3A_1760 = arith.constant 0 : index
    %get3A_1761 = arith.constant 160 : index
    %get3A_1762 = vector.load %arg1[%get3A_1760, %get3A_1761] : memref<32x256xf32, #tpu.memory_space<vmem>>, vector<32x1xf32>
    %add3A_1763 = vector.broadcast %get3A_1762 : vector<32x1xf32> to vector<32x256xf32>
    %add3A_1764 = arith.addf %add3A_1763, %get3A_1 : vector<32x256xf32>
    %swap3A_1765 = arith.constant 0 : index
    %swap3A_1766 = arith.constant 0 : index
    %swap3A_1767 = arith.constant 40960 : index
    %swap3A_1768 = vector.load %arg3[%swap3A_1765, %swap3A_1766, %swap3A_1767] : memref<1x32x65536xf32, #tpu.memory_space<vmem>>, vector<1x32x256xf32>
    %swap3A_1769 = vector.shape_cast %swap3A_1768 : vector<1x32x256xf32> to vector<32x256xf32>
    %swap3A_1770 = vector.shape_cast %add3A_1764 : vector<32x256xf32> to vector<1x32x256xf32>
    tpu.vector_store %arg3[%swap3A_1765, %swap3A_1766, %swap3A_1767], %swap3A_1770 {strides = array<i32>} : memref<1x32x65536xf32, #tpu.memory_space<vmem>>, vector<1x32x256xf32>,
    %get3A_1771 = arith.constant 0 : index
    %get3A_1772 = arith.constant 161 : index
    %get3A_1773 = vector.load %arg1[%get3A_1771, %get3A_1772] : memref<32x256xf32, #tpu.memory_space<vmem>>, vector<32x1xf32>
    %add3A_1774 = vector.broadcast %get3A_1773 : vector<32x1xf32> to vector<32x256xf32>
    %add3A_1775 = arith.addf %add3A_1774, %get3A_1 : vector<32x256xf32>
    %swap3A_1776 = arith.constant 0 : index
    %swap3A_1777 = arith.constant 0 : index
    %swap3A_1778 = arith.constant 41216 : index
    %swap3A_1779 = vector.load %arg3[%swap3A_1776, %swap3A_1777, %swap3A_1778] : memref<1x32x65536xf32, #tpu.memory_space<vmem>>, vector<1x32x256xf32>
    %swap3A_1780 = vector.shape_cast %swap3A_1779 : vector<1x32x256xf32> to vector<32x256xf32>
    %swap3A_1781 = vector.shape_cast %add3A_1775 : vector<32x256xf32> to vector<1x32x256xf32>
    tpu.vector_store %arg3[%swap3A_1776, %swap3A_1777, %swap3A_1778], %swap3A_1781 {strides = array<i32>} : memref<1x32x65536xf32, #tpu.memory_space<vmem>>, vector<1x32x256xf32>,
    %get3A_1782 = arith.constant 0 : index
    %get3A_1783 = arith.constant 162 : index
    %get3A_1784 = vector.load %arg1[%get3A_1782, %get3A_1783] : memref<32x256xf32, #tpu.memory_space<vmem>>, vector<32x1xf32>
    %add3A_1785 = vector.broadcast %get3A_1784 : vector<32x1xf32> to vector<32x256xf32>
    %add3A_1786 = arith.addf %add3A_1785, %get3A_1 : vector<32x256xf32>
    %swap3A_1787 = arith.constant 0 : index
    %swap3A_1788 = arith.constant 0 : index
    %swap3A_1789 = arith.constant 41472 : index
    %swap3A_1790 = vector.load %arg3[%swap3A_1787, %swap3A_1788, %swap3A_1789] : memref<1x32x65536xf32, #tpu.memory_space<vmem>>, vector<1x32x256xf32>
    %swap3A_1791 = vector.shape_cast %swap3A_1790 : vector<1x32x256xf32> to vector<32x256xf32>
    %swap3A_1792 = vector.shape_cast %add3A_1786 : vector<32x256xf32> to vector<1x32x256xf32>
    tpu.vector_store %arg3[%swap3A_1787, %swap3A_1788, %swap3A_1789], %swap3A_1792 {strides = array<i32>} : memref<1x32x65536xf32, #tpu.memory_space<vmem>>, vector<1x32x256xf32>,
    %get3A_1793 = arith.constant 0 : index
    %get3A_1794 = arith.constant 163 : index
    %get3A_1795 = vector.load %arg1[%get3A_1793, %get3A_1794] : memref<32x256xf32, #tpu.memory_space<vmem>>, vector<32x1xf32>
    %add3A_1796 = vector.broadcast %get3A_1795 : vector<32x1xf32> to vector<32x256xf32>
    %add3A_1797 = arith.addf %add3A_1796, %get3A_1 : vector<32x256xf32>
    %swap3A_1798 = arith.constant 0 : index
    %swap3A_1799 = arith.constant 0 : index
    %swap3A_1800 = arith.constant 41728 : index
    %swap3A_1801 = vector.load %arg3[%swap3A_1798, %swap3A_1799, %swap3A_1800] : memref<1x32x65536xf32, #tpu.memory_space<vmem>>, vector<1x32x256xf32>
    %swap3A_1802 = vector.shape_cast %swap3A_1801 : vector<1x32x256xf32> to vector<32x256xf32>
    %swap3A_1803 = vector.shape_cast %add3A_1797 : vector<32x256xf32> to vector<1x32x256xf32>
    tpu.vector_store %arg3[%swap3A_1798, %swap3A_1799, %swap3A_1800], %swap3A_1803 {strides = array<i32>} : memref<1x32x65536xf32, #tpu.memory_space<vmem>>, vector<1x32x256xf32>,
    %get3A_1804 = arith.constant 0 : index
    %get3A_1805 = arith.constant 164 : index
    %get3A_1806 = vector.load %arg1[%get3A_1804, %get3A_1805] : memref<32x256xf32, #tpu.memory_space<vmem>>, vector<32x1xf32>
    %add3A_1807 = vector.broadcast %get3A_1806 : vector<32x1xf32> to vector<32x256xf32>
    %add3A_1808 = arith.addf %add3A_1807, %get3A_1 : vector<32x256xf32>
    %swap3A_1809 = arith.constant 0 : index
    %swap3A_1810 = arith.constant 0 : index
    %swap3A_1811 = arith.constant 41984 : index
    %swap3A_1812 = vector.load %arg3[%swap3A_1809, %swap3A_1810, %swap3A_1811] : memref<1x32x65536xf32, #tpu.memory_space<vmem>>, vector<1x32x256xf32>
    %swap3A_1813 = vector.shape_cast %swap3A_1812 : vector<1x32x256xf32> to vector<32x256xf32>
    %swap3A_1814 = vector.shape_cast %add3A_1808 : vector<32x256xf32> to vector<1x32x256xf32>
    tpu.vector_store %arg3[%swap3A_1809, %swap3A_1810, %swap3A_1811], %swap3A_1814 {strides = array<i32>} : memref<1x32x65536xf32, #tpu.memory_space<vmem>>, vector<1x32x256xf32>,
    %get3A_1815 = arith.constant 0 : index
    %get3A_1816 = arith.constant 165 : index
    %get3A_1817 = vector.load %arg1[%get3A_1815, %get3A_1816] : memref<32x256xf32, #tpu.memory_space<vmem>>, vector<32x1xf32>
    %add3A_1818 = vector.broadcast %get3A_1817 : vector<32x1xf32> to vector<32x256xf32>
    %add3A_1819 = arith.addf %add3A_1818, %get3A_1 : vector<32x256xf32>
    %swap3A_1820 = arith.constant 0 : index
    %swap3A_1821 = arith.constant 0 : index
    %swap3A_1822 = arith.constant 42240 : index
    %swap3A_1823 = vector.load %arg3[%swap3A_1820, %swap3A_1821, %swap3A_1822] : memref<1x32x65536xf32, #tpu.memory_space<vmem>>, vector<1x32x256xf32>
    %swap3A_1824 = vector.shape_cast %swap3A_1823 : vector<1x32x256xf32> to vector<32x256xf32>
    %swap3A_1825 = vector.shape_cast %add3A_1819 : vector<32x256xf32> to vector<1x32x256xf32>
    tpu.vector_store %arg3[%swap3A_1820, %swap3A_1821, %swap3A_1822], %swap3A_1825 {strides = array<i32>} : memref<1x32x65536xf32, #tpu.memory_space<vmem>>, vector<1x32x256xf32>,
    %get3A_1826 = arith.constant 0 : index
    %get3A_1827 = arith.constant 166 : index
    %get3A_1828 = vector.load %arg1[%get3A_1826, %get3A_1827] : memref<32x256xf32, #tpu.memory_space<vmem>>, vector<32x1xf32>
    %add3A_1829 = vector.broadcast %get3A_1828 : vector<32x1xf32> to vector<32x256xf32>
    %add3A_1830 = arith.addf %add3A_1829, %get3A_1 : vector<32x256xf32>
    %swap3A_1831 = arith.constant 0 : index
    %swap3A_1832 = arith.constant 0 : index
    %swap3A_1833 = arith.constant 42496 : index
    %swap3A_1834 = vector.load %arg3[%swap3A_1831, %swap3A_1832, %swap3A_1833] : memref<1x32x65536xf32, #tpu.memory_space<vmem>>, vector<1x32x256xf32>
    %swap3A_1835 = vector.shape_cast %swap3A_1834 : vector<1x32x256xf32> to vector<32x256xf32>
    %swap3A_1836 = vector.shape_cast %add3A_1830 : vector<32x256xf32> to vector<1x32x256xf32>
    tpu.vector_store %arg3[%swap3A_1831, %swap3A_1832, %swap3A_1833], %swap3A_1836 {strides = array<i32>} : memref<1x32x65536xf32, #tpu.memory_space<vmem>>, vector<1x32x256xf32>,
    %get3A_1837 = arith.constant 0 : index
    %get3A_1838 = arith.constant 167 : index
    %get3A_1839 = vector.load %arg1[%get3A_1837, %get3A_1838] : memref<32x256xf32, #tpu.memory_space<vmem>>, vector<32x1xf32>
    %add3A_1840 = vector.broadcast %get3A_1839 : vector<32x1xf32> to vector<32x256xf32>
    %add3A_1841 = arith.addf %add3A_1840, %get3A_1 : vector<32x256xf32>
    %swap3A_1842 = arith.constant 0 : index
    %swap3A_1843 = arith.constant 0 : index
    %swap3A_1844 = arith.constant 42752 : index
    %swap3A_1845 = vector.load %arg3[%swap3A_1842, %swap3A_1843, %swap3A_1844] : memref<1x32x65536xf32, #tpu.memory_space<vmem>>, vector<1x32x256xf32>
    %swap3A_1846 = vector.shape_cast %swap3A_1845 : vector<1x32x256xf32> to vector<32x256xf32>
    %swap3A_1847 = vector.shape_cast %add3A_1841 : vector<32x256xf32> to vector<1x32x256xf32>
    tpu.vector_store %arg3[%swap3A_1842, %swap3A_1843, %swap3A_1844], %swap3A_1847 {strides = array<i32>} : memref<1x32x65536xf32, #tpu.memory_space<vmem>>, vector<1x32x256xf32>,
    %get3A_1848 = arith.constant 0 : index
    %get3A_1849 = arith.constant 168 : index
    %get3A_1850 = vector.load %arg1[%get3A_1848, %get3A_1849] : memref<32x256xf32, #tpu.memory_space<vmem>>, vector<32x1xf32>
    %add3A_1851 = vector.broadcast %get3A_1850 : vector<32x1xf32> to vector<32x256xf32>
    %add3A_1852 = arith.addf %add3A_1851, %get3A_1 : vector<32x256xf32>
    %swap3A_1853 = arith.constant 0 : index
    %swap3A_1854 = arith.constant 0 : index
    %swap3A_1855 = arith.constant 43008 : index
    %swap3A_1856 = vector.load %arg3[%swap3A_1853, %swap3A_1854, %swap3A_1855] : memref<1x32x65536xf32, #tpu.memory_space<vmem>>, vector<1x32x256xf32>
    %swap3A_1857 = vector.shape_cast %swap3A_1856 : vector<1x32x256xf32> to vector<32x256xf32>
    %swap3A_1858 = vector.shape_cast %add3A_1852 : vector<32x256xf32> to vector<1x32x256xf32>
    tpu.vector_store %arg3[%swap3A_1853, %swap3A_1854, %swap3A_1855], %swap3A_1858 {strides = array<i32>} : memref<1x32x65536xf32, #tpu.memory_space<vmem>>, vector<1x32x256xf32>,
    %get3A_1859 = arith.constant 0 : index
    %get3A_1860 = arith.constant 169 : index
    %get3A_1861 = vector.load %arg1[%get3A_1859, %get3A_1860] : memref<32x256xf32, #tpu.memory_space<vmem>>, vector<32x1xf32>
    %add3A_1862 = vector.broadcast %get3A_1861 : vector<32x1xf32> to vector<32x256xf32>
    %add3A_1863 = arith.addf %add3A_1862, %get3A_1 : vector<32x256xf32>
    %swap3A_1864 = arith.constant 0 : index
    %swap3A_1865 = arith.constant 0 : index
    %swap3A_1866 = arith.constant 43264 : index
    %swap3A_1867 = vector.load %arg3[%swap3A_1864, %swap3A_1865, %swap3A_1866] : memref<1x32x65536xf32, #tpu.memory_space<vmem>>, vector<1x32x256xf32>
    %swap3A_1868 = vector.shape_cast %swap3A_1867 : vector<1x32x256xf32> to vector<32x256xf32>
    %swap3A_1869 = vector.shape_cast %add3A_1863 : vector<32x256xf32> to vector<1x32x256xf32>
    tpu.vector_store %arg3[%swap3A_1864, %swap3A_1865, %swap3A_1866], %swap3A_1869 {strides = array<i32>} : memref<1x32x65536xf32, #tpu.memory_space<vmem>>, vector<1x32x256xf32>,
    %get3A_1870 = arith.constant 0 : index
    %get3A_1871 = arith.constant 170 : index
    %get3A_1872 = vector.load %arg1[%get3A_1870, %get3A_1871] : memref<32x256xf32, #tpu.memory_space<vmem>>, vector<32x1xf32>
    %add3A_1873 = vector.broadcast %get3A_1872 : vector<32x1xf32> to vector<32x256xf32>
    %add3A_1874 = arith.addf %add3A_1873, %get3A_1 : vector<32x256xf32>
    %swap3A_1875 = arith.constant 0 : index
    %swap3A_1876 = arith.constant 0 : index
    %swap3A_1877 = arith.constant 43520 : index
    %swap3A_1878 = vector.load %arg3[%swap3A_1875, %swap3A_1876, %swap3A_1877] : memref<1x32x65536xf32, #tpu.memory_space<vmem>>, vector<1x32x256xf32>
    %swap3A_1879 = vector.shape_cast %swap3A_1878 : vector<1x32x256xf32> to vector<32x256xf32>
    %swap3A_1880 = vector.shape_cast %add3A_1874 : vector<32x256xf32> to vector<1x32x256xf32>
    tpu.vector_store %arg3[%swap3A_1875, %swap3A_1876, %swap3A_1877], %swap3A_1880 {strides = array<i32>} : memref<1x32x65536xf32, #tpu.memory_space<vmem>>, vector<1x32x256xf32>,
    %get3A_1881 = arith.constant 0 : index
    %get3A_1882 = arith.constant 171 : index
    %get3A_1883 = vector.load %arg1[%get3A_1881, %get3A_1882] : memref<32x256xf32, #tpu.memory_space<vmem>>, vector<32x1xf32>
    %add3A_1884 = vector.broadcast %get3A_1883 : vector<32x1xf32> to vector<32x256xf32>
    %add3A_1885 = arith.addf %add3A_1884, %get3A_1 : vector<32x256xf32>
    %swap3A_1886 = arith.constant 0 : index
    %swap3A_1887 = arith.constant 0 : index
    %swap3A_1888 = arith.constant 43776 : index
    %swap3A_1889 = vector.load %arg3[%swap3A_1886, %swap3A_1887, %swap3A_1888] : memref<1x32x65536xf32, #tpu.memory_space<vmem>>, vector<1x32x256xf32>
    %swap3A_1890 = vector.shape_cast %swap3A_1889 : vector<1x32x256xf32> to vector<32x256xf32>
    %swap3A_1891 = vector.shape_cast %add3A_1885 : vector<32x256xf32> to vector<1x32x256xf32>
    tpu.vector_store %arg3[%swap3A_1886, %swap3A_1887, %swap3A_1888], %swap3A_1891 {strides = array<i32>} : memref<1x32x65536xf32, #tpu.memory_space<vmem>>, vector<1x32x256xf32>,
    %get3A_1892 = arith.constant 0 : index
    %get3A_1893 = arith.constant 172 : index
    %get3A_1894 = vector.load %arg1[%get3A_1892, %get3A_1893] : memref<32x256xf32, #tpu.memory_space<vmem>>, vector<32x1xf32>
    %add3A_1895 = vector.broadcast %get3A_1894 : vector<32x1xf32> to vector<32x256xf32>
    %add3A_1896 = arith.addf %add3A_1895, %get3A_1 : vector<32x256xf32>
    %swap3A_1897 = arith.constant 0 : index
    %swap3A_1898 = arith.constant 0 : index
    %swap3A_1899 = arith.constant 44032 : index
    %swap3A_1900 = vector.load %arg3[%swap3A_1897, %swap3A_1898, %swap3A_1899] : memref<1x32x65536xf32, #tpu.memory_space<vmem>>, vector<1x32x256xf32>
    %swap3A_1901 = vector.shape_cast %swap3A_1900 : vector<1x32x256xf32> to vector<32x256xf32>
    %swap3A_1902 = vector.shape_cast %add3A_1896 : vector<32x256xf32> to vector<1x32x256xf32>
    tpu.vector_store %arg3[%swap3A_1897, %swap3A_1898, %swap3A_1899], %swap3A_1902 {strides = array<i32>} : memref<1x32x65536xf32, #tpu.memory_space<vmem>>, vector<1x32x256xf32>,
    %get3A_1903 = arith.constant 0 : index
    %get3A_1904 = arith.constant 173 : index
    %get3A_1905 = vector.load %arg1[%get3A_1903, %get3A_1904] : memref<32x256xf32, #tpu.memory_space<vmem>>, vector<32x1xf32>
    %add3A_1906 = vector.broadcast %get3A_1905 : vector<32x1xf32> to vector<32x256xf32>
    %add3A_1907 = arith.addf %add3A_1906, %get3A_1 : vector<32x256xf32>
    %swap3A_1908 = arith.constant 0 : index
    %swap3A_1909 = arith.constant 0 : index
    %swap3A_1910 = arith.constant 44288 : index
    %swap3A_1911 = vector.load %arg3[%swap3A_1908, %swap3A_1909, %swap3A_1910] : memref<1x32x65536xf32, #tpu.memory_space<vmem>>, vector<1x32x256xf32>
    %swap3A_1912 = vector.shape_cast %swap3A_1911 : vector<1x32x256xf32> to vector<32x256xf32>
    %swap3A_1913 = vector.shape_cast %add3A_1907 : vector<32x256xf32> to vector<1x32x256xf32>
    tpu.vector_store %arg3[%swap3A_1908, %swap3A_1909, %swap3A_1910], %swap3A_1913 {strides = array<i32>} : memref<1x32x65536xf32, #tpu.memory_space<vmem>>, vector<1x32x256xf32>,
    %get3A_1914 = arith.constant 0 : index
    %get3A_1915 = arith.constant 174 : index
    %get3A_1916 = vector.load %arg1[%get3A_1914, %get3A_1915] : memref<32x256xf32, #tpu.memory_space<vmem>>, vector<32x1xf32>
    %add3A_1917 = vector.broadcast %get3A_1916 : vector<32x1xf32> to vector<32x256xf32>
    %add3A_1918 = arith.addf %add3A_1917, %get3A_1 : vector<32x256xf32>
    %swap3A_1919 = arith.constant 0 : index
    %swap3A_1920 = arith.constant 0 : index
    %swap3A_1921 = arith.constant 44544 : index
    %swap3A_1922 = vector.load %arg3[%swap3A_1919, %swap3A_1920, %swap3A_1921] : memref<1x32x65536xf32, #tpu.memory_space<vmem>>, vector<1x32x256xf32>
    %swap3A_1923 = vector.shape_cast %swap3A_1922 : vector<1x32x256xf32> to vector<32x256xf32>
    %swap3A_1924 = vector.shape_cast %add3A_1918 : vector<32x256xf32> to vector<1x32x256xf32>
    tpu.vector_store %arg3[%swap3A_1919, %swap3A_1920, %swap3A_1921], %swap3A_1924 {strides = array<i32>} : memref<1x32x65536xf32, #tpu.memory_space<vmem>>, vector<1x32x256xf32>,
    %get3A_1925 = arith.constant 0 : index
    %get3A_1926 = arith.constant 175 : index
    %get3A_1927 = vector.load %arg1[%get3A_1925, %get3A_1926] : memref<32x256xf32, #tpu.memory_space<vmem>>, vector<32x1xf32>
    %add3A_1928 = vector.broadcast %get3A_1927 : vector<32x1xf32> to vector<32x256xf32>
    %add3A_1929 = arith.addf %add3A_1928, %get3A_1 : vector<32x256xf32>
    %swap3A_1930 = arith.constant 0 : index
    %swap3A_1931 = arith.constant 0 : index
    %swap3A_1932 = arith.constant 44800 : index
    %swap3A_1933 = vector.load %arg3[%swap3A_1930, %swap3A_1931, %swap3A_1932] : memref<1x32x65536xf32, #tpu.memory_space<vmem>>, vector<1x32x256xf32>
    %swap3A_1934 = vector.shape_cast %swap3A_1933 : vector<1x32x256xf32> to vector<32x256xf32>
    %swap3A_1935 = vector.shape_cast %add3A_1929 : vector<32x256xf32> to vector<1x32x256xf32>
    tpu.vector_store %arg3[%swap3A_1930, %swap3A_1931, %swap3A_1932], %swap3A_1935 {strides = array<i32>} : memref<1x32x65536xf32, #tpu.memory_space<vmem>>, vector<1x32x256xf32>,
    %get3A_1936 = arith.constant 0 : index
    %get3A_1937 = arith.constant 176 : index
    %get3A_1938 = vector.load %arg1[%get3A_1936, %get3A_1937] : memref<32x256xf32, #tpu.memory_space<vmem>>, vector<32x1xf32>
    %add3A_1939 = vector.broadcast %get3A_1938 : vector<32x1xf32> to vector<32x256xf32>
    %add3A_1940 = arith.addf %add3A_1939, %get3A_1 : vector<32x256xf32>
    %swap3A_1941 = arith.constant 0 : index
    %swap3A_1942 = arith.constant 0 : index
    %swap3A_1943 = arith.constant 45056 : index
    %swap3A_1944 = vector.load %arg3[%swap3A_1941, %swap3A_1942, %swap3A_1943] : memref<1x32x65536xf32, #tpu.memory_space<vmem>>, vector<1x32x256xf32>
    %swap3A_1945 = vector.shape_cast %swap3A_1944 : vector<1x32x256xf32> to vector<32x256xf32>
    %swap3A_1946 = vector.shape_cast %add3A_1940 : vector<32x256xf32> to vector<1x32x256xf32>
    tpu.vector_store %arg3[%swap3A_1941, %swap3A_1942, %swap3A_1943], %swap3A_1946 {strides = array<i32>} : memref<1x32x65536xf32, #tpu.memory_space<vmem>>, vector<1x32x256xf32>,
    %get3A_1947 = arith.constant 0 : index
    %get3A_1948 = arith.constant 177 : index
    %get3A_1949 = vector.load %arg1[%get3A_1947, %get3A_1948] : memref<32x256xf32, #tpu.memory_space<vmem>>, vector<32x1xf32>
    %add3A_1950 = vector.broadcast %get3A_1949 : vector<32x1xf32> to vector<32x256xf32>
    %add3A_1951 = arith.addf %add3A_1950, %get3A_1 : vector<32x256xf32>
    %swap3A_1952 = arith.constant 0 : index
    %swap3A_1953 = arith.constant 0 : index
    %swap3A_1954 = arith.constant 45312 : index
    %swap3A_1955 = vector.load %arg3[%swap3A_1952, %swap3A_1953, %swap3A_1954] : memref<1x32x65536xf32, #tpu.memory_space<vmem>>, vector<1x32x256xf32>
    %swap3A_1956 = vector.shape_cast %swap3A_1955 : vector<1x32x256xf32> to vector<32x256xf32>
    %swap3A_1957 = vector.shape_cast %add3A_1951 : vector<32x256xf32> to vector<1x32x256xf32>
    tpu.vector_store %arg3[%swap3A_1952, %swap3A_1953, %swap3A_1954], %swap3A_1957 {strides = array<i32>} : memref<1x32x65536xf32, #tpu.memory_space<vmem>>, vector<1x32x256xf32>,
    %get3A_1958 = arith.constant 0 : index
    %get3A_1959 = arith.constant 178 : index
    %get3A_1960 = vector.load %arg1[%get3A_1958, %get3A_1959] : memref<32x256xf32, #tpu.memory_space<vmem>>, vector<32x1xf32>
    %add3A_1961 = vector.broadcast %get3A_1960 : vector<32x1xf32> to vector<32x256xf32>
    %add3A_1962 = arith.addf %add3A_1961, %get3A_1 : vector<32x256xf32>
    %swap3A_1963 = arith.constant 0 : index
    %swap3A_1964 = arith.constant 0 : index
    %swap3A_1965 = arith.constant 45568 : index
    %swap3A_1966 = vector.load %arg3[%swap3A_1963, %swap3A_1964, %swap3A_1965] : memref<1x32x65536xf32, #tpu.memory_space<vmem>>, vector<1x32x256xf32>
    %swap3A_1967 = vector.shape_cast %swap3A_1966 : vector<1x32x256xf32> to vector<32x256xf32>
    %swap3A_1968 = vector.shape_cast %add3A_1962 : vector<32x256xf32> to vector<1x32x256xf32>
    tpu.vector_store %arg3[%swap3A_1963, %swap3A_1964, %swap3A_1965], %swap3A_1968 {strides = array<i32>} : memref<1x32x65536xf32, #tpu.memory_space<vmem>>, vector<1x32x256xf32>,
    %get3A_1969 = arith.constant 0 : index
    %get3A_1970 = arith.constant 179 : index
    %get3A_1971 = vector.load %arg1[%get3A_1969, %get3A_1970] : memref<32x256xf32, #tpu.memory_space<vmem>>, vector<32x1xf32>
    %add3A_1972 = vector.broadcast %get3A_1971 : vector<32x1xf32> to vector<32x256xf32>
    %add3A_1973 = arith.addf %add3A_1972, %get3A_1 : vector<32x256xf32>
    %swap3A_1974 = arith.constant 0 : index
    %swap3A_1975 = arith.constant 0 : index
    %swap3A_1976 = arith.constant 45824 : index
    %swap3A_1977 = vector.load %arg3[%swap3A_1974, %swap3A_1975, %swap3A_1976] : memref<1x32x65536xf32, #tpu.memory_space<vmem>>, vector<1x32x256xf32>
    %swap3A_1978 = vector.shape_cast %swap3A_1977 : vector<1x32x256xf32> to vector<32x256xf32>
    %swap3A_1979 = vector.shape_cast %add3A_1973 : vector<32x256xf32> to vector<1x32x256xf32>
    tpu.vector_store %arg3[%swap3A_1974, %swap3A_1975, %swap3A_1976], %swap3A_1979 {strides = array<i32>} : memref<1x32x65536xf32, #tpu.memory_space<vmem>>, vector<1x32x256xf32>,
    %get3A_1980 = arith.constant 0 : index
    %get3A_1981 = arith.constant 180 : index
    %get3A_1982 = vector.load %arg1[%get3A_1980, %get3A_1981] : memref<32x256xf32, #tpu.memory_space<vmem>>, vector<32x1xf32>
    %add3A_1983 = vector.broadcast %get3A_1982 : vector<32x1xf32> to vector<32x256xf32>
    %add3A_1984 = arith.addf %add3A_1983, %get3A_1 : vector<32x256xf32>
    %swap3A_1985 = arith.constant 0 : index
    %swap3A_1986 = arith.constant 0 : index
    %swap3A_1987 = arith.constant 46080 : index
    %swap3A_1988 = vector.load %arg3[%swap3A_1985, %swap3A_1986, %swap3A_1987] : memref<1x32x65536xf32, #tpu.memory_space<vmem>>, vector<1x32x256xf32>
    %swap3A_1989 = vector.shape_cast %swap3A_1988 : vector<1x32x256xf32> to vector<32x256xf32>
    %swap3A_1990 = vector.shape_cast %add3A_1984 : vector<32x256xf32> to vector<1x32x256xf32>
    tpu.vector_store %arg3[%swap3A_1985, %swap3A_1986, %swap3A_1987], %swap3A_1990 {strides = array<i32>} : memref<1x32x65536xf32, #tpu.memory_space<vmem>>, vector<1x32x256xf32>,
    %get3A_1991 = arith.constant 0 : index
    %get3A_1992 = arith.constant 181 : index
    %get3A_1993 = vector.load %arg1[%get3A_1991, %get3A_1992] : memref<32x256xf32, #tpu.memory_space<vmem>>, vector<32x1xf32>
    %add3A_1994 = vector.broadcast %get3A_1993 : vector<32x1xf32> to vector<32x256xf32>
    %add3A_1995 = arith.addf %add3A_1994, %get3A_1 : vector<32x256xf32>
    %swap3A_1996 = arith.constant 0 : index
    %swap3A_1997 = arith.constant 0 : index
    %swap3A_1998 = arith.constant 46336 : index
    %swap3A_1999 = vector.load %arg3[%swap3A_1996, %swap3A_1997, %swap3A_1998] : memref<1x32x65536xf32, #tpu.memory_space<vmem>>, vector<1x32x256xf32>
    %swap3A_2000 = vector.shape_cast %swap3A_1999 : vector<1x32x256xf32> to vector<32x256xf32>
    %swap3A_2001 = vector.shape_cast %add3A_1995 : vector<32x256xf32> to vector<1x32x256xf32>
    tpu.vector_store %arg3[%swap3A_1996, %swap3A_1997, %swap3A_1998], %swap3A_2001 {strides = array<i32>} : memref<1x32x65536xf32, #tpu.memory_space<vmem>>, vector<1x32x256xf32>,
    %get3A_2002 = arith.constant 0 : index
    %get3A_2003 = arith.constant 182 : index
    %get3A_2004 = vector.load %arg1[%get3A_2002, %get3A_2003] : memref<32x256xf32, #tpu.memory_space<vmem>>, vector<32x1xf32>
    %add3A_2005 = vector.broadcast %get3A_2004 : vector<32x1xf32> to vector<32x256xf32>
    %add3A_2006 = arith.addf %add3A_2005, %get3A_1 : vector<32x256xf32>
    %swap3A_2007 = arith.constant 0 : index
    %swap3A_2008 = arith.constant 0 : index
    %swap3A_2009 = arith.constant 46592 : index
    %swap3A_2010 = vector.load %arg3[%swap3A_2007, %swap3A_2008, %swap3A_2009] : memref<1x32x65536xf32, #tpu.memory_space<vmem>>, vector<1x32x256xf32>
    %swap3A_2011 = vector.shape_cast %swap3A_2010 : vector<1x32x256xf32> to vector<32x256xf32>
    %swap3A_2012 = vector.shape_cast %add3A_2006 : vector<32x256xf32> to vector<1x32x256xf32>
    tpu.vector_store %arg3[%swap3A_2007, %swap3A_2008, %swap3A_2009], %swap3A_2012 {strides = array<i32>} : memref<1x32x65536xf32, #tpu.memory_space<vmem>>, vector<1x32x256xf32>,
    %get3A_2013 = arith.constant 0 : index
    %get3A_2014 = arith.constant 183 : index
    %get3A_2015 = vector.load %arg1[%get3A_2013, %get3A_2014] : memref<32x256xf32, #tpu.memory_space<vmem>>, vector<32x1xf32>
    %add3A_2016 = vector.broadcast %get3A_2015 : vector<32x1xf32> to vector<32x256xf32>
    %add3A_2017 = arith.addf %add3A_2016, %get3A_1 : vector<32x256xf32>
    %swap3A_2018 = arith.constant 0 : index
    %swap3A_2019 = arith.constant 0 : index
    %swap3A_2020 = arith.constant 46848 : index
    %swap3A_2021 = vector.load %arg3[%swap3A_2018, %swap3A_2019, %swap3A_2020] : memref<1x32x65536xf32, #tpu.memory_space<vmem>>, vector<1x32x256xf32>
    %swap3A_2022 = vector.shape_cast %swap3A_2021 : vector<1x32x256xf32> to vector<32x256xf32>
    %swap3A_2023 = vector.shape_cast %add3A_2017 : vector<32x256xf32> to vector<1x32x256xf32>
    tpu.vector_store %arg3[%swap3A_2018, %swap3A_2019, %swap3A_2020], %swap3A_2023 {strides = array<i32>} : memref<1x32x65536xf32, #tpu.memory_space<vmem>>, vector<1x32x256xf32>,
    %get3A_2024 = arith.constant 0 : index
    %get3A_2025 = arith.constant 184 : index
    %get3A_2026 = vector.load %arg1[%get3A_2024, %get3A_2025] : memref<32x256xf32, #tpu.memory_space<vmem>>, vector<32x1xf32>
    %add3A_2027 = vector.broadcast %get3A_2026 : vector<32x1xf32> to vector<32x256xf32>
    %add3A_2028 = arith.addf %add3A_2027, %get3A_1 : vector<32x256xf32>
    %swap3A_2029 = arith.constant 0 : index
    %swap3A_2030 = arith.constant 0 : index
    %swap3A_2031 = arith.constant 47104 : index
    %swap3A_2032 = vector.load %arg3[%swap3A_2029, %swap3A_2030, %swap3A_2031] : memref<1x32x65536xf32, #tpu.memory_space<vmem>>, vector<1x32x256xf32>
    %swap3A_2033 = vector.shape_cast %swap3A_2032 : vector<1x32x256xf32> to vector<32x256xf32>
    %swap3A_2034 = vector.shape_cast %add3A_2028 : vector<32x256xf32> to vector<1x32x256xf32>
    tpu.vector_store %arg3[%swap3A_2029, %swap3A_2030, %swap3A_2031], %swap3A_2034 {strides = array<i32>} : memref<1x32x65536xf32, #tpu.memory_space<vmem>>, vector<1x32x256xf32>,
    %get3A_2035 = arith.constant 0 : index
    %get3A_2036 = arith.constant 185 : index
    %get3A_2037 = vector.load %arg1[%get3A_2035, %get3A_2036] : memref<32x256xf32, #tpu.memory_space<vmem>>, vector<32x1xf32>
    %add3A_2038 = vector.broadcast %get3A_2037 : vector<32x1xf32> to vector<32x256xf32>
    %add3A_2039 = arith.addf %add3A_2038, %get3A_1 : vector<32x256xf32>
    %swap3A_2040 = arith.constant 0 : index
    %swap3A_2041 = arith.constant 0 : index
    %swap3A_2042 = arith.constant 47360 : index
    %swap3A_2043 = vector.load %arg3[%swap3A_2040, %swap3A_2041, %swap3A_2042] : memref<1x32x65536xf32, #tpu.memory_space<vmem>>, vector<1x32x256xf32>
    %swap3A_2044 = vector.shape_cast %swap3A_2043 : vector<1x32x256xf32> to vector<32x256xf32>
    %swap3A_2045 = vector.shape_cast %add3A_2039 : vector<32x256xf32> to vector<1x32x256xf32>
    tpu.vector_store %arg3[%swap3A_2040, %swap3A_2041, %swap3A_2042], %swap3A_2045 {strides = array<i32>} : memref<1x32x65536xf32, #tpu.memory_space<vmem>>, vector<1x32x256xf32>,
    %get3A_2046 = arith.constant 0 : index
    %get3A_2047 = arith.constant 186 : index
    %get3A_2048 = vector.load %arg1[%get3A_2046, %get3A_2047] : memref<32x256xf32, #tpu.memory_space<vmem>>, vector<32x1xf32>
    %add3A_2049 = vector.broadcast %get3A_2048 : vector<32x1xf32> to vector<32x256xf32>
    %add3A_2050 = arith.addf %add3A_2049, %get3A_1 : vector<32x256xf32>
    %swap3A_2051 = arith.constant 0 : index
    %swap3A_2052 = arith.constant 0 : index
    %swap3A_2053 = arith.constant 47616 : index
    %swap3A_2054 = vector.load %arg3[%swap3A_2051, %swap3A_2052, %swap3A_2053] : memref<1x32x65536xf32, #tpu.memory_space<vmem>>, vector<1x32x256xf32>
    %swap3A_2055 = vector.shape_cast %swap3A_2054 : vector<1x32x256xf32> to vector<32x256xf32>
    %swap3A_2056 = vector.shape_cast %add3A_2050 : vector<32x256xf32> to vector<1x32x256xf32>
    tpu.vector_store %arg3[%swap3A_2051, %swap3A_2052, %swap3A_2053], %swap3A_2056 {strides = array<i32>} : memref<1x32x65536xf32, #tpu.memory_space<vmem>>, vector<1x32x256xf32>,
    %get3A_2057 = arith.constant 0 : index
    %get3A_2058 = arith.constant 187 : index
    %get3A_2059 = vector.load %arg1[%get3A_2057, %get3A_2058] : memref<32x256xf32, #tpu.memory_space<vmem>>, vector<32x1xf32>
    %add3A_2060 = vector.broadcast %get3A_2059 : vector<32x1xf32> to vector<32x256xf32>
    %add3A_2061 = arith.addf %add3A_2060, %get3A_1 : vector<32x256xf32>
    %swap3A_2062 = arith.constant 0 : index
    %swap3A_2063 = arith.constant 0 : index
    %swap3A_2064 = arith.constant 47872 : index
    %swap3A_2065 = vector.load %arg3[%swap3A_2062, %swap3A_2063, %swap3A_2064] : memref<1x32x65536xf32, #tpu.memory_space<vmem>>, vector<1x32x256xf32>
    %swap3A_2066 = vector.shape_cast %swap3A_2065 : vector<1x32x256xf32> to vector<32x256xf32>
    %swap3A_2067 = vector.shape_cast %add3A_2061 : vector<32x256xf32> to vector<1x32x256xf32>
    tpu.vector_store %arg3[%swap3A_2062, %swap3A_2063, %swap3A_2064], %swap3A_2067 {strides = array<i32>} : memref<1x32x65536xf32, #tpu.memory_space<vmem>>, vector<1x32x256xf32>,
    %get3A_2068 = arith.constant 0 : index
    %get3A_2069 = arith.constant 188 : index
    %get3A_2070 = vector.load %arg1[%get3A_2068, %get3A_2069] : memref<32x256xf32, #tpu.memory_space<vmem>>, vector<32x1xf32>
    %add3A_2071 = vector.broadcast %get3A_2070 : vector<32x1xf32> to vector<32x256xf32>
    %add3A_2072 = arith.addf %add3A_2071, %get3A_1 : vector<32x256xf32>
    %swap3A_2073 = arith.constant 0 : index
    %swap3A_2074 = arith.constant 0 : index
    %swap3A_2075 = arith.constant 48128 : index
    %swap3A_2076 = vector.load %arg3[%swap3A_2073, %swap3A_2074, %swap3A_2075] : memref<1x32x65536xf32, #tpu.memory_space<vmem>>, vector<1x32x256xf32>
    %swap3A_2077 = vector.shape_cast %swap3A_2076 : vector<1x32x256xf32> to vector<32x256xf32>
    %swap3A_2078 = vector.shape_cast %add3A_2072 : vector<32x256xf32> to vector<1x32x256xf32>
    tpu.vector_store %arg3[%swap3A_2073, %swap3A_2074, %swap3A_2075], %swap3A_2078 {strides = array<i32>} : memref<1x32x65536xf32, #tpu.memory_space<vmem>>, vector<1x32x256xf32>,
    %get3A_2079 = arith.constant 0 : index
    %get3A_2080 = arith.constant 189 : index
    %get3A_2081 = vector.load %arg1[%get3A_2079, %get3A_2080] : memref<32x256xf32, #tpu.memory_space<vmem>>, vector<32x1xf32>
    %add3A_2082 = vector.broadcast %get3A_2081 : vector<32x1xf32> to vector<32x256xf32>
    %add3A_2083 = arith.addf %add3A_2082, %get3A_1 : vector<32x256xf32>
    %swap3A_2084 = arith.constant 0 : index
    %swap3A_2085 = arith.constant 0 : index
    %swap3A_2086 = arith.constant 48384 : index
    %swap3A_2087 = vector.load %arg3[%swap3A_2084, %swap3A_2085, %swap3A_2086] : memref<1x32x65536xf32, #tpu.memory_space<vmem>>, vector<1x32x256xf32>
    %swap3A_2088 = vector.shape_cast %swap3A_2087 : vector<1x32x256xf32> to vector<32x256xf32>
    %swap3A_2089 = vector.shape_cast %add3A_2083 : vector<32x256xf32> to vector<1x32x256xf32>
    tpu.vector_store %arg3[%swap3A_2084, %swap3A_2085, %swap3A_2086], %swap3A_2089 {strides = array<i32>} : memref<1x32x65536xf32, #tpu.memory_space<vmem>>, vector<1x32x256xf32>,
    %get3A_2090 = arith.constant 0 : index
    %get3A_2091 = arith.constant 190 : index
    %get3A_2092 = vector.load %arg1[%get3A_2090, %get3A_2091] : memref<32x256xf32, #tpu.memory_space<vmem>>, vector<32x1xf32>
    %add3A_2093 = vector.broadcast %get3A_2092 : vector<32x1xf32> to vector<32x256xf32>
    %add3A_2094 = arith.addf %add3A_2093, %get3A_1 : vector<32x256xf32>
    %swap3A_2095 = arith.constant 0 : index
    %swap3A_2096 = arith.constant 0 : index
    %swap3A_2097 = arith.constant 48640 : index
    %swap3A_2098 = vector.load %arg3[%swap3A_2095, %swap3A_2096, %swap3A_2097] : memref<1x32x65536xf32, #tpu.memory_space<vmem>>, vector<1x32x256xf32>
    %swap3A_2099 = vector.shape_cast %swap3A_2098 : vector<1x32x256xf32> to vector<32x256xf32>
    %swap3A_2100 = vector.shape_cast %add3A_2094 : vector<32x256xf32> to vector<1x32x256xf32>
    tpu.vector_store %arg3[%swap3A_2095, %swap3A_2096, %swap3A_2097], %swap3A_2100 {strides = array<i32>} : memref<1x32x65536xf32, #tpu.memory_space<vmem>>, vector<1x32x256xf32>,
    %get3A_2101 = arith.constant 0 : index
    %get3A_2102 = arith.constant 191 : index
    %get3A_2103 = vector.load %arg1[%get3A_2101, %get3A_2102] : memref<32x256xf32, #tpu.memory_space<vmem>>, vector<32x1xf32>
    %add3A_2104 = vector.broadcast %get3A_2103 : vector<32x1xf32> to vector<32x256xf32>
    %add3A_2105 = arith.addf %add3A_2104, %get3A_1 : vector<32x256xf32>
    %swap3A_2106 = arith.constant 0 : index
    %swap3A_2107 = arith.constant 0 : index
    %swap3A_2108 = arith.constant 48896 : index
    %swap3A_2109 = vector.load %arg3[%swap3A_2106, %swap3A_2107, %swap3A_2108] : memref<1x32x65536xf32, #tpu.memory_space<vmem>>, vector<1x32x256xf32>
    %swap3A_2110 = vector.shape_cast %swap3A_2109 : vector<1x32x256xf32> to vector<32x256xf32>
    %swap3A_2111 = vector.shape_cast %add3A_2105 : vector<32x256xf32> to vector<1x32x256xf32>
    tpu.vector_store %arg3[%swap3A_2106, %swap3A_2107, %swap3A_2108], %swap3A_2111 {strides = array<i32>} : memref<1x32x65536xf32, #tpu.memory_space<vmem>>, vector<1x32x256xf32>,
    %get3A_2112 = arith.constant 0 : index
    %get3A_2113 = arith.constant 192 : index
    %get3A_2114 = vector.load %arg1[%get3A_2112, %get3A_2113] : memref<32x256xf32, #tpu.memory_space<vmem>>, vector<32x1xf32>
    %add3A_2115 = vector.broadcast %get3A_2114 : vector<32x1xf32> to vector<32x256xf32>
    %add3A_2116 = arith.addf %add3A_2115, %get3A_1 : vector<32x256xf32>
    %swap3A_2117 = arith.constant 0 : index
    %swap3A_2118 = arith.constant 0 : index
    %swap3A_2119 = arith.constant 49152 : index
    %swap3A_2120 = vector.load %arg3[%swap3A_2117, %swap3A_2118, %swap3A_2119] : memref<1x32x65536xf32, #tpu.memory_space<vmem>>, vector<1x32x256xf32>
    %swap3A_2121 = vector.shape_cast %swap3A_2120 : vector<1x32x256xf32> to vector<32x256xf32>
    %swap3A_2122 = vector.shape_cast %add3A_2116 : vector<32x256xf32> to vector<1x32x256xf32>
    tpu.vector_store %arg3[%swap3A_2117, %swap3A_2118, %swap3A_2119], %swap3A_2122 {strides = array<i32>} : memref<1x32x65536xf32, #tpu.memory_space<vmem>>, vector<1x32x256xf32>,
    %get3A_2123 = arith.constant 0 : index
    %get3A_2124 = arith.constant 193 : index
    %get3A_2125 = vector.load %arg1[%get3A_2123, %get3A_2124] : memref<32x256xf32, #tpu.memory_space<vmem>>, vector<32x1xf32>
    %add3A_2126 = vector.broadcast %get3A_2125 : vector<32x1xf32> to vector<32x256xf32>
    %add3A_2127 = arith.addf %add3A_2126, %get3A_1 : vector<32x256xf32>
    %swap3A_2128 = arith.constant 0 : index
    %swap3A_2129 = arith.constant 0 : index
    %swap3A_2130 = arith.constant 49408 : index
    %swap3A_2131 = vector.load %arg3[%swap3A_2128, %swap3A_2129, %swap3A_2130] : memref<1x32x65536xf32, #tpu.memory_space<vmem>>, vector<1x32x256xf32>
    %swap3A_2132 = vector.shape_cast %swap3A_2131 : vector<1x32x256xf32> to vector<32x256xf32>
    %swap3A_2133 = vector.shape_cast %add3A_2127 : vector<32x256xf32> to vector<1x32x256xf32>
    tpu.vector_store %arg3[%swap3A_2128, %swap3A_2129, %swap3A_2130], %swap3A_2133 {strides = array<i32>} : memref<1x32x65536xf32, #tpu.memory_space<vmem>>, vector<1x32x256xf32>,
    %get3A_2134 = arith.constant 0 : index
    %get3A_2135 = arith.constant 194 : index
    %get3A_2136 = vector.load %arg1[%get3A_2134, %get3A_2135] : memref<32x256xf32, #tpu.memory_space<vmem>>, vector<32x1xf32>
    %add3A_2137 = vector.broadcast %get3A_2136 : vector<32x1xf32> to vector<32x256xf32>
    %add3A_2138 = arith.addf %add3A_2137, %get3A_1 : vector<32x256xf32>
    %swap3A_2139 = arith.constant 0 : index
    %swap3A_2140 = arith.constant 0 : index
    %swap3A_2141 = arith.constant 49664 : index
    %swap3A_2142 = vector.load %arg3[%swap3A_2139, %swap3A_2140, %swap3A_2141] : memref<1x32x65536xf32, #tpu.memory_space<vmem>>, vector<1x32x256xf32>
    %swap3A_2143 = vector.shape_cast %swap3A_2142 : vector<1x32x256xf32> to vector<32x256xf32>
    %swap3A_2144 = vector.shape_cast %add3A_2138 : vector<32x256xf32> to vector<1x32x256xf32>
    tpu.vector_store %arg3[%swap3A_2139, %swap3A_2140, %swap3A_2141], %swap3A_2144 {strides = array<i32>} : memref<1x32x65536xf32, #tpu.memory_space<vmem>>, vector<1x32x256xf32>,
    %get3A_2145 = arith.constant 0 : index
    %get3A_2146 = arith.constant 195 : index
    %get3A_2147 = vector.load %arg1[%get3A_2145, %get3A_2146] : memref<32x256xf32, #tpu.memory_space<vmem>>, vector<32x1xf32>
    %add3A_2148 = vector.broadcast %get3A_2147 : vector<32x1xf32> to vector<32x256xf32>
    %add3A_2149 = arith.addf %add3A_2148, %get3A_1 : vector<32x256xf32>
    %swap3A_2150 = arith.constant 0 : index
    %swap3A_2151 = arith.constant 0 : index
    %swap3A_2152 = arith.constant 49920 : index
    %swap3A_2153 = vector.load %arg3[%swap3A_2150, %swap3A_2151, %swap3A_2152] : memref<1x32x65536xf32, #tpu.memory_space<vmem>>, vector<1x32x256xf32>
    %swap3A_2154 = vector.shape_cast %swap3A_2153 : vector<1x32x256xf32> to vector<32x256xf32>
    %swap3A_2155 = vector.shape_cast %add3A_2149 : vector<32x256xf32> to vector<1x32x256xf32>
    tpu.vector_store %arg3[%swap3A_2150, %swap3A_2151, %swap3A_2152], %swap3A_2155 {strides = array<i32>} : memref<1x32x65536xf32, #tpu.memory_space<vmem>>, vector<1x32x256xf32>,
    %get3A_2156 = arith.constant 0 : index
    %get3A_2157 = arith.constant 196 : index
    %get3A_2158 = vector.load %arg1[%get3A_2156, %get3A_2157] : memref<32x256xf32, #tpu.memory_space<vmem>>, vector<32x1xf32>
    %add3A_2159 = vector.broadcast %get3A_2158 : vector<32x1xf32> to vector<32x256xf32>
    %add3A_2160 = arith.addf %add3A_2159, %get3A_1 : vector<32x256xf32>
    %swap3A_2161 = arith.constant 0 : index
    %swap3A_2162 = arith.constant 0 : index
    %swap3A_2163 = arith.constant 50176 : index
    %swap3A_2164 = vector.load %arg3[%swap3A_2161, %swap3A_2162, %swap3A_2163] : memref<1x32x65536xf32, #tpu.memory_space<vmem>>, vector<1x32x256xf32>
    %swap3A_2165 = vector.shape_cast %swap3A_2164 : vector<1x32x256xf32> to vector<32x256xf32>
    %swap3A_2166 = vector.shape_cast %add3A_2160 : vector<32x256xf32> to vector<1x32x256xf32>
    tpu.vector_store %arg3[%swap3A_2161, %swap3A_2162, %swap3A_2163], %swap3A_2166 {strides = array<i32>} : memref<1x32x65536xf32, #tpu.memory_space<vmem>>, vector<1x32x256xf32>,
    %get3A_2167 = arith.constant 0 : index
    %get3A_2168 = arith.constant 197 : index
    %get3A_2169 = vector.load %arg1[%get3A_2167, %get3A_2168] : memref<32x256xf32, #tpu.memory_space<vmem>>, vector<32x1xf32>
    %add3A_2170 = vector.broadcast %get3A_2169 : vector<32x1xf32> to vector<32x256xf32>
    %add3A_2171 = arith.addf %add3A_2170, %get3A_1 : vector<32x256xf32>
    %swap3A_2172 = arith.constant 0 : index
    %swap3A_2173 = arith.constant 0 : index
    %swap3A_2174 = arith.constant 50432 : index
    %swap3A_2175 = vector.load %arg3[%swap3A_2172, %swap3A_2173, %swap3A_2174] : memref<1x32x65536xf32, #tpu.memory_space<vmem>>, vector<1x32x256xf32>
    %swap3A_2176 = vector.shape_cast %swap3A_2175 : vector<1x32x256xf32> to vector<32x256xf32>
    %swap3A_2177 = vector.shape_cast %add3A_2171 : vector<32x256xf32> to vector<1x32x256xf32>
    tpu.vector_store %arg3[%swap3A_2172, %swap3A_2173, %swap3A_2174], %swap3A_2177 {strides = array<i32>} : memref<1x32x65536xf32, #tpu.memory_space<vmem>>, vector<1x32x256xf32>,
    %get3A_2178 = arith.constant 0 : index
    %get3A_2179 = arith.constant 198 : index
    %get3A_2180 = vector.load %arg1[%get3A_2178, %get3A_2179] : memref<32x256xf32, #tpu.memory_space<vmem>>, vector<32x1xf32>
    %add3A_2181 = vector.broadcast %get3A_2180 : vector<32x1xf32> to vector<32x256xf32>
    %add3A_2182 = arith.addf %add3A_2181, %get3A_1 : vector<32x256xf32>
    %swap3A_2183 = arith.constant 0 : index
    %swap3A_2184 = arith.constant 0 : index
    %swap3A_2185 = arith.constant 50688 : index
    %swap3A_2186 = vector.load %arg3[%swap3A_2183, %swap3A_2184, %swap3A_2185] : memref<1x32x65536xf32, #tpu.memory_space<vmem>>, vector<1x32x256xf32>
    %swap3A_2187 = vector.shape_cast %swap3A_2186 : vector<1x32x256xf32> to vector<32x256xf32>
    %swap3A_2188 = vector.shape_cast %add3A_2182 : vector<32x256xf32> to vector<1x32x256xf32>
    tpu.vector_store %arg3[%swap3A_2183, %swap3A_2184, %swap3A_2185], %swap3A_2188 {strides = array<i32>} : memref<1x32x65536xf32, #tpu.memory_space<vmem>>, vector<1x32x256xf32>,
    %get3A_2189 = arith.constant 0 : index
    %get3A_2190 = arith.constant 199 : index
    %get3A_2191 = vector.load %arg1[%get3A_2189, %get3A_2190] : memref<32x256xf32, #tpu.memory_space<vmem>>, vector<32x1xf32>
    %add3A_2192 = vector.broadcast %get3A_2191 : vector<32x1xf32> to vector<32x256xf32>
    %add3A_2193 = arith.addf %add3A_2192, %get3A_1 : vector<32x256xf32>
    %swap3A_2194 = arith.constant 0 : index
    %swap3A_2195 = arith.constant 0 : index
    %swap3A_2196 = arith.constant 50944 : index
    %swap3A_2197 = vector.load %arg3[%swap3A_2194, %swap3A_2195, %swap3A_2196] : memref<1x32x65536xf32, #tpu.memory_space<vmem>>, vector<1x32x256xf32>
    %swap3A_2198 = vector.shape_cast %swap3A_2197 : vector<1x32x256xf32> to vector<32x256xf32>
    %swap3A_2199 = vector.shape_cast %add3A_2193 : vector<32x256xf32> to vector<1x32x256xf32>
    tpu.vector_store %arg3[%swap3A_2194, %swap3A_2195, %swap3A_2196], %swap3A_2199 {strides = array<i32>} : memref<1x32x65536xf32, #tpu.memory_space<vmem>>, vector<1x32x256xf32>,
    %get3A_2200 = arith.constant 0 : index
    %get3A_2201 = arith.constant 200 : index
    %get3A_2202 = vector.load %arg1[%get3A_2200, %get3A_2201] : memref<32x256xf32, #tpu.memory_space<vmem>>, vector<32x1xf32>
    %add3A_2203 = vector.broadcast %get3A_2202 : vector<32x1xf32> to vector<32x256xf32>
    %add3A_2204 = arith.addf %add3A_2203, %get3A_1 : vector<32x256xf32>
    %swap3A_2205 = arith.constant 0 : index
    %swap3A_2206 = arith.constant 0 : index
    %swap3A_2207 = arith.constant 51200 : index
    %swap3A_2208 = vector.load %arg3[%swap3A_2205, %swap3A_2206, %swap3A_2207] : memref<1x32x65536xf32, #tpu.memory_space<vmem>>, vector<1x32x256xf32>
    %swap3A_2209 = vector.shape_cast %swap3A_2208 : vector<1x32x256xf32> to vector<32x256xf32>
    %swap3A_2210 = vector.shape_cast %add3A_2204 : vector<32x256xf32> to vector<1x32x256xf32>
    tpu.vector_store %arg3[%swap3A_2205, %swap3A_2206, %swap3A_2207], %swap3A_2210 {strides = array<i32>} : memref<1x32x65536xf32, #tpu.memory_space<vmem>>, vector<1x32x256xf32>,
    %get3A_2211 = arith.constant 0 : index
    %get3A_2212 = arith.constant 201 : index
    %get3A_2213 = vector.load %arg1[%get3A_2211, %get3A_2212] : memref<32x256xf32, #tpu.memory_space<vmem>>, vector<32x1xf32>
    %add3A_2214 = vector.broadcast %get3A_2213 : vector<32x1xf32> to vector<32x256xf32>
    %add3A_2215 = arith.addf %add3A_2214, %get3A_1 : vector<32x256xf32>
    %swap3A_2216 = arith.constant 0 : index
    %swap3A_2217 = arith.constant 0 : index
    %swap3A_2218 = arith.constant 51456 : index
    %swap3A_2219 = vector.load %arg3[%swap3A_2216, %swap3A_2217, %swap3A_2218] : memref<1x32x65536xf32, #tpu.memory_space<vmem>>, vector<1x32x256xf32>
    %swap3A_2220 = vector.shape_cast %swap3A_2219 : vector<1x32x256xf32> to vector<32x256xf32>
    %swap3A_2221 = vector.shape_cast %add3A_2215 : vector<32x256xf32> to vector<1x32x256xf32>
    tpu.vector_store %arg3[%swap3A_2216, %swap3A_2217, %swap3A_2218], %swap3A_2221 {strides = array<i32>} : memref<1x32x65536xf32, #tpu.memory_space<vmem>>, vector<1x32x256xf32>,
    %get3A_2222 = arith.constant 0 : index
    %get3A_2223 = arith.constant 202 : index
    %get3A_2224 = vector.load %arg1[%get3A_2222, %get3A_2223] : memref<32x256xf32, #tpu.memory_space<vmem>>, vector<32x1xf32>
    %add3A_2225 = vector.broadcast %get3A_2224 : vector<32x1xf32> to vector<32x256xf32>
    %add3A_2226 = arith.addf %add3A_2225, %get3A_1 : vector<32x256xf32>
    %swap3A_2227 = arith.constant 0 : index
    %swap3A_2228 = arith.constant 0 : index
    %swap3A_2229 = arith.constant 51712 : index
    %swap3A_2230 = vector.load %arg3[%swap3A_2227, %swap3A_2228, %swap3A_2229] : memref<1x32x65536xf32, #tpu.memory_space<vmem>>, vector<1x32x256xf32>
    %swap3A_2231 = vector.shape_cast %swap3A_2230 : vector<1x32x256xf32> to vector<32x256xf32>
    %swap3A_2232 = vector.shape_cast %add3A_2226 : vector<32x256xf32> to vector<1x32x256xf32>
    tpu.vector_store %arg3[%swap3A_2227, %swap3A_2228, %swap3A_2229], %swap3A_2232 {strides = array<i32>} : memref<1x32x65536xf32, #tpu.memory_space<vmem>>, vector<1x32x256xf32>,
    %get3A_2233 = arith.constant 0 : index
    %get3A_2234 = arith.constant 203 : index
    %get3A_2235 = vector.load %arg1[%get3A_2233, %get3A_2234] : memref<32x256xf32, #tpu.memory_space<vmem>>, vector<32x1xf32>
    %add3A_2236 = vector.broadcast %get3A_2235 : vector<32x1xf32> to vector<32x256xf32>
    %add3A_2237 = arith.addf %add3A_2236, %get3A_1 : vector<32x256xf32>
    %swap3A_2238 = arith.constant 0 : index
    %swap3A_2239 = arith.constant 0 : index
    %swap3A_2240 = arith.constant 51968 : index
    %swap3A_2241 = vector.load %arg3[%swap3A_2238, %swap3A_2239, %swap3A_2240] : memref<1x32x65536xf32, #tpu.memory_space<vmem>>, vector<1x32x256xf32>
    %swap3A_2242 = vector.shape_cast %swap3A_2241 : vector<1x32x256xf32> to vector<32x256xf32>
    %swap3A_2243 = vector.shape_cast %add3A_2237 : vector<32x256xf32> to vector<1x32x256xf32>
    tpu.vector_store %arg3[%swap3A_2238, %swap3A_2239, %swap3A_2240], %swap3A_2243 {strides = array<i32>} : memref<1x32x65536xf32, #tpu.memory_space<vmem>>, vector<1x32x256xf32>,
    %get3A_2244 = arith.constant 0 : index
    %get3A_2245 = arith.constant 204 : index
    %get3A_2246 = vector.load %arg1[%get3A_2244, %get3A_2245] : memref<32x256xf32, #tpu.memory_space<vmem>>, vector<32x1xf32>
    %add3A_2247 = vector.broadcast %get3A_2246 : vector<32x1xf32> to vector<32x256xf32>
    %add3A_2248 = arith.addf %add3A_2247, %get3A_1 : vector<32x256xf32>
    %swap3A_2249 = arith.constant 0 : index
    %swap3A_2250 = arith.constant 0 : index
    %swap3A_2251 = arith.constant 52224 : index
    %swap3A_2252 = vector.load %arg3[%swap3A_2249, %swap3A_2250, %swap3A_2251] : memref<1x32x65536xf32, #tpu.memory_space<vmem>>, vector<1x32x256xf32>
    %swap3A_2253 = vector.shape_cast %swap3A_2252 : vector<1x32x256xf32> to vector<32x256xf32>
    %swap3A_2254 = vector.shape_cast %add3A_2248 : vector<32x256xf32> to vector<1x32x256xf32>
    tpu.vector_store %arg3[%swap3A_2249, %swap3A_2250, %swap3A_2251], %swap3A_2254 {strides = array<i32>} : memref<1x32x65536xf32, #tpu.memory_space<vmem>>, vector<1x32x256xf32>,
    %get3A_2255 = arith.constant 0 : index
    %get3A_2256 = arith.constant 205 : index
    %get3A_2257 = vector.load %arg1[%get3A_2255, %get3A_2256] : memref<32x256xf32, #tpu.memory_space<vmem>>, vector<32x1xf32>
    %add3A_2258 = vector.broadcast %get3A_2257 : vector<32x1xf32> to vector<32x256xf32>
    %add3A_2259 = arith.addf %add3A_2258, %get3A_1 : vector<32x256xf32>
    %swap3A_2260 = arith.constant 0 : index
    %swap3A_2261 = arith.constant 0 : index
    %swap3A_2262 = arith.constant 52480 : index
    %swap3A_2263 = vector.load %arg3[%swap3A_2260, %swap3A_2261, %swap3A_2262] : memref<1x32x65536xf32, #tpu.memory_space<vmem>>, vector<1x32x256xf32>
    %swap3A_2264 = vector.shape_cast %swap3A_2263 : vector<1x32x256xf32> to vector<32x256xf32>
    %swap3A_2265 = vector.shape_cast %add3A_2259 : vector<32x256xf32> to vector<1x32x256xf32>
    tpu.vector_store %arg3[%swap3A_2260, %swap3A_2261, %swap3A_2262], %swap3A_2265 {strides = array<i32>} : memref<1x32x65536xf32, #tpu.memory_space<vmem>>, vector<1x32x256xf32>,
    %get3A_2266 = arith.constant 0 : index
    %get3A_2267 = arith.constant 206 : index
    %get3A_2268 = vector.load %arg1[%get3A_2266, %get3A_2267] : memref<32x256xf32, #tpu.memory_space<vmem>>, vector<32x1xf32>
    %add3A_2269 = vector.broadcast %get3A_2268 : vector<32x1xf32> to vector<32x256xf32>
    %add3A_2270 = arith.addf %add3A_2269, %get3A_1 : vector<32x256xf32>
    %swap3A_2271 = arith.constant 0 : index
    %swap3A_2272 = arith.constant 0 : index
    %swap3A_2273 = arith.constant 52736 : index
    %swap3A_2274 = vector.load %arg3[%swap3A_2271, %swap3A_2272, %swap3A_2273] : memref<1x32x65536xf32, #tpu.memory_space<vmem>>, vector<1x32x256xf32>
    %swap3A_2275 = vector.shape_cast %swap3A_2274 : vector<1x32x256xf32> to vector<32x256xf32>
    %swap3A_2276 = vector.shape_cast %add3A_2270 : vector<32x256xf32> to vector<1x32x256xf32>
    tpu.vector_store %arg3[%swap3A_2271, %swap3A_2272, %swap3A_2273], %swap3A_2276 {strides = array<i32>} : memref<1x32x65536xf32, #tpu.memory_space<vmem>>, vector<1x32x256xf32>,
    %get3A_2277 = arith.constant 0 : index
    %get3A_2278 = arith.constant 207 : index
    %get3A_2279 = vector.load %arg1[%get3A_2277, %get3A_2278] : memref<32x256xf32, #tpu.memory_space<vmem>>, vector<32x1xf32>
    %add3A_2280 = vector.broadcast %get3A_2279 : vector<32x1xf32> to vector<32x256xf32>
    %add3A_2281 = arith.addf %add3A_2280, %get3A_1 : vector<32x256xf32>
    %swap3A_2282 = arith.constant 0 : index
    %swap3A_2283 = arith.constant 0 : index
    %swap3A_2284 = arith.constant 52992 : index
    %swap3A_2285 = vector.load %arg3[%swap3A_2282, %swap3A_2283, %swap3A_2284] : memref<1x32x65536xf32, #tpu.memory_space<vmem>>, vector<1x32x256xf32>
    %swap3A_2286 = vector.shape_cast %swap3A_2285 : vector<1x32x256xf32> to vector<32x256xf32>
    %swap3A_2287 = vector.shape_cast %add3A_2281 : vector<32x256xf32> to vector<1x32x256xf32>
    tpu.vector_store %arg3[%swap3A_2282, %swap3A_2283, %swap3A_2284], %swap3A_2287 {strides = array<i32>} : memref<1x32x65536xf32, #tpu.memory_space<vmem>>, vector<1x32x256xf32>,
    %get3A_2288 = arith.constant 0 : index
    %get3A_2289 = arith.constant 208 : index
    %get3A_2290 = vector.load %arg1[%get3A_2288, %get3A_2289] : memref<32x256xf32, #tpu.memory_space<vmem>>, vector<32x1xf32>
    %add3A_2291 = vector.broadcast %get3A_2290 : vector<32x1xf32> to vector<32x256xf32>
    %add3A_2292 = arith.addf %add3A_2291, %get3A_1 : vector<32x256xf32>
    %swap3A_2293 = arith.constant 0 : index
    %swap3A_2294 = arith.constant 0 : index
    %swap3A_2295 = arith.constant 53248 : index
    %swap3A_2296 = vector.load %arg3[%swap3A_2293, %swap3A_2294, %swap3A_2295] : memref<1x32x65536xf32, #tpu.memory_space<vmem>>, vector<1x32x256xf32>
    %swap3A_2297 = vector.shape_cast %swap3A_2296 : vector<1x32x256xf32> to vector<32x256xf32>
    %swap3A_2298 = vector.shape_cast %add3A_2292 : vector<32x256xf32> to vector<1x32x256xf32>
    tpu.vector_store %arg3[%swap3A_2293, %swap3A_2294, %swap3A_2295], %swap3A_2298 {strides = array<i32>} : memref<1x32x65536xf32, #tpu.memory_space<vmem>>, vector<1x32x256xf32>,
    %get3A_2299 = arith.constant 0 : index
    %get3A_2300 = arith.constant 209 : index
    %get3A_2301 = vector.load %arg1[%get3A_2299, %get3A_2300] : memref<32x256xf32, #tpu.memory_space<vmem>>, vector<32x1xf32>
    %add3A_2302 = vector.broadcast %get3A_2301 : vector<32x1xf32> to vector<32x256xf32>
    %add3A_2303 = arith.addf %add3A_2302, %get3A_1 : vector<32x256xf32>
    %swap3A_2304 = arith.constant 0 : index
    %swap3A_2305 = arith.constant 0 : index
    %swap3A_2306 = arith.constant 53504 : index
    %swap3A_2307 = vector.load %arg3[%swap3A_2304, %swap3A_2305, %swap3A_2306] : memref<1x32x65536xf32, #tpu.memory_space<vmem>>, vector<1x32x256xf32>
    %swap3A_2308 = vector.shape_cast %swap3A_2307 : vector<1x32x256xf32> to vector<32x256xf32>
    %swap3A_2309 = vector.shape_cast %add3A_2303 : vector<32x256xf32> to vector<1x32x256xf32>
    tpu.vector_store %arg3[%swap3A_2304, %swap3A_2305, %swap3A_2306], %swap3A_2309 {strides = array<i32>} : memref<1x32x65536xf32, #tpu.memory_space<vmem>>, vector<1x32x256xf32>,
    %get3A_2310 = arith.constant 0 : index
    %get3A_2311 = arith.constant 210 : index
    %get3A_2312 = vector.load %arg1[%get3A_2310, %get3A_2311] : memref<32x256xf32, #tpu.memory_space<vmem>>, vector<32x1xf32>
    %add3A_2313 = vector.broadcast %get3A_2312 : vector<32x1xf32> to vector<32x256xf32>
    %add3A_2314 = arith.addf %add3A_2313, %get3A_1 : vector<32x256xf32>
    %swap3A_2315 = arith.constant 0 : index
    %swap3A_2316 = arith.constant 0 : index
    %swap3A_2317 = arith.constant 53760 : index
    %swap3A_2318 = vector.load %arg3[%swap3A_2315, %swap3A_2316, %swap3A_2317] : memref<1x32x65536xf32, #tpu.memory_space<vmem>>, vector<1x32x256xf32>
    %swap3A_2319 = vector.shape_cast %swap3A_2318 : vector<1x32x256xf32> to vector<32x256xf32>
    %swap3A_2320 = vector.shape_cast %add3A_2314 : vector<32x256xf32> to vector<1x32x256xf32>
    tpu.vector_store %arg3[%swap3A_2315, %swap3A_2316, %swap3A_2317], %swap3A_2320 {strides = array<i32>} : memref<1x32x65536xf32, #tpu.memory_space<vmem>>, vector<1x32x256xf32>,
    %get3A_2321 = arith.constant 0 : index
    %get3A_2322 = arith.constant 211 : index
    %get3A_2323 = vector.load %arg1[%get3A_2321, %get3A_2322] : memref<32x256xf32, #tpu.memory_space<vmem>>, vector<32x1xf32>
    %add3A_2324 = vector.broadcast %get3A_2323 : vector<32x1xf32> to vector<32x256xf32>
    %add3A_2325 = arith.addf %add3A_2324, %get3A_1 : vector<32x256xf32>
    %swap3A_2326 = arith.constant 0 : index
    %swap3A_2327 = arith.constant 0 : index
    %swap3A_2328 = arith.constant 54016 : index
    %swap3A_2329 = vector.load %arg3[%swap3A_2326, %swap3A_2327, %swap3A_2328] : memref<1x32x65536xf32, #tpu.memory_space<vmem>>, vector<1x32x256xf32>
    %swap3A_2330 = vector.shape_cast %swap3A_2329 : vector<1x32x256xf32> to vector<32x256xf32>
    %swap3A_2331 = vector.shape_cast %add3A_2325 : vector<32x256xf32> to vector<1x32x256xf32>
    tpu.vector_store %arg3[%swap3A_2326, %swap3A_2327, %swap3A_2328], %swap3A_2331 {strides = array<i32>} : memref<1x32x65536xf32, #tpu.memory_space<vmem>>, vector<1x32x256xf32>,
    %get3A_2332 = arith.constant 0 : index
    %get3A_2333 = arith.constant 212 : index
    %get3A_2334 = vector.load %arg1[%get3A_2332, %get3A_2333] : memref<32x256xf32, #tpu.memory_space<vmem>>, vector<32x1xf32>
    %add3A_2335 = vector.broadcast %get3A_2334 : vector<32x1xf32> to vector<32x256xf32>
    %add3A_2336 = arith.addf %add3A_2335, %get3A_1 : vector<32x256xf32>
    %swap3A_2337 = arith.constant 0 : index
    %swap3A_2338 = arith.constant 0 : index
    %swap3A_2339 = arith.constant 54272 : index
    %swap3A_2340 = vector.load %arg3[%swap3A_2337, %swap3A_2338, %swap3A_2339] : memref<1x32x65536xf32, #tpu.memory_space<vmem>>, vector<1x32x256xf32>
    %swap3A_2341 = vector.shape_cast %swap3A_2340 : vector<1x32x256xf32> to vector<32x256xf32>
    %swap3A_2342 = vector.shape_cast %add3A_2336 : vector<32x256xf32> to vector<1x32x256xf32>
    tpu.vector_store %arg3[%swap3A_2337, %swap3A_2338, %swap3A_2339], %swap3A_2342 {strides = array<i32>} : memref<1x32x65536xf32, #tpu.memory_space<vmem>>, vector<1x32x256xf32>,
    %get3A_2343 = arith.constant 0 : index
    %get3A_2344 = arith.constant 213 : index
    %get3A_2345 = vector.load %arg1[%get3A_2343, %get3A_2344] : memref<32x256xf32, #tpu.memory_space<vmem>>, vector<32x1xf32>
    %add3A_2346 = vector.broadcast %get3A_2345 : vector<32x1xf32> to vector<32x256xf32>
    %add3A_2347 = arith.addf %add3A_2346, %get3A_1 : vector<32x256xf32>
    %swap3A_2348 = arith.constant 0 : index
    %swap3A_2349 = arith.constant 0 : index
    %swap3A_2350 = arith.constant 54528 : index
    %swap3A_2351 = vector.load %arg3[%swap3A_2348, %swap3A_2349, %swap3A_2350] : memref<1x32x65536xf32, #tpu.memory_space<vmem>>, vector<1x32x256xf32>
    %swap3A_2352 = vector.shape_cast %swap3A_2351 : vector<1x32x256xf32> to vector<32x256xf32>
    %swap3A_2353 = vector.shape_cast %add3A_2347 : vector<32x256xf32> to vector<1x32x256xf32>
    tpu.vector_store %arg3[%swap3A_2348, %swap3A_2349, %swap3A_2350], %swap3A_2353 {strides = array<i32>} : memref<1x32x65536xf32, #tpu.memory_space<vmem>>, vector<1x32x256xf32>,
    %get3A_2354 = arith.constant 0 : index
    %get3A_2355 = arith.constant 214 : index
    %get3A_2356 = vector.load %arg1[%get3A_2354, %get3A_2355] : memref<32x256xf32, #tpu.memory_space<vmem>>, vector<32x1xf32>
    %add3A_2357 = vector.broadcast %get3A_2356 : vector<32x1xf32> to vector<32x256xf32>
    %add3A_2358 = arith.addf %add3A_2357, %get3A_1 : vector<32x256xf32>
    %swap3A_2359 = arith.constant 0 : index
    %swap3A_2360 = arith.constant 0 : index
    %swap3A_2361 = arith.constant 54784 : index
    %swap3A_2362 = vector.load %arg3[%swap3A_2359, %swap3A_2360, %swap3A_2361] : memref<1x32x65536xf32, #tpu.memory_space<vmem>>, vector<1x32x256xf32>
    %swap3A_2363 = vector.shape_cast %swap3A_2362 : vector<1x32x256xf32> to vector<32x256xf32>
    %swap3A_2364 = vector.shape_cast %add3A_2358 : vector<32x256xf32> to vector<1x32x256xf32>
    tpu.vector_store %arg3[%swap3A_2359, %swap3A_2360, %swap3A_2361], %swap3A_2364 {strides = array<i32>} : memref<1x32x65536xf32, #tpu.memory_space<vmem>>, vector<1x32x256xf32>,
    %get3A_2365 = arith.constant 0 : index
    %get3A_2366 = arith.constant 215 : index
    %get3A_2367 = vector.load %arg1[%get3A_2365, %get3A_2366] : memref<32x256xf32, #tpu.memory_space<vmem>>, vector<32x1xf32>
    %add3A_2368 = vector.broadcast %get3A_2367 : vector<32x1xf32> to vector<32x256xf32>
    %add3A_2369 = arith.addf %add3A_2368, %get3A_1 : vector<32x256xf32>
    %swap3A_2370 = arith.constant 0 : index
    %swap3A_2371 = arith.constant 0 : index
    %swap3A_2372 = arith.constant 55040 : index
    %swap3A_2373 = vector.load %arg3[%swap3A_2370, %swap3A_2371, %swap3A_2372] : memref<1x32x65536xf32, #tpu.memory_space<vmem>>, vector<1x32x256xf32>
    %swap3A_2374 = vector.shape_cast %swap3A_2373 : vector<1x32x256xf32> to vector<32x256xf32>
    %swap3A_2375 = vector.shape_cast %add3A_2369 : vector<32x256xf32> to vector<1x32x256xf32>
    tpu.vector_store %arg3[%swap3A_2370, %swap3A_2371, %swap3A_2372], %swap3A_2375 {strides = array<i32>} : memref<1x32x65536xf32, #tpu.memory_space<vmem>>, vector<1x32x256xf32>,
    %get3A_2376 = arith.constant 0 : index
    %get3A_2377 = arith.constant 216 : index
    %get3A_2378 = vector.load %arg1[%get3A_2376, %get3A_2377] : memref<32x256xf32, #tpu.memory_space<vmem>>, vector<32x1xf32>
    %add3A_2379 = vector.broadcast %get3A_2378 : vector<32x1xf32> to vector<32x256xf32>
    %add3A_2380 = arith.addf %add3A_2379, %get3A_1 : vector<32x256xf32>
    %swap3A_2381 = arith.constant 0 : index
    %swap3A_2382 = arith.constant 0 : index
    %swap3A_2383 = arith.constant 55296 : index
    %swap3A_2384 = vector.load %arg3[%swap3A_2381, %swap3A_2382, %swap3A_2383] : memref<1x32x65536xf32, #tpu.memory_space<vmem>>, vector<1x32x256xf32>
    %swap3A_2385 = vector.shape_cast %swap3A_2384 : vector<1x32x256xf32> to vector<32x256xf32>
    %swap3A_2386 = vector.shape_cast %add3A_2380 : vector<32x256xf32> to vector<1x32x256xf32>
    tpu.vector_store %arg3[%swap3A_2381, %swap3A_2382, %swap3A_2383], %swap3A_2386 {strides = array<i32>} : memref<1x32x65536xf32, #tpu.memory_space<vmem>>, vector<1x32x256xf32>,
    %get3A_2387 = arith.constant 0 : index
    %get3A_2388 = arith.constant 217 : index
    %get3A_2389 = vector.load %arg1[%get3A_2387, %get3A_2388] : memref<32x256xf32, #tpu.memory_space<vmem>>, vector<32x1xf32>
    %add3A_2390 = vector.broadcast %get3A_2389 : vector<32x1xf32> to vector<32x256xf32>
    %add3A_2391 = arith.addf %add3A_2390, %get3A_1 : vector<32x256xf32>
    %swap3A_2392 = arith.constant 0 : index
    %swap3A_2393 = arith.constant 0 : index
    %swap3A_2394 = arith.constant 55552 : index
    %swap3A_2395 = vector.load %arg3[%swap3A_2392, %swap3A_2393, %swap3A_2394] : memref<1x32x65536xf32, #tpu.memory_space<vmem>>, vector<1x32x256xf32>
    %swap3A_2396 = vector.shape_cast %swap3A_2395 : vector<1x32x256xf32> to vector<32x256xf32>
    %swap3A_2397 = vector.shape_cast %add3A_2391 : vector<32x256xf32> to vector<1x32x256xf32>
    tpu.vector_store %arg3[%swap3A_2392, %swap3A_2393, %swap3A_2394], %swap3A_2397 {strides = array<i32>} : memref<1x32x65536xf32, #tpu.memory_space<vmem>>, vector<1x32x256xf32>,
    %get3A_2398 = arith.constant 0 : index
    %get3A_2399 = arith.constant 218 : index
    %get3A_2400 = vector.load %arg1[%get3A_2398, %get3A_2399] : memref<32x256xf32, #tpu.memory_space<vmem>>, vector<32x1xf32>
    %add3A_2401 = vector.broadcast %get3A_2400 : vector<32x1xf32> to vector<32x256xf32>
    %add3A_2402 = arith.addf %add3A_2401, %get3A_1 : vector<32x256xf32>
    %swap3A_2403 = arith.constant 0 : index
    %swap3A_2404 = arith.constant 0 : index
    %swap3A_2405 = arith.constant 55808 : index
    %swap3A_2406 = vector.load %arg3[%swap3A_2403, %swap3A_2404, %swap3A_2405] : memref<1x32x65536xf32, #tpu.memory_space<vmem>>, vector<1x32x256xf32>
    %swap3A_2407 = vector.shape_cast %swap3A_2406 : vector<1x32x256xf32> to vector<32x256xf32>
    %swap3A_2408 = vector.shape_cast %add3A_2402 : vector<32x256xf32> to vector<1x32x256xf32>
    tpu.vector_store %arg3[%swap3A_2403, %swap3A_2404, %swap3A_2405], %swap3A_2408 {strides = array<i32>} : memref<1x32x65536xf32, #tpu.memory_space<vmem>>, vector<1x32x256xf32>,
    %get3A_2409 = arith.constant 0 : index
    %get3A_2410 = arith.constant 219 : index
    %get3A_2411 = vector.load %arg1[%get3A_2409, %get3A_2410] : memref<32x256xf32, #tpu.memory_space<vmem>>, vector<32x1xf32>
    %add3A_2412 = vector.broadcast %get3A_2411 : vector<32x1xf32> to vector<32x256xf32>
    %add3A_2413 = arith.addf %add3A_2412, %get3A_1 : vector<32x256xf32>
    %swap3A_2414 = arith.constant 0 : index
    %swap3A_2415 = arith.constant 0 : index
    %swap3A_2416 = arith.constant 56064 : index
    %swap3A_2417 = vector.load %arg3[%swap3A_2414, %swap3A_2415, %swap3A_2416] : memref<1x32x65536xf32, #tpu.memory_space<vmem>>, vector<1x32x256xf32>
    %swap3A_2418 = vector.shape_cast %swap3A_2417 : vector<1x32x256xf32> to vector<32x256xf32>
    %swap3A_2419 = vector.shape_cast %add3A_2413 : vector<32x256xf32> to vector<1x32x256xf32>
    tpu.vector_store %arg3[%swap3A_2414, %swap3A_2415, %swap3A_2416], %swap3A_2419 {strides = array<i32>} : memref<1x32x65536xf32, #tpu.memory_space<vmem>>, vector<1x32x256xf32>,
    %get3A_2420 = arith.constant 0 : index
    %get3A_2421 = arith.constant 220 : index
    %get3A_2422 = vector.load %arg1[%get3A_2420, %get3A_2421] : memref<32x256xf32, #tpu.memory_space<vmem>>, vector<32x1xf32>
    %add3A_2423 = vector.broadcast %get3A_2422 : vector<32x1xf32> to vector<32x256xf32>
    %add3A_2424 = arith.addf %add3A_2423, %get3A_1 : vector<32x256xf32>
    %swap3A_2425 = arith.constant 0 : index
    %swap3A_2426 = arith.constant 0 : index
    %swap3A_2427 = arith.constant 56320 : index
    %swap3A_2428 = vector.load %arg3[%swap3A_2425, %swap3A_2426, %swap3A_2427] : memref<1x32x65536xf32, #tpu.memory_space<vmem>>, vector<1x32x256xf32>
    %swap3A_2429 = vector.shape_cast %swap3A_2428 : vector<1x32x256xf32> to vector<32x256xf32>
    %swap3A_2430 = vector.shape_cast %add3A_2424 : vector<32x256xf32> to vector<1x32x256xf32>
    tpu.vector_store %arg3[%swap3A_2425, %swap3A_2426, %swap3A_2427], %swap3A_2430 {strides = array<i32>} : memref<1x32x65536xf32, #tpu.memory_space<vmem>>, vector<1x32x256xf32>,
    %get3A_2431 = arith.constant 0 : index
    %get3A_2432 = arith.constant 221 : index
    %get3A_2433 = vector.load %arg1[%get3A_2431, %get3A_2432] : memref<32x256xf32, #tpu.memory_space<vmem>>, vector<32x1xf32>
    %add3A_2434 = vector.broadcast %get3A_2433 : vector<32x1xf32> to vector<32x256xf32>
    %add3A_2435 = arith.addf %add3A_2434, %get3A_1 : vector<32x256xf32>
    %swap3A_2436 = arith.constant 0 : index
    %swap3A_2437 = arith.constant 0 : index
    %swap3A_2438 = arith.constant 56576 : index
    %swap3A_2439 = vector.load %arg3[%swap3A_2436, %swap3A_2437, %swap3A_2438] : memref<1x32x65536xf32, #tpu.memory_space<vmem>>, vector<1x32x256xf32>
    %swap3A_2440 = vector.shape_cast %swap3A_2439 : vector<1x32x256xf32> to vector<32x256xf32>
    %swap3A_2441 = vector.shape_cast %add3A_2435 : vector<32x256xf32> to vector<1x32x256xf32>
    tpu.vector_store %arg3[%swap3A_2436, %swap3A_2437, %swap3A_2438], %swap3A_2441 {strides = array<i32>} : memref<1x32x65536xf32, #tpu.memory_space<vmem>>, vector<1x32x256xf32>,
    %get3A_2442 = arith.constant 0 : index
    %get3A_2443 = arith.constant 222 : index
    %get3A_2444 = vector.load %arg1[%get3A_2442, %get3A_2443] : memref<32x256xf32, #tpu.memory_space<vmem>>, vector<32x1xf32>
    %add3A_2445 = vector.broadcast %get3A_2444 : vector<32x1xf32> to vector<32x256xf32>
    %add3A_2446 = arith.addf %add3A_2445, %get3A_1 : vector<32x256xf32>
    %swap3A_2447 = arith.constant 0 : index
    %swap3A_2448 = arith.constant 0 : index
    %swap3A_2449 = arith.constant 56832 : index
    %swap3A_2450 = vector.load %arg3[%swap3A_2447, %swap3A_2448, %swap3A_2449] : memref<1x32x65536xf32, #tpu.memory_space<vmem>>, vector<1x32x256xf32>
    %swap3A_2451 = vector.shape_cast %swap3A_2450 : vector<1x32x256xf32> to vector<32x256xf32>
    %swap3A_2452 = vector.shape_cast %add3A_2446 : vector<32x256xf32> to vector<1x32x256xf32>
    tpu.vector_store %arg3[%swap3A_2447, %swap3A_2448, %swap3A_2449], %swap3A_2452 {strides = array<i32>} : memref<1x32x65536xf32, #tpu.memory_space<vmem>>, vector<1x32x256xf32>,
    %get3A_2453 = arith.constant 0 : index
    %get3A_2454 = arith.constant 223 : index
    %get3A_2455 = vector.load %arg1[%get3A_2453, %get3A_2454] : memref<32x256xf32, #tpu.memory_space<vmem>>, vector<32x1xf32>
    %add3A_2456 = vector.broadcast %get3A_2455 : vector<32x1xf32> to vector<32x256xf32>
    %add3A_2457 = arith.addf %add3A_2456, %get3A_1 : vector<32x256xf32>
    %swap3A_2458 = arith.constant 0 : index
    %swap3A_2459 = arith.constant 0 : index
    %swap3A_2460 = arith.constant 57088 : index
    %swap3A_2461 = vector.load %arg3[%swap3A_2458, %swap3A_2459, %swap3A_2460] : memref<1x32x65536xf32, #tpu.memory_space<vmem>>, vector<1x32x256xf32>
    %swap3A_2462 = vector.shape_cast %swap3A_2461 : vector<1x32x256xf32> to vector<32x256xf32>
    %swap3A_2463 = vector.shape_cast %add3A_2457 : vector<32x256xf32> to vector<1x32x256xf32>
    tpu.vector_store %arg3[%swap3A_2458, %swap3A_2459, %swap3A_2460], %swap3A_2463 {strides = array<i32>} : memref<1x32x65536xf32, #tpu.memory_space<vmem>>, vector<1x32x256xf32>,
    %get3A_2464 = arith.constant 0 : index
    %get3A_2465 = arith.constant 224 : index
    %get3A_2466 = vector.load %arg1[%get3A_2464, %get3A_2465] : memref<32x256xf32, #tpu.memory_space<vmem>>, vector<32x1xf32>
    %add3A_2467 = vector.broadcast %get3A_2466 : vector<32x1xf32> to vector<32x256xf32>
    %add3A_2468 = arith.addf %add3A_2467, %get3A_1 : vector<32x256xf32>
    %swap3A_2469 = arith.constant 0 : index
    %swap3A_2470 = arith.constant 0 : index
    %swap3A_2471 = arith.constant 57344 : index
    %swap3A_2472 = vector.load %arg3[%swap3A_2469, %swap3A_2470, %swap3A_2471] : memref<1x32x65536xf32, #tpu.memory_space<vmem>>, vector<1x32x256xf32>
    %swap3A_2473 = vector.shape_cast %swap3A_2472 : vector<1x32x256xf32> to vector<32x256xf32>
    %swap3A_2474 = vector.shape_cast %add3A_2468 : vector<32x256xf32> to vector<1x32x256xf32>
    tpu.vector_store %arg3[%swap3A_2469, %swap3A_2470, %swap3A_2471], %swap3A_2474 {strides = array<i32>} : memref<1x32x65536xf32, #tpu.memory_space<vmem>>, vector<1x32x256xf32>,
    %get3A_2475 = arith.constant 0 : index
    %get3A_2476 = arith.constant 225 : index
    %get3A_2477 = vector.load %arg1[%get3A_2475, %get3A_2476] : memref<32x256xf32, #tpu.memory_space<vmem>>, vector<32x1xf32>
    %add3A_2478 = vector.broadcast %get3A_2477 : vector<32x1xf32> to vector<32x256xf32>
    %add3A_2479 = arith.addf %add3A_2478, %get3A_1 : vector<32x256xf32>
    %swap3A_2480 = arith.constant 0 : index
    %swap3A_2481 = arith.constant 0 : index
    %swap3A_2482 = arith.constant 57600 : index
    %swap3A_2483 = vector.load %arg3[%swap3A_2480, %swap3A_2481, %swap3A_2482] : memref<1x32x65536xf32, #tpu.memory_space<vmem>>, vector<1x32x256xf32>
    %swap3A_2484 = vector.shape_cast %swap3A_2483 : vector<1x32x256xf32> to vector<32x256xf32>
    %swap3A_2485 = vector.shape_cast %add3A_2479 : vector<32x256xf32> to vector<1x32x256xf32>
    tpu.vector_store %arg3[%swap3A_2480, %swap3A_2481, %swap3A_2482], %swap3A_2485 {strides = array<i32>} : memref<1x32x65536xf32, #tpu.memory_space<vmem>>, vector<1x32x256xf32>,
    %get3A_2486 = arith.constant 0 : index
    %get3A_2487 = arith.constant 226 : index
    %get3A_2488 = vector.load %arg1[%get3A_2486, %get3A_2487] : memref<32x256xf32, #tpu.memory_space<vmem>>, vector<32x1xf32>
    %add3A_2489 = vector.broadcast %get3A_2488 : vector<32x1xf32> to vector<32x256xf32>
    %add3A_2490 = arith.addf %add3A_2489, %get3A_1 : vector<32x256xf32>
    %swap3A_2491 = arith.constant 0 : index
    %swap3A_2492 = arith.constant 0 : index
    %swap3A_2493 = arith.constant 57856 : index
    %swap3A_2494 = vector.load %arg3[%swap3A_2491, %swap3A_2492, %swap3A_2493] : memref<1x32x65536xf32, #tpu.memory_space<vmem>>, vector<1x32x256xf32>
    %swap3A_2495 = vector.shape_cast %swap3A_2494 : vector<1x32x256xf32> to vector<32x256xf32>
    %swap3A_2496 = vector.shape_cast %add3A_2490 : vector<32x256xf32> to vector<1x32x256xf32>
    tpu.vector_store %arg3[%swap3A_2491, %swap3A_2492, %swap3A_2493], %swap3A_2496 {strides = array<i32>} : memref<1x32x65536xf32, #tpu.memory_space<vmem>>, vector<1x32x256xf32>,
    %get3A_2497 = arith.constant 0 : index
    %get3A_2498 = arith.constant 227 : index
    %get3A_2499 = vector.load %arg1[%get3A_2497, %get3A_2498] : memref<32x256xf32, #tpu.memory_space<vmem>>, vector<32x1xf32>
    %add3A_2500 = vector.broadcast %get3A_2499 : vector<32x1xf32> to vector<32x256xf32>
    %add3A_2501 = arith.addf %add3A_2500, %get3A_1 : vector<32x256xf32>
    %swap3A_2502 = arith.constant 0 : index
    %swap3A_2503 = arith.constant 0 : index
    %swap3A_2504 = arith.constant 58112 : index
    %swap3A_2505 = vector.load %arg3[%swap3A_2502, %swap3A_2503, %swap3A_2504] : memref<1x32x65536xf32, #tpu.memory_space<vmem>>, vector<1x32x256xf32>
    %swap3A_2506 = vector.shape_cast %swap3A_2505 : vector<1x32x256xf32> to vector<32x256xf32>
    %swap3A_2507 = vector.shape_cast %add3A_2501 : vector<32x256xf32> to vector<1x32x256xf32>
    tpu.vector_store %arg3[%swap3A_2502, %swap3A_2503, %swap3A_2504], %swap3A_2507 {strides = array<i32>} : memref<1x32x65536xf32, #tpu.memory_space<vmem>>, vector<1x32x256xf32>,
    %get3A_2508 = arith.constant 0 : index
    %get3A_2509 = arith.constant 228 : index
    %get3A_2510 = vector.load %arg1[%get3A_2508, %get3A_2509] : memref<32x256xf32, #tpu.memory_space<vmem>>, vector<32x1xf32>
    %add3A_2511 = vector.broadcast %get3A_2510 : vector<32x1xf32> to vector<32x256xf32>
    %add3A_2512 = arith.addf %add3A_2511, %get3A_1 : vector<32x256xf32>
    %swap3A_2513 = arith.constant 0 : index
    %swap3A_2514 = arith.constant 0 : index
    %swap3A_2515 = arith.constant 58368 : index
    %swap3A_2516 = vector.load %arg3[%swap3A_2513, %swap3A_2514, %swap3A_2515] : memref<1x32x65536xf32, #tpu.memory_space<vmem>>, vector<1x32x256xf32>
    %swap3A_2517 = vector.shape_cast %swap3A_2516 : vector<1x32x256xf32> to vector<32x256xf32>
    %swap3A_2518 = vector.shape_cast %add3A_2512 : vector<32x256xf32> to vector<1x32x256xf32>
    tpu.vector_store %arg3[%swap3A_2513, %swap3A_2514, %swap3A_2515], %swap3A_2518 {strides = array<i32>} : memref<1x32x65536xf32, #tpu.memory_space<vmem>>, vector<1x32x256xf32>,
    %get3A_2519 = arith.constant 0 : index
    %get3A_2520 = arith.constant 229 : index
    %get3A_2521 = vector.load %arg1[%get3A_2519, %get3A_2520] : memref<32x256xf32, #tpu.memory_space<vmem>>, vector<32x1xf32>
    %add3A_2522 = vector.broadcast %get3A_2521 : vector<32x1xf32> to vector<32x256xf32>
    %add3A_2523 = arith.addf %add3A_2522, %get3A_1 : vector<32x256xf32>
    %swap3A_2524 = arith.constant 0 : index
    %swap3A_2525 = arith.constant 0 : index
    %swap3A_2526 = arith.constant 58624 : index
    %swap3A_2527 = vector.load %arg3[%swap3A_2524, %swap3A_2525, %swap3A_2526] : memref<1x32x65536xf32, #tpu.memory_space<vmem>>, vector<1x32x256xf32>
    %swap3A_2528 = vector.shape_cast %swap3A_2527 : vector<1x32x256xf32> to vector<32x256xf32>
    %swap3A_2529 = vector.shape_cast %add3A_2523 : vector<32x256xf32> to vector<1x32x256xf32>
    tpu.vector_store %arg3[%swap3A_2524, %swap3A_2525, %swap3A_2526], %swap3A_2529 {strides = array<i32>} : memref<1x32x65536xf32, #tpu.memory_space<vmem>>, vector<1x32x256xf32>,
    %get3A_2530 = arith.constant 0 : index
    %get3A_2531 = arith.constant 230 : index
    %get3A_2532 = vector.load %arg1[%get3A_2530, %get3A_2531] : memref<32x256xf32, #tpu.memory_space<vmem>>, vector<32x1xf32>
    %add3A_2533 = vector.broadcast %get3A_2532 : vector<32x1xf32> to vector<32x256xf32>
    %add3A_2534 = arith.addf %add3A_2533, %get3A_1 : vector<32x256xf32>
    %swap3A_2535 = arith.constant 0 : index
    %swap3A_2536 = arith.constant 0 : index
    %swap3A_2537 = arith.constant 58880 : index
    %swap3A_2538 = vector.load %arg3[%swap3A_2535, %swap3A_2536, %swap3A_2537] : memref<1x32x65536xf32, #tpu.memory_space<vmem>>, vector<1x32x256xf32>
    %swap3A_2539 = vector.shape_cast %swap3A_2538 : vector<1x32x256xf32> to vector<32x256xf32>
    %swap3A_2540 = vector.shape_cast %add3A_2534 : vector<32x256xf32> to vector<1x32x256xf32>
    tpu.vector_store %arg3[%swap3A_2535, %swap3A_2536, %swap3A_2537], %swap3A_2540 {strides = array<i32>} : memref<1x32x65536xf32, #tpu.memory_space<vmem>>, vector<1x32x256xf32>,
    %get3A_2541 = arith.constant 0 : index
    %get3A_2542 = arith.constant 231 : index
    %get3A_2543 = vector.load %arg1[%get3A_2541, %get3A_2542] : memref<32x256xf32, #tpu.memory_space<vmem>>, vector<32x1xf32>
    %add3A_2544 = vector.broadcast %get3A_2543 : vector<32x1xf32> to vector<32x256xf32>
    %add3A_2545 = arith.addf %add3A_2544, %get3A_1 : vector<32x256xf32>
    %swap3A_2546 = arith.constant 0 : index
    %swap3A_2547 = arith.constant 0 : index
    %swap3A_2548 = arith.constant 59136 : index
    %swap3A_2549 = vector.load %arg3[%swap3A_2546, %swap3A_2547, %swap3A_2548] : memref<1x32x65536xf32, #tpu.memory_space<vmem>>, vector<1x32x256xf32>
    %swap3A_2550 = vector.shape_cast %swap3A_2549 : vector<1x32x256xf32> to vector<32x256xf32>
    %swap3A_2551 = vector.shape_cast %add3A_2545 : vector<32x256xf32> to vector<1x32x256xf32>
    tpu.vector_store %arg3[%swap3A_2546, %swap3A_2547, %swap3A_2548], %swap3A_2551 {strides = array<i32>} : memref<1x32x65536xf32, #tpu.memory_space<vmem>>, vector<1x32x256xf32>,
    %get3A_2552 = arith.constant 0 : index
    %get3A_2553 = arith.constant 232 : index
    %get3A_2554 = vector.load %arg1[%get3A_2552, %get3A_2553] : memref<32x256xf32, #tpu.memory_space<vmem>>, vector<32x1xf32>
    %add3A_2555 = vector.broadcast %get3A_2554 : vector<32x1xf32> to vector<32x256xf32>
    %add3A_2556 = arith.addf %add3A_2555, %get3A_1 : vector<32x256xf32>
    %swap3A_2557 = arith.constant 0 : index
    %swap3A_2558 = arith.constant 0 : index
    %swap3A_2559 = arith.constant 59392 : index
    %swap3A_2560 = vector.load %arg3[%swap3A_2557, %swap3A_2558, %swap3A_2559] : memref<1x32x65536xf32, #tpu.memory_space<vmem>>, vector<1x32x256xf32>
    %swap3A_2561 = vector.shape_cast %swap3A_2560 : vector<1x32x256xf32> to vector<32x256xf32>
    %swap3A_2562 = vector.shape_cast %add3A_2556 : vector<32x256xf32> to vector<1x32x256xf32>
    tpu.vector_store %arg3[%swap3A_2557, %swap3A_2558, %swap3A_2559], %swap3A_2562 {strides = array<i32>} : memref<1x32x65536xf32, #tpu.memory_space<vmem>>, vector<1x32x256xf32>,
    %get3A_2563 = arith.constant 0 : index
    %get3A_2564 = arith.constant 233 : index
    %get3A_2565 = vector.load %arg1[%get3A_2563, %get3A_2564] : memref<32x256xf32, #tpu.memory_space<vmem>>, vector<32x1xf32>
    %add3A_2566 = vector.broadcast %get3A_2565 : vector<32x1xf32> to vector<32x256xf32>
    %add3A_2567 = arith.addf %add3A_2566, %get3A_1 : vector<32x256xf32>
    %swap3A_2568 = arith.constant 0 : index
    %swap3A_2569 = arith.constant 0 : index
    %swap3A_2570 = arith.constant 59648 : index
    %swap3A_2571 = vector.load %arg3[%swap3A_2568, %swap3A_2569, %swap3A_2570] : memref<1x32x65536xf32, #tpu.memory_space<vmem>>, vector<1x32x256xf32>
    %swap3A_2572 = vector.shape_cast %swap3A_2571 : vector<1x32x256xf32> to vector<32x256xf32>
    %swap3A_2573 = vector.shape_cast %add3A_2567 : vector<32x256xf32> to vector<1x32x256xf32>
    tpu.vector_store %arg3[%swap3A_2568, %swap3A_2569, %swap3A_2570], %swap3A_2573 {strides = array<i32>} : memref<1x32x65536xf32, #tpu.memory_space<vmem>>, vector<1x32x256xf32>,
    %get3A_2574 = arith.constant 0 : index
    %get3A_2575 = arith.constant 234 : index
    %get3A_2576 = vector.load %arg1[%get3A_2574, %get3A_2575] : memref<32x256xf32, #tpu.memory_space<vmem>>, vector<32x1xf32>
    %add3A_2577 = vector.broadcast %get3A_2576 : vector<32x1xf32> to vector<32x256xf32>
    %add3A_2578 = arith.addf %add3A_2577, %get3A_1 : vector<32x256xf32>
    %swap3A_2579 = arith.constant 0 : index
    %swap3A_2580 = arith.constant 0 : index
    %swap3A_2581 = arith.constant 59904 : index
    %swap3A_2582 = vector.load %arg3[%swap3A_2579, %swap3A_2580, %swap3A_2581] : memref<1x32x65536xf32, #tpu.memory_space<vmem>>, vector<1x32x256xf32>
    %swap3A_2583 = vector.shape_cast %swap3A_2582 : vector<1x32x256xf32> to vector<32x256xf32>
    %swap3A_2584 = vector.shape_cast %add3A_2578 : vector<32x256xf32> to vector<1x32x256xf32>
    tpu.vector_store %arg3[%swap3A_2579, %swap3A_2580, %swap3A_2581], %swap3A_2584 {strides = array<i32>} : memref<1x32x65536xf32, #tpu.memory_space<vmem>>, vector<1x32x256xf32>,
    %get3A_2585 = arith.constant 0 : index
    %get3A_2586 = arith.constant 235 : index
    %get3A_2587 = vector.load %arg1[%get3A_2585, %get3A_2586] : memref<32x256xf32, #tpu.memory_space<vmem>>, vector<32x1xf32>
    %add3A_2588 = vector.broadcast %get3A_2587 : vector<32x1xf32> to vector<32x256xf32>
    %add3A_2589 = arith.addf %add3A_2588, %get3A_1 : vector<32x256xf32>
    %swap3A_2590 = arith.constant 0 : index
    %swap3A_2591 = arith.constant 0 : index
    %swap3A_2592 = arith.constant 60160 : index
    %swap3A_2593 = vector.load %arg3[%swap3A_2590, %swap3A_2591, %swap3A_2592] : memref<1x32x65536xf32, #tpu.memory_space<vmem>>, vector<1x32x256xf32>
    %swap3A_2594 = vector.shape_cast %swap3A_2593 : vector<1x32x256xf32> to vector<32x256xf32>
    %swap3A_2595 = vector.shape_cast %add3A_2589 : vector<32x256xf32> to vector<1x32x256xf32>
    tpu.vector_store %arg3[%swap3A_2590, %swap3A_2591, %swap3A_2592], %swap3A_2595 {strides = array<i32>} : memref<1x32x65536xf32, #tpu.memory_space<vmem>>, vector<1x32x256xf32>,
    %get3A_2596 = arith.constant 0 : index
    %get3A_2597 = arith.constant 236 : index
    %get3A_2598 = vector.load %arg1[%get3A_2596, %get3A_2597] : memref<32x256xf32, #tpu.memory_space<vmem>>, vector<32x1xf32>
    %add3A_2599 = vector.broadcast %get3A_2598 : vector<32x1xf32> to vector<32x256xf32>
    %add3A_2600 = arith.addf %add3A_2599, %get3A_1 : vector<32x256xf32>
    %swap3A_2601 = arith.constant 0 : index
    %swap3A_2602 = arith.constant 0 : index
    %swap3A_2603 = arith.constant 60416 : index
    %swap3A_2604 = vector.load %arg3[%swap3A_2601, %swap3A_2602, %swap3A_2603] : memref<1x32x65536xf32, #tpu.memory_space<vmem>>, vector<1x32x256xf32>
    %swap3A_2605 = vector.shape_cast %swap3A_2604 : vector<1x32x256xf32> to vector<32x256xf32>
    %swap3A_2606 = vector.shape_cast %add3A_2600 : vector<32x256xf32> to vector<1x32x256xf32>
    tpu.vector_store %arg3[%swap3A_2601, %swap3A_2602, %swap3A_2603], %swap3A_2606 {strides = array<i32>} : memref<1x32x65536xf32, #tpu.memory_space<vmem>>, vector<1x32x256xf32>,
    %get3A_2607 = arith.constant 0 : index
    %get3A_2608 = arith.constant 237 : index
    %get3A_2609 = vector.load %arg1[%get3A_2607, %get3A_2608] : memref<32x256xf32, #tpu.memory_space<vmem>>, vector<32x1xf32>
    %add3A_2610 = vector.broadcast %get3A_2609 : vector<32x1xf32> to vector<32x256xf32>
    %add3A_2611 = arith.addf %add3A_2610, %get3A_1 : vector<32x256xf32>
    %swap3A_2612 = arith.constant 0 : index
    %swap3A_2613 = arith.constant 0 : index
    %swap3A_2614 = arith.constant 60672 : index
    %swap3A_2615 = vector.load %arg3[%swap3A_2612, %swap3A_2613, %swap3A_2614] : memref<1x32x65536xf32, #tpu.memory_space<vmem>>, vector<1x32x256xf32>
    %swap3A_2616 = vector.shape_cast %swap3A_2615 : vector<1x32x256xf32> to vector<32x256xf32>
    %swap3A_2617 = vector.shape_cast %add3A_2611 : vector<32x256xf32> to vector<1x32x256xf32>
    tpu.vector_store %arg3[%swap3A_2612, %swap3A_2613, %swap3A_2614], %swap3A_2617 {strides = array<i32>} : memref<1x32x65536xf32, #tpu.memory_space<vmem>>, vector<1x32x256xf32>,
    %get3A_2618 = arith.constant 0 : index
    %get3A_2619 = arith.constant 238 : index
    %get3A_2620 = vector.load %arg1[%get3A_2618, %get3A_2619] : memref<32x256xf32, #tpu.memory_space<vmem>>, vector<32x1xf32>
    %add3A_2621 = vector.broadcast %get3A_2620 : vector<32x1xf32> to vector<32x256xf32>
    %add3A_2622 = arith.addf %add3A_2621, %get3A_1 : vector<32x256xf32>
    %swap3A_2623 = arith.constant 0 : index
    %swap3A_2624 = arith.constant 0 : index
    %swap3A_2625 = arith.constant 60928 : index
    %swap3A_2626 = vector.load %arg3[%swap3A_2623, %swap3A_2624, %swap3A_2625] : memref<1x32x65536xf32, #tpu.memory_space<vmem>>, vector<1x32x256xf32>
    %swap3A_2627 = vector.shape_cast %swap3A_2626 : vector<1x32x256xf32> to vector<32x256xf32>
    %swap3A_2628 = vector.shape_cast %add3A_2622 : vector<32x256xf32> to vector<1x32x256xf32>
    tpu.vector_store %arg3[%swap3A_2623, %swap3A_2624, %swap3A_2625], %swap3A_2628 {strides = array<i32>} : memref<1x32x65536xf32, #tpu.memory_space<vmem>>, vector<1x32x256xf32>,
    %get3A_2629 = arith.constant 0 : index
    %get3A_2630 = arith.constant 239 : index
    %get3A_2631 = vector.load %arg1[%get3A_2629, %get3A_2630] : memref<32x256xf32, #tpu.memory_space<vmem>>, vector<32x1xf32>
    %add3A_2632 = vector.broadcast %get3A_2631 : vector<32x1xf32> to vector<32x256xf32>
    %add3A_2633 = arith.addf %add3A_2632, %get3A_1 : vector<32x256xf32>
    %swap3A_2634 = arith.constant 0 : index
    %swap3A_2635 = arith.constant 0 : index
    %swap3A_2636 = arith.constant 61184 : index
    %swap3A_2637 = vector.load %arg3[%swap3A_2634, %swap3A_2635, %swap3A_2636] : memref<1x32x65536xf32, #tpu.memory_space<vmem>>, vector<1x32x256xf32>
    %swap3A_2638 = vector.shape_cast %swap3A_2637 : vector<1x32x256xf32> to vector<32x256xf32>
    %swap3A_2639 = vector.shape_cast %add3A_2633 : vector<32x256xf32> to vector<1x32x256xf32>
    tpu.vector_store %arg3[%swap3A_2634, %swap3A_2635, %swap3A_2636], %swap3A_2639 {strides = array<i32>} : memref<1x32x65536xf32, #tpu.memory_space<vmem>>, vector<1x32x256xf32>,
    %get3A_2640 = arith.constant 0 : index
    %get3A_2641 = arith.constant 240 : index
    %get3A_2642 = vector.load %arg1[%get3A_2640, %get3A_2641] : memref<32x256xf32, #tpu.memory_space<vmem>>, vector<32x1xf32>
    %add3A_2643 = vector.broadcast %get3A_2642 : vector<32x1xf32> to vector<32x256xf32>
    %add3A_2644 = arith.addf %add3A_2643, %get3A_1 : vector<32x256xf32>
    %swap3A_2645 = arith.constant 0 : index
    %swap3A_2646 = arith.constant 0 : index
    %swap3A_2647 = arith.constant 61440 : index
    %swap3A_2648 = vector.load %arg3[%swap3A_2645, %swap3A_2646, %swap3A_2647] : memref<1x32x65536xf32, #tpu.memory_space<vmem>>, vector<1x32x256xf32>
    %swap3A_2649 = vector.shape_cast %swap3A_2648 : vector<1x32x256xf32> to vector<32x256xf32>
    %swap3A_2650 = vector.shape_cast %add3A_2644 : vector<32x256xf32> to vector<1x32x256xf32>
    tpu.vector_store %arg3[%swap3A_2645, %swap3A_2646, %swap3A_2647], %swap3A_2650 {strides = array<i32>} : memref<1x32x65536xf32, #tpu.memory_space<vmem>>, vector<1x32x256xf32>,
    %get3A_2651 = arith.constant 0 : index
    %get3A_2652 = arith.constant 241 : index
    %get3A_2653 = vector.load %arg1[%get3A_2651, %get3A_2652] : memref<32x256xf32, #tpu.memory_space<vmem>>, vector<32x1xf32>
    %add3A_2654 = vector.broadcast %get3A_2653 : vector<32x1xf32> to vector<32x256xf32>
    %add3A_2655 = arith.addf %add3A_2654, %get3A_1 : vector<32x256xf32>
    %swap3A_2656 = arith.constant 0 : index
    %swap3A_2657 = arith.constant 0 : index
    %swap3A_2658 = arith.constant 61696 : index
    %swap3A_2659 = vector.load %arg3[%swap3A_2656, %swap3A_2657, %swap3A_2658] : memref<1x32x65536xf32, #tpu.memory_space<vmem>>, vector<1x32x256xf32>
    %swap3A_2660 = vector.shape_cast %swap3A_2659 : vector<1x32x256xf32> to vector<32x256xf32>
    %swap3A_2661 = vector.shape_cast %add3A_2655 : vector<32x256xf32> to vector<1x32x256xf32>
    tpu.vector_store %arg3[%swap3A_2656, %swap3A_2657, %swap3A_2658], %swap3A_2661 {strides = array<i32>} : memref<1x32x65536xf32, #tpu.memory_space<vmem>>, vector<1x32x256xf32>,
    %get3A_2662 = arith.constant 0 : index
    %get3A_2663 = arith.constant 242 : index
    %get3A_2664 = vector.load %arg1[%get3A_2662, %get3A_2663] : memref<32x256xf32, #tpu.memory_space<vmem>>, vector<32x1xf32>
    %add3A_2665 = vector.broadcast %get3A_2664 : vector<32x1xf32> to vector<32x256xf32>
    %add3A_2666 = arith.addf %add3A_2665, %get3A_1 : vector<32x256xf32>
    %swap3A_2667 = arith.constant 0 : index
    %swap3A_2668 = arith.constant 0 : index
    %swap3A_2669 = arith.constant 61952 : index
    %swap3A_2670 = vector.load %arg3[%swap3A_2667, %swap3A_2668, %swap3A_2669] : memref<1x32x65536xf32, #tpu.memory_space<vmem>>, vector<1x32x256xf32>
    %swap3A_2671 = vector.shape_cast %swap3A_2670 : vector<1x32x256xf32> to vector<32x256xf32>
    %swap3A_2672 = vector.shape_cast %add3A_2666 : vector<32x256xf32> to vector<1x32x256xf32>
    tpu.vector_store %arg3[%swap3A_2667, %swap3A_2668, %swap3A_2669], %swap3A_2672 {strides = array<i32>} : memref<1x32x65536xf32, #tpu.memory_space<vmem>>, vector<1x32x256xf32>,
    %get3A_2673 = arith.constant 0 : index
    %get3A_2674 = arith.constant 243 : index
    %get3A_2675 = vector.load %arg1[%get3A_2673, %get3A_2674] : memref<32x256xf32, #tpu.memory_space<vmem>>, vector<32x1xf32>
    %add3A_2676 = vector.broadcast %get3A_2675 : vector<32x1xf32> to vector<32x256xf32>
    %add3A_2677 = arith.addf %add3A_2676, %get3A_1 : vector<32x256xf32>
    %swap3A_2678 = arith.constant 0 : index
    %swap3A_2679 = arith.constant 0 : index
    %swap3A_2680 = arith.constant 62208 : index
    %swap3A_2681 = vector.load %arg3[%swap3A_2678, %swap3A_2679, %swap3A_2680] : memref<1x32x65536xf32, #tpu.memory_space<vmem>>, vector<1x32x256xf32>
    %swap3A_2682 = vector.shape_cast %swap3A_2681 : vector<1x32x256xf32> to vector<32x256xf32>
    %swap3A_2683 = vector.shape_cast %add3A_2677 : vector<32x256xf32> to vector<1x32x256xf32>
    tpu.vector_store %arg3[%swap3A_2678, %swap3A_2679, %swap3A_2680], %swap3A_2683 {strides = array<i32>} : memref<1x32x65536xf32, #tpu.memory_space<vmem>>, vector<1x32x256xf32>,
    %get3A_2684 = arith.constant 0 : index
    %get3A_2685 = arith.constant 244 : index
    %get3A_2686 = vector.load %arg1[%get3A_2684, %get3A_2685] : memref<32x256xf32, #tpu.memory_space<vmem>>, vector<32x1xf32>
    %add3A_2687 = vector.broadcast %get3A_2686 : vector<32x1xf32> to vector<32x256xf32>
    %add3A_2688 = arith.addf %add3A_2687, %get3A_1 : vector<32x256xf32>
    %swap3A_2689 = arith.constant 0 : index
    %swap3A_2690 = arith.constant 0 : index
    %swap3A_2691 = arith.constant 62464 : index
    %swap3A_2692 = vector.load %arg3[%swap3A_2689, %swap3A_2690, %swap3A_2691] : memref<1x32x65536xf32, #tpu.memory_space<vmem>>, vector<1x32x256xf32>
    %swap3A_2693 = vector.shape_cast %swap3A_2692 : vector<1x32x256xf32> to vector<32x256xf32>
    %swap3A_2694 = vector.shape_cast %add3A_2688 : vector<32x256xf32> to vector<1x32x256xf32>
    tpu.vector_store %arg3[%swap3A_2689, %swap3A_2690, %swap3A_2691], %swap3A_2694 {strides = array<i32>} : memref<1x32x65536xf32, #tpu.memory_space<vmem>>, vector<1x32x256xf32>,
    %get3A_2695 = arith.constant 0 : index
    %get3A_2696 = arith.constant 245 : index
    %get3A_2697 = vector.load %arg1[%get3A_2695, %get3A_2696] : memref<32x256xf32, #tpu.memory_space<vmem>>, vector<32x1xf32>
    %add3A_2698 = vector.broadcast %get3A_2697 : vector<32x1xf32> to vector<32x256xf32>
    %add3A_2699 = arith.addf %add3A_2698, %get3A_1 : vector<32x256xf32>
    %swap3A_2700 = arith.constant 0 : index
    %swap3A_2701 = arith.constant 0 : index
    %swap3A_2702 = arith.constant 62720 : index
    %swap3A_2703 = vector.load %arg3[%swap3A_2700, %swap3A_2701, %swap3A_2702] : memref<1x32x65536xf32, #tpu.memory_space<vmem>>, vector<1x32x256xf32>
    %swap3A_2704 = vector.shape_cast %swap3A_2703 : vector<1x32x256xf32> to vector<32x256xf32>
    %swap3A_2705 = vector.shape_cast %add3A_2699 : vector<32x256xf32> to vector<1x32x256xf32>
    tpu.vector_store %arg3[%swap3A_2700, %swap3A_2701, %swap3A_2702], %swap3A_2705 {strides = array<i32>} : memref<1x32x65536xf32, #tpu.memory_space<vmem>>, vector<1x32x256xf32>,
    %get3A_2706 = arith.constant 0 : index
    %get3A_2707 = arith.constant 246 : index
    %get3A_2708 = vector.load %arg1[%get3A_2706, %get3A_2707] : memref<32x256xf32, #tpu.memory_space<vmem>>, vector<32x1xf32>
    %add3A_2709 = vector.broadcast %get3A_2708 : vector<32x1xf32> to vector<32x256xf32>
    %add3A_2710 = arith.addf %add3A_2709, %get3A_1 : vector<32x256xf32>
    %swap3A_2711 = arith.constant 0 : index
    %swap3A_2712 = arith.constant 0 : index
    %swap3A_2713 = arith.constant 62976 : index
    %swap3A_2714 = vector.load %arg3[%swap3A_2711, %swap3A_2712, %swap3A_2713] : memref<1x32x65536xf32, #tpu.memory_space<vmem>>, vector<1x32x256xf32>
    %swap3A_2715 = vector.shape_cast %swap3A_2714 : vector<1x32x256xf32> to vector<32x256xf32>
    %swap3A_2716 = vector.shape_cast %add3A_2710 : vector<32x256xf32> to vector<1x32x256xf32>
    tpu.vector_store %arg3[%swap3A_2711, %swap3A_2712, %swap3A_2713], %swap3A_2716 {strides = array<i32>} : memref<1x32x65536xf32, #tpu.memory_space<vmem>>, vector<1x32x256xf32>,
    %get3A_2717 = arith.constant 0 : index
    %get3A_2718 = arith.constant 247 : index
    %get3A_2719 = vector.load %arg1[%get3A_2717, %get3A_2718] : memref<32x256xf32, #tpu.memory_space<vmem>>, vector<32x1xf32>
    %add3A_2720 = vector.broadcast %get3A_2719 : vector<32x1xf32> to vector<32x256xf32>
    %add3A_2721 = arith.addf %add3A_2720, %get3A_1 : vector<32x256xf32>
    %swap3A_2722 = arith.constant 0 : index
    %swap3A_2723 = arith.constant 0 : index
    %swap3A_2724 = arith.constant 63232 : index
    %swap3A_2725 = vector.load %arg3[%swap3A_2722, %swap3A_2723, %swap3A_2724] : memref<1x32x65536xf32, #tpu.memory_space<vmem>>, vector<1x32x256xf32>
    %swap3A_2726 = vector.shape_cast %swap3A_2725 : vector<1x32x256xf32> to vector<32x256xf32>
    %swap3A_2727 = vector.shape_cast %add3A_2721 : vector<32x256xf32> to vector<1x32x256xf32>
    tpu.vector_store %arg3[%swap3A_2722, %swap3A_2723, %swap3A_2724], %swap3A_2727 {strides = array<i32>} : memref<1x32x65536xf32, #tpu.memory_space<vmem>>, vector<1x32x256xf32>,
    %get3A_2728 = arith.constant 0 : index
    %get3A_2729 = arith.constant 248 : index
    %get3A_2730 = vector.load %arg1[%get3A_2728, %get3A_2729] : memref<32x256xf32, #tpu.memory_space<vmem>>, vector<32x1xf32>
    %add3A_2731 = vector.broadcast %get3A_2730 : vector<32x1xf32> to vector<32x256xf32>
    %add3A_2732 = arith.addf %add3A_2731, %get3A_1 : vector<32x256xf32>
    %swap3A_2733 = arith.constant 0 : index
    %swap3A_2734 = arith.constant 0 : index
    %swap3A_2735 = arith.constant 63488 : index
    %swap3A_2736 = vector.load %arg3[%swap3A_2733, %swap3A_2734, %swap3A_2735] : memref<1x32x65536xf32, #tpu.memory_space<vmem>>, vector<1x32x256xf32>
    %swap3A_2737 = vector.shape_cast %swap3A_2736 : vector<1x32x256xf32> to vector<32x256xf32>
    %swap3A_2738 = vector.shape_cast %add3A_2732 : vector<32x256xf32> to vector<1x32x256xf32>
    tpu.vector_store %arg3[%swap3A_2733, %swap3A_2734, %swap3A_2735], %swap3A_2738 {strides = array<i32>} : memref<1x32x65536xf32, #tpu.memory_space<vmem>>, vector<1x32x256xf32>,
    %get3A_2739 = arith.constant 0 : index
    %get3A_2740 = arith.constant 249 : index
    %get3A_2741 = vector.load %arg1[%get3A_2739, %get3A_2740] : memref<32x256xf32, #tpu.memory_space<vmem>>, vector<32x1xf32>
    %add3A_2742 = vector.broadcast %get3A_2741 : vector<32x1xf32> to vector<32x256xf32>
    %add3A_2743 = arith.addf %add3A_2742, %get3A_1 : vector<32x256xf32>
    %swap3A_2744 = arith.constant 0 : index
    %swap3A_2745 = arith.constant 0 : index
    %swap3A_2746 = arith.constant 63744 : index
    %swap3A_2747 = vector.load %arg3[%swap3A_2744, %swap3A_2745, %swap3A_2746] : memref<1x32x65536xf32, #tpu.memory_space<vmem>>, vector<1x32x256xf32>
    %swap3A_2748 = vector.shape_cast %swap3A_2747 : vector<1x32x256xf32> to vector<32x256xf32>
    %swap3A_2749 = vector.shape_cast %add3A_2743 : vector<32x256xf32> to vector<1x32x256xf32>
    tpu.vector_store %arg3[%swap3A_2744, %swap3A_2745, %swap3A_2746], %swap3A_2749 {strides = array<i32>} : memref<1x32x65536xf32, #tpu.memory_space<vmem>>, vector<1x32x256xf32>,
    %get3A_2750 = arith.constant 0 : index
    %get3A_2751 = arith.constant 250 : index
    %get3A_2752 = vector.load %arg1[%get3A_2750, %get3A_2751] : memref<32x256xf32, #tpu.memory_space<vmem>>, vector<32x1xf32>
    %add3A_2753 = vector.broadcast %get3A_2752 : vector<32x1xf32> to vector<32x256xf32>
    %add3A_2754 = arith.addf %add3A_2753, %get3A_1 : vector<32x256xf32>
    %swap3A_2755 = arith.constant 0 : index
    %swap3A_2756 = arith.constant 0 : index
    %swap3A_2757 = arith.constant 64000 : index
    %swap3A_2758 = vector.load %arg3[%swap3A_2755, %swap3A_2756, %swap3A_2757] : memref<1x32x65536xf32, #tpu.memory_space<vmem>>, vector<1x32x256xf32>
    %swap3A_2759 = vector.shape_cast %swap3A_2758 : vector<1x32x256xf32> to vector<32x256xf32>
    %swap3A_2760 = vector.shape_cast %add3A_2754 : vector<32x256xf32> to vector<1x32x256xf32>
    tpu.vector_store %arg3[%swap3A_2755, %swap3A_2756, %swap3A_2757], %swap3A_2760 {strides = array<i32>} : memref<1x32x65536xf32, #tpu.memory_space<vmem>>, vector<1x32x256xf32>,
    %get3A_2761 = arith.constant 0 : index
    %get3A_2762 = arith.constant 251 : index
    %get3A_2763 = vector.load %arg1[%get3A_2761, %get3A_2762] : memref<32x256xf32, #tpu.memory_space<vmem>>, vector<32x1xf32>
    %add3A_2764 = vector.broadcast %get3A_2763 : vector<32x1xf32> to vector<32x256xf32>
    %add3A_2765 = arith.addf %add3A_2764, %get3A_1 : vector<32x256xf32>
    %swap3A_2766 = arith.constant 0 : index
    %swap3A_2767 = arith.constant 0 : index
    %swap3A_2768 = arith.constant 64256 : index
    %swap3A_2769 = vector.load %arg3[%swap3A_2766, %swap3A_2767, %swap3A_2768] : memref<1x32x65536xf32, #tpu.memory_space<vmem>>, vector<1x32x256xf32>
    %swap3A_2770 = vector.shape_cast %swap3A_2769 : vector<1x32x256xf32> to vector<32x256xf32>
    %swap3A_2771 = vector.shape_cast %add3A_2765 : vector<32x256xf32> to vector<1x32x256xf32>
    tpu.vector_store %arg3[%swap3A_2766, %swap3A_2767, %swap3A_2768], %swap3A_2771 {strides = array<i32>} : memref<1x32x65536xf32, #tpu.memory_space<vmem>>, vector<1x32x256xf32>,
    %get3A_2772 = arith.constant 0 : index
    %get3A_2773 = arith.constant 252 : index
    %get3A_2774 = vector.load %arg1[%get3A_2772, %get3A_2773] : memref<32x256xf32, #tpu.memory_space<vmem>>, vector<32x1xf32>
    %add3A_2775 = vector.broadcast %get3A_2774 : vector<32x1xf32> to vector<32x256xf32>
    %add3A_2776 = arith.addf %add3A_2775, %get3A_1 : vector<32x256xf32>
    %swap3A_2777 = arith.constant 0 : index
    %swap3A_2778 = arith.constant 0 : index
    %swap3A_2779 = arith.constant 64512 : index
    %swap3A_2780 = vector.load %arg3[%swap3A_2777, %swap3A_2778, %swap3A_2779] : memref<1x32x65536xf32, #tpu.memory_space<vmem>>, vector<1x32x256xf32>
    %swap3A_2781 = vector.shape_cast %swap3A_2780 : vector<1x32x256xf32> to vector<32x256xf32>
    %swap3A_2782 = vector.shape_cast %add3A_2776 : vector<32x256xf32> to vector<1x32x256xf32>
    tpu.vector_store %arg3[%swap3A_2777, %swap3A_2778, %swap3A_2779], %swap3A_2782 {strides = array<i32>} : memref<1x32x65536xf32, #tpu.memory_space<vmem>>, vector<1x32x256xf32>,
    %get3A_2783 = arith.constant 0 : index
    %get3A_2784 = arith.constant 253 : index
    %get3A_2785 = vector.load %arg1[%get3A_2783, %get3A_2784] : memref<32x256xf32, #tpu.memory_space<vmem>>, vector<32x1xf32>
    %add3A_2786 = vector.broadcast %get3A_2785 : vector<32x1xf32> to vector<32x256xf32>
    %add3A_2787 = arith.addf %add3A_2786, %get3A_1 : vector<32x256xf32>
    %swap3A_2788 = arith.constant 0 : index
    %swap3A_2789 = arith.constant 0 : index
    %swap3A_2790 = arith.constant 64768 : index
    %swap3A_2791 = vector.load %arg3[%swap3A_2788, %swap3A_2789, %swap3A_2790] : memref<1x32x65536xf32, #tpu.memory_space<vmem>>, vector<1x32x256xf32>
    %swap3A_2792 = vector.shape_cast %swap3A_2791 : vector<1x32x256xf32> to vector<32x256xf32>
    %swap3A_2793 = vector.shape_cast %add3A_2787 : vector<32x256xf32> to vector<1x32x256xf32>
    tpu.vector_store %arg3[%swap3A_2788, %swap3A_2789, %swap3A_2790], %swap3A_2793 {strides = array<i32>} : memref<1x32x65536xf32, #tpu.memory_space<vmem>>, vector<1x32x256xf32>,
    %get3A_2794 = arith.constant 0 : index
    %get3A_2795 = arith.constant 254 : index
    %get3A_2796 = vector.load %arg1[%get3A_2794, %get3A_2795] : memref<32x256xf32, #tpu.memory_space<vmem>>, vector<32x1xf32>
    %add3A_2797 = vector.broadcast %get3A_2796 : vector<32x1xf32> to vector<32x256xf32>
    %add3A_2798 = arith.addf %add3A_2797, %get3A_1 : vector<32x256xf32>
    %swap3A_2799 = arith.constant 0 : index
    %swap3A_2800 = arith.constant 0 : index
    %swap3A_2801 = arith.constant 65024 : index
    %swap3A_2802 = vector.load %arg3[%swap3A_2799, %swap3A_2800, %swap3A_2801] : memref<1x32x65536xf32, #tpu.memory_space<vmem>>, vector<1x32x256xf32>
    %swap3A_2803 = vector.shape_cast %swap3A_2802 : vector<1x32x256xf32> to vector<32x256xf32>
    %swap3A_2804 = vector.shape_cast %add3A_2798 : vector<32x256xf32> to vector<1x32x256xf32>
    tpu.vector_store %arg3[%swap3A_2799, %swap3A_2800, %swap3A_2801], %swap3A_2804 {strides = array<i32>} : memref<1x32x65536xf32, #tpu.memory_space<vmem>>, vector<1x32x256xf32>,
    %get3A_2805 = arith.constant 0 : index
    %get3A_2806 = arith.constant 255 : index
    %get3A_2807 = vector.load %arg1[%get3A_2805, %get3A_2806] : memref<32x256xf32, #tpu.memory_space<vmem>>, vector<32x1xf32>
    %add3A_2808 = vector.broadcast %get3A_2807 : vector<32x1xf32> to vector<32x256xf32>
    %add3A_2809 = arith.addf %add3A_2808, %get3A_1 : vector<32x256xf32>
    %swap3A_2810 = arith.constant 0 : index
    %swap3A_2811 = arith.constant 0 : index
    %swap3A_2812 = arith.constant 65280 : index
    %swap3A_2813 = vector.load %arg3[%swap3A_2810, %swap3A_2811, %swap3A_2812] : memref<1x32x65536xf32, #tpu.memory_space<vmem>>, vector<1x32x256xf32>
    %swap3A_2814 = vector.shape_cast %swap3A_2813 : vector<1x32x256xf32> to vector<32x256xf32>
    %swap3A_2815 = vector.shape_cast %add3A_2809 : vector<32x256xf32> to vector<1x32x256xf32>
    tpu.vector_store %arg3[%swap3A_2810, %swap3A_2811, %swap3A_2812], %swap3A_2815 {strides = array<i32>} : memref<1x32x65536xf32, #tpu.memory_space<vmem>>, vector<1x32x256xf32>,
    return
  }
  func.func @transform_0(%arg0: i32) -> (i32, i32) {
    %c0_i32 = arith.constant 0 : i32
    %c0_i32_0 = arith.constant 0 : i32
    return %arg0, %c0_i32 : i32, i32
  }
  func.func @transform_1(%arg0: i32) -> (i32, i32) {
    %c0_i32 = arith.constant 0 : i32
    %c0_i32_0 = arith.constant 0 : i32
    return %arg0, %c0_i32 : i32, i32
  }
  func.func @transform_2(%arg0: i32) -> (i32, i32, i32) {
    %mul3A = arith.constant 32 : i32
    %mul3A_0 = arith.muli %arg0, %mul3A : i32
    %jit3A = arith.constant 64 : i32
    %div3A = arith.divsi %mul3A_0, %jit3A : i32
    %sign3A = arith.constant 0 : i32
    %sign3A_1 = arith.cmpi sgt, %mul3A_0, %sign3A : i32
    %sign3A_2 = arith.extui %sign3A_1 : i1 to i32
    %sign3A_3 = arith.constant 0 : i32
    %sign3A_4 = arith.cmpi slt, %mul3A_0, %sign3A_3 : i32
    %sign3A_5 = arith.extui %sign3A_4 : i1 to i32
    %sign3A_6 = arith.subi %sign3A_2, %sign3A_5 : i32
    %sign3A_7 = arith.constant 0 : i32
    %sign3A_8 = arith.cmpi sgt, %jit3A, %sign3A_7 : i32
    %sign3A_9 = arith.extui %sign3A_8 : i1 to i32
    %sign3A_10 = arith.constant 0 : i32
    %sign3A_11 = arith.cmpi slt, %jit3A, %sign3A_10 : i32
    %sign3A_12 = arith.extui %sign3A_11 : i1 to i32
    %sign3A_13 = arith.subi %sign3A_9, %sign3A_12 : i32
    %ne3A = arith.cmpi ne, %sign3A_6, %sign3A_13 : i32
    %rem3A = arith.remsi %mul3A_0, %jit3A : i32
    %ne3A_14 = arith.constant 0 : i32
    %ne3A_15 = arith.cmpi ne, %rem3A, %ne3A_14 : i32
    %and3A = arith.andi %ne3A, %ne3A_15 : i1
    %sub3A = arith.constant 1 : i32
    %sub3A_16 = arith.subi %div3A, %sub3A : i32
    %select_n3A = arith.select %and3A, %sub3A_16, %div3A : i32
    %jit3A_17 = arith.constant 2 : i32
    %eq3A = arith.constant 0 : i32
    %eq3A_18 = arith.cmpi eq, %jit3A_17, %eq3A : i32
    %jit3A_19 = arith.constant 1 : i32
    %select_n3A_20 = arith.select %eq3A_18, %jit3A_19, %jit3A_17 : i32
    %rem3A_21 = arith.remsi %arg0, %select_n3A_20 : i32
    %ne3A_22 = arith.constant 0 : i32
    %ne3A_23 = arith.cmpi ne, %rem3A_21, %ne3A_22 : i32
    %lt3A = arith.constant 0 : i32
    %lt3A_24 = arith.cmpi slt, %rem3A_21, %lt3A : i32
    %lt3A_25 = arith.constant 0 : i32
    %lt3A_26 = arith.cmpi slt, %select_n3A_20, %lt3A_25 : i32
    %ne3A_27 = arith.xori %lt3A_24, %lt3A_26 : i1
    %and3A_28 = arith.andi %ne3A_27, %ne3A_23 : i1
    %add3A = arith.addi %rem3A_21, %select_n3A_20 : i32
    %select_n3A_29 = arith.select %and3A_28, %add3A, %rem3A_21 : i32
    %c0_i32 = arith.constant 0 : i32
    %c0_i32_30 = arith.constant 0 : i32
    return %select_n3A, %select_n3A_29, %c0_i32 : i32, i32, i32
  }
}

</mosaic_0001>

<sc_bundles>
// kernel: kernel.5.cloned.1.call-start
scs
__scs_entry_jumppad:
0x0: {  	(pc) =	sbr.rel $0x88, $3  }
0x1: {  	(tag) =	ssettag $0x0;
	lr =	simm.s32 $0x1  }
0x2: {  	[smem:$0x3F97] =	sst lr;
	_ =	strace $0xD0000000  }
0x3: {  	_ = 	snop  }
0x4: {  	_ = 	snop  }
0x5: {  	_ = 	snop  }
0x6: {  	_ = 	snop  }
0x7: {  	_ = 	snop  }
__scs_overlays_trampoline_lowered:
0x8: {  	[smem:$0x3FA6] =	sst s0  }
0x9: {  	[smem:$0x3FA7] =	sst s1  }
0xa: {  	[smem:$0x3FA8] =	sst s2  }
0xb: {  	[smem:$0x3FA9] =	sst s3  }
0xc: {  	[smem:$0x3FAA] =	sst s4  }
0xd: {  	[smem:$0x3FAB] =	sst s5  }
0xe: {  	[smem:$0x3FAC] =	sst s6  }
0xf: {  	[smem:$0x3FAD] =	sst s7  }
0x10: {  	[smem:$0x3FAE] =	sst s8  }
0x11: {  	[smem:$0x3FAF] =	sst s9;
	s0 =	simm.s32 @!p0 $0x0  }
0x12: {  	s1 =	sld [smem:$0x3F95];
	s0 =	simm.s32 @p0 $0x1  }
0x13: {  	[smem:$0x3FB0] =	sst s0;
	s0 =	simm.s32 @!p1 $0x0  }
0x14: {  	s2 =	sld [smem:$0x3F94];
	s0 =	simm.s32 @p1 $0x1  }
0x15: {  	[smem:$0x3FB1] =	sst s0;
	s0 =	simm.s32 @!p2 $0x0  }
0x16: {  	s3 =	sld [smem:$0x3FDB];
	s0 =	simm.s32 @p2 $0x1  }
0x17: {  	s4 =	simm.s32 $0x1BF5;
	[smem:$0x3FB3] =	sst s0  }
0x18: {  	s0 =	sld [smem:$0x3F96];
	_ =	swait.ge [sflag:s4], $0x0  }
0x19: {  	s7 =	sld [smem:$0x3F97]  }
0x1a: {  	s8 =	sadd.s32 $0xFFFFE003, lr  }
0x1b: {  	s9 =	sadd.s32 $0xFFFFFEF7, lr;
	s5 =	simm.s32 $0xFFFFFFFF;
	p2 =	slt.u32 s8, $0xFFFFF086  }
0x1c: {  	p1 =	slt.u32 s9, $0xF7A;
	s5 =	simm.s32 @!p2 $0x0  }
0x1d: {  	s5 =	simm.s32 @p1 $0x1;
	p0 =	seq.s32 s7, s2  }
0x1e: {  	s7 =	smul.u32 @!p0 $0xF7A, s2;
	p2 =	seq.s32 @!p0 s5, $0x0  }
0x1f: {  	s9 =	smul.u32 $0xF7A, s1;
	s8 =	simm.s32 @!p0 $0x1BF5;
	p2 =	por !p2, p0  }
0x20: {  	[sflag:s8] =	ssyncset.s32 @!p0 $0xFFFFF086;
	s6 =	sadd.s32 @!p0 s3, s7;
	s7 =	simm.s32 @!p0 $0x108  }
0x21: {  	s3 =	sadd.s32 s3, s9;
	s6 =	sadd.s32 @!p0 $0x88, s6;
	s7 =	simm.s32 @p2 $0x1082  }
0x22: {  	[simem:s7], [sflag:s8] =	dma.local @!p0 [hbm:s6], $0xF7A  }
0x23: {  	s9 =	sor.u32 $0xD0000000, s2;
	s6 =	simm.s32 $0x108;
	_ =	swait.ge @!p0 [sflag:s8], $0x0  }
0x24: {  	s3 =	sadd.s32 $0x88, s3;
	s6 =	simm.s32 @!p1 $0x1082;
	[sflag:s4] =	ssyncset.s32 $0xFFFFF086  }
0x25: {  	[simem:s6], [sflag:s4] =	dma.local [hbm:s3], $0xF7A  }
0x26: {  	[smem:$0x3F97] =	sst s1;
	(tag) =	ssettag s2;
	_ =	strace s9  }
0x27: {  	s1 =	sld [smem:$0x3FA7]  }
0x28: {  	s2 =	sld [smem:$0x3FA8]  }
0x29: {  	s4 =	sld [smem:$0x3FAA]  }
0x2a: {  	p0 =	seq.s32 s5, $0x0;
	s5 =	sld [smem:$0x3FAB]  }
0x2b: {  	s6 =	sld [smem:$0x3FAC]  }
0x2c: {  	s7 =	sld [smem:$0x3FAD]  }
0x2d: {  	s3 =	simm.s32 $0x108;
	s8 =	sld [smem:$0x3FAE]  }
0x2e: {  	s3 =	simm.s32 @!p0 $0x1082;
	s9 =	sld [smem:$0x3FAF]  }
0x2f: {  	lr =	sadd.s32 s0, s3;
	s0 =	sld [smem:$0x3FA6]  }
0x30: {  	s3 =	sld [smem:$0x3FA9]  }
0x31: {  	[smem:$0x3FB2] =	sst s10  }
0x32: {  	s10 =	sld [smem:$0x3FB0];
	_ =	sdelay $0x3  }
0x33: {  	p0 =	seq.s32 s10, $0x1;
	s10 =	sld [smem:$0x3FB2];
	_ =	sdelay $0x3  }
0x34: {  	[smem:$0x3FB2] =	sst s10  }
0x35: {  	s10 =	sld [smem:$0x3FB1];
	_ =	sdelay $0x3  }
0x36: {  	p1 =	seq.s32 s10, $0x1;
	s10 =	sld [smem:$0x3FB2];
	_ =	sdelay $0x3  }
0x37: {  	[smem:$0x3FB2] =	sst s10  }
0x38: {  	s10 =	sld [smem:$0x3FB3]  }
0x39: {  	_ = 	snop;
	(pc) =	sbr.ind lr, $3  }
0x3a: {  	_ = 	snop  }
0x3b: {  	_ = 	snop  }
0x3c: {  	p2 =	seq.s32 s10, $0x1;
	s10 =	sld [smem:$0x3FB2]  }
0x3d: {  	_ =	shalt  }
0x3e: {  	_ =	shalt  }
0x3f: {  	_ =	shalt  }
0x40: {  	_ =	shalt  }
0x41: {  	_ =	shalt  }
0x42: {  	_ =	shalt  }
0x43: {  	_ =	shalt  }
0x44: {  	_ =	shalt  }
0x45: {  	_ =	shalt  }
0x46: {  	_ =	shalt  }
0x47: {  	_ =	shalt  }
0x48: {  	_ =	shalt  }
0x49: {  	_ =	shalt  }
0x4a: {  	_ =	shalt  }
0x4b: {  	_ =	shalt  }
0x4c: {  	_ =	shalt  }
0x4d: {  	_ =	shalt  }
0x4e: {  	_ =	shalt  }
0x4f: {  	_ =	shalt  }
0x50: {  	_ =	shalt  }
0x51: {  	_ =	shalt  }
0x52: {  	_ =	shalt  }
0x53: {  	_ =	shalt  }
0x54: {  	_ =	shalt  }
0x55: {  	_ =	shalt  }
0x56: {  	_ =	shalt  }
0x57: {  	_ =	shalt  }
0x58: {  	_ =	shalt  }
0x59: {  	_ =	shalt  }
0x5a: {  	_ =	shalt  }
0x5b: {  	_ =	shalt  }
0x5c: {  	_ =	shalt  }
0x5d: {  	_ =	shalt  }
0x5e: {  	_ =	shalt  }
0x5f: {  	_ =	shalt  }
0x60: {  	_ =	shalt  }
0x61: {  	_ =	shalt  }
0x62: {  	_ =	shalt  }
0x63: {  	_ =	shalt  }
0x64: {  	_ =	shalt  }
0x65: {  	_ =	shalt  }
0x66: {  	_ =	shalt  }
0x67: {  	_ =	shalt  }
0x68: {  	_ =	shalt  }
0x69: {  	_ =	shalt  }
0x6a: {  	_ =	shalt  }
0x6b: {  	_ =	shalt  }
0x6c: {  	_ =	shalt  }
0x6d: {  	_ =	shalt  }
0x6e: {  	_ =	shalt  }
0x6f: {  	_ =	shalt  }
0x70: {  	_ =	shalt  }
0x71: {  	_ =	shalt  }
0x72: {  	_ =	shalt  }
0x73: {  	_ =	shalt  }
0x74: {  	_ =	shalt  }
0x75: {  	_ =	shalt  }
0x76: {  	_ =	shalt  }
0x77: {  	_ =	shalt  }
0x78: {  	_ =	shalt  }
0x79: {  	_ =	shalt  }
0x7a: {  	_ =	shalt  }
0x7b: {  	_ =	shalt  }
0x7c: {  	_ =	shalt  }
0x7d: {  	_ =	shalt  }
0x7e: {  	_ =	shalt  }
0x7f: {  	_ =	shalt  }
0x80: {  	_ =	shalt  }
0x81: {  	_ =	shalt  }
0x82: {  	_ =	shalt  }
0x83: {  	_ =	shalt  }
0x84: {  	_ =	shalt  }
0x85: {  	_ =	shalt  }
0x86: {  	_ =	shalt  }
0x87: {  	_ =	shalt  }
.Lfunc_end0:
.L_simem_size_0:
called_computation_lowered:
.L_overlay_start_0:
0x88: {  	s2 =	sld [smem:$0x3FD9]  }
0x89: {  	s3 =	sld [smem:$0x3FFE];
	_ =	sdelay $0x1  }
0x8a: {  	s1 =	srdreg.scid  }
0x8b: {  	s0 =	sand.u32 $0x1, s1  }
0x8c: {  	s14 =	sshll.u32 s0, $0xA;
	s2 =	sadd.s32 s3, s2  }
0x8d: {  	s2 =	sadd.s32 s2, s14  }
0x8e: {  	[smem:$0x3FBE] =	sst s2  }
0x8f: {  	_ = 	snop  }
0x90: {  	s2 =	sld [smem:$0x3FD0];
	_ =	sdelay $0x2  }
0x91: {  	s4 =	simm.s32 $0xA;
	s5 =	simm.s32 $0x10;
	s15 =	sld [smem:$0x3FC6]  }
0x92: {  	[smem:s5], [sflag:s4] =	dma.local [hbm:s2], $0x1  }
0x93: {  	_ =	swait.eq [sflag:s4], $0x1  }
0x94: {  	[sflag:s4] =	ssyncset.done $0x0  }
0x95: {  	s16 =	sld [smem:$0x10];
	[sflag:s4] =	ssyncadd.s32 $0xFFFFFFFF  }
0x96: {  	s17 =	sld [smem:$0x14];
	(tm) =	ssettm $0x1  }
0x97: {  	s18 =	sld [smem:$0x3FFB];
	_ =	sdelay $0x3  }
0x98: {  	_ =	strace s18  }
0x99: {  	s5 =	sld [smem:$0x3FFC];
	_ =	sdelay $0x3  }
0x9a: {  	_ =	strace s5  }
0x9b: {  	s5 =	sld [smem:$0x3FFD];
	_ =	sdelay $0x3  }
0x9c: {  	_ =	strace s5  }
0x9d: {  	_ =	strace $0x8FFFFFFF  }
0x9e: {  	s19 =	sld [smem:$0x3FDB];
	_ =	sdelay $0x1  }
0x9f: {  	s6 =	simm.s32 $_scs_section_size  }
0xa0: {  	s7 =	simm.s32 $_size__tile_overlayer_lowered;
	s8 =	simm.s32 $_tile_overlayer_lowered  }
0xa1: {  	s22 =	simm.s32 $0x1BFF;
	s21 =	sshll.u32 s8, $0x1;
	s5 =	sadd.s32 s6, s19  }
0xa2: {  	s9 =	simm.s32 $0x0;
	s20 =	sshll.u32 s7, $0x1;
	s7 =	sadd.s32 s21, s5  }
0xa3: {  	[timem:s9], [sflag:s22] =	dma.local [hbm:s7], s20  }
0xa4: {  	_ =	swait.ge [sflag:s22], s20  }
0xa5: {  	s6 =	ssub.s32 $0x0, s20;
	[sflag:s22] =	ssyncset.done $0x0  }
0xa6: {  	[sflag:s22] =	ssyncadd.s32 s6;
	_ =	sdelay $0x1  }
0xa7: {  	s23 =	simm.s32 $0x1B8B  }
0xa8: {  	_ =	swait.ge [sflag:s23], $0x1  }
0xa9: {  	[sflag:s23] =	ssyncset.done $0x0  }
0xaa: {  	s25 =	simm.s32 $0x1B8E;
	s24 =	sld [smem:$0x3FFE];
	[sflag:s23] =	ssyncadd.s32 $0xFFFFFFFF  }
0xab: {  	s26 =	simm.s32 $execute0_lowered;
	[smem:$0x3FD2] =	sst s25  }
0xac: {  	s7 =	sshll.u32 s26, $0x1;
	_ =	strace $0x80000046;
	[dreg:$0x1] =	wrdreg $0xFFFFFFFF  }
0xad: {  	s28 =	simm.s32 $_size_execute0_lowered;
	s5 =	sadd.s32 s5, s7;
	[dreg:$0x0] =	wrdreg $0x0  }
0xae: {  	s7 =	sshll.u32 s28, $0x1;
	[dreg:$0x2] =	wrdreg s5  }
0xaf: {  	[dreg:$0x3] =	wrdreg s7  }
0xb0: {  	[dreg:$0x4] =	wrdreg $0xC0  }
0xb1: {  	_ =	task [dreg:s9], $0x5FFFF  }
0xb2: {  	[dreg:$0x1] =	wrdreg $0xFFFFFFFF  }
0xb3: {  	[dreg:$0x0] =	wrdreg $0x60  }
0xb4: {  	[dreg:$0x2] =	wrdreg s15  }
0xb5: {  	[dreg:$0x3] =	wrdreg s24  }
0xb6: {  	[dreg:$0x4] =	wrdreg s16  }
0xb7: {  	[dreg:$0x5] =	wrdreg s17  }
0xb8: {  	[dreg:$0x6] =	wrdreg $0x9  }
0xb9: {  	_ =	task.clear_ibuf [dreg:s9], $0x7FFFF;
	_ =	strace $0x90000046  }
0xba: {  	s29 =	simm.s32 $0x9;
	_ =	strace $0x80000048  }
0xbb: {  	_ =	swait.ge [sflag:s29], $0x1  }
0xbc: {  	[sflag:s29] =	ssyncadd.s32 $0xFFFFFFFF  }
0xbd: {  	_ =	strace $0x90000048  }
0xbe: {  	_ =	sfence  }
0xbf: {  	s30 =	sld [smem:$0x0];
	_ =	sdelay $0x2  }
0xc0: {  	s31 =	sshll.u32 s1, $0xD;
	s1 =	sshrl.u32 s1, $0x2  }
0xc1: {  	s3 =	sand.u32 $0x4000, s31;
	s1 =	sadd.s32 s1, s30  }
0xc2: {  	s0 =	sor.u32 s3, s0;
	s1 =	sshll.u32 s1, $0x11  }
0xc3: {  	s0 =	sor.u32 s1, s0  }
0xc4: {  	s0 =	sadd.s32 $0x8F2B, s0  }
0xc5: {  	[sflag:s0] =	ssyncadd.remote.s32 $0x1  }
0xc6: {  	_ =	sfence.sel $0xFFFF  }
0xc7: {  	[dreg:$0x0] =	wrdreg $0xFFFFFFFF;
	(pc) =	sbr.abs _section_cstart, $3  }
0xc8: {  	[dreg:$0x1] =	wrdreg $0xFFFFFFFF  }
0xc9: {  	_ =	task.clear_ibuf [dreg:s9], $0x2FFFF;
	_ =	strace $0x9FFFFFFF  }
0xca: {  	(tm) =	ssettm $0x7FFFFFFF  }
0xcb: {  	_ =	shalt  }
tec
execute0_lowered:
.L_overlay_start_1:
0x0: {  	(tag) =	ssettag $0x1  }
0x1: {  	s1 =	rddreg [dreg:$0x0]  }
0x2: {  	s2 =	srdreg.scid;
	s4 =	rddreg [dreg:$0x1]  }
0x3: {  	s0 =	stileid.u32;
	s5 =	rddreg [dreg:$0x2]  }
0x4: {  	s7 =	rddreg [dreg:$0x3];
	s2 =	sand.u32 $0x1, s2;
	s3 =	sshll.u32 s0, $0x1  }
0x5: {  	s24 =	simm.s32 $0x880;
	s6 =	sor.u32 s2, s3;
	s3 =	simm.s32 $0x0  }
0x6: {  	s25 =	simm.s32 $0x1080;
	s26 =	simm.s32 $0x1880;
	[smem:$0x7FF] =	sst s3  }
0x7: {  	s11 =	simm.s32 $0x5880;
	_ =	strace $0x80000047;
	[dreg:$0x8] =	wrdreg s24  }
0x8: {  	s12 =	simm.s32 $0x6080;
	s13 =	simm.s32 $0x6880;
	[dreg:$0x9] =	wrdreg s25  }
0x9: {  	s21 =	sshrl.u32 s0, $0x1;
	s0 =	simm.s32 $0x2080;
	[dreg:$0xa] =	wrdreg s26  }
0xa: {  	s14 =	simm.s32 $0x7080;
	s15 =	simm.s32 $0x7880;
	[dreg:$0xb] =	wrdreg s0  }
0xb: {  	s16 =	simm.s32 $0x8080;
	s17 =	simm.s32 $0x8880;
	[dreg:$0x12] =	wrdreg s11  }
0xc: {  	s18 =	simm.s32 $0x9080;
	s20 =	simm.s32 $0x9880;
	[dreg:$0x13] =	wrdreg s12  }
0xd: {  	s28 =	simm.s32 $0x16080;
	s29 =	simm.s32 $0x16880;
	[dreg:$0x14] =	wrdreg s13  }
0xe: {  	s30 =	simm.s32 $0x17080;
	s31 =	simm.s32 $0x17880;
	[dreg:$0x15] =	wrdreg s14  }
0xf: {  	s9 =	smul.u32 $0x60000, s21;
	s2 =	ssub.s32 $0x2, s2;
	[dreg:$0x16] =	wrdreg s15  }
0x10: {  	s21 =	simm.s32 $0xA080;
	s8 =	sand.u32 $0x3, s6;
	[dreg:$0x17] =	wrdreg s16  }
0x11: {  	s10 =	sshll.u32 s6, $0x4;
	s6 =	smul.u32 $0x3000, s6;
	[dreg:$0x18] =	wrdreg s17  }
0x12: {  	s19 =	sshrl.u32 s2, $0x1;
	s8 =	smul.u32 $0x18000, s8;
	[dreg:$0x19] =	wrdreg s18  }
0x13: {  	s4 =	sadd.s32 s10, s4;
	s10 =	simm.s32 $0x5080;
	[dreg:$0x1a] =	wrdreg s20  }
0x14: {  	s2 =	ssub.s32 s2, s19;
	[dreg:$0x1b] =	wrdreg s21;
	s24 =	simm.s32 $0xB880  }
0x15: {  	s25 =	simm.s32 $0xC080;
	s26 =	simm.s32 $0xC880;
	s11 =	simm.s32 $0xE080  }
0x16: {  	s12 =	simm.s32 $0xE880;
	s13 =	simm.s32 $0xF080;
	s14 =	simm.s32 $0xF880  }
0x17: {  	s15 =	simm.s32 $0x10080;
	s16 =	simm.s32 $0x10880;
	[dreg:$0x11] =	wrdreg s10  }
0x18: {  	s17 =	simm.s32 $0x11080;
	s18 =	simm.s32 $0x11880;
	[dreg:$0x1e] =	wrdreg s24  }
0x19: {  	s19 =	simm.s32 $0x12080;
	s20 =	simm.s32 $0x12880;
	[dreg:$0x1f] =	wrdreg s25  }
0x1a: {  	s21 =	simm.s32 $0x13080;
	s4 =	sadd.s32 $0x9E00, s4;
	[smem:$0x7FD] =	sst s26  }
0x1b: {  	s23 =	sadd.s32 s7, s6;
	s6 =	simm.s32 $0x3080;
	[dreg:$0x5] =	wrdreg s4  }
0x1c: {  	s7 =	simm.s32 $0x3880;
	s10 =	simm.s32 $0xD880;
	[dreg:$0x7] =	wrdreg s23  }
0x1d: {  	s24 =	simm.s32 $0x14880;
	s25 =	simm.s32 $0x15080;
	[dreg:$0xd] =	wrdreg s6  }
0x1e: {  	s26 =	simm.s32 $0x15880;
	s8 =	sadd.s32 s9, s8;
	[dreg:$0xe] =	wrdreg s7  }
0x1f: {  	s9 =	simm.s32 $0x4880;
	s4 =	sadd.s32 $0x100, s1;
	s23 =	simm.s32 $0xB080  }
0x20: {  	s6 =	smax.u32 s2, $0x1;
	s8 =	sshrl.u32 s8, $0x3;
	[dreg:$0x10] =	wrdreg s9  }
0x21: {  	s7 =	simm.s32 $0x2;
	[dreg:$0x1d] =	wrdreg s23;
	s22 =	sadd.s32 s5, s8  }
0x22: {  	s2 =	simm.s32 $0x1;
	s5 =	simm.s32 $0x2880;
	[dreg:$0x6] =	wrdreg s22  }
0x23: {  	v2 =	vlaneseq.u32;
	s23 =	simm.s32 $0x14080;
	s8 =	simm.s32 $0x4080;
	[dreg:$0xc] =	wrdreg s5  }
0x24: {  	vm0 =	vmmov $0xffff;
	v1 =	vshrl.u32 v2, $0x3;
	[dreg:$0xf] =	wrdreg s8;
	s22 =	simm.s32 $0xA880;
	s5 =	sadd.s32 $0x200, s1  }
0x25: {  	v0 =	vand.u32 $0x7, v2;
	v2 =	vor.u32 $0x8, v2;
	v1 =	vmul.u32 $0x8, v1;
	s8 =	simm.s32 $0x80;
	[dreg:$0x1c] =	wrdreg s22;
	s22 =	simm.s32 $0x13880  }
.LBB2_1:
0x26: {  	s0 =	rddreg [dreg:$0x5]  }
0x27: {  	[tilespmem:s3], [sflag:$0x2] =	stream.linear.gather [hbm4b:s0+s3], $0x80, $0x38;
	[tilespmem:$0x18080] =	vst v63  }
0x28: {  	_ =	swait.ge [sflag:s7], $0x80  }
0x29: {  	[sflag:s7] =	ssyncset.done $0x0  }
0x2a: {  	[sflag:s7] =	ssyncadd.s32 $0xFFFFFF80  }
0x2b: {  	v3 =	vld [tilespmem:$0x0];
	_ =	sdelay $0x4  }
0x2c: {  	v4 =	vshrl.u32 v3, $0x3  }
0x2d: {  	v4 =	vmul.u32 $0x30, v4  }
0x2e: {  	v3 =	vand.u32 $0x7, v3  }
0x2f: {  	v3 =	vor.u32 v3, v4  }
0x30: {  	v4 =	vperm.xlane v3, v0;
	_ =	sdelay $0x1  }
0x31: {  	v4 =	vadd.s32 v1, v4;
	_ =	sdelay $0x3  }
0x32: {  	v3 =	vperm.xlane v3, v2  }
0x33: {  	[tilespmem:s8], [sflag:$0x1] =	stream.indirect_vreg.gather [hbm4b:s1+s3], $0x80, v4, vm0, $0xb8;
	[tilespmem:$0x18080] =	vst v63  }
0x34: {  	s0 =	rddreg [dreg:$0x8];
	v3 =	vadd.s32 v1, v3  }
0x35: {  	[tilespmem:s0], [sflag:$0x1] =	stream.indirect_vreg.gather [hbm4b:s4+s3], $0x80, v4, vm0, $0xb8;
	[tilespmem:$0x18080] =	vst v63  }
0x36: {  	s9 =	rddreg [dreg:$0x9]  }
0x37: {  	[tilespmem:s9], [sflag:$0x1] =	stream.indirect_vreg.gather [hbm4b:s5+s3], $0x80, v4, vm0, $0xb8;
	[tilespmem:$0x18080] =	vst v63  }
0x38: {  	s0 =	rddreg [dreg:$0xa]  }
0x39: {  	[tilespmem:s0], [sflag:$0x1] =	stream.indirect_vreg.gather [hbm4b:s1+s3], $0x80, v3, vm0, $0xb8;
	[tilespmem:$0x18080] =	vst v63  }
0x3a: {  	s9 =	rddreg [dreg:$0xb]  }
0x3b: {  	[tilespmem:s9], [sflag:$0x1] =	stream.indirect_vreg.gather [hbm4b:s4+s3], $0x80, v3, vm0, $0xb8;
	[tilespmem:$0x18080] =	vst v63  }
0x3c: {  	s0 =	rddreg [dreg:$0xc]  }
0x3d: {  	[tilespmem:s0], [sflag:$0x1] =	stream.indirect_vreg.gather [hbm4b:s5+s3], $0x80, v3, vm0, $0xb8;
	[tilespmem:$0x18080] =	vst v63  }
0x3e: {  	v3 =	vld [tilespmem:$0x10];
	_ =	sdelay $0x4  }
0x3f: {  	v57 =	vshrl.u32 v3, $0x3  }
0x40: {  	v4 =	vmul.u32 $0x30, v57  }
0x41: {  	v3 =	vand.u32 $0x7, v3  }
0x42: {  	v3 =	vor.u32 v3, v4  }
0x43: {  	v4 =	vperm.xlane v3, v0;
	_ =	sdelay $0x1  }
0x44: {  	v4 =	vadd.s32 v1, v4;
	_ =	sdelay $0x3  }
0x45: {  	s0 =	rddreg [dreg:$0xd];
	v3 =	vperm.xlane v3, v2  }
0x46: {  	[tilespmem:s0], [sflag:$0x1] =	stream.indirect_vreg.gather [hbm4b:s1+s3], $0x80, v4, vm0, $0xb8;
	[tilespmem:$0x18080] =	vst v63  }
0x47: {  	s9 =	rddreg [dreg:$0xe];
	v3 =	vadd.s32 v1, v3  }
0x48: {  	[tilespmem:s9], [sflag:$0x1] =	stream.indirect_vreg.gather [hbm4b:s4+s3], $0x80, v4, vm0, $0xb8;
	[tilespmem:$0x18080] =	vst v63  }
0x49: {  	s0 =	rddreg [dreg:$0xf]  }
0x4a: {  	[tilespmem:s0], [sflag:$0x1] =	stream.indirect_vreg.gather [hbm4b:s5+s3], $0x80, v4, vm0, $0xb8;
	[tilespmem:$0x18080] =	vst v63  }
0x4b: {  	s9 =	rddreg [dreg:$0x10]  }
0x4c: {  	[tilespmem:s9], [sflag:$0x1] =	stream.indirect_vreg.gather [hbm4b:s1+s3], $0x80, v3, vm0, $0xb8;
	[tilespmem:$0x18080] =	vst v63  }
0x4d: {  	s0 =	rddreg [dreg:$0x11]  }
0x4e: {  	[tilespmem:s0], [sflag:$0x1] =	stream.indirect_vreg.gather [hbm4b:s4+s3], $0x80, v3, vm0, $0xb8;
	[tilespmem:$0x18080] =	vst v63  }
0x4f: {  	s9 =	rddreg [dreg:$0x12]  }
0x50: {  	[tilespmem:s9], [sflag:$0x1] =	stream.indirect_vreg.gather [hbm4b:s5+s3], $0x80, v3, vm0, $0xb8;
	[tilespmem:$0x18080] =	vst v63  }
0x51: {  	v3 =	vld [tilespmem:$0x20];
	_ =	sdelay $0x4  }
0x52: {  	v58 =	vshrl.u32 v3, $0x3  }
0x53: {  	v4 =	vmul.u32 $0x30, v58  }
0x54: {  	v3 =	vand.u32 $0x7, v3  }
0x55: {  	v3 =	vor.u32 v3, v4  }
0x56: {  	v4 =	vperm.xlane v3, v0;
	_ =	sdelay $0x1  }
0x57: {  	v4 =	vadd.s32 v1, v4;
	_ =	sdelay $0x3  }
0x58: {  	s0 =	rddreg [dreg:$0x13];
	v3 =	vperm.xlane v3, v2  }
0x59: {  	[tilespmem:s0], [sflag:$0x1] =	stream.indirect_vreg.gather [hbm4b:s1+s3], $0x80, v4, vm0, $0xb8;
	[tilespmem:$0x18080] =	vst v63  }
0x5a: {  	s9 =	rddreg [dreg:$0x14];
	v3 =	vadd.s32 v1, v3  }
0x5b: {  	[tilespmem:s9], [sflag:$0x1] =	stream.indirect_vreg.gather [hbm4b:s4+s3], $0x80, v4, vm0, $0xb8;
	[tilespmem:$0x18080] =	vst v63  }
0x5c: {  	s0 =	rddreg [dreg:$0x15]  }
0x5d: {  	[tilespmem:s0], [sflag:$0x1] =	stream.indirect_vreg.gather [hbm4b:s5+s3], $0x80, v4, vm0, $0xb8;
	[tilespmem:$0x18080] =	vst v63  }
0x5e: {  	s9 =	rddreg [dreg:$0x16]  }
0x5f: {  	[tilespmem:s9], [sflag:$0x1] =	stream.indirect_vreg.gather [hbm4b:s1+s3], $0x80, v3, vm0, $0xb8;
	[tilespmem:$0x18080] =	vst v63  }
0x60: {  	s0 =	rddreg [dreg:$0x17]  }
0x61: {  	[tilespmem:s0], [sflag:$0x1] =	stream.indirect_vreg.gather [hbm4b:s4+s3], $0x80, v3, vm0, $0xb8;
	[tilespmem:$0x18080] =	vst v63  }
0x62: {  	s9 =	rddreg [dreg:$0x18]  }
0x63: {  	[tilespmem:s9], [sflag:$0x1] =	stream.indirect_vreg.gather [hbm4b:s5+s3], $0x80, v3, vm0, $0xb8;
	[tilespmem:$0x18080] =	vst v63  }
0x64: {  	v3 =	vld [tilespmem:$0x30];
	_ =	sdelay $0x4  }
0x65: {  	v59 =	vshrl.u32 v3, $0x3  }
0x66: {  	v4 =	vmul.u32 $0x30, v59  }
0x67: {  	v3 =	vand.u32 $0x7, v3  }
0x68: {  	v3 =	vor.u32 v3, v4  }
0x69: {  	v4 =	vperm.xlane v3, v0;
	_ =	sdelay $0x1  }
0x6a: {  	v4 =	vadd.s32 v1, v4;
	_ =	sdelay $0x3  }
0x6b: {  	s0 =	rddreg [dreg:$0x19];
	v3 =	vperm.xlane v3, v2  }
0x6c: {  	[tilespmem:s0], [sflag:$0x1] =	stream.indirect_vreg.gather [hbm4b:s1+s3], $0x80, v4, vm0, $0xb8;
	[tilespmem:$0x18080] =	vst v63  }
0x6d: {  	s9 =	rddreg [dreg:$0x1a];
	v3 =	vadd.s32 v1, v3  }
0x6e: {  	[tilespmem:s9], [sflag:$0x1] =	stream.indirect_vreg.gather [hbm4b:s4+s3], $0x80, v4, vm0, $0xb8;
	[tilespmem:$0x18080] =	vst v63  }
0x6f: {  	s0 =	rddreg [dreg:$0x1b]  }
0x70: {  	[tilespmem:s0], [sflag:$0x1] =	stream.indirect_vreg.gather [hbm4b:s5+s3], $0x80, v4, vm0, $0xb8;
	[tilespmem:$0x18080] =	vst v63  }
0x71: {  	s9 =	rddreg [dreg:$0x1c]  }
0x72: {  	[tilespmem:s9], [sflag:$0x1] =	stream.indirect_vreg.gather [hbm4b:s1+s3], $0x80, v3, vm0, $0xb8;
	[tilespmem:$0x18080] =	vst v63  }
0x73: {  	s0 =	rddreg [dreg:$0x1d]  }
0x74: {  	[tilespmem:s0], [sflag:$0x1] =	stream.indirect_vreg.gather [hbm4b:s4+s3], $0x80, v3, vm0, $0xb8;
	[tilespmem:$0x18080] =	vst v63  }
0x75: {  	s9 =	rddreg [dreg:$0x1e]  }
0x76: {  	[tilespmem:s9], [sflag:$0x1] =	stream.indirect_vreg.gather [hbm4b:s5+s3], $0x80, v3, vm0, $0xb8;
	[tilespmem:$0x18080] =	vst v63  }
0x77: {  	v3 =	vld [tilespmem:$0x40];
	_ =	sdelay $0x4  }
0x78: {  	v60 =	vshrl.u32 v3, $0x3  }
0x79: {  	v4 =	vmul.u32 $0x30, v60  }
0x7a: {  	v3 =	vand.u32 $0x7, v3  }
0x7b: {  	v3 =	vor.u32 v3, v4  }
0x7c: {  	v4 =	vperm.xlane v3, v0;
	_ =	sdelay $0x1  }
0x7d: {  	v4 =	vadd.s32 v1, v4;
	_ =	sdelay $0x2  }
0x7e: {  	s0 =	rddreg [dreg:$0x1f]  }
0x7f: {  	s9 =	sld [smem:$0x7FD];
	v3 =	vperm.xlane v3, v2  }
0x80: {  	[tilespmem:s0], [sflag:$0x1] =	stream.indirect_vreg.gather [hbm4b:s1+s3], $0x80, v4, vm0, $0xb8;
	[tilespmem:$0x18080] =	vst v63  }
0x81: {  	v3 =	vadd.s32 v1, v3  }
0x82: {  	[tilespmem:s9], [sflag:$0x1] =	stream.indirect_vreg.gather [hbm4b:s4+s3], $0x80, v4, vm0, $0xb8;
	[tilespmem:$0x18080] =	vst v63  }
0x83: {  	s9 =	simm.s32 $0xD080  }
0x84: {  	[tilespmem:s9], [sflag:$0x1] =	stream.indirect_vreg.gather [hbm4b:s5+s3], $0x80, v4, vm0, $0xb8;
	[tilespmem:$0x18080] =	vst v63  }
0x85: {  	_ = 	snop  }
0x86: {  	[tilespmem:s10], [sflag:$0x1] =	stream.indirect_vreg.gather [hbm4b:s1+s3], $0x80, v3, vm0, $0xb8;
	[tilespmem:$0x18080] =	vst v63  }
0x87: {  	_ = 	snop  }
0x88: {  	[tilespmem:s11], [sflag:$0x1] =	stream.indirect_vreg.gather [hbm4b:s4+s3], $0x80, v3, vm0, $0xb8;
	[tilespmem:$0x18080] =	vst v63  }
0x89: {  	_ = 	snop  }
0x8a: {  	[tilespmem:s12], [sflag:$0x1] =	stream.indirect_vreg.gather [hbm4b:s5+s3], $0x80, v3, vm0, $0xb8;
	[tilespmem:$0x18080] =	vst v63  }
0x8b: {  	v3 =	vld [tilespmem:$0x50];
	_ =	sdelay $0x4  }
0x8c: {  	v61 =	vshrl.u32 v3, $0x3  }
0x8d: {  	v4 =	vmul.u32 $0x30, v61  }
0x8e: {  	v3 =	vand.u32 $0x7, v3  }
0x8f: {  	v3 =	vor.u32 v3, v4  }
0x90: {  	v4 =	vperm.xlane v3, v0;
	_ =	sdelay $0x1  }
0x91: {  	v4 =	vadd.s32 v1, v4;
	_ =	sdelay $0x3  }
0x92: {  	v3 =	vperm.xlane v3, v2  }
0x93: {  	[tilespmem:s13], [sflag:$0x1] =	stream.indirect_vreg.gather [hbm4b:s1+s3], $0x80, v4, vm0, $0xb8;
	[tilespmem:$0x18080] =	vst v63  }
0x94: {  	v3 =	vadd.s32 v1, v3  }
0x95: {  	[tilespmem:s14], [sflag:$0x1] =	stream.indirect_vreg.gather [hbm4b:s4+s3], $0x80, v4, vm0, $0xb8;
	[tilespmem:$0x18080] =	vst v63  }
0x96: {  	_ = 	snop  }
0x97: {  	[tilespmem:s15], [sflag:$0x1] =	stream.indirect_vreg.gather [hbm4b:s5+s3], $0x80, v4, vm0, $0xb8;
	[tilespmem:$0x18080] =	vst v63  }
0x98: {  	_ = 	snop  }
0x99: {  	[tilespmem:s16], [sflag:$0x1] =	stream.indirect_vreg.gather [hbm4b:s1+s3], $0x80, v3, vm0, $0xb8;
	[tilespmem:$0x18080] =	vst v63  }
0x9a: {  	_ = 	snop  }
0x9b: {  	[tilespmem:s17], [sflag:$0x1] =	stream.indirect_vreg.gather [hbm4b:s4+s3], $0x80, v3, vm0, $0xb8;
	[tilespmem:$0x18080] =	vst v63  }
0x9c: {  	_ = 	snop  }
0x9d: {  	[tilespmem:s18], [sflag:$0x1] =	stream.indirect_vreg.gather [hbm4b:s5+s3], $0x80, v3, vm0, $0xb8;
	[tilespmem:$0x18080] =	vst v63  }
0x9e: {  	v3 =	vld [tilespmem:$0x60];
	_ =	sdelay $0x4  }
0x9f: {  	v62 =	vshrl.u32 v3, $0x3  }
0xa0: {  	v4 =	vmul.u32 $0x30, v62  }
0xa1: {  	v3 =	vand.u32 $0x7, v3  }
0xa2: {  	v3 =	vor.u32 v3, v4  }
0xa3: {  	v4 =	vperm.xlane v3, v0;
	_ =	sdelay $0x1  }
0xa4: {  	v4 =	vadd.s32 v1, v4;
	_ =	sdelay $0x3  }
0xa5: {  	v3 =	vperm.xlane v3, v2  }
0xa6: {  	[tilespmem:s19], [sflag:$0x1] =	stream.indirect_vreg.gather [hbm4b:s1+s3], $0x80, v4, vm0, $0xb8;
	[tilespmem:$0x18080] =	vst v63  }
0xa7: {  	v3 =	vadd.s32 v1, v3  }
0xa8: {  	[tilespmem:s20], [sflag:$0x1] =	stream.indirect_vreg.gather [hbm4b:s4+s3], $0x80, v4, vm0, $0xb8;
	[tilespmem:$0x18080] =	vst v63  }
0xa9: {  	_ = 	snop  }
0xaa: {  	[tilespmem:s21], [sflag:$0x1] =	stream.indirect_vreg.gather [hbm4b:s5+s3], $0x80, v4, vm0, $0xb8;
	[tilespmem:$0x18080] =	vst v63  }
0xab: {  	_ = 	snop  }
0xac: {  	[tilespmem:s22], [sflag:$0x1] =	stream.indirect_vreg.gather [hbm4b:s1+s3], $0x80, v3, vm0, $0xb8;
	[tilespmem:$0x18080] =	vst v63  }
0xad: {  	_ = 	snop  }
0xae: {  	[tilespmem:s23], [sflag:$0x1] =	stream.indirect_vreg.gather [hbm4b:s4+s3], $0x80, v3, vm0, $0xb8;
	[tilespmem:$0x18080] =	vst v63  }
0xaf: {  	_ = 	snop  }
0xb0: {  	[tilespmem:s24], [sflag:$0x1] =	stream.indirect_vreg.gather [hbm4b:s5+s3], $0x80, v3, vm0, $0xb8;
	[tilespmem:$0x18080] =	vst v63  }
0xb1: {  	v3 =	vld [tilespmem:$0x70];
	_ =	sdelay $0x4  }
0xb2: {  	v63 =	vshrl.u32 v3, $0x3  }
0xb3: {  	v4 =	vmul.u32 $0x30, v63  }
0xb4: {  	v3 =	vand.u32 $0x7, v3  }
0xb5: {  	v3 =	vor.u32 v3, v4  }
0xb6: {  	v4 =	vperm.xlane v3, v0;
	_ =	sdelay $0x1  }
0xb7: {  	v4 =	vadd.s32 v1, v4;
	_ =	sdelay $0x3  }
0xb8: {  	v3 =	vperm.xlane v3, v2  }
0xb9: {  	[tilespmem:s25], [sflag:$0x1] =	stream.indirect_vreg.gather [hbm4b:s1+s3], $0x80, v4, vm0, $0xb8;
	[tilespmem:$0x18080] =	vst v63  }
0xba: {  	v3 =	vadd.s32 v1, v3  }
0xbb: {  	[tilespmem:s26], [sflag:$0x1] =	stream.indirect_vreg.gather [hbm4b:s4+s3], $0x80, v4, vm0, $0xb8;
	[tilespmem:$0x18080] =	vst v63  }
0xbc: {  	_ = 	snop  }
0xbd: {  	[tilespmem:s28], [sflag:$0x1] =	stream.indirect_vreg.gather [hbm4b:s5+s3], $0x80, v4, vm0, $0xb8;
	[tilespmem:$0x18080] =	vst v63  }
0xbe: {  	_ = 	snop  }
0xbf: {  	[tilespmem:s29], [sflag:$0x1] =	stream.indirect_vreg.gather [hbm4b:s1+s3], $0x80, v3, vm0, $0xb8;
	[tilespmem:$0x18080] =	vst v63  }
0xc0: {  	_ = 	snop  }
0xc1: {  	[tilespmem:s30], [sflag:$0x1] =	stream.indirect_vreg.gather [hbm4b:s4+s3], $0x80, v3, vm0, $0xb8;
	[tilespmem:$0x18080] =	vst v63  }
0xc2: {  	_ = 	snop  }
0xc3: {  	[tilespmem:s31], [sflag:$0x1] =	stream.indirect_vreg.gather [hbm4b:s5+s3], $0x80, v3, vm0, $0xb8;
	[tilespmem:$0x18080] =	vst v63  }
0xc4: {  	_ =	swait.ge [sflag:s2], $0x18000  }
0xc5: {  	[sflag:s2] =	ssyncset.done $0x0  }
0xc6: {  	s9 =	rddreg [dreg:$0x6];
	[sflag:s2] =	ssyncadd.s32 $0xFFFE8000  }
0xc7: {  	[hbm4b:s9+s3] =	stream.linear.scatter [tilespmem:s8], [sflag:$0x2], $0x18000, $0x38;
	[tilespmem:$0x18080] =	vst v63  }
0xc8: {  	_ =	swait.ge [sflag:s7], $0x18000  }
0xc9: {  	p0 =	sne.s32 s6, $0x1;
	[sflag:s7] =	ssyncset.done $0x0  }
.Ltmp0:
0xca: {  	s9 =	rddreg [dreg:$0x7];
	[sflag:s7] =	ssyncadd.s32 $0xFFFE8000;
	(pc) =	sbr.rel @p0 .LBB2_1-.Ltmp0, $4  }
0xcb: {  	[hbm4b:s9+s3] =	stream.linear.scatter [tilespmem:s8], [sflag:$0x2], $0x18000, $0x38;
	[tilespmem:$0x18080] =	vst v63  }
0xcc: {  	_ =	swait.ge [sflag:s7], $0x18000  }
0xcd: {  	[sflag:s7] =	ssyncset.done $0x0  }
0xce: {  	s6 =	sadd.s32 $0xFFFFFFFF, s6;
	[sflag:s7] =	ssyncadd.s32 $0xFFFE8000  }
0xcf: {  	_ =	sfence.sel $0x180000  }
0xd0: {  	[bflag:$0x0] =	sbarrier.arrive $0xFFFF  }
0xd1: {  	_ =	strace $0x90000047  }
0xd2: {  	s0 =	stileid.u32;
	[bflag:$0x2] =	sbarrier.arrive $0xFFFF  }
0xd3: {  	p0 =	sne.s32 s0, $0x0;
	s0 =	rddreg [dreg:$0x4]  }
0xd4: {  	s0 =	sadd.s32 @!p0 $0x100000, s0  }
0xd5: {  	[sflag:s0] =	ssyncadd.tile.s32 @!p0 $0x1;
	_ =	shalt  }
.Lfunc_end2:
_tile_overlayer_lowered:
.L_overlay_start_2:
0xd6: {  	(tag) =	ssettag $0x2  }
0xd7: {  	s0 =	rddreg [dreg:$0x0];
	s2 =	stileid.u32  }
0xd8: {  	s1 =	rddreg [dreg:$0x1];
	p0 =	sne.s32 s2, $0x0  }
0xd9: {  	s3 =	rddreg [dreg:$0x2];
	[bflag:$0x3] =	sbarrier.arrive $0xFFFF;
	s2 =	simm.s32 @!p0 $0x1C02  }
0xda: {  	[timem:s3], [sflag:s2] =	dma.local @!p0 [hbm:s0], s1  }
0xdb: {  	s0 =	simm.s32 @!p0 $0x2  }
0xdc: {  	_ =	swait.ge @!p0 [sflag:s0], s1  }
0xdd: {  	s1 =	ssub.s32 @!p0 $0x0, s1;
	[sflag:s0] =	ssyncset.done @!p0 $0x0  }
0xde: {  	[sflag:s0] =	ssyncadd.s32 @!p0 s1  }
0xdf: {  	[bflag:$0x3] =	sbarrier.arrive $0xFFFF  }
0xe0: {  	_ =	shalt  }

</sc_bundles>
